<compile_context>
chip_gen: v7x
topology: tpu7x:2x2x1
jax: 0.10.2.dev20260603
libtpu: 0.0.44.dev20260713+nightly
codegen_flags: <defaults>
</compile_context>

<pallas_src>
import functools

import jax
import jax.numpy as jnp
from jax import lax
from jax.experimental import pallas as pl
from jax.experimental.pallas import tpu as pltpu
from jax.experimental.pallas import tpu_sc as plsc

PAST = 12
FUTURE = 4
OUT_PRE = 27

_NC = 2
_NS = 16

_SC_PARAMS = dict(
    compiler_params=pltpu.CompilerParams(
        needs_layout_passes=False, use_tc_tiling_on_sc=False),
    mesh=plsc.VectorSubcoreMesh(core_axis_name="c", subcore_axis_name="s"),
)



def _make_emb_gather_kernel(n_rows):
    CH = 256
    r_per = n_rows // (_NC * _NS)
    n_chunks = r_per // CH

    @functools.partial(
        pl.kernel,
        out_type=(jax.ShapeDtypeStruct((n_rows, 128), jnp.float32),
                  jax.ShapeDtypeStruct((n_rows, 128), jnp.float32)),
        scratch_types=[
            pltpu.VMEM((CH,), jnp.int32),
            pltpu.VMEM((CH,), jnp.int32),
            pltpu.VMEM((CH, 128), jnp.float32),
            pltpu.VMEM((CH, 128), jnp.float32),
            pltpu.SemaphoreType.DMA,
            pltpu.SemaphoreType.DMA,
        ],
        **_SC_PARAMS,
    )
    def k(T0_hbm, T1_hbm, i0_hbm, i1_hbm, g0_hbm, g1_hbm,
          i0_v, i1_v, r0_v, r1_v, sem0, sem1):
        c = lax.axis_index("c")
        t = lax.axis_index("s")
        base = (t * _NC + c) * r_per

        def chunk(i, _):
            r = base + i * CH
            pltpu.sync_copy(i0_hbm.at[pl.ds(r, CH)], i0_v)
            pltpu.sync_copy(i1_hbm.at[pl.ds(r, CH)], i1_v)
            cp0 = pltpu.async_copy(T0_hbm.at[i0_v], r0_v, sem0)
            cp1 = pltpu.async_copy(T1_hbm.at[i1_v], r1_v, sem1)
            cp0.wait()
            pltpu.sync_copy(r0_v, g0_hbm.at[pl.ds(r, CH)])
            cp1.wait()
            pltpu.sync_copy(r1_v, g1_hbm.at[pl.ds(r, CH)])
            return ()

        lax.fori_loop(0, n_chunks, chunk, ())

    return k


def _make_deg_kernel(n_nodes, n_edges):
    e_per = n_edges // (_NC * _NS)
    n_vec = e_per // 16

    @functools.partial(
        pl.kernel,
        out_type=jax.ShapeDtypeStruct((_NC * _NS, n_nodes), jnp.float32),
        scratch_types=[
            pltpu.VMEM((n_nodes,), jnp.float32),
            pltpu.VMEM((e_per,), jnp.int32),
        ],
        **_SC_PARAMS,
    )
    def k(d_hbm, z_hbm, out_hbm, acc_v, didx_v):
        c = lax.axis_index("c")
        s = lax.axis_index("s")
        wid = s * _NC + c
        base = wid * e_per
        pltpu.sync_copy(z_hbm.at[pl.ds(0, n_nodes)], acc_v)
        pltpu.sync_copy(d_hbm.at[pl.ds(base, e_per)], didx_v)
        ones = jnp.full((16,), 1.0, jnp.float32)

        def body(i, _):
            dv = didx_v[pl.ds(pl.multiple_of(i * 16, 16), 16)]
            plsc.addupdate_scatter(acc_v, [dv], ones)
            return ()

        lax.fori_loop(0, n_vec, body, (), unroll=4)
        pltpu.sync_copy(acc_v, out_hbm.at[wid])

    return k


def _make_scalar_scatter_kernel(n_nodes, n_edges):
    e_per = n_edges // (_NC * _NS)
    n_vec = e_per // 16

    @functools.partial(
        pl.kernel,
        out_type=jax.ShapeDtypeStruct((_NC * _NS, n_nodes), jnp.float32),
        scratch_types=[
            pltpu.VMEM((n_nodes,), jnp.float32),
            pltpu.VMEM((n_nodes,), jnp.float32),
            pltpu.VMEM((e_per,), jnp.int32),
            pltpu.VMEM((e_per,), jnp.int32),
        ],
        **_SC_PARAMS,
    )
    def k(s_hbm, d_hbm, vals_hbm, z_hbm, out_hbm, acc_v, vals_v, sidx_v, didx_v):
        c = lax.axis_index("c")
        s = lax.axis_index("s")
        wid = s * _NC + c
        base = wid * e_per
        pltpu.sync_copy(z_hbm.at[pl.ds(0, n_nodes)], acc_v)
        pltpu.sync_copy(vals_hbm, vals_v)
        pltpu.sync_copy(s_hbm.at[pl.ds(base, e_per)], sidx_v)
        pltpu.sync_copy(d_hbm.at[pl.ds(base, e_per)], didx_v)

        def body(i, _):
            o = pl.multiple_of(i * 16, 16)
            sv = sidx_v[pl.ds(o, 16)]
            dv = didx_v[pl.ds(o, 16)]
            val = plsc.load_gather(vals_v, [sv])
            plsc.addupdate_scatter(acc_v, [dv], val)
            return ()

        lax.fori_loop(0, n_vec, body, (), unroll=4)
        pltpu.sync_copy(acc_v, out_hbm.at[wid])

    return k


def _make_row_scatter_kernel(n_nodes, n_edges, edge_split):
    D = 32
    CH = 1024 if n_nodes <= 16384 else 384
    n_workers = _NS * (2 if edge_split else 1)
    e_per = n_edges // n_workers
    n_chunks = e_per // CH
    assert n_chunks % 4 == 0
    rows_per_tile = n_nodes // _NS

    @functools.partial(
        pl.kernel,
        out_type=jax.ShapeDtypeStruct((_NC, n_nodes, D), jnp.float32),
        scratch_types=[
            pltpu.VMEM_SHARED((n_nodes, D), jnp.float32),
            [pltpu.VMEM((CH,), jnp.int32) for _ in range(4)],
            [pltpu.VMEM((CH,), jnp.int32) for _ in range(4)],
            [pltpu.VMEM((CH, D), jnp.float32) for _ in range(2)],
            [pltpu.SemaphoreType.DMA for _ in range(4)],
            [pltpu.SemaphoreType.DMA for _ in range(2)],
            [pltpu.SemaphoreType.DMA for _ in range(2)],
        ],
        **_SC_PARAMS,
    )
    def k(hpA_hbm, hpB_hbm, s_hbm, d_hbm, z2d_hbm, out_hbm,
          acc_sp, sidx, didx, rows, semi, semg, sems):
        c = lax.axis_index("c")
        t = lax.axis_index("s")
        pltpu.sync_copy(z2d_hbm.at[pl.ds(0, rows_per_tile)],
                        acc_sp.at[pl.ds(t * rows_per_tile, rows_per_tile)])
        plsc.subcore_barrier()

        def run(hp_hbm):
            if edge_split:
                e0 = (c * _NS + t) * e_per
            else:
                e0 = t * e_per

            def step(j, _):
                r0 = e0 + (4 * j) * CH
                iw = []
                for q in range(4):
                    iw.append(pltpu.async_copy(
                        s_hbm.at[pl.ds(r0 + q * CH, CH)], sidx[q], semi[q]))
                    iw.append(pltpu.async_copy(
                        d_hbm.at[pl.ds(r0 + q * CH, CH)], didx[q], semi[q]))
                iw[0].wait()
                iw[1].wait()
                g0 = pltpu.async_copy(hp_hbm.at[sidx[0]], rows[0], semg[0])
                iw[2].wait()
                iw[3].wait()
                g1 = pltpu.async_copy(hp_hbm.at[sidx[1]], rows[1], semg[1])
                g0.wait()
                s0 = pltpu.async_copy(rows[0], acc_sp.at[didx[0]], sems[0], add=True)
                g1.wait()
                s1 = pltpu.async_copy(rows[1], acc_sp.at[didx[1]], sems[1], add=True)
                iw[4].wait()
                iw[5].wait()
                s0.wait()
                g2 = pltpu.async_copy(hp_hbm.at[sidx[2]], rows[0], semg[0])
                iw[6].wait()
                iw[7].wait()
                s1.wait()
                g3 = pltpu.async_copy(hp_hbm.at[sidx[3]], rows[1], semg[1])
                g2.wait()
                s2 = pltpu.async_copy(rows[0], acc_sp.at[didx[2]], sems[0], add=True)
                g3.wait()
                s3 = pltpu.async_copy(rows[1], acc_sp.at[didx[3]], sems[1], add=True)
                s2.wait()
                s3.wait()
                return ()

            lax.fori_loop(0, n_chunks // 4, step, ())

        @pl.when(c == 0)
        def _():
            run(hpA_hbm)

        @pl.when(c == 1)
        def _():
            run(hpB_hbm)

        plsc.subcore_barrier()
        pltpu.sync_copy(acc_sp.at[pl.ds(t * rows_per_tile, rows_per_tile)],
                        out_hbm.at[c, pl.ds(t * rows_per_tile, rows_per_tile)])

    return k



def _dot(a, b):
    return jnp.dot(a, b, preferred_element_type=jnp.float32)


def _prep_tc(emb0, emb1, W0, b0, Wk, M):

    def body(emb0_r, emb1_r, W0_r, b0_r, Wk_r, M_r, A_r, th_r, T0_r, T1_r):
        Mv = M_r[...]
        Araw = jnp.maximum(_dot(Mv, Mv.T), 0.0)
        P = PAST + FUTURE
        row = lax.broadcasted_iota(jnp.int32, (P, P), 0)
        col = lax.broadcasted_iota(jnp.int32, (P, P), 1)
        Am = jnp.where(col <= row, Araw, -jnp.inf)
        m = jnp.max(Am, axis=1, keepdims=True)
        e = jnp.exp(Am - m)
        A_r[...] = e / jnp.sum(e, axis=1, keepdims=True)
        Wkv = Wk_r[...]
        th = _dot(Wkv, Wkv.T)
        th_r[...] = (th + th.T) / 2.0
        W0v = W0_r[...]
        T0_r[...] = _dot(emb0_r[...], W0v[0:16, :]) + b0_r[...]
        T1_r[...] = _dot(emb1_r[...], W0v[16:24, :])

    return pl.pallas_call(
        body,
        out_shape=(jax.ShapeDtypeStruct((16, 16), jnp.float32),
                   jax.ShapeDtypeStruct((26, 26), jnp.float32),
                   jax.ShapeDtypeStruct((512, 128), jnp.float32),
                   jax.ShapeDtypeStruct((512, 128), jnp.float32)),
    )(emb0, emb1, W0, b0.reshape(1, 128), Wk, M)


def _pre_tc(G0, G1, xf, W0r, W1, b1, W2, b2):
    N = G0.shape[0]
    BN = 2048
    grid = N // BN

    def body(g0_r, g1_r, xf_r, W0r_r, W1_r, b1_r, W2_r, b2_r, x_r):
        xfv = xf_r[...]
        h0 = jnp.maximum(g0_r[...] + g1_r[...] + _dot(xfv, W0r_r[...]), 0.0)
        h1 = jnp.maximum(_dot(h0, W1_r[...]) + b1_r[...], 0.0)
        h2 = _dot(h1, W2_r[...]) + b2_r[...]
        x_r[...] = jnp.concatenate([h2, xfv[:, 2:3]], axis=1)

    return pl.pallas_call(
        body,
        grid=(grid,),
        in_specs=[
            pl.BlockSpec((BN, 128), lambda i: (i, 0)),
            pl.BlockSpec((BN, 128), lambda i: (i, 0)),
            pl.BlockSpec((BN, 3), lambda i: (i, 0)),
            pl.BlockSpec((3, 128), lambda i: (0, 0)),
            pl.BlockSpec((128, 128), lambda i: (0, 0)),
            pl.BlockSpec((1, 128), lambda i: (0, 0)),
            pl.BlockSpec((128, 26), lambda i: (0, 0)),
            pl.BlockSpec((1, 26), lambda i: (0, 0)),
        ],
        out_specs=pl.BlockSpec((BN, OUT_PRE), lambda i: (i, 0)),
        out_shape=jax.ShapeDtypeStruct((N, OUT_PRE), jnp.float32),
    )(G0, G1, xf, W0r, W1, b1.reshape(1, 128), W2, b2.reshape(1, 26))


def _hp_tc(x_all, degp, W, n_nodes):
    BN = 2048
    grid = n_nodes // BN

    def body(x_r, degp_r, W_r, hpA_r, hpB_r, dinv_r):
        deg = jnp.sum(degp_r[...], axis=0, keepdims=True) + 1.0
        dinv = lax.rsqrt(deg).T
        hp = _dot(x_r[...], W_r[...]) * dinv
        hpA_r[...] = hp[:, :32]
        hpB_r[...] = hp[:, 32:]
        dinv_r[...] = dinv

    return pl.pallas_call(
        body,
        grid=(grid,),
        in_specs=[
            pl.BlockSpec((BN, OUT_PRE), lambda i: (i, 0)),
            pl.BlockSpec((32, BN), lambda i: (0, i)),
            pl.BlockSpec((OUT_PRE, 64), lambda i: (0, 0)),
        ],
        out_specs=(pl.BlockSpec((BN, 32), lambda i: (i, 0)),
                   pl.BlockSpec((BN, 32), lambda i: (i, 0)),
                   pl.BlockSpec((BN, 1), lambda i: (i, 0))),
        out_shape=(jax.ShapeDtypeStruct((n_nodes, 32), jnp.float32),
                   jax.ShapeDtypeStruct((n_nodes, 32), jnp.float32),
                   jax.ShapeDtypeStruct((n_nodes, 1), jnp.float32)),
    )(x_all, degp, W)


def _mid_tc(S, hpA, hpB, dinv, b_in, W_next, n_nodes):
    BN = 2048
    grid = n_nodes // BN
    dn = W_next.shape[1]

    def body(S_r, hpA_r, hpB_r, dinv_r, b_r, Wn_r, out_r):
        Sv = S_r[...]
        hp = jnp.concatenate([hpA_r[...], hpB_r[...]], axis=1)
        S64 = jnp.concatenate([Sv[0], Sv[1]], axis=1)
        dv = dinv_r[...]
        h = jnp.maximum(dv * (S64 + hp) + b_r[...], 0.0)
        hp2 = _dot(h, Wn_r[...]) * dv
        out_r[...] = jnp.concatenate(
            [hp2, jnp.zeros((hp2.shape[0], 32 - dn), jnp.float32)], axis=1)

    return pl.pallas_call(
        body,
        grid=(grid,),
        in_specs=[
            pl.BlockSpec((2, BN, 32), lambda i: (0, i, 0)),
            pl.BlockSpec((BN, 32), lambda i: (i, 0)),
            pl.BlockSpec((BN, 32), lambda i: (i, 0)),
            pl.BlockSpec((BN, 1), lambda i: (i, 0)),
            pl.BlockSpec((1, 64), lambda i: (0, 0)),
            pl.BlockSpec((64, dn), lambda i: (0, 0)),
        ],
        out_specs=pl.BlockSpec((BN, 32), lambda i: (i, 0)),
        out_shape=jax.ShapeDtypeStruct((n_nodes, 32), jnp.float32),
    )(S, hpA, hpB, dinv, b_in.reshape(1, 64), W_next)


def _att_tc(S2, hp2p, dinv1, bg1b, x_all, A_tmp, theta, smoothing,
            deg2p, Wg2a, N1, N2):
    BB = 256
    R1 = BB * PAST
    R2 = BB * FUTURE
    grid = N2 // R2
    off2 = N1 // R2

    def body(S2_r, hp2p_r, dinv1_r, b1b_r, xg1_r, xg2_r, At_r, th_r, sm_r,
             degp_r, Wg2a_r, x2b_r, dinv2_r, hp3A_r, hp3B_r):
        Sv = S2_r[...]
        x1f = (dinv1_r[...] * (Sv[0] + Sv[1] + hp2p_r[...]))[:, :26] + b1b_r[...]
        xp = x1f.reshape(BB, PAST, 26)
        xg2 = xg2_r[...]
        xf26f = xg2[:, :26]
        xf26 = xf26f.reshape(BB, FUTURE, 26)
        y = xg1_r[...][:, 26].reshape(BB, PAST)

        th = th_r[...]
        ws = []
        for f in range(FUTURE):
            dif = (xp - xf26[:, f:f + 1, :]).reshape(R1, 26)
            wf = jnp.sum(_dot(dif, th) * dif, axis=1)
            ws.append(wf.reshape(BB, 1, PAST))
        w = jnp.concatenate(ws, axis=1)

        sig = 1.0 / (1.0 + jnp.exp(-sm_r[0, 0]))
        w = w * (-0.5 / (0.01 * sig))
        At = At_r[...][None, :, :]
        w = jnp.where(At == 0.0, -jnp.inf, w)
        m = jnp.max(w, axis=2, keepdims=True)
        e = jnp.exp(w - m)
        alpha = e / jnp.sum(e, axis=2, keepdims=True)
        yh = jnp.sum(alpha * y[:, None, :], axis=2)

        x2b = jnp.concatenate(
            [xf26, yh[:, :, None]], axis=2).reshape(R2, OUT_PRE)
        x2b_r[...] = x2b

        deg = jnp.sum(degp_r[...], axis=0, keepdims=True) + 1.0
        dinv2 = lax.rsqrt(deg).T
        dinv2_r[...] = dinv2
        hp3 = _dot(x2b, Wg2a_r[...]) * dinv2
        hp3A_r[...] = hp3[:, :32]
        hp3B_r[...] = hp3[:, 32:]

    return pl.pallas_call(
        body,
        grid=(grid,),
        in_specs=[
            pl.BlockSpec((2, R1, 32), lambda i: (0, i, 0)),
            pl.BlockSpec((R1, 32), lambda i: (i, 0)),
            pl.BlockSpec((R1, 1), lambda i: (i, 0)),
            pl.BlockSpec((1, 26), lambda i: (0, 0)),
            pl.BlockSpec((R1, OUT_PRE), lambda i: (i, 0)),
            pl.BlockSpec((R2, OUT_PRE), lambda i, _o=off2: (_o + i, 0)),
            pl.BlockSpec((FUTURE, PAST), lambda i: (0, 0)),
            pl.BlockSpec((26, 26), lambda i: (0, 0)),
            pl.BlockSpec((1, 1), lambda i: (0, 0)),
            pl.BlockSpec((32, R2), lambda i: (0, i)),
            pl.BlockSpec((OUT_PRE, 64), lambda i: (0, 0)),
        ],
        out_specs=(pl.BlockSpec((R2, OUT_PRE), lambda i: (i, 0)),
                   pl.BlockSpec((R2, 1), lambda i: (i, 0)),
                   pl.BlockSpec((R2, 32), lambda i: (i, 0)),
                   pl.BlockSpec((R2, 32), lambda i: (i, 0))),
        out_shape=(jax.ShapeDtypeStruct((N2, OUT_PRE), jnp.float32),
                   jax.ShapeDtypeStruct((N2, 1), jnp.float32),
                   jax.ShapeDtypeStruct((N2, 32), jnp.float32),
                   jax.ShapeDtypeStruct((N2, 32), jnp.float32)),
    )(S2, hp2p, dinv1, bg1b.reshape(1, 26), x_all, x_all, A_tmp, theta,
      smoothing.reshape(1, 1), deg2p, Wg2a)


def _mid2_tc(S3, hp3A, hp3B, dinv2, bg2a, Wg2b, n_nodes):
    BN = 2048
    grid = n_nodes // BN

    def body(S_r, hpA_r, hpB_r, dinv_r, b_r, W_r, out_r):
        Sv = S_r[...]
        hp = jnp.concatenate([hpA_r[...], hpB_r[...]], axis=1)
        S64 = jnp.concatenate([Sv[0], Sv[1]], axis=1)
        dv = dinv_r[...]
        g = jnp.maximum(dv * (S64 + hp) + b_r[...], 0.0)
        out_r[...] = _dot(g, W_r[...]) * dv

    return pl.pallas_call(
        body,
        grid=(grid,),
        in_specs=[
            pl.BlockSpec((2, BN, 32), lambda i: (0, i, 0)),
            pl.BlockSpec((BN, 32), lambda i: (i, 0)),
            pl.BlockSpec((BN, 32), lambda i: (i, 0)),
            pl.BlockSpec((BN, 1), lambda i: (i, 0)),
            pl.BlockSpec((1, 64), lambda i: (0, 0)),
            pl.BlockSpec((64, 1), lambda i: (0, 0)),
        ],
        out_specs=pl.BlockSpec((BN, 1), lambda i: (i, 0)),
        out_shape=jax.ShapeDtypeStruct((n_nodes, 1), jnp.float32),
    )(S3, hp3A, hp3B, dinv2, bg2a.reshape(1, 64), Wg2b)


def _final_tc(S4p, hp4, dinv2, bg2b, x_all, x2b, N1, N2):
    BB = 256
    R1 = BB * PAST
    R2 = BB * FUTURE
    grid = N2 // R2
    off2 = N1 // R1
    B = N2 // FUTURE
    P = PAST + FUTURE

    def body(S4p_r, hp4_r, dinv2_r, b_r, xg1_r, x2b_r, out_r, dist_r):
        s4 = jnp.sum(S4p_r[...], axis=0).reshape(R2, 1)
        o = dinv2_r[...] * (s4 + hp4_r[...]) + b_r[...]
        out_r[...] = o.reshape(BB, FUTURE)

        xc = jnp.concatenate([xg1_r[...].reshape(BB, PAST, OUT_PRE),
                              x2b_r[...].reshape(BB, FUTURE, OUT_PRE)], axis=1)
        for i in range(P):
            dif = xc - xc[:, i:i + 1, :]
            d2 = jnp.sum(dif * dif, axis=2)
            dist_r[:, i, :] = jnp.sqrt(jnp.maximum(d2, 1e-12))

    return pl.pallas_call(
        body,
        grid=(grid,),
        in_specs=[
            pl.BlockSpec((32, R2), lambda i: (0, i)),
            pl.BlockSpec((R2, 1), lambda i: (i, 0)),
            pl.BlockSpec((R2, 1), lambda i: (i, 0)),
            pl.BlockSpec((1, 1), lambda i: (0, 0)),
            pl.BlockSpec((R1, OUT_PRE), lambda i: (i, 0)),
            pl.BlockSpec((R2, OUT_PRE), lambda i: (i, 0)),
        ],
        out_specs=(pl.BlockSpec((BB, FUTURE), lambda i: (i, 0)),
                   pl.BlockSpec((BB, P, P), lambda i: (i, 0, 0))),
        out_shape=(jax.ShapeDtypeStruct((B, FUTURE), jnp.float32),
                   jax.ShapeDtypeStruct((B, P, P), jnp.float32)),
    )(S4p, hp4, dinv2, bg2b.reshape(1, 1), x_all, x2b)



def kernel(x_idx_sg1, x_float_sg1, x_idx_sg2, x_float_sg2, edge_index_sg1, edge_index_sg2,
           emb0, emb1, W0, b0, W1, b1, W2, b2,
           Wg1a, bg1a, Wg1b, bg1b, Wg2a, bg2a, Wg2b, bg2b,
           Wk, smoothing, M):
    N1 = x_idx_sg1.shape[0]
    N2 = x_idx_sg2.shape[0]
    E1 = edge_index_sg1.shape[1]
    E2 = edge_index_sg2.shape[1]

    s1 = edge_index_sg1[0]
    d1 = edge_index_sg1[1]
    s2 = edge_index_sg2[0]
    d2 = edge_index_sg2[1]
    z_flat = jnp.zeros((N1,), jnp.float32)
    z_2d = jnp.zeros((N1 // _NS, 32), jnp.float32)

    A, theta, T0, T1 = _prep_tc(emb0, emb1, W0, b0, Wk, M)

    deg1p = _make_deg_kernel(N1, E1)(d1, z_flat)
    deg2p = _make_deg_kernel(N2, E2)(d2, z_flat)

    xidx = jnp.concatenate([x_idx_sg1, x_idx_sg2], axis=0)
    xf = jnp.concatenate([x_float_sg1, x_float_sg2], axis=0)
    i0 = xidx[:, 0]
    i1 = xidx[:, 1]
    G0, G1 = _make_emb_gather_kernel(N1 + N2)(T0, T1, i0, i1)
    x_all = _pre_tc(G0, G1, xf, W0[24:27, :], W1, b1, W2, b2)

    hp1A, hp1B, dinv1 = _hp_tc(x_all, deg1p, Wg1a, N1)
    S1 = _make_row_scatter_kernel(N1, E1, False)(hp1A, hp1B, s1, d1, z_2d)

    hp2p = _mid_tc(S1, hp1A, hp1B, dinv1, bg1a, Wg1b, N1)
    S2 = _make_row_scatter_kernel(N1, E1, True)(hp2p, hp2p, s1, d1, z_2d)

    A_tmp = lax.slice(A, (PAST, 0), (PAST + FUTURE, PAST))
    x2b, dinv2, hp3A, hp3B = _att_tc(
        S2, hp2p, dinv1, bg1b, x_all, A_tmp, theta, smoothing,
        deg2p, Wg2a, N1, N2)

    S3 = _make_row_scatter_kernel(N2, E2, False)(hp3A, hp3B, s2, d2, z_2d)

    hp4 = _mid2_tc(S3, hp3A, hp3B, dinv2, bg2a, Wg2b, N2)
    S4p = _make_scalar_scatter_kernel(N2, E2)(s2, d2, hp4[:, 0], z_flat)

    out, dist = _final_tc(S4p, hp4, dinv2, bg2b, x_all, x2b, N1, N2)
    return out, dist, A

# --- scband reference (transcript-rebuilt; emitter-appended) ---
"""Pipeline reference for scband-gat-24876450578592 (READ-ONLY COPY).

The authoritative reference and input builder live on the scoring server;
editing this copy changes nothing except your own understanding.
"""

import jax
import jax.numpy as jnp
import numpy as np

PAST = 12
FUTURE = 4
SB = 4096
N1 = SB * PAST
N2 = SB * FUTURE
OUT_PRE = 27
E1 = N1 * 16
E2 = N2 * 16


def _gcn(x, edge_index, W, b, n):
    # GCNConv with self-loops and symmetric degree normalization (PyG semantics)
    src = edge_index[0]
    dst = edge_index[1]
    loop = jnp.arange(n, dtype=src.dtype)
    s = jnp.concatenate([src, loop])
    d = jnp.concatenate([dst, loop])
    h = x @ W
    deg = jnp.zeros((n,), x.dtype).at[d].add(1.0)
    dinv = 1.0 / jnp.sqrt(deg)
    norm = dinv[s] * dinv[d]
    agg = jnp.zeros((n, W.shape[1]), x.dtype).at[d].add(jnp.take(h, s, axis=0) * norm[:, None])
    return agg + b


def _pre(idx, xf, e0, e1, W0, b0, W1, b1, W2, b2):
    emb = jnp.concatenate([jnp.take(e0, idx[:, 0], axis=0), jnp.take(e1, idx[:, 1], axis=0)], axis=-1)
    o = jnp.concatenate([emb, xf], axis=-1)  # [N, 27]
    h = jax.nn.relu(o @ W0 + b0)
    h = jax.nn.relu(h @ W1 + b1)
    h = h @ W2 + b2  # [N, 26]
    return jnp.concatenate([h, xf[:, -1:]], axis=-1)  # [N, 27]


def _kernel(xk, yk, A, Wk, smoothing):
    xp = xk[:, :PAST, :]
    xf = xk[:, PAST:, :]
    theta = Wk @ Wk.T
    theta = (theta + theta.T) / 2.0
    diff = xp[:, None, :, :] - xf[:, :, None, :]  # [B, F, P, O]
    # diagonal of diff @ theta @ diff^T
    w = jnp.einsum('bfpo,oq,bfpq->bfp', diff, theta, diff)
    w = -0.5 * w / (jax.nn.sigmoid(smoothing) * 0.01)
    A_tmp = A[PAST:, :PAST]
    alpha = jnp.where(A_tmp[None, :, :] == 0, -jnp.inf, w)
    alpha = jax.nn.softmax(alpha, axis=-1)
    return jnp.matmul(alpha, yk)  # [B, F, 1]


def _forward(x_idx_sg1, x_float_sg1, x_idx_sg2, x_float_sg2, ei1, ei2,
             emb0, emb1, W0, b0, W1, b1, W2, b2,
             Wg1a, bg1a, Wg1b, bg1b, Wg2a, bg2a, Wg2b, bg2b,
             Wk, smoothing, M):
    A = jax.nn.relu(M @ M.T)
    mask = jnp.tril(jnp.ones((PAST + FUTURE, PAST + FUTURE), dtype=A.dtype))
    A = jnp.where(mask == 0, -jnp.inf, A)
    A = jax.nn.softmax(A, axis=1)
    x = _pre(x_idx_sg1, x_float_sg1, emb0, emb1, W0, b0, W1, b1, W2, b2)  # [N1, 27]
    x2 = _pre(x_idx_sg2, x_float_sg2, emb0, emb1, W0, b0, W1, b1, W2, b2).reshape(-1, FUTURE, OUT_PRE)
    h = jax.nn.relu(_gcn(x, ei1, Wg1a, bg1a, N1))
    x1 = _gcn(h, ei1, Wg1b, bg1b, N1).reshape(-1, PAST, OUT_PRE - 1)
    x_kernel = jnp.concatenate([x1, x2[:, :, :-1]], axis=-2)  # [B, P+F, 26]
    y_kernel = x.reshape(-1, PAST, OUT_PRE)[:, :, -1:]
    yh = _kernel(x_kernel, y_kernel, A, Wk, smoothing)
    x2b = jnp.concatenate([x2[:, :, :-1], yh], axis=-1)  # [B, F, 27]
    g = jax.nn.relu(_gcn(x2b.reshape(-1, OUT_PRE), ei2, Wg2a, bg2a, N2))
    out = _gcn(g, ei2, Wg2b, bg2b, N2).reshape(-1, FUTURE)
    xc = jnp.concatenate([x.reshape(-1, PAST, OUT_PRE), x2b], axis=-2)  # [B, 16, 27]
    d2 = jnp.sum((xc[:, :, None, :] - xc[:, None, :, :]) ** 2, axis=-1)
    dist = jnp.sqrt(jnp.maximum(d2, 1e-12))  # torch.cdist p=2 (eps-clamped for grad safety)
    return out, dist, A


def setup_inputs(seed: int = 0) -> dict:
    key = jax.random.key(seed)
    def k(i):
        return jax.random.fold_in(key, i)
    inp = {}
    inp['x_idx_sg1'] = jax.random.randint(k(0), (N1, 2), 0, 512, dtype=jnp.int32)
    inp['x_float_sg1'] = jax.random.normal(k(1), (N1, 3), dtype=jnp.float32)
    inp['x_idx_sg2'] = jax.random.randint(k(2), (N2, 2), 0, 512, dtype=jnp.int32)
    inp['x_float_sg2'] = jax.random.normal(k(3), (N2, 3), dtype=jnp.float32)
    inp['edge_index_sg1'] = jax.random.randint(k(4), (2, E1), 0, N1, dtype=jnp.int32)
    inp['edge_index_sg2'] = jax.random.randint(k(5), (2, E2), 0, N2, dtype=jnp.int32)
    inp['emb0'] = jax.random.normal(k(6), (512, 16), dtype=jnp.float32)
    inp['emb1'] = jax.random.normal(k(7), (512, 8), dtype=jnp.float32)
    inp['W0'] = jax.random.normal(k(8), (27, 128), dtype=jnp.float32) * 0.1
    inp['b0'] = jnp.zeros((128,), jnp.float32)
    inp['W1'] = jax.random.normal(k(9), (128, 128), dtype=jnp.float32) * 0.05
    inp['b1'] = jnp.zeros((128,), jnp.float32)
    inp['W2'] = jax.random.normal(k(10), (128, 26), dtype=jnp.float32) * 0.1
    inp['b2'] = jnp.zeros((26,), jnp.float32)
    inp['Wg1a'] = jax.random.normal(k(11), (27, 64), dtype=jnp.float32) * 0.1
    inp['bg1a'] = jnp.zeros((64,), jnp.float32)
    inp['Wg1b'] = jax.random.normal(k(12), (64, 26), dtype=jnp.float32) * 0.1
    inp['bg1b'] = jnp.zeros((26,), jnp.float32)
    inp['Wg2a'] = jax.random.normal(k(13), (27, 64), dtype=jnp.float32) * 0.1
    inp['bg2a'] = jnp.zeros((64,), jnp.float32)
    inp['Wg2b'] = jax.random.normal(k(14), (64, 1), dtype=jnp.float32) * 0.1
    inp['bg2b'] = jnp.zeros((1,), jnp.float32)
    inp['Wk'] = jax.random.normal(k(15), (26, 64), dtype=jnp.float32) * 0.1
    inp['smoothing'] = jax.random.normal(k(16), (1,), dtype=jnp.float32)
    inp['M'] = jax.random.normal(k(17), (PAST + FUTURE, (PAST + FUTURE) // 3), dtype=jnp.float32)
    return inp


def reference(x_idx_sg1, x_float_sg1, x_idx_sg2, x_float_sg2, edge_index_sg1, edge_index_sg2,
              emb0, emb1, W0, b0, W1, b1, W2, b2,
              Wg1a, bg1a, Wg1b, bg1b, Wg2a, bg2a, Wg2b, bg2b,
              Wk, smoothing, M):
    return _forward(x_idx_sg1, x_float_sg1, x_idx_sg2, x_float_sg2,
                    edge_index_sg1, edge_index_sg2,
                    emb0, emb1, W0, b0, W1, b1, W2, b2,
                    Wg1a, bg1a, Wg1b, bg1b, Wg2a, bg2a, Wg2b, bg2b,
                    Wk, smoothing, M)

if __name__ == "__main__":
    import jax
    _d = setup_inputs()
    print(jax.jit(kernel)(*tuple(_d.values())))

</pallas_src>

<mosaic_0001>
#map = affine_map<(d0, d1) -> (0)>
#map1 = affine_map<(d0, d1) -> (0, 0)>
module attributes {stable_mosaic.version = 14 : i64} {
  func.func @k(%arg0: i32, %arg1: i32, %arg2: memref<262144xi32, #tpu.memory_space<hbm>>, %arg3: memref<49152xf32, #tpu.memory_space<hbm>>, %arg4: memref<32x16384xf32, #tpu.memory_space<hbm>>, %arg5: memref<16384xf32, #tpu.memory_space<vmem>>, %arg6: memref<8192xi32, #tpu.memory_space<vmem>>) attributes {dimension_semantics = [#tpu.dimension_semantics<core_parallel>, #tpu.dimension_semantics<subcore_parallel>], iteration_bounds = array<i64: 2, 16>, scalar_prefetch = 0 : i64, scratch_operands = 2 : i64, tpu.core_type = #tpu.core_type<sc_vector_subcore>, window_params = [{transform_indices = #map}, {transform_indices = #map}, {transform_indices = #map1}]} {
    %mul3A = arith.constant 2 : i32
    %mul3A_0 = arith.muli %arg1, %mul3A : i32
    %add3A = arith.addi %mul3A_0, %arg0 : i32
    %mul3A_1 = arith.constant 8192 : i32
    %mul3A_2 = arith.muli %add3A, %mul3A_1 : i32
    "tpu.region"() ({
      %run_scoped3A = tpu.sem_alloc : memref<!tpu.dma_semaphore, #tpu.memory_space<semaphore_mem>>
      %dma_start3A = arith.constant 0 : i32
      %dma_start3A_8 = tpu.memref_slice %arg3[%dma_start3A] : memref<49152xf32, #tpu.memory_space<hbm>> -> memref<16384xf32, #tpu.memory_space<hbm>>
      %dma_start3A_9 = arith.constant 0 : i32
      %dma_start3A_10 = tpu.memref_slice %arg3[%dma_start3A_9] : memref<49152xf32, #tpu.memory_space<hbm>> -> memref<16384xf32, #tpu.memory_space<hbm>>
      tpu.enqueue_dma source(%dma_start3A_10 : memref<16384xf32, #tpu.memory_space<hbm>>) target(%arg5 : memref<16384xf32, #tpu.memory_space<vmem>>) target_semaphore(%run_scoped3A : memref<!tpu.dma_semaphore, #tpu.memory_space<semaphore_mem>>)
      %dma_wait3A = arith.constant 0 : i32
      %dma_wait3A_11 = tpu.memref_slice %arg3[%dma_wait3A] : memref<49152xf32, #tpu.memory_space<hbm>> -> memref<16384xf32, #tpu.memory_space<hbm>>
      %dma_wait3A_12 = arith.constant 0 : i32
      %dma_wait3A_13 = tpu.memref_slice %arg3[%dma_wait3A_12] : memref<49152xf32, #tpu.memory_space<hbm>> -> memref<16384xf32, #tpu.memory_space<hbm>>
      tpu.wait_dma2 semaphore(%run_scoped3A : memref<!tpu.dma_semaphore, #tpu.memory_space<semaphore_mem>>) src(%dma_wait3A_13 : memref<16384xf32, #tpu.memory_space<hbm>>) dst(%arg5 : memref<16384xf32, #tpu.memory_space<vmem>>)
      tpu.yield
    }) : () -> ()
    "tpu.region"() ({
      %run_scoped3A = tpu.sem_alloc : memref<!tpu.dma_semaphore, #tpu.memory_space<semaphore_mem>>
      %dma_start3A = tpu.memref_slice %arg2[%mul3A_2] : memref<262144xi32, #tpu.memory_space<hbm>> -> memref<8192xi32, #tpu.memory_space<hbm>>
      %dma_start3A_8 = tpu.memref_slice %arg2[%mul3A_2] : memref<262144xi32, #tpu.memory_space<hbm>> -> memref<8192xi32, #tpu.memory_space<hbm>>
      tpu.enqueue_dma source(%dma_start3A_8 : memref<8192xi32, #tpu.memory_space<hbm>>) target(%arg6 : memref<8192xi32, #tpu.memory_space<vmem>>) target_semaphore(%run_scoped3A : memref<!tpu.dma_semaphore, #tpu.memory_space<semaphore_mem>>)
      %dma_wait3A = tpu.memref_slice %arg2[%mul3A_2] : memref<262144xi32, #tpu.memory_space<hbm>> -> memref<8192xi32, #tpu.memory_space<hbm>>
      %dma_wait3A_9 = tpu.memref_slice %arg2[%mul3A_2] : memref<262144xi32, #tpu.memory_space<hbm>> -> memref<8192xi32, #tpu.memory_space<hbm>>
      tpu.wait_dma2 semaphore(%run_scoped3A : memref<!tpu.dma_semaphore, #tpu.memory_space<semaphore_mem>>) src(%dma_wait3A_9 : memref<8192xi32, #tpu.memory_space<hbm>>) dst(%arg6 : memref<8192xi32, #tpu.memory_space<vmem>>)
      tpu.yield
    }) : () -> ()
    %broadcast_in_dim3A = arith.constant 1.000000e+00 : f32
    %broadcast_in_dim3A_3 = vector.broadcast %broadcast_in_dim3A : f32 to vector<16xf32>
    %scan3A = arith.constant 0 : i32
    %scan3A_4 = arith.constant 512 : i32
    %scan3A_5 = arith.addi %scan3A, %scan3A_4 : i32
    %scan3A_6 = arith.constant 4 : i32
    scf.for %scan3A_8 = %scan3A to %scan3A_5 step %scan3A_6  : i32 {
      %mul3A_9 = arith.constant 16 : i32
      %mul3A_10 = arith.muli %scan3A_8, %mul3A_9 : i32
      %multiple_of3A = tpu.assume_multiple %mul3A_10, 16 : i32
      %get3A = arith.index_cast %multiple_of3A : i32 to index
      %get3A_11 = tpu.vector_load %arg6[%get3A] {strides = array<i32>} : memref<8192xi32, #tpu.memory_space<vmem>>, vector<16xi32>,
      tpu.vector_store_idx %arg5[%get3A_11], %broadcast_in_dim3A_3 {add = true} : memref<16384xf32, #tpu.memory_space<vmem>>[vector<16xi32>], vector<16xf32>,
      %scan3A_12 = arith.constant 1 : i32
      %scan3A_13 = arith.addi %scan3A_8, %scan3A_12 : i32
      %mul3A_14 = arith.constant 16 : i32
      %mul3A_15 = arith.muli %scan3A_13, %mul3A_14 : i32
      %multiple_of3A_16 = tpu.assume_multiple %mul3A_15, 16 : i32
      %get3A_17 = arith.index_cast %multiple_of3A_16 : i32 to index
      %get3A_18 = tpu.vector_load %arg6[%get3A_17] {strides = array<i32>} : memref<8192xi32, #tpu.memory_space<vmem>>, vector<16xi32>,
      tpu.vector_store_idx %arg5[%get3A_18], %broadcast_in_dim3A_3 {add = true} : memref<16384xf32, #tpu.memory_space<vmem>>[vector<16xi32>], vector<16xf32>,
      %scan3A_19 = arith.constant 2 : i32
      %scan3A_20 = arith.addi %scan3A_8, %scan3A_19 : i32
      %mul3A_21 = arith.constant 16 : i32
      %mul3A_22 = arith.muli %scan3A_20, %mul3A_21 : i32
      %multiple_of3A_23 = tpu.assume_multiple %mul3A_22, 16 : i32
      %get3A_24 = arith.index_cast %multiple_of3A_23 : i32 to index
      %get3A_25 = tpu.vector_load %arg6[%get3A_24] {strides = array<i32>} : memref<8192xi32, #tpu.memory_space<vmem>>, vector<16xi32>,
      tpu.vector_store_idx %arg5[%get3A_25], %broadcast_in_dim3A_3 {add = true} : memref<16384xf32, #tpu.memory_space<vmem>>[vector<16xi32>], vector<16xf32>,
      %scan3A_26 = arith.constant 3 : i32
      %scan3A_27 = arith.addi %scan3A_8, %scan3A_26 : i32
      %mul3A_28 = arith.constant 16 : i32
      %mul3A_29 = arith.muli %scan3A_27, %mul3A_28 : i32
      %multiple_of3A_30 = tpu.assume_multiple %mul3A_29, 16 : i32
      %get3A_31 = arith.index_cast %multiple_of3A_30 : i32 to index
      %get3A_32 = tpu.vector_load %arg6[%get3A_31] {strides = array<i32>} : memref<8192xi32, #tpu.memory_space<vmem>>, vector<16xi32>,
      tpu.vector_store_idx %arg5[%get3A_32], %broadcast_in_dim3A_3 {add = true} : memref<16384xf32, #tpu.memory_space<vmem>>[vector<16xi32>], vector<16xf32>,
    }
    %scan3A_7 = arith.constant 512 : i32
    "tpu.region"() ({
      %run_scoped3A = tpu.sem_alloc : memref<!tpu.dma_semaphore, #tpu.memory_space<semaphore_mem>>
      %dma_start3A = arith.constant 0 : i32
      %dma_start3A_8 = tpu.memref_slice %arg4[%add3A, %dma_start3A] : memref<32x16384xf32, #tpu.memory_space<hbm>> -> memref<1x16384xf32, #tpu.memory_space<hbm>>
      %dma_start3A_9 = tpu.memref_squeeze %dma_start3A_8 : memref<1x16384xf32, #tpu.memory_space<hbm>> -> memref<16384xf32, #tpu.memory_space<hbm>>
      %dma_start3A_10 = arith.constant 0 : i32
      %dma_start3A_11 = tpu.memref_slice %arg4[%add3A, %dma_start3A_10] : memref<32x16384xf32, #tpu.memory_space<hbm>> -> memref<1x16384xf32, #tpu.memory_space<hbm>>
      %dma_start3A_12 = tpu.memref_squeeze %dma_start3A_11 : memref<1x16384xf32, #tpu.memory_space<hbm>> -> memref<16384xf32, #tpu.memory_space<hbm>>
      tpu.enqueue_dma source(%arg5 : memref<16384xf32, #tpu.memory_space<vmem>>) target(%dma_start3A_12 : memref<16384xf32, #tpu.memory_space<hbm>>) target_semaphore(%run_scoped3A : memref<!tpu.dma_semaphore, #tpu.memory_space<semaphore_mem>>)
      %dma_wait3A = arith.constant 0 : i32
      %dma_wait3A_13 = tpu.memref_slice %arg4[%add3A, %dma_wait3A] : memref<32x16384xf32, #tpu.memory_space<hbm>> -> memref<1x16384xf32, #tpu.memory_space<hbm>>
      %dma_wait3A_14 = tpu.memref_squeeze %dma_wait3A_13 : memref<1x16384xf32, #tpu.memory_space<hbm>> -> memref<16384xf32, #tpu.memory_space<hbm>>
      %dma_wait3A_15 = arith.constant 0 : i32
      %dma_wait3A_16 = tpu.memref_slice %arg4[%add3A, %dma_wait3A_15] : memref<32x16384xf32, #tpu.memory_space<hbm>> -> memref<1x16384xf32, #tpu.memory_space<hbm>>
      %dma_wait3A_17 = tpu.memref_squeeze %dma_wait3A_16 : memref<1x16384xf32, #tpu.memory_space<hbm>> -> memref<16384xf32, #tpu.memory_space<hbm>>
      tpu.wait_dma2 semaphore(%run_scoped3A : memref<!tpu.dma_semaphore, #tpu.memory_space<semaphore_mem>>) src(%arg5 : memref<16384xf32, #tpu.memory_space<vmem>>) dst(%dma_wait3A_17 : memref<16384xf32, #tpu.memory_space<hbm>>)
      tpu.yield
    }) : () -> ()
    return
  }
}

#map = affine_map<(d0, d1) -> (0)>
#map1 = affine_map<(d0, d1) -> (0, 0)>
module attributes {stable_mosaic.version = 14 : i64} {
  func.func @k(%arg0: i32, %arg1: i32, %arg2: memref<786432xi32, #tpu.memory_space<hbm>>, %arg3: memref<49152xf32, #tpu.memory_space<hbm>>, %arg4: memref<32x49152xf32, #tpu.memory_space<hbm>>, %arg5: memref<49152xf32, #tpu.memory_space<vmem>>, %arg6: memref<24576xi32, #tpu.memory_space<vmem>>) attributes {dimension_semantics = [#tpu.dimension_semantics<core_parallel>, #tpu.dimension_semantics<subcore_parallel>], iteration_bounds = array<i64: 2, 16>, scalar_prefetch = 0 : i64, scratch_operands = 2 : i64, tpu.core_type = #tpu.core_type<sc_vector_subcore>, window_params = [{transform_indices = #map}, {transform_indices = #map}, {transform_indices = #map1}]} {
    %mul3A = arith.constant 2 : i32
    %mul3A_0 = arith.muli %arg1, %mul3A : i32
    %add3A = arith.addi %mul3A_0, %arg0 : i32
    %mul3A_1 = arith.constant 24576 : i32
    %mul3A_2 = arith.muli %add3A, %mul3A_1 : i32
    "tpu.region"() ({
      %run_scoped3A = tpu.sem_alloc : memref<!tpu.dma_semaphore, #tpu.memory_space<semaphore_mem>>
      %dma_start3A = arith.constant 0 : i32
      %dma_start3A_8 = tpu.memref_slice %arg3[%dma_start3A] : memref<49152xf32, #tpu.memory_space<hbm>> -> memref<49152xf32, #tpu.memory_space<hbm>>
      %dma_start3A_9 = arith.constant 0 : i32
      %dma_start3A_10 = tpu.memref_slice %arg3[%dma_start3A_9] : memref<49152xf32, #tpu.memory_space<hbm>> -> memref<49152xf32, #tpu.memory_space<hbm>>
      tpu.enqueue_dma source(%dma_start3A_10 : memref<49152xf32, #tpu.memory_space<hbm>>) target(%arg5 : memref<49152xf32, #tpu.memory_space<vmem>>) target_semaphore(%run_scoped3A : memref<!tpu.dma_semaphore, #tpu.memory_space<semaphore_mem>>)
      %dma_wait3A = arith.constant 0 : i32
      %dma_wait3A_11 = tpu.memref_slice %arg3[%dma_wait3A] : memref<49152xf32, #tpu.memory_space<hbm>> -> memref<49152xf32, #tpu.memory_space<hbm>>
      %dma_wait3A_12 = arith.constant 0 : i32
      %dma_wait3A_13 = tpu.memref_slice %arg3[%dma_wait3A_12] : memref<49152xf32, #tpu.memory_space<hbm>> -> memref<49152xf32, #tpu.memory_space<hbm>>
      tpu.wait_dma2 semaphore(%run_scoped3A : memref<!tpu.dma_semaphore, #tpu.memory_space<semaphore_mem>>) src(%dma_wait3A_13 : memref<49152xf32, #tpu.memory_space<hbm>>) dst(%arg5 : memref<49152xf32, #tpu.memory_space<vmem>>)
      tpu.yield
    }) : () -> ()
    "tpu.region"() ({
      %run_scoped3A = tpu.sem_alloc : memref<!tpu.dma_semaphore, #tpu.memory_space<semaphore_mem>>
      %dma_start3A = tpu.memref_slice %arg2[%mul3A_2] : memref<786432xi32, #tpu.memory_space<hbm>> -> memref<24576xi32, #tpu.memory_space<hbm>>
      %dma_start3A_8 = tpu.memref_slice %arg2[%mul3A_2] : memref<786432xi32, #tpu.memory_space<hbm>> -> memref<24576xi32, #tpu.memory_space<hbm>>
      tpu.enqueue_dma source(%dma_start3A_8 : memref<24576xi32, #tpu.memory_space<hbm>>) target(%arg6 : memref<24576xi32, #tpu.memory_space<vmem>>) target_semaphore(%run_scoped3A : memref<!tpu.dma_semaphore, #tpu.memory_space<semaphore_mem>>)
      %dma_wait3A = tpu.memref_slice %arg2[%mul3A_2] : memref<786432xi32, #tpu.memory_space<hbm>> -> memref<24576xi32, #tpu.memory_space<hbm>>
      %dma_wait3A_9 = tpu.memref_slice %arg2[%mul3A_2] : memref<786432xi32, #tpu.memory_space<hbm>> -> memref<24576xi32, #tpu.memory_space<hbm>>
      tpu.wait_dma2 semaphore(%run_scoped3A : memref<!tpu.dma_semaphore, #tpu.memory_space<semaphore_mem>>) src(%dma_wait3A_9 : memref<24576xi32, #tpu.memory_space<hbm>>) dst(%arg6 : memref<24576xi32, #tpu.memory_space<vmem>>)
      tpu.yield
    }) : () -> ()
    %broadcast_in_dim3A = arith.constant 1.000000e+00 : f32
    %broadcast_in_dim3A_3 = vector.broadcast %broadcast_in_dim3A : f32 to vector<16xf32>
    %scan3A = arith.constant 0 : i32
    %scan3A_4 = arith.constant 1536 : i32
    %scan3A_5 = arith.addi %scan3A, %scan3A_4 : i32
    %scan3A_6 = arith.constant 4 : i32
    scf.for %scan3A_8 = %scan3A to %scan3A_5 step %scan3A_6  : i32 {
      %mul3A_9 = arith.constant 16 : i32
      %mul3A_10 = arith.muli %scan3A_8, %mul3A_9 : i32
      %multiple_of3A = tpu.assume_multiple %mul3A_10, 16 : i32
      %get3A = arith.index_cast %multiple_of3A : i32 to index
      %get3A_11 = tpu.vector_load %arg6[%get3A] {strides = array<i32>} : memref<24576xi32, #tpu.memory_space<vmem>>, vector<16xi32>,
      tpu.vector_store_idx %arg5[%get3A_11], %broadcast_in_dim3A_3 {add = true} : memref<49152xf32, #tpu.memory_space<vmem>>[vector<16xi32>], vector<16xf32>,
      %scan3A_12 = arith.constant 1 : i32
      %scan3A_13 = arith.addi %scan3A_8, %scan3A_12 : i32
      %mul3A_14 = arith.constant 16 : i32
      %mul3A_15 = arith.muli %scan3A_13, %mul3A_14 : i32
      %multiple_of3A_16 = tpu.assume_multiple %mul3A_15, 16 : i32
      %get3A_17 = arith.index_cast %multiple_of3A_16 : i32 to index
      %get3A_18 = tpu.vector_load %arg6[%get3A_17] {strides = array<i32>} : memref<24576xi32, #tpu.memory_space<vmem>>, vector<16xi32>,
      tpu.vector_store_idx %arg5[%get3A_18], %broadcast_in_dim3A_3 {add = true} : memref<49152xf32, #tpu.memory_space<vmem>>[vector<16xi32>], vector<16xf32>,
      %scan3A_19 = arith.constant 2 : i32
      %scan3A_20 = arith.addi %scan3A_8, %scan3A_19 : i32
      %mul3A_21 = arith.constant 16 : i32
      %mul3A_22 = arith.muli %scan3A_20, %mul3A_21 : i32
      %multiple_of3A_23 = tpu.assume_multiple %mul3A_22, 16 : i32
      %get3A_24 = arith.index_cast %multiple_of3A_23 : i32 to index
      %get3A_25 = tpu.vector_load %arg6[%get3A_24] {strides = array<i32>} : memref<24576xi32, #tpu.memory_space<vmem>>, vector<16xi32>,
      tpu.vector_store_idx %arg5[%get3A_25], %broadcast_in_dim3A_3 {add = true} : memref<49152xf32, #tpu.memory_space<vmem>>[vector<16xi32>], vector<16xf32>,
      %scan3A_26 = arith.constant 3 : i32
      %scan3A_27 = arith.addi %scan3A_8, %scan3A_26 : i32
      %mul3A_28 = arith.constant 16 : i32
      %mul3A_29 = arith.muli %scan3A_27, %mul3A_28 : i32
      %multiple_of3A_30 = tpu.assume_multiple %mul3A_29, 16 : i32
      %get3A_31 = arith.index_cast %multiple_of3A_30 : i32 to index
      %get3A_32 = tpu.vector_load %arg6[%get3A_31] {strides = array<i32>} : memref<24576xi32, #tpu.memory_space<vmem>>, vector<16xi32>,
      tpu.vector_store_idx %arg5[%get3A_32], %broadcast_in_dim3A_3 {add = true} : memref<49152xf32, #tpu.memory_space<vmem>>[vector<16xi32>], vector<16xf32>,
    }
    %scan3A_7 = arith.constant 1536 : i32
    "tpu.region"() ({
      %run_scoped3A = tpu.sem_alloc : memref<!tpu.dma_semaphore, #tpu.memory_space<semaphore_mem>>
      %dma_start3A = arith.constant 0 : i32
      %dma_start3A_8 = tpu.memref_slice %arg4[%add3A, %dma_start3A] : memref<32x49152xf32, #tpu.memory_space<hbm>> -> memref<1x49152xf32, #tpu.memory_space<hbm>>
      %dma_start3A_9 = tpu.memref_squeeze %dma_start3A_8 : memref<1x49152xf32, #tpu.memory_space<hbm>> -> memref<49152xf32, #tpu.memory_space<hbm>>
      %dma_start3A_10 = arith.constant 0 : i32
      %dma_start3A_11 = tpu.memref_slice %arg4[%add3A, %dma_start3A_10] : memref<32x49152xf32, #tpu.memory_space<hbm>> -> memref<1x49152xf32, #tpu.memory_space<hbm>>
      %dma_start3A_12 = tpu.memref_squeeze %dma_start3A_11 : memref<1x49152xf32, #tpu.memory_space<hbm>> -> memref<49152xf32, #tpu.memory_space<hbm>>
      tpu.enqueue_dma source(%arg5 : memref<49152xf32, #tpu.memory_space<vmem>>) target(%dma_start3A_12 : memref<49152xf32, #tpu.memory_space<hbm>>) target_semaphore(%run_scoped3A : memref<!tpu.dma_semaphore, #tpu.memory_space<semaphore_mem>>)
      %dma_wait3A = arith.constant 0 : i32
      %dma_wait3A_13 = tpu.memref_slice %arg4[%add3A, %dma_wait3A] : memref<32x49152xf32, #tpu.memory_space<hbm>> -> memref<1x49152xf32, #tpu.memory_space<hbm>>
      %dma_wait3A_14 = tpu.memref_squeeze %dma_wait3A_13 : memref<1x49152xf32, #tpu.memory_space<hbm>> -> memref<49152xf32, #tpu.memory_space<hbm>>
      %dma_wait3A_15 = arith.constant 0 : i32
      %dma_wait3A_16 = tpu.memref_slice %arg4[%add3A, %dma_wait3A_15] : memref<32x49152xf32, #tpu.memory_space<hbm>> -> memref<1x49152xf32, #tpu.memory_space<hbm>>
      %dma_wait3A_17 = tpu.memref_squeeze %dma_wait3A_16 : memref<1x49152xf32, #tpu.memory_space<hbm>> -> memref<49152xf32, #tpu.memory_space<hbm>>
      tpu.wait_dma2 semaphore(%run_scoped3A : memref<!tpu.dma_semaphore, #tpu.memory_space<semaphore_mem>>) src(%arg5 : memref<49152xf32, #tpu.memory_space<vmem>>) dst(%dma_wait3A_17 : memref<49152xf32, #tpu.memory_space<hbm>>)
      tpu.yield
    }) : () -> ()
    return
  }
}

#map = affine_map<(d0, d1) -> (0, 0)>
#map1 = affine_map<(d0, d1) -> (0)>
module attributes {stable_mosaic.version = 14 : i64} {
  func.func @k(%arg0: i32, %arg1: i32, %arg2: memref<512x128xf32, #tpu.memory_space<hbm>>, %arg3: memref<512x128xf32, #tpu.memory_space<hbm>>, %arg4: memref<65536xi32, #tpu.memory_space<hbm>>, %arg5: memref<65536xi32, #tpu.memory_space<hbm>>, %arg6: memref<65536x128xf32, #tpu.memory_space<hbm>>, %arg7: memref<65536x128xf32, #tpu.memory_space<hbm>>, %arg8: memref<256xi32, #tpu.memory_space<vmem>>, %arg9: memref<256xi32, #tpu.memory_space<vmem>>, %arg10: memref<256x128xf32, #tpu.memory_space<vmem>>, %arg11: memref<256x128xf32, #tpu.memory_space<vmem>>, %arg12: memref<!tpu.dma_semaphore, #tpu.memory_space<semaphore_mem>>, %arg13: memref<!tpu.dma_semaphore, #tpu.memory_space<semaphore_mem>>) attributes {dimension_semantics = [#tpu.dimension_semantics<core_parallel>, #tpu.dimension_semantics<subcore_parallel>], iteration_bounds = array<i64: 2, 16>, scalar_prefetch = 0 : i64, scratch_operands = 6 : i64, tpu.core_type = #tpu.core_type<sc_vector_subcore>, window_params = [{transform_indices = #map}, {transform_indices = #map}, {transform_indices = #map1}, {transform_indices = #map1}, {transform_indices = #map}, {transform_indices = #map}]} {
    %mul3A = arith.constant 2 : i32
    %mul3A_0 = arith.muli %arg1, %mul3A : i32
    %add3A = arith.addi %mul3A_0, %arg0 : i32
    %mul3A_1 = arith.constant 2048 : i32
    %mul3A_2 = arith.muli %add3A, %mul3A_1 : i32
    %scan3A = arith.constant 0 : i32
    %scan3A_3 = arith.constant 8 : i32
    %scan3A_4 = arith.addi %scan3A, %scan3A_3 : i32
    %scan3A_5 = arith.constant 1 : i32
    scf.for %scan3A_7 = %scan3A to %scan3A_4 step %scan3A_5  : i32 {
      %mul3A_8 = arith.constant 256 : i32
      %mul3A_9 = arith.muli %scan3A_7, %mul3A_8 : i32
      %add3A_10 = arith.addi %mul3A_2, %mul3A_9 : i32
      "tpu.region"() ({
        %run_scoped3A = tpu.sem_alloc : memref<!tpu.dma_semaphore, #tpu.memory_space<semaphore_mem>>
        %dma_start3A_21 = tpu.memref_slice %arg4[%add3A_10] : memref<65536xi32, #tpu.memory_space<hbm>> -> memref<256xi32, #tpu.memory_space<hbm>>
        %dma_start3A_22 = tpu.memref_slice %arg4[%add3A_10] : memref<65536xi32, #tpu.memory_space<hbm>> -> memref<256xi32, #tpu.memory_space<hbm>>
        tpu.enqueue_dma source(%dma_start3A_22 : memref<256xi32, #tpu.memory_space<hbm>>) target(%arg8 : memref<256xi32, #tpu.memory_space<vmem>>) target_semaphore(%run_scoped3A : memref<!tpu.dma_semaphore, #tpu.memory_space<semaphore_mem>>)
        %dma_wait3A_23 = tpu.memref_slice %arg4[%add3A_10] : memref<65536xi32, #tpu.memory_space<hbm>> -> memref<256xi32, #tpu.memory_space<hbm>>
        %dma_wait3A_24 = tpu.memref_slice %arg4[%add3A_10] : memref<65536xi32, #tpu.memory_space<hbm>> -> memref<256xi32, #tpu.memory_space<hbm>>
        tpu.wait_dma2 semaphore(%run_scoped3A : memref<!tpu.dma_semaphore, #tpu.memory_space<semaphore_mem>>) src(%dma_wait3A_24 : memref<256xi32, #tpu.memory_space<hbm>>) dst(%arg8 : memref<256xi32, #tpu.memory_space<vmem>>)
        tpu.yield
      }) : () -> ()
      "tpu.region"() ({
        %run_scoped3A = tpu.sem_alloc : memref<!tpu.dma_semaphore, #tpu.memory_space<semaphore_mem>>
        %dma_start3A_21 = tpu.memref_slice %arg5[%add3A_10] : memref<65536xi32, #tpu.memory_space<hbm>> -> memref<256xi32, #tpu.memory_space<hbm>>
        %dma_start3A_22 = tpu.memref_slice %arg5[%add3A_10] : memref<65536xi32, #tpu.memory_space<hbm>> -> memref<256xi32, #tpu.memory_space<hbm>>
        tpu.enqueue_dma source(%dma_start3A_22 : memref<256xi32, #tpu.memory_space<hbm>>) target(%arg9 : memref<256xi32, #tpu.memory_space<vmem>>) target_semaphore(%run_scoped3A : memref<!tpu.dma_semaphore, #tpu.memory_space<semaphore_mem>>)
        %dma_wait3A_23 = tpu.memref_slice %arg5[%add3A_10] : memref<65536xi32, #tpu.memory_space<hbm>> -> memref<256xi32, #tpu.memory_space<hbm>>
        %dma_wait3A_24 = tpu.memref_slice %arg5[%add3A_10] : memref<65536xi32, #tpu.memory_space<hbm>> -> memref<256xi32, #tpu.memory_space<hbm>>
        tpu.wait_dma2 semaphore(%run_scoped3A : memref<!tpu.dma_semaphore, #tpu.memory_space<semaphore_mem>>) src(%dma_wait3A_24 : memref<256xi32, #tpu.memory_space<hbm>>) dst(%arg9 : memref<256xi32, #tpu.memory_space<vmem>>)
        tpu.yield
      }) : () -> ()
      %dma_start3A = arith.constant 0 : i32
      %dma_start3A_11 = arith.constant 0 : i32
      %dma_start3A_12 = tpu.memref_slice %arg2[%dma_start3A, %dma_start3A_11] : memref<512x128xf32, #tpu.memory_space<hbm>> -> memref<512x128xf32, #tpu.memory_space<hbm>>
      tpu.enqueue_indirect_dma source(%dma_start3A_12 : memref<512x128xf32, #tpu.memory_space<hbm>>) target(%arg10 : memref<256x128xf32, #tpu.memory_space<vmem>>) offsets(%arg8 : memref<256xi32, #tpu.memory_space<vmem>>) semaphore(%arg12 : memref<!tpu.dma_semaphore, #tpu.memory_space<semaphore_mem>>)
      %dma_start3A_13 = arith.constant 0 : i32
      %dma_start3A_14 = arith.constant 0 : i32
      %dma_start3A_15 = tpu.memref_slice %arg3[%dma_start3A_13, %dma_start3A_14] : memref<512x128xf32, #tpu.memory_space<hbm>> -> memref<512x128xf32, #tpu.memory_space<hbm>>
      tpu.enqueue_indirect_dma source(%dma_start3A_15 : memref<512x128xf32, #tpu.memory_space<hbm>>) target(%arg11 : memref<256x128xf32, #tpu.memory_space<vmem>>) offsets(%arg9 : memref<256xi32, #tpu.memory_space<vmem>>) semaphore(%arg13 : memref<!tpu.dma_semaphore, #tpu.memory_space<semaphore_mem>>)
      %dma_wait3A = arith.constant 0 : i32
      %dma_wait3A_16 = arith.constant 0 : i32
      %dma_wait3A_17 = tpu.memref_slice %arg2[%dma_wait3A, %dma_wait3A_16] : memref<512x128xf32, #tpu.memory_space<hbm>> -> memref<512x128xf32, #tpu.memory_space<hbm>>
      tpu.wait_indirect_dma semaphore(%arg12 : memref<!tpu.dma_semaphore, #tpu.memory_space<semaphore_mem>>) src(%dma_wait3A_17 : memref<512x128xf32, #tpu.memory_space<hbm>>) dst(%arg10 : memref<256x128xf32, #tpu.memory_space<vmem>>)
      "tpu.region"() ({
        %run_scoped3A = tpu.sem_alloc : memref<!tpu.dma_semaphore, #tpu.memory_space<semaphore_mem>>
        %dma_start3A_21 = arith.constant 0 : i32
        %dma_start3A_22 = tpu.memref_slice %arg6[%add3A_10, %dma_start3A_21] : memref<65536x128xf32, #tpu.memory_space<hbm>> -> memref<256x128xf32, #tpu.memory_space<hbm>>
        %dma_start3A_23 = arith.constant 0 : i32
        %dma_start3A_24 = tpu.memref_slice %arg6[%add3A_10, %dma_start3A_23] : memref<65536x128xf32, #tpu.memory_space<hbm>> -> memref<256x128xf32, #tpu.memory_space<hbm>>
        tpu.enqueue_dma source(%arg10 : memref<256x128xf32, #tpu.memory_space<vmem>>) target(%dma_start3A_24 : memref<256x128xf32, #tpu.memory_space<hbm>>) target_semaphore(%run_scoped3A : memref<!tpu.dma_semaphore, #tpu.memory_space<semaphore_mem>>)
        %dma_wait3A_25 = arith.constant 0 : i32
        %dma_wait3A_26 = tpu.memref_slice %arg6[%add3A_10, %dma_wait3A_25] : memref<65536x128xf32, #tpu.memory_space<hbm>> -> memref<256x128xf32, #tpu.memory_space<hbm>>
        %dma_wait3A_27 = arith.constant 0 : i32
        %dma_wait3A_28 = tpu.memref_slice %arg6[%add3A_10, %dma_wait3A_27] : memref<65536x128xf32, #tpu.memory_space<hbm>> -> memref<256x128xf32, #tpu.memory_space<hbm>>
        tpu.wait_dma2 semaphore(%run_scoped3A : memref<!tpu.dma_semaphore, #tpu.memory_space<semaphore_mem>>) src(%arg10 : memref<256x128xf32, #tpu.memory_space<vmem>>) dst(%dma_wait3A_28 : memref<256x128xf32, #tpu.memory_space<hbm>>)
        tpu.yield
      }) : () -> ()
      %dma_wait3A_18 = arith.constant 0 : i32
      %dma_wait3A_19 = arith.constant 0 : i32
      %dma_wait3A_20 = tpu.memref_slice %arg3[%dma_wait3A_18, %dma_wait3A_19] : memref<512x128xf32, #tpu.memory_space<hbm>> -> memref<512x128xf32, #tpu.memory_space<hbm>>
      tpu.wait_indirect_dma semaphore(%arg13 : memref<!tpu.dma_semaphore, #tpu.memory_space<semaphore_mem>>) src(%dma_wait3A_20 : memref<512x128xf32, #tpu.memory_space<hbm>>) dst(%arg11 : memref<256x128xf32, #tpu.memory_space<vmem>>)
      "tpu.region"() ({
        %run_scoped3A = tpu.sem_alloc : memref<!tpu.dma_semaphore, #tpu.memory_space<semaphore_mem>>
        %dma_start3A_21 = arith.constant 0 : i32
        %dma_start3A_22 = tpu.memref_slice %arg7[%add3A_10, %dma_start3A_21] : memref<65536x128xf32, #tpu.memory_space<hbm>> -> memref<256x128xf32, #tpu.memory_space<hbm>>
        %dma_start3A_23 = arith.constant 0 : i32
        %dma_start3A_24 = tpu.memref_slice %arg7[%add3A_10, %dma_start3A_23] : memref<65536x128xf32, #tpu.memory_space<hbm>> -> memref<256x128xf32, #tpu.memory_space<hbm>>
        tpu.enqueue_dma source(%arg11 : memref<256x128xf32, #tpu.memory_space<vmem>>) target(%dma_start3A_24 : memref<256x128xf32, #tpu.memory_space<hbm>>) target_semaphore(%run_scoped3A : memref<!tpu.dma_semaphore, #tpu.memory_space<semaphore_mem>>)
        %dma_wait3A_25 = arith.constant 0 : i32
        %dma_wait3A_26 = tpu.memref_slice %arg7[%add3A_10, %dma_wait3A_25] : memref<65536x128xf32, #tpu.memory_space<hbm>> -> memref<256x128xf32, #tpu.memory_space<hbm>>
        %dma_wait3A_27 = arith.constant 0 : i32
        %dma_wait3A_28 = tpu.memref_slice %arg7[%add3A_10, %dma_wait3A_27] : memref<65536x128xf32, #tpu.memory_space<hbm>> -> memref<256x128xf32, #tpu.memory_space<hbm>>
        tpu.wait_dma2 semaphore(%run_scoped3A : memref<!tpu.dma_semaphore, #tpu.memory_space<semaphore_mem>>) src(%arg11 : memref<256x128xf32, #tpu.memory_space<vmem>>) dst(%dma_wait3A_28 : memref<256x128xf32, #tpu.memory_space<hbm>>)
        tpu.yield
      }) : () -> ()
    }
    %scan3A_6 = arith.constant 8 : i32
    return
  }
}

#map = affine_map<(d0, d1) -> (0, 0)>
#map1 = affine_map<(d0, d1) -> (0)>
#map2 = affine_map<(d0, d1) -> (0, 0, 0)>
module attributes {stable_mosaic.version = 14 : i64} {
  func.func @k(%arg0: i32, %arg1: i32, %arg2: memref<49152x32xf32, #tpu.memory_space<hbm>>, %arg3: memref<49152x32xf32, #tpu.memory_space<hbm>>, %arg4: memref<786432xi32, #tpu.memory_space<hbm>>, %arg5: memref<786432xi32, #tpu.memory_space<hbm>>, %arg6: memref<3072x32xf32, #tpu.memory_space<hbm>>, %arg7: memref<2x49152x32xf32, #tpu.memory_space<hbm>>, %arg8: memref<49152x32xf32, #tpu.memory_space<vmem_shared>>, %arg9: memref<384xi32, #tpu.memory_space<vmem>>, %arg10: memref<384xi32, #tpu.memory_space<vmem>>, %arg11: memref<384xi32, #tpu.memory_space<vmem>>, %arg12: memref<384xi32, #tpu.memory_space<vmem>>, %arg13: memref<384xi32, #tpu.memory_space<vmem>>, %arg14: memref<384xi32, #tpu.memory_space<vmem>>, %arg15: memref<384xi32, #tpu.memory_space<vmem>>, %arg16: memref<384xi32, #tpu.memory_space<vmem>>, %arg17: memref<384x32xf32, #tpu.memory_space<vmem>>, %arg18: memref<384x32xf32, #tpu.memory_space<vmem>>, %arg19: memref<!tpu.dma_semaphore, #tpu.memory_space<semaphore_mem>>, %arg20: memref<!tpu.dma_semaphore, #tpu.memory_space<semaphore_mem>>, %arg21: memref<!tpu.dma_semaphore, #tpu.memory_space<semaphore_mem>>, %arg22: memref<!tpu.dma_semaphore, #tpu.memory_space<semaphore_mem>>, %arg23: memref<!tpu.dma_semaphore, #tpu.memory_space<semaphore_mem>>, %arg24: memref<!tpu.dma_semaphore, #tpu.memory_space<semaphore_mem>>, %arg25: memref<!tpu.dma_semaphore, #tpu.memory_space<semaphore_mem>>, %arg26: memref<!tpu.dma_semaphore, #tpu.memory_space<semaphore_mem>>) attributes {dimension_semantics = [#tpu.dimension_semantics<core_parallel>, #tpu.dimension_semantics<subcore_parallel>], iteration_bounds = array<i64: 2, 16>, scalar_prefetch = 0 : i64, scratch_operands = 19 : i64, tpu.core_type = #tpu.core_type<sc_vector_subcore>, window_params = [{transform_indices = #map}, {transform_indices = #map}, {transform_indices = #map1}, {transform_indices = #map1}, {transform_indices = #map}, {transform_indices = #map2}]} {
    %mul3A = arith.constant 3072 : i32
    %mul3A_0 = arith.muli %arg1, %mul3A : i32
    "tpu.region"() ({
      %run_scoped3A = tpu.sem_alloc : memref<!tpu.dma_semaphore, #tpu.memory_space<semaphore_mem>>
      %dma_start3A = arith.constant 0 : i32
      %dma_start3A_13 = tpu.memref_slice %arg8[%mul3A_0, %dma_start3A] : memref<49152x32xf32, #tpu.memory_space<vmem_shared>> -> memref<3072x32xf32, #tpu.memory_space<vmem_shared>>
      %dma_start3A_14 = arith.constant 0 : i32
      %dma_start3A_15 = arith.constant 0 : i32
      %dma_start3A_16 = tpu.memref_slice %arg6[%dma_start3A_14, %dma_start3A_15] : memref<3072x32xf32, #tpu.memory_space<hbm>> -> memref<3072x32xf32, #tpu.memory_space<hbm>>
      tpu.enqueue_dma source(%dma_start3A_16 : memref<3072x32xf32, #tpu.memory_space<hbm>>) target(%dma_start3A_13 : memref<3072x32xf32, #tpu.memory_space<vmem_shared>>) target_semaphore(%run_scoped3A : memref<!tpu.dma_semaphore, #tpu.memory_space<semaphore_mem>>)
      %dma_wait3A = arith.constant 0 : i32
      %dma_wait3A_17 = tpu.memref_slice %arg8[%mul3A_0, %dma_wait3A] : memref<49152x32xf32, #tpu.memory_space<vmem_shared>> -> memref<3072x32xf32, #tpu.memory_space<vmem_shared>>
      %dma_wait3A_18 = arith.constant 0 : i32
      %dma_wait3A_19 = arith.constant 0 : i32
      %dma_wait3A_20 = tpu.memref_slice %arg6[%dma_wait3A_18, %dma_wait3A_19] : memref<3072x32xf32, #tpu.memory_space<hbm>> -> memref<3072x32xf32, #tpu.memory_space<hbm>>
      tpu.wait_dma2 semaphore(%run_scoped3A : memref<!tpu.dma_semaphore, #tpu.memory_space<semaphore_mem>>) src(%dma_wait3A_20 : memref<3072x32xf32, #tpu.memory_space<hbm>>) dst(%dma_wait3A_17 : memref<3072x32xf32, #tpu.memory_space<vmem_shared>>)
      tpu.yield
    }) : () -> ()
    %barrier3A = arith.constant 0 : index
    tpu.barrier barrier_id(%barrier3A)
    %eq3A = arith.constant 0 : i32
    %eq3A_1 = arith.cmpi eq, %arg0, %eq3A : i32
    %convert_element_type3A = arith.extui %eq3A_1 : i1 to i32
    %cond3A = arith.constant 0 : i32
    %cond3A_2 = arith.cmpi ne, %convert_element_type3A, %cond3A : i32
    scf.if %cond3A_2 {
      %mul3A_13 = arith.constant 49152 : i32
      %mul3A_14 = arith.muli %arg1, %mul3A_13 : i32
      %scan3A = arith.constant 0 : i32
      %scan3A_15 = arith.constant 32 : i32
      %scan3A_16 = arith.addi %scan3A, %scan3A_15 : i32
      %scan3A_17 = arith.constant 1 : i32
      scf.for %scan3A_19 = %scan3A to %scan3A_16 step %scan3A_17  : i32 {
        %mul3A_20 = arith.constant 4 : i32
        %mul3A_21 = arith.muli %mul3A_20, %scan3A_19 : i32
        %mul3A_22 = arith.constant 384 : i32
        %mul3A_23 = arith.muli %mul3A_21, %mul3A_22 : i32
        %add3A = arith.addi %mul3A_14, %mul3A_23 : i32
        %add3A_24 = arith.constant 0 : i32
        %add3A_25 = arith.addi %add3A, %add3A_24 : i32
        %dma_start3A = tpu.memref_slice %arg4[%add3A_25] : memref<786432xi32, #tpu.memory_space<hbm>> -> memref<384xi32, #tpu.memory_space<hbm>>
        %dma_start3A_26 = tpu.memref_slice %arg4[%add3A_25] : memref<786432xi32, #tpu.memory_space<hbm>> -> memref<384xi32, #tpu.memory_space<hbm>>
        tpu.enqueue_dma source(%dma_start3A_26 : memref<384xi32, #tpu.memory_space<hbm>>) target(%arg9 : memref<384xi32, #tpu.memory_space<vmem>>) target_semaphore(%arg19 : memref<!tpu.dma_semaphore, #tpu.memory_space<semaphore_mem>>)
        %add3A_27 = arith.constant 0 : i32
        %add3A_28 = arith.addi %add3A, %add3A_27 : i32
        %dma_start3A_29 = tpu.memref_slice %arg5[%add3A_28] : memref<786432xi32, #tpu.memory_space<hbm>> -> memref<384xi32, #tpu.memory_space<hbm>>
        %dma_start3A_30 = tpu.memref_slice %arg5[%add3A_28] : memref<786432xi32, #tpu.memory_space<hbm>> -> memref<384xi32, #tpu.memory_space<hbm>>
        tpu.enqueue_dma source(%dma_start3A_30 : memref<384xi32, #tpu.memory_space<hbm>>) target(%arg13 : memref<384xi32, #tpu.memory_space<vmem>>) target_semaphore(%arg19 : memref<!tpu.dma_semaphore, #tpu.memory_space<semaphore_mem>>)
        %add3A_31 = arith.constant 384 : i32
        %add3A_32 = arith.addi %add3A, %add3A_31 : i32
        %dma_start3A_33 = tpu.memref_slice %arg4[%add3A_32] : memref<786432xi32, #tpu.memory_space<hbm>> -> memref<384xi32, #tpu.memory_space<hbm>>
        %dma_start3A_34 = tpu.memref_slice %arg4[%add3A_32] : memref<786432xi32, #tpu.memory_space<hbm>> -> memref<384xi32, #tpu.memory_space<hbm>>
        tpu.enqueue_dma source(%dma_start3A_34 : memref<384xi32, #tpu.memory_space<hbm>>) target(%arg10 : memref<384xi32, #tpu.memory_space<vmem>>) target_semaphore(%arg20 : memref<!tpu.dma_semaphore, #tpu.memory_space<semaphore_mem>>)
        %add3A_35 = arith.constant 384 : i32
        %add3A_36 = arith.addi %add3A, %add3A_35 : i32
        %dma_start3A_37 = tpu.memref_slice %arg5[%add3A_36] : memref<786432xi32, #tpu.memory_space<hbm>> -> memref<384xi32, #tpu.memory_space<hbm>>
        %dma_start3A_38 = tpu.memref_slice %arg5[%add3A_36] : memref<786432xi32, #tpu.memory_space<hbm>> -> memref<384xi32, #tpu.memory_space<hbm>>
        tpu.enqueue_dma source(%dma_start3A_38 : memref<384xi32, #tpu.memory_space<hbm>>) target(%arg14 : memref<384xi32, #tpu.memory_space<vmem>>) target_semaphore(%arg20 : memref<!tpu.dma_semaphore, #tpu.memory_space<semaphore_mem>>)
        %add3A_39 = arith.constant 768 : i32
        %add3A_40 = arith.addi %add3A, %add3A_39 : i32
        %dma_start3A_41 = tpu.memref_slice %arg4[%add3A_40] : memref<786432xi32, #tpu.memory_space<hbm>> -> memref<384xi32, #tpu.memory_space<hbm>>
        %dma_start3A_42 = tpu.memref_slice %arg4[%add3A_40] : memref<786432xi32, #tpu.memory_space<hbm>> -> memref<384xi32, #tpu.memory_space<hbm>>
        tpu.enqueue_dma source(%dma_start3A_42 : memref<384xi32, #tpu.memory_space<hbm>>) target(%arg11 : memref<384xi32, #tpu.memory_space<vmem>>) target_semaphore(%arg21 : memref<!tpu.dma_semaphore, #tpu.memory_space<semaphore_mem>>)
        %add3A_43 = arith.constant 768 : i32
        %add3A_44 = arith.addi %add3A, %add3A_43 : i32
        %dma_start3A_45 = tpu.memref_slice %arg5[%add3A_44] : memref<786432xi32, #tpu.memory_space<hbm>> -> memref<384xi32, #tpu.memory_space<hbm>>
        %dma_start3A_46 = tpu.memref_slice %arg5[%add3A_44] : memref<786432xi32, #tpu.memory_space<hbm>> -> memref<384xi32, #tpu.memory_space<hbm>>
        tpu.enqueue_dma source(%dma_start3A_46 : memref<384xi32, #tpu.memory_space<hbm>>) target(%arg15 : memref<384xi32, #tpu.memory_space<vmem>>) target_semaphore(%arg21 : memref<!tpu.dma_semaphore, #tpu.memory_space<semaphore_mem>>)
        %add3A_47 = arith.constant 1152 : i32
        %add3A_48 = arith.addi %add3A, %add3A_47 : i32
        %dma_start3A_49 = tpu.memref_slice %arg4[%add3A_48] : memref<786432xi32, #tpu.memory_space<hbm>> -> memref<384xi32, #tpu.memory_space<hbm>>
        %dma_start3A_50 = tpu.memref_slice %arg4[%add3A_48] : memref<786432xi32, #tpu.memory_space<hbm>> -> memref<384xi32, #tpu.memory_space<hbm>>
        tpu.enqueue_dma source(%dma_start3A_50 : memref<384xi32, #tpu.memory_space<hbm>>) target(%arg12 : memref<384xi32, #tpu.memory_space<vmem>>) target_semaphore(%arg22 : memref<!tpu.dma_semaphore, #tpu.memory_space<semaphore_mem>>)
        %add3A_51 = arith.constant 1152 : i32
        %add3A_52 = arith.addi %add3A, %add3A_51 : i32
        %dma_start3A_53 = tpu.memref_slice %arg5[%add3A_52] : memref<786432xi32, #tpu.memory_space<hbm>> -> memref<384xi32, #tpu.memory_space<hbm>>
        %dma_start3A_54 = tpu.memref_slice %arg5[%add3A_52] : memref<786432xi32, #tpu.memory_space<hbm>> -> memref<384xi32, #tpu.memory_space<hbm>>
        tpu.enqueue_dma source(%dma_start3A_54 : memref<384xi32, #tpu.memory_space<hbm>>) target(%arg16 : memref<384xi32, #tpu.memory_space<vmem>>) target_semaphore(%arg22 : memref<!tpu.dma_semaphore, #tpu.memory_space<semaphore_mem>>)
        %dma_wait3A = tpu.memref_slice %arg4[%add3A_25] : memref<786432xi32, #tpu.memory_space<hbm>> -> memref<384xi32, #tpu.memory_space<hbm>>
        %dma_wait3A_55 = tpu.memref_slice %arg4[%add3A_25] : memref<786432xi32, #tpu.memory_space<hbm>> -> memref<384xi32, #tpu.memory_space<hbm>>
        tpu.wait_dma2 semaphore(%arg19 : memref<!tpu.dma_semaphore, #tpu.memory_space<semaphore_mem>>) src(%dma_wait3A_55 : memref<384xi32, #tpu.memory_space<hbm>>) dst(%arg9 : memref<384xi32, #tpu.memory_space<vmem>>)
        %dma_wait3A_56 = tpu.memref_slice %arg5[%add3A_28] : memref<786432xi32, #tpu.memory_space<hbm>> -> memref<384xi32, #tpu.memory_space<hbm>>
        %dma_wait3A_57 = tpu.memref_slice %arg5[%add3A_28] : memref<786432xi32, #tpu.memory_space<hbm>> -> memref<384xi32, #tpu.memory_space<hbm>>
        tpu.wait_dma2 semaphore(%arg19 : memref<!tpu.dma_semaphore, #tpu.memory_space<semaphore_mem>>) src(%dma_wait3A_57 : memref<384xi32, #tpu.memory_space<hbm>>) dst(%arg13 : memref<384xi32, #tpu.memory_space<vmem>>)
        %dma_start3A_58 = arith.constant 0 : i32
        %dma_start3A_59 = arith.constant 0 : i32
        %dma_start3A_60 = tpu.memref_slice %arg2[%dma_start3A_58, %dma_start3A_59] : memref<49152x32xf32, #tpu.memory_space<hbm>> -> memref<49152x32xf32, #tpu.memory_space<hbm>>
        tpu.enqueue_indirect_dma source(%dma_start3A_60 : memref<49152x32xf32, #tpu.memory_space<hbm>>) target(%arg17 : memref<384x32xf32, #tpu.memory_space<vmem>>) offsets(%arg9 : memref<384xi32, #tpu.memory_space<vmem>>) semaphore(%arg23 : memref<!tpu.dma_semaphore, #tpu.memory_space<semaphore_mem>>)
        %dma_wait3A_61 = tpu.memref_slice %arg4[%add3A_32] : memref<786432xi32, #tpu.memory_space<hbm>> -> memref<384xi32, #tpu.memory_space<hbm>>
        %dma_wait3A_62 = tpu.memref_slice %arg4[%add3A_32] : memref<786432xi32, #tpu.memory_space<hbm>> -> memref<384xi32, #tpu.memory_space<hbm>>
        tpu.wait_dma2 semaphore(%arg20 : memref<!tpu.dma_semaphore, #tpu.memory_space<semaphore_mem>>) src(%dma_wait3A_62 : memref<384xi32, #tpu.memory_space<hbm>>) dst(%arg10 : memref<384xi32, #tpu.memory_space<vmem>>)
        %dma_wait3A_63 = tpu.memref_slice %arg5[%add3A_36] : memref<786432xi32, #tpu.memory_space<hbm>> -> memref<384xi32, #tpu.memory_space<hbm>>
        %dma_wait3A_64 = tpu.memref_slice %arg5[%add3A_36] : memref<786432xi32, #tpu.memory_space<hbm>> -> memref<384xi32, #tpu.memory_space<hbm>>
        tpu.wait_dma2 semaphore(%arg20 : memref<!tpu.dma_semaphore, #tpu.memory_space<semaphore_mem>>) src(%dma_wait3A_64 : memref<384xi32, #tpu.memory_space<hbm>>) dst(%arg14 : memref<384xi32, #tpu.memory_space<vmem>>)
        %dma_start3A_65 = arith.constant 0 : i32
        %dma_start3A_66 = arith.constant 0 : i32
        %dma_start3A_67 = tpu.memref_slice %arg2[%dma_start3A_65, %dma_start3A_66] : memref<49152x32xf32, #tpu.memory_space<hbm>> -> memref<49152x32xf32, #tpu.memory_space<hbm>>
        tpu.enqueue_indirect_dma source(%dma_start3A_67 : memref<49152x32xf32, #tpu.memory_space<hbm>>) target(%arg18 : memref<384x32xf32, #tpu.memory_space<vmem>>) offsets(%arg10 : memref<384xi32, #tpu.memory_space<vmem>>) semaphore(%arg24 : memref<!tpu.dma_semaphore, #tpu.memory_space<semaphore_mem>>)
        %dma_wait3A_68 = arith.constant 0 : i32
        %dma_wait3A_69 = arith.constant 0 : i32
        %dma_wait3A_70 = tpu.memref_slice %arg2[%dma_wait3A_68, %dma_wait3A_69] : memref<49152x32xf32, #tpu.memory_space<hbm>> -> memref<49152x32xf32, #tpu.memory_space<hbm>>
        tpu.wait_indirect_dma semaphore(%arg23 : memref<!tpu.dma_semaphore, #tpu.memory_space<semaphore_mem>>) src(%dma_wait3A_70 : memref<49152x32xf32, #tpu.memory_space<hbm>>) dst(%arg17 : memref<384x32xf32, #tpu.memory_space<vmem>>)
        %dma_start3A_71 = arith.constant 0 : i32
        %dma_start3A_72 = arith.constant 0 : i32
        %dma_start3A_73 = tpu.memref_slice %arg8[%dma_start3A_71, %dma_start3A_72] : memref<49152x32xf32, #tpu.memory_space<vmem_shared>> -> memref<49152x32xf32, #tpu.memory_space<vmem_shared>>
        tpu.enqueue_indirect_dma source(%arg17 : memref<384x32xf32, #tpu.memory_space<vmem>>) target(%dma_start3A_73 : memref<49152x32xf32, #tpu.memory_space<vmem_shared>>) offsets(%arg13 : memref<384xi32, #tpu.memory_space<vmem>>) semaphore(%arg25 : memref<!tpu.dma_semaphore, #tpu.memory_space<semaphore_mem>>) {add = true}
        %dma_wait3A_74 = arith.constant 0 : i32
        %dma_wait3A_75 = arith.constant 0 : i32
        %dma_wait3A_76 = tpu.memref_slice %arg2[%dma_wait3A_74, %dma_wait3A_75] : memref<49152x32xf32, #tpu.memory_space<hbm>> -> memref<49152x32xf32, #tpu.memory_space<hbm>>
        tpu.wait_indirect_dma semaphore(%arg24 : memref<!tpu.dma_semaphore, #tpu.memory_space<semaphore_mem>>) src(%dma_wait3A_76 : memref<49152x32xf32, #tpu.memory_space<hbm>>) dst(%arg18 : memref<384x32xf32, #tpu.memory_space<vmem>>)
        %dma_start3A_77 = arith.constant 0 : i32
        %dma_start3A_78 = arith.constant 0 : i32
        %dma_start3A_79 = tpu.memref_slice %arg8[%dma_start3A_77, %dma_start3A_78] : memref<49152x32xf32, #tpu.memory_space<vmem_shared>> -> memref<49152x32xf32, #tpu.memory_space<vmem_shared>>
        tpu.enqueue_indirect_dma source(%arg18 : memref<384x32xf32, #tpu.memory_space<vmem>>) target(%dma_start3A_79 : memref<49152x32xf32, #tpu.memory_space<vmem_shared>>) offsets(%arg14 : memref<384xi32, #tpu.memory_space<vmem>>) semaphore(%arg26 : memref<!tpu.dma_semaphore, #tpu.memory_space<semaphore_mem>>) {add = true}
        %dma_wait3A_80 = tpu.memref_slice %arg4[%add3A_40] : memref<786432xi32, #tpu.memory_space<hbm>> -> memref<384xi32, #tpu.memory_space<hbm>>
        %dma_wait3A_81 = tpu.memref_slice %arg4[%add3A_40] : memref<786432xi32, #tpu.memory_space<hbm>> -> memref<384xi32, #tpu.memory_space<hbm>>
        tpu.wait_dma2 semaphore(%arg21 : memref<!tpu.dma_semaphore, #tpu.memory_space<semaphore_mem>>) src(%dma_wait3A_81 : memref<384xi32, #tpu.memory_space<hbm>>) dst(%arg11 : memref<384xi32, #tpu.memory_space<vmem>>)
        %dma_wait3A_82 = tpu.memref_slice %arg5[%add3A_44] : memref<786432xi32, #tpu.memory_space<hbm>> -> memref<384xi32, #tpu.memory_space<hbm>>
        %dma_wait3A_83 = tpu.memref_slice %arg5[%add3A_44] : memref<786432xi32, #tpu.memory_space<hbm>> -> memref<384xi32, #tpu.memory_space<hbm>>
        tpu.wait_dma2 semaphore(%arg21 : memref<!tpu.dma_semaphore, #tpu.memory_space<semaphore_mem>>) src(%dma_wait3A_83 : memref<384xi32, #tpu.memory_space<hbm>>) dst(%arg15 : memref<384xi32, #tpu.memory_space<vmem>>)
        %dma_wait3A_84 = arith.constant 0 : i32
        %dma_wait3A_85 = arith.constant 0 : i32
        %dma_wait3A_86 = tpu.memref_slice %arg8[%dma_wait3A_84, %dma_wait3A_85] : memref<49152x32xf32, #tpu.memory_space<vmem_shared>> -> memref<49152x32xf32, #tpu.memory_space<vmem_shared>>
        tpu.wait_indirect_dma semaphore(%arg25 : memref<!tpu.dma_semaphore, #tpu.memory_space<semaphore_mem>>) src(%arg17 : memref<384x32xf32, #tpu.memory_space<vmem>>) dst(%dma_wait3A_86 : memref<49152x32xf32, #tpu.memory_space<vmem_shared>>)
        %dma_start3A_87 = arith.constant 0 : i32
        %dma_start3A_88 = arith.constant 0 : i32
        %dma_start3A_89 = tpu.memref_slice %arg2[%dma_start3A_87, %dma_start3A_88] : memref<49152x32xf32, #tpu.memory_space<hbm>> -> memref<49152x32xf32, #tpu.memory_space<hbm>>
        tpu.enqueue_indirect_dma source(%dma_start3A_89 : memref<49152x32xf32, #tpu.memory_space<hbm>>) target(%arg17 : memref<384x32xf32, #tpu.memory_space<vmem>>) offsets(%arg11 : memref<384xi32, #tpu.memory_space<vmem>>) semaphore(%arg23 : memref<!tpu.dma_semaphore, #tpu.memory_space<semaphore_mem>>)
        %dma_wait3A_90 = tpu.memref_slice %arg4[%add3A_48] : memref<786432xi32, #tpu.memory_space<hbm>> -> memref<384xi32, #tpu.memory_space<hbm>>
        %dma_wait3A_91 = tpu.memref_slice %arg4[%add3A_48] : memref<786432xi32, #tpu.memory_space<hbm>> -> memref<384xi32, #tpu.memory_space<hbm>>
        tpu.wait_dma2 semaphore(%arg22 : memref<!tpu.dma_semaphore, #tpu.memory_space<semaphore_mem>>) src(%dma_wait3A_91 : memref<384xi32, #tpu.memory_space<hbm>>) dst(%arg12 : memref<384xi32, #tpu.memory_space<vmem>>)
        %dma_wait3A_92 = tpu.memref_slice %arg5[%add3A_52] : memref<786432xi32, #tpu.memory_space<hbm>> -> memref<384xi32, #tpu.memory_space<hbm>>
        %dma_wait3A_93 = tpu.memref_slice %arg5[%add3A_52] : memref<786432xi32, #tpu.memory_space<hbm>> -> memref<384xi32, #tpu.memory_space<hbm>>
        tpu.wait_dma2 semaphore(%arg22 : memref<!tpu.dma_semaphore, #tpu.memory_space<semaphore_mem>>) src(%dma_wait3A_93 : memref<384xi32, #tpu.memory_space<hbm>>) dst(%arg16 : memref<384xi32, #tpu.memory_space<vmem>>)
        %dma_wait3A_94 = arith.constant 0 : i32
        %dma_wait3A_95 = arith.constant 0 : i32
        %dma_wait3A_96 = tpu.memref_slice %arg8[%dma_wait3A_94, %dma_wait3A_95] : memref<49152x32xf32, #tpu.memory_space<vmem_shared>> -> memref<49152x32xf32, #tpu.memory_space<vmem_shared>>
        tpu.wait_indirect_dma semaphore(%arg26 : memref<!tpu.dma_semaphore, #tpu.memory_space<semaphore_mem>>) src(%arg18 : memref<384x32xf32, #tpu.memory_space<vmem>>) dst(%dma_wait3A_96 : memref<49152x32xf32, #tpu.memory_space<vmem_shared>>)
        %dma_start3A_97 = arith.constant 0 : i32
        %dma_start3A_98 = arith.constant 0 : i32
        %dma_start3A_99 = tpu.memref_slice %arg2[%dma_start3A_97, %dma_start3A_98] : memref<49152x32xf32, #tpu.memory_space<hbm>> -> memref<49152x32xf32, #tpu.memory_space<hbm>>
        tpu.enqueue_indirect_dma source(%dma_start3A_99 : memref<49152x32xf32, #tpu.memory_space<hbm>>) target(%arg18 : memref<384x32xf32, #tpu.memory_space<vmem>>) offsets(%arg12 : memref<384xi32, #tpu.memory_space<vmem>>) semaphore(%arg24 : memref<!tpu.dma_semaphore, #tpu.memory_space<semaphore_mem>>)
        %dma_wait3A_100 = arith.constant 0 : i32
        %dma_wait3A_101 = arith.constant 0 : i32
        %dma_wait3A_102 = tpu.memref_slice %arg2[%dma_wait3A_100, %dma_wait3A_101] : memref<49152x32xf32, #tpu.memory_space<hbm>> -> memref<49152x32xf32, #tpu.memory_space<hbm>>
        tpu.wait_indirect_dma semaphore(%arg23 : memref<!tpu.dma_semaphore, #tpu.memory_space<semaphore_mem>>) src(%dma_wait3A_102 : memref<49152x32xf32, #tpu.memory_space<hbm>>) dst(%arg17 : memref<384x32xf32, #tpu.memory_space<vmem>>)
        %dma_start3A_103 = arith.constant 0 : i32
        %dma_start3A_104 = arith.constant 0 : i32
        %dma_start3A_105 = tpu.memref_slice %arg8[%dma_start3A_103, %dma_start3A_104] : memref<49152x32xf32, #tpu.memory_space<vmem_shared>> -> memref<49152x32xf32, #tpu.memory_space<vmem_shared>>
        tpu.enqueue_indirect_dma source(%arg17 : memref<384x32xf32, #tpu.memory_space<vmem>>) target(%dma_start3A_105 : memref<49152x32xf32, #tpu.memory_space<vmem_shared>>) offsets(%arg15 : memref<384xi32, #tpu.memory_space<vmem>>) semaphore(%arg25 : memref<!tpu.dma_semaphore, #tpu.memory_space<semaphore_mem>>) {add = true}
        %dma_wait3A_106 = arith.constant 0 : i32
        %dma_wait3A_107 = arith.constant 0 : i32
        %dma_wait3A_108 = tpu.memref_slice %arg2[%dma_wait3A_106, %dma_wait3A_107] : memref<49152x32xf32, #tpu.memory_space<hbm>> -> memref<49152x32xf32, #tpu.memory_space<hbm>>
        tpu.wait_indirect_dma semaphore(%arg24 : memref<!tpu.dma_semaphore, #tpu.memory_space<semaphore_mem>>) src(%dma_wait3A_108 : memref<49152x32xf32, #tpu.memory_space<hbm>>) dst(%arg18 : memref<384x32xf32, #tpu.memory_space<vmem>>)
        %dma_start3A_109 = arith.constant 0 : i32
        %dma_start3A_110 = arith.constant 0 : i32
        %dma_start3A_111 = tpu.memref_slice %arg8[%dma_start3A_109, %dma_start3A_110] : memref<49152x32xf32, #tpu.memory_space<vmem_shared>> -> memref<49152x32xf32, #tpu.memory_space<vmem_shared>>
        tpu.enqueue_indirect_dma source(%arg18 : memref<384x32xf32, #tpu.memory_space<vmem>>) target(%dma_start3A_111 : memref<49152x32xf32, #tpu.memory_space<vmem_shared>>) offsets(%arg16 : memref<384xi32, #tpu.memory_space<vmem>>) semaphore(%arg26 : memref<!tpu.dma_semaphore, #tpu.memory_space<semaphore_mem>>) {add = true}
        %dma_wait3A_112 = arith.constant 0 : i32
        %dma_wait3A_113 = arith.constant 0 : i32
        %dma_wait3A_114 = tpu.memref_slice %arg8[%dma_wait3A_112, %dma_wait3A_113] : memref<49152x32xf32, #tpu.memory_space<vmem_shared>> -> memref<49152x32xf32, #tpu.memory_space<vmem_shared>>
        tpu.wait_indirect_dma semaphore(%arg25 : memref<!tpu.dma_semaphore, #tpu.memory_space<semaphore_mem>>) src(%arg17 : memref<384x32xf32, #tpu.memory_space<vmem>>) dst(%dma_wait3A_114 : memref<49152x32xf32, #tpu.memory_space<vmem_shared>>)
        %dma_wait3A_115 = arith.constant 0 : i32
        %dma_wait3A_116 = arith.constant 0 : i32
        %dma_wait3A_117 = tpu.memref_slice %arg8[%dma_wait3A_115, %dma_wait3A_116] : memref<49152x32xf32, #tpu.memory_space<vmem_shared>> -> memref<49152x32xf32, #tpu.memory_space<vmem_shared>>
        tpu.wait_indirect_dma semaphore(%arg26 : memref<!tpu.dma_semaphore, #tpu.memory_space<semaphore_mem>>) src(%arg18 : memref<384x32xf32, #tpu.memory_space<vmem>>) dst(%dma_wait3A_117 : memref<49152x32xf32, #tpu.memory_space<vmem_shared>>)
      }
      %scan3A_18 = arith.constant 32 : i32
    } else {
    }
    %eq3A_3 = arith.constant 1 : i32
    %eq3A_4 = arith.cmpi eq, %arg0, %eq3A_3 : i32
    %convert_element_type3A_5 = arith.extui %eq3A_4 : i1 to i32
    %cond3A_6 = arith.constant 0 : i32
    %cond3A_7 = arith.cmpi ne, %convert_element_type3A_5, %cond3A_6 : i32
    scf.if %cond3A_7 {
      %mul3A_13 = arith.constant 49152 : i32
      %mul3A_14 = arith.muli %arg1, %mul3A_13 : i32
      %scan3A = arith.constant 0 : i32
      %scan3A_15 = arith.constant 32 : i32
      %scan3A_16 = arith.addi %scan3A, %scan3A_15 : i32
      %scan3A_17 = arith.constant 1 : i32
      scf.for %scan3A_19 = %scan3A to %scan3A_16 step %scan3A_17  : i32 {
        %mul3A_20 = arith.constant 4 : i32
        %mul3A_21 = arith.muli %mul3A_20, %scan3A_19 : i32
        %mul3A_22 = arith.constant 384 : i32
        %mul3A_23 = arith.muli %mul3A_21, %mul3A_22 : i32
        %add3A = arith.addi %mul3A_14, %mul3A_23 : i32
        %add3A_24 = arith.constant 0 : i32
        %add3A_25 = arith.addi %add3A, %add3A_24 : i32
        %dma_start3A = tpu.memref_slice %arg4[%add3A_25] : memref<786432xi32, #tpu.memory_space<hbm>> -> memref<384xi32, #tpu.memory_space<hbm>>
        %dma_start3A_26 = tpu.memref_slice %arg4[%add3A_25] : memref<786432xi32, #tpu.memory_space<hbm>> -> memref<384xi32, #tpu.memory_space<hbm>>
        tpu.enqueue_dma source(%dma_start3A_26 : memref<384xi32, #tpu.memory_space<hbm>>) target(%arg9 : memref<384xi32, #tpu.memory_space<vmem>>) target_semaphore(%arg19 : memref<!tpu.dma_semaphore, #tpu.memory_space<semaphore_mem>>)
        %add3A_27 = arith.constant 0 : i32
        %add3A_28 = arith.addi %add3A, %add3A_27 : i32
        %dma_start3A_29 = tpu.memref_slice %arg5[%add3A_28] : memref<786432xi32, #tpu.memory_space<hbm>> -> memref<384xi32, #tpu.memory_space<hbm>>
        %dma_start3A_30 = tpu.memref_slice %arg5[%add3A_28] : memref<786432xi32, #tpu.memory_space<hbm>> -> memref<384xi32, #tpu.memory_space<hbm>>
        tpu.enqueue_dma source(%dma_start3A_30 : memref<384xi32, #tpu.memory_space<hbm>>) target(%arg13 : memref<384xi32, #tpu.memory_space<vmem>>) target_semaphore(%arg19 : memref<!tpu.dma_semaphore, #tpu.memory_space<semaphore_mem>>)
        %add3A_31 = arith.constant 384 : i32
        %add3A_32 = arith.addi %add3A, %add3A_31 : i32
        %dma_start3A_33 = tpu.memref_slice %arg4[%add3A_32] : memref<786432xi32, #tpu.memory_space<hbm>> -> memref<384xi32, #tpu.memory_space<hbm>>
        %dma_start3A_34 = tpu.memref_slice %arg4[%add3A_32] : memref<786432xi32, #tpu.memory_space<hbm>> -> memref<384xi32, #tpu.memory_space<hbm>>
        tpu.enqueue_dma source(%dma_start3A_34 : memref<384xi32, #tpu.memory_space<hbm>>) target(%arg10 : memref<384xi32, #tpu.memory_space<vmem>>) target_semaphore(%arg20 : memref<!tpu.dma_semaphore, #tpu.memory_space<semaphore_mem>>)
        %add3A_35 = arith.constant 384 : i32
        %add3A_36 = arith.addi %add3A, %add3A_35 : i32
        %dma_start3A_37 = tpu.memref_slice %arg5[%add3A_36] : memref<786432xi32, #tpu.memory_space<hbm>> -> memref<384xi32, #tpu.memory_space<hbm>>
        %dma_start3A_38 = tpu.memref_slice %arg5[%add3A_36] : memref<786432xi32, #tpu.memory_space<hbm>> -> memref<384xi32, #tpu.memory_space<hbm>>
        tpu.enqueue_dma source(%dma_start3A_38 : memref<384xi32, #tpu.memory_space<hbm>>) target(%arg14 : memref<384xi32, #tpu.memory_space<vmem>>) target_semaphore(%arg20 : memref<!tpu.dma_semaphore, #tpu.memory_space<semaphore_mem>>)
        %add3A_39 = arith.constant 768 : i32
        %add3A_40 = arith.addi %add3A, %add3A_39 : i32
        %dma_start3A_41 = tpu.memref_slice %arg4[%add3A_40] : memref<786432xi32, #tpu.memory_space<hbm>> -> memref<384xi32, #tpu.memory_space<hbm>>
        %dma_start3A_42 = tpu.memref_slice %arg4[%add3A_40] : memref<786432xi32, #tpu.memory_space<hbm>> -> memref<384xi32, #tpu.memory_space<hbm>>
        tpu.enqueue_dma source(%dma_start3A_42 : memref<384xi32, #tpu.memory_space<hbm>>) target(%arg11 : memref<384xi32, #tpu.memory_space<vmem>>) target_semaphore(%arg21 : memref<!tpu.dma_semaphore, #tpu.memory_space<semaphore_mem>>)
        %add3A_43 = arith.constant 768 : i32
        %add3A_44 = arith.addi %add3A, %add3A_43 : i32
        %dma_start3A_45 = tpu.memref_slice %arg5[%add3A_44] : memref<786432xi32, #tpu.memory_space<hbm>> -> memref<384xi32, #tpu.memory_space<hbm>>
        %dma_start3A_46 = tpu.memref_slice %arg5[%add3A_44] : memref<786432xi32, #tpu.memory_space<hbm>> -> memref<384xi32, #tpu.memory_space<hbm>>
        tpu.enqueue_dma source(%dma_start3A_46 : memref<384xi32, #tpu.memory_space<hbm>>) target(%arg15 : memref<384xi32, #tpu.memory_space<vmem>>) target_semaphore(%arg21 : memref<!tpu.dma_semaphore, #tpu.memory_space<semaphore_mem>>)
        %add3A_47 = arith.constant 1152 : i32
        %add3A_48 = arith.addi %add3A, %add3A_47 : i32
        %dma_start3A_49 = tpu.memref_slice %arg4[%add3A_48] : memref<786432xi32, #tpu.memory_space<hbm>> -> memref<384xi32, #tpu.memory_space<hbm>>
        %dma_start3A_50 = tpu.memref_slice %arg4[%add3A_48] : memref<786432xi32, #tpu.memory_space<hbm>> -> memref<384xi32, #tpu.memory_space<hbm>>
        tpu.enqueue_dma source(%dma_start3A_50 : memref<384xi32, #tpu.memory_space<hbm>>) target(%arg12 : memref<384xi32, #tpu.memory_space<vmem>>) target_semaphore(%arg22 : memref<!tpu.dma_semaphore, #tpu.memory_space<semaphore_mem>>)
        %add3A_51 = arith.constant 1152 : i32
        %add3A_52 = arith.addi %add3A, %add3A_51 : i32
        %dma_start3A_53 = tpu.memref_slice %arg5[%add3A_52] : memref<786432xi32, #tpu.memory_space<hbm>> -> memref<384xi32, #tpu.memory_space<hbm>>
        %dma_start3A_54 = tpu.memref_slice %arg5[%add3A_52] : memref<786432xi32, #tpu.memory_space<hbm>> -> memref<384xi32, #tpu.memory_space<hbm>>
        tpu.enqueue_dma source(%dma_start3A_54 : memref<384xi32, #tpu.memory_space<hbm>>) target(%arg16 : memref<384xi32, #tpu.memory_space<vmem>>) target_semaphore(%arg22 : memref<!tpu.dma_semaphore, #tpu.memory_space<semaphore_mem>>)
        %dma_wait3A = tpu.memref_slice %arg4[%add3A_25] : memref<786432xi32, #tpu.memory_space<hbm>> -> memref<384xi32, #tpu.memory_space<hbm>>
        %dma_wait3A_55 = tpu.memref_slice %arg4[%add3A_25] : memref<786432xi32, #tpu.memory_space<hbm>> -> memref<384xi32, #tpu.memory_space<hbm>>
        tpu.wait_dma2 semaphore(%arg19 : memref<!tpu.dma_semaphore, #tpu.memory_space<semaphore_mem>>) src(%dma_wait3A_55 : memref<384xi32, #tpu.memory_space<hbm>>) dst(%arg9 : memref<384xi32, #tpu.memory_space<vmem>>)
        %dma_wait3A_56 = tpu.memref_slice %arg5[%add3A_28] : memref<786432xi32, #tpu.memory_space<hbm>> -> memref<384xi32, #tpu.memory_space<hbm>>
        %dma_wait3A_57 = tpu.memref_slice %arg5[%add3A_28] : memref<786432xi32, #tpu.memory_space<hbm>> -> memref<384xi32, #tpu.memory_space<hbm>>
        tpu.wait_dma2 semaphore(%arg19 : memref<!tpu.dma_semaphore, #tpu.memory_space<semaphore_mem>>) src(%dma_wait3A_57 : memref<384xi32, #tpu.memory_space<hbm>>) dst(%arg13 : memref<384xi32, #tpu.memory_space<vmem>>)
        %dma_start3A_58 = arith.constant 0 : i32
        %dma_start3A_59 = arith.constant 0 : i32
        %dma_start3A_60 = tpu.memref_slice %arg3[%dma_start3A_58, %dma_start3A_59] : memref<49152x32xf32, #tpu.memory_space<hbm>> -> memref<49152x32xf32, #tpu.memory_space<hbm>>
        tpu.enqueue_indirect_dma source(%dma_start3A_60 : memref<49152x32xf32, #tpu.memory_space<hbm>>) target(%arg17 : memref<384x32xf32, #tpu.memory_space<vmem>>) offsets(%arg9 : memref<384xi32, #tpu.memory_space<vmem>>) semaphore(%arg23 : memref<!tpu.dma_semaphore, #tpu.memory_space<semaphore_mem>>)
        %dma_wait3A_61 = tpu.memref_slice %arg4[%add3A_32] : memref<786432xi32, #tpu.memory_space<hbm>> -> memref<384xi32, #tpu.memory_space<hbm>>
        %dma_wait3A_62 = tpu.memref_slice %arg4[%add3A_32] : memref<786432xi32, #tpu.memory_space<hbm>> -> memref<384xi32, #tpu.memory_space<hbm>>
        tpu.wait_dma2 semaphore(%arg20 : memref<!tpu.dma_semaphore, #tpu.memory_space<semaphore_mem>>) src(%dma_wait3A_62 : memref<384xi32, #tpu.memory_space<hbm>>) dst(%arg10 : memref<384xi32, #tpu.memory_space<vmem>>)
        %dma_wait3A_63 = tpu.memref_slice %arg5[%add3A_36] : memref<786432xi32, #tpu.memory_space<hbm>> -> memref<384xi32, #tpu.memory_space<hbm>>
        %dma_wait3A_64 = tpu.memref_slice %arg5[%add3A_36] : memref<786432xi32, #tpu.memory_space<hbm>> -> memref<384xi32, #tpu.memory_space<hbm>>
        tpu.wait_dma2 semaphore(%arg20 : memref<!tpu.dma_semaphore, #tpu.memory_space<semaphore_mem>>) src(%dma_wait3A_64 : memref<384xi32, #tpu.memory_space<hbm>>) dst(%arg14 : memref<384xi32, #tpu.memory_space<vmem>>)
        %dma_start3A_65 = arith.constant 0 : i32
        %dma_start3A_66 = arith.constant 0 : i32
        %dma_start3A_67 = tpu.memref_slice %arg3[%dma_start3A_65, %dma_start3A_66] : memref<49152x32xf32, #tpu.memory_space<hbm>> -> memref<49152x32xf32, #tpu.memory_space<hbm>>
        tpu.enqueue_indirect_dma source(%dma_start3A_67 : memref<49152x32xf32, #tpu.memory_space<hbm>>) target(%arg18 : memref<384x32xf32, #tpu.memory_space<vmem>>) offsets(%arg10 : memref<384xi32, #tpu.memory_space<vmem>>) semaphore(%arg24 : memref<!tpu.dma_semaphore, #tpu.memory_space<semaphore_mem>>)
        %dma_wait3A_68 = arith.constant 0 : i32
        %dma_wait3A_69 = arith.constant 0 : i32
        %dma_wait3A_70 = tpu.memref_slice %arg3[%dma_wait3A_68, %dma_wait3A_69] : memref<49152x32xf32, #tpu.memory_space<hbm>> -> memref<49152x32xf32, #tpu.memory_space<hbm>>
        tpu.wait_indirect_dma semaphore(%arg23 : memref<!tpu.dma_semaphore, #tpu.memory_space<semaphore_mem>>) src(%dma_wait3A_70 : memref<49152x32xf32, #tpu.memory_space<hbm>>) dst(%arg17 : memref<384x32xf32, #tpu.memory_space<vmem>>)
        %dma_start3A_71 = arith.constant 0 : i32
        %dma_start3A_72 = arith.constant 0 : i32
        %dma_start3A_73 = tpu.memref_slice %arg8[%dma_start3A_71, %dma_start3A_72] : memref<49152x32xf32, #tpu.memory_space<vmem_shared>> -> memref<49152x32xf32, #tpu.memory_space<vmem_shared>>
        tpu.enqueue_indirect_dma source(%arg17 : memref<384x32xf32, #tpu.memory_space<vmem>>) target(%dma_start3A_73 : memref<49152x32xf32, #tpu.memory_space<vmem_shared>>) offsets(%arg13 : memref<384xi32, #tpu.memory_space<vmem>>) semaphore(%arg25 : memref<!tpu.dma_semaphore, #tpu.memory_space<semaphore_mem>>) {add = true}
        %dma_wait3A_74 = arith.constant 0 : i32
        %dma_wait3A_75 = arith.constant 0 : i32
        %dma_wait3A_76 = tpu.memref_slice %arg3[%dma_wait3A_74, %dma_wait3A_75] : memref<49152x32xf32, #tpu.memory_space<hbm>> -> memref<49152x32xf32, #tpu.memory_space<hbm>>
        tpu.wait_indirect_dma semaphore(%arg24 : memref<!tpu.dma_semaphore, #tpu.memory_space<semaphore_mem>>) src(%dma_wait3A_76 : memref<49152x32xf32, #tpu.memory_space<hbm>>) dst(%arg18 : memref<384x32xf32, #tpu.memory_space<vmem>>)
        %dma_start3A_77 = arith.constant 0 : i32
        %dma_start3A_78 = arith.constant 0 : i32
        %dma_start3A_79 = tpu.memref_slice %arg8[%dma_start3A_77, %dma_start3A_78] : memref<49152x32xf32, #tpu.memory_space<vmem_shared>> -> memref<49152x32xf32, #tpu.memory_space<vmem_shared>>
        tpu.enqueue_indirect_dma source(%arg18 : memref<384x32xf32, #tpu.memory_space<vmem>>) target(%dma_start3A_79 : memref<49152x32xf32, #tpu.memory_space<vmem_shared>>) offsets(%arg14 : memref<384xi32, #tpu.memory_space<vmem>>) semaphore(%arg26 : memref<!tpu.dma_semaphore, #tpu.memory_space<semaphore_mem>>) {add = true}
        %dma_wait3A_80 = tpu.memref_slice %arg4[%add3A_40] : memref<786432xi32, #tpu.memory_space<hbm>> -> memref<384xi32, #tpu.memory_space<hbm>>
        %dma_wait3A_81 = tpu.memref_slice %arg4[%add3A_40] : memref<786432xi32, #tpu.memory_space<hbm>> -> memref<384xi32, #tpu.memory_space<hbm>>
        tpu.wait_dma2 semaphore(%arg21 : memref<!tpu.dma_semaphore, #tpu.memory_space<semaphore_mem>>) src(%dma_wait3A_81 : memref<384xi32, #tpu.memory_space<hbm>>) dst(%arg11 : memref<384xi32, #tpu.memory_space<vmem>>)
        %dma_wait3A_82 = tpu.memref_slice %arg5[%add3A_44] : memref<786432xi32, #tpu.memory_space<hbm>> -> memref<384xi32, #tpu.memory_space<hbm>>
        %dma_wait3A_83 = tpu.memref_slice %arg5[%add3A_44] : memref<786432xi32, #tpu.memory_space<hbm>> -> memref<384xi32, #tpu.memory_space<hbm>>
        tpu.wait_dma2 semaphore(%arg21 : memref<!tpu.dma_semaphore, #tpu.memory_space<semaphore_mem>>) src(%dma_wait3A_83 : memref<384xi32, #tpu.memory_space<hbm>>) dst(%arg15 : memref<384xi32, #tpu.memory_space<vmem>>)
        %dma_wait3A_84 = arith.constant 0 : i32
        %dma_wait3A_85 = arith.constant 0 : i32
        %dma_wait3A_86 = tpu.memref_slice %arg8[%dma_wait3A_84, %dma_wait3A_85] : memref<49152x32xf32, #tpu.memory_space<vmem_shared>> -> memref<49152x32xf32, #tpu.memory_space<vmem_shared>>
        tpu.wait_indirect_dma semaphore(%arg25 : memref<!tpu.dma_semaphore, #tpu.memory_space<semaphore_mem>>) src(%arg17 : memref<384x32xf32, #tpu.memory_space<vmem>>) dst(%dma_wait3A_86 : memref<49152x32xf32, #tpu.memory_space<vmem_shared>>)
        %dma_start3A_87 = arith.constant 0 : i32
        %dma_start3A_88 = arith.constant 0 : i32
        %dma_start3A_89 = tpu.memref_slice %arg3[%dma_start3A_87, %dma_start3A_88] : memref<49152x32xf32, #tpu.memory_space<hbm>> -> memref<49152x32xf32, #tpu.memory_space<hbm>>
        tpu.enqueue_indirect_dma source(%dma_start3A_89 : memref<49152x32xf32, #tpu.memory_space<hbm>>) target(%arg17 : memref<384x32xf32, #tpu.memory_space<vmem>>) offsets(%arg11 : memref<384xi32, #tpu.memory_space<vmem>>) semaphore(%arg23 : memref<!tpu.dma_semaphore, #tpu.memory_space<semaphore_mem>>)
        %dma_wait3A_90 = tpu.memref_slice %arg4[%add3A_48] : memref<786432xi32, #tpu.memory_space<hbm>> -> memref<384xi32, #tpu.memory_space<hbm>>
        %dma_wait3A_91 = tpu.memref_slice %arg4[%add3A_48] : memref<786432xi32, #tpu.memory_space<hbm>> -> memref<384xi32, #tpu.memory_space<hbm>>
        tpu.wait_dma2 semaphore(%arg22 : memref<!tpu.dma_semaphore, #tpu.memory_space<semaphore_mem>>) src(%dma_wait3A_91 : memref<384xi32, #tpu.memory_space<hbm>>) dst(%arg12 : memref<384xi32, #tpu.memory_space<vmem>>)
        %dma_wait3A_92 = tpu.memref_slice %arg5[%add3A_52] : memref<786432xi32, #tpu.memory_space<hbm>> -> memref<384xi32, #tpu.memory_space<hbm>>
        %dma_wait3A_93 = tpu.memref_slice %arg5[%add3A_52] : memref<786432xi32, #tpu.memory_space<hbm>> -> memref<384xi32, #tpu.memory_space<hbm>>
        tpu.wait_dma2 semaphore(%arg22 : memref<!tpu.dma_semaphore, #tpu.memory_space<semaphore_mem>>) src(%dma_wait3A_93 : memref<384xi32, #tpu.memory_space<hbm>>) dst(%arg16 : memref<384xi32, #tpu.memory_space<vmem>>)
        %dma_wait3A_94 = arith.constant 0 : i32
        %dma_wait3A_95 = arith.constant 0 : i32
        %dma_wait3A_96 = tpu.memref_slice %arg8[%dma_wait3A_94, %dma_wait3A_95] : memref<49152x32xf32, #tpu.memory_space<vmem_shared>> -> memref<49152x32xf32, #tpu.memory_space<vmem_shared>>
        tpu.wait_indirect_dma semaphore(%arg26 : memref<!tpu.dma_semaphore, #tpu.memory_space<semaphore_mem>>) src(%arg18 : memref<384x32xf32, #tpu.memory_space<vmem>>) dst(%dma_wait3A_96 : memref<49152x32xf32, #tpu.memory_space<vmem_shared>>)
        %dma_start3A_97 = arith.constant 0 : i32
        %dma_start3A_98 = arith.constant 0 : i32
        %dma_start3A_99 = tpu.memref_slice %arg3[%dma_start3A_97, %dma_start3A_98] : memref<49152x32xf32, #tpu.memory_space<hbm>> -> memref<49152x32xf32, #tpu.memory_space<hbm>>
        tpu.enqueue_indirect_dma source(%dma_start3A_99 : memref<49152x32xf32, #tpu.memory_space<hbm>>) target(%arg18 : memref<384x32xf32, #tpu.memory_space<vmem>>) offsets(%arg12 : memref<384xi32, #tpu.memory_space<vmem>>) semaphore(%arg24 : memref<!tpu.dma_semaphore, #tpu.memory_space<semaphore_mem>>)
        %dma_wait3A_100 = arith.constant 0 : i32
        %dma_wait3A_101 = arith.constant 0 : i32
        %dma_wait3A_102 = tpu.memref_slice %arg3[%dma_wait3A_100, %dma_wait3A_101] : memref<49152x32xf32, #tpu.memory_space<hbm>> -> memref<49152x32xf32, #tpu.memory_space<hbm>>
        tpu.wait_indirect_dma semaphore(%arg23 : memref<!tpu.dma_semaphore, #tpu.memory_space<semaphore_mem>>) src(%dma_wait3A_102 : memref<49152x32xf32, #tpu.memory_space<hbm>>) dst(%arg17 : memref<384x32xf32, #tpu.memory_space<vmem>>)
        %dma_start3A_103 = arith.constant 0 : i32
        %dma_start3A_104 = arith.constant 0 : i32
        %dma_start3A_105 = tpu.memref_slice %arg8[%dma_start3A_103, %dma_start3A_104] : memref<49152x32xf32, #tpu.memory_space<vmem_shared>> -> memref<49152x32xf32, #tpu.memory_space<vmem_shared>>
        tpu.enqueue_indirect_dma source(%arg17 : memref<384x32xf32, #tpu.memory_space<vmem>>) target(%dma_start3A_105 : memref<49152x32xf32, #tpu.memory_space<vmem_shared>>) offsets(%arg15 : memref<384xi32, #tpu.memory_space<vmem>>) semaphore(%arg25 : memref<!tpu.dma_semaphore, #tpu.memory_space<semaphore_mem>>) {add = true}
        %dma_wait3A_106 = arith.constant 0 : i32
        %dma_wait3A_107 = arith.constant 0 : i32
        %dma_wait3A_108 = tpu.memref_slice %arg3[%dma_wait3A_106, %dma_wait3A_107] : memref<49152x32xf32, #tpu.memory_space<hbm>> -> memref<49152x32xf32, #tpu.memory_space<hbm>>
        tpu.wait_indirect_dma semaphore(%arg24 : memref<!tpu.dma_semaphore, #tpu.memory_space<semaphore_mem>>) src(%dma_wait3A_108 : memref<49152x32xf32, #tpu.memory_space<hbm>>) dst(%arg18 : memref<384x32xf32, #tpu.memory_space<vmem>>)
        %dma_start3A_109 = arith.constant 0 : i32
        %dma_start3A_110 = arith.constant 0 : i32
        %dma_start3A_111 = tpu.memref_slice %arg8[%dma_start3A_109, %dma_start3A_110] : memref<49152x32xf32, #tpu.memory_space<vmem_shared>> -> memref<49152x32xf32, #tpu.memory_space<vmem_shared>>
        tpu.enqueue_indirect_dma source(%arg18 : memref<384x32xf32, #tpu.memory_space<vmem>>) target(%dma_start3A_111 : memref<49152x32xf32, #tpu.memory_space<vmem_shared>>) offsets(%arg16 : memref<384xi32, #tpu.memory_space<vmem>>) semaphore(%arg26 : memref<!tpu.dma_semaphore, #tpu.memory_space<semaphore_mem>>) {add = true}
        %dma_wait3A_112 = arith.constant 0 : i32
        %dma_wait3A_113 = arith.constant 0 : i32
        %dma_wait3A_114 = tpu.memref_slice %arg8[%dma_wait3A_112, %dma_wait3A_113] : memref<49152x32xf32, #tpu.memory_space<vmem_shared>> -> memref<49152x32xf32, #tpu.memory_space<vmem_shared>>
        tpu.wait_indirect_dma semaphore(%arg25 : memref<!tpu.dma_semaphore, #tpu.memory_space<semaphore_mem>>) src(%arg17 : memref<384x32xf32, #tpu.memory_space<vmem>>) dst(%dma_wait3A_114 : memref<49152x32xf32, #tpu.memory_space<vmem_shared>>)
        %dma_wait3A_115 = arith.constant 0 : i32
        %dma_wait3A_116 = arith.constant 0 : i32
        %dma_wait3A_117 = tpu.memref_slice %arg8[%dma_wait3A_115, %dma_wait3A_116] : memref<49152x32xf32, #tpu.memory_space<vmem_shared>> -> memref<49152x32xf32, #tpu.memory_space<vmem_shared>>
        tpu.wait_indirect_dma semaphore(%arg26 : memref<!tpu.dma_semaphore, #tpu.memory_space<semaphore_mem>>) src(%arg18 : memref<384x32xf32, #tpu.memory_space<vmem>>) dst(%dma_wait3A_117 : memref<49152x32xf32, #tpu.memory_space<vmem_shared>>)
      }
      %scan3A_18 = arith.constant 32 : i32
    } else {
    }
    %barrier3A_8 = arith.constant 0 : index
    tpu.barrier barrier_id(%barrier3A_8)
    %mul3A_9 = arith.constant 3072 : i32
    %mul3A_10 = arith.muli %arg1, %mul3A_9 : i32
    %mul3A_11 = arith.constant 3072 : i32
    %mul3A_12 = arith.muli %arg1, %mul3A_11 : i32
    "tpu.region"() ({
      %run_scoped3A = tpu.sem_alloc : memref<!tpu.dma_semaphore, #tpu.memory_space<semaphore_mem>>
      %dma_start3A = arith.constant 0 : i32
      %dma_start3A_13 = tpu.memref_slice %arg7[%arg0, %mul3A_12, %dma_start3A] : memref<2x49152x32xf32, #tpu.memory_space<hbm>> -> memref<1x3072x32xf32, #tpu.memory_space<hbm>>
      %dma_start3A_14 = tpu.memref_squeeze %dma_start3A_13 : memref<1x3072x32xf32, #tpu.memory_space<hbm>> -> memref<3072x32xf32, #tpu.memory_space<hbm>>
      %dma_start3A_15 = arith.constant 0 : i32
      %dma_start3A_16 = tpu.memref_slice %arg8[%mul3A_10, %dma_start3A_15] : memref<49152x32xf32, #tpu.memory_space<vmem_shared>> -> memref<3072x32xf32, #tpu.memory_space<vmem_shared>>
      tpu.enqueue_dma source(%dma_start3A_16 : memref<3072x32xf32, #tpu.memory_space<vmem_shared>>) target(%dma_start3A_14 : memref<3072x32xf32, #tpu.memory_space<hbm>>) target_semaphore(%run_scoped3A : memref<!tpu.dma_semaphore, #tpu.memory_space<semaphore_mem>>)
      %dma_wait3A = arith.constant 0 : i32
      %dma_wait3A_17 = tpu.memref_slice %arg7[%arg0, %mul3A_12, %dma_wait3A] : memref<2x49152x32xf32, #tpu.memory_space<hbm>> -> memref<1x3072x32xf32, #tpu.memory_space<hbm>>
      %dma_wait3A_18 = tpu.memref_squeeze %dma_wait3A_17 : memref<1x3072x32xf32, #tpu.memory_space<hbm>> -> memref<3072x32xf32, #tpu.memory_space<hbm>>
      %dma_wait3A_19 = arith.constant 0 : i32
      %dma_wait3A_20 = tpu.memref_slice %arg8[%mul3A_10, %dma_wait3A_19] : memref<49152x32xf32, #tpu.memory_space<vmem_shared>> -> memref<3072x32xf32, #tpu.memory_space<vmem_shared>>
      tpu.wait_dma2 semaphore(%run_scoped3A : memref<!tpu.dma_semaphore, #tpu.memory_space<semaphore_mem>>) src(%dma_wait3A_20 : memref<3072x32xf32, #tpu.memory_space<vmem_shared>>) dst(%dma_wait3A_18 : memref<3072x32xf32, #tpu.memory_space<hbm>>)
      tpu.yield
    }) : () -> ()
    return
  }
}

#map = affine_map<(d0, d1) -> (0, 0)>
#map1 = affine_map<(d0, d1) -> (0)>
#map2 = affine_map<(d0, d1) -> (0, 0, 0)>
module attributes {stable_mosaic.version = 14 : i64} {
  func.func @k(%arg0: i32, %arg1: i32, %arg2: memref<16384x32xf32, #tpu.memory_space<hbm>>, %arg3: memref<16384x32xf32, #tpu.memory_space<hbm>>, %arg4: memref<262144xi32, #tpu.memory_space<hbm>>, %arg5: memref<262144xi32, #tpu.memory_space<hbm>>, %arg6: memref<3072x32xf32, #tpu.memory_space<hbm>>, %arg7: memref<2x16384x32xf32, #tpu.memory_space<hbm>>, %arg8: memref<16384x32xf32, #tpu.memory_space<vmem_shared>>, %arg9: memref<1024xi32, #tpu.memory_space<vmem>>, %arg10: memref<1024xi32, #tpu.memory_space<vmem>>, %arg11: memref<1024xi32, #tpu.memory_space<vmem>>, %arg12: memref<1024xi32, #tpu.memory_space<vmem>>, %arg13: memref<1024xi32, #tpu.memory_space<vmem>>, %arg14: memref<1024xi32, #tpu.memory_space<vmem>>, %arg15: memref<1024xi32, #tpu.memory_space<vmem>>, %arg16: memref<1024xi32, #tpu.memory_space<vmem>>, %arg17: memref<1024x32xf32, #tpu.memory_space<vmem>>, %arg18: memref<1024x32xf32, #tpu.memory_space<vmem>>, %arg19: memref<!tpu.dma_semaphore, #tpu.memory_space<semaphore_mem>>, %arg20: memref<!tpu.dma_semaphore, #tpu.memory_space<semaphore_mem>>, %arg21: memref<!tpu.dma_semaphore, #tpu.memory_space<semaphore_mem>>, %arg22: memref<!tpu.dma_semaphore, #tpu.memory_space<semaphore_mem>>, %arg23: memref<!tpu.dma_semaphore, #tpu.memory_space<semaphore_mem>>, %arg24: memref<!tpu.dma_semaphore, #tpu.memory_space<semaphore_mem>>, %arg25: memref<!tpu.dma_semaphore, #tpu.memory_space<semaphore_mem>>, %arg26: memref<!tpu.dma_semaphore, #tpu.memory_space<semaphore_mem>>) attributes {dimension_semantics = [#tpu.dimension_semantics<core_parallel>, #tpu.dimension_semantics<subcore_parallel>], iteration_bounds = array<i64: 2, 16>, scalar_prefetch = 0 : i64, scratch_operands = 19 : i64, tpu.core_type = #tpu.core_type<sc_vector_subcore>, window_params = [{transform_indices = #map}, {transform_indices = #map}, {transform_indices = #map1}, {transform_indices = #map1}, {transform_indices = #map}, {transform_indices = #map2}]} {
    %mul3A = arith.constant 1024 : i32
    %mul3A_0 = arith.muli %arg1, %mul3A : i32
    "tpu.region"() ({
      %run_scoped3A = tpu.sem_alloc : memref<!tpu.dma_semaphore, #tpu.memory_space<semaphore_mem>>
      %dma_start3A = arith.constant 0 : i32
      %dma_start3A_13 = tpu.memref_slice %arg8[%mul3A_0, %dma_start3A] : memref<16384x32xf32, #tpu.memory_space<vmem_shared>> -> memref<1024x32xf32, #tpu.memory_space<vmem_shared>>
      %dma_start3A_14 = arith.constant 0 : i32
      %dma_start3A_15 = arith.constant 0 : i32
      %dma_start3A_16 = tpu.memref_slice %arg6[%dma_start3A_14, %dma_start3A_15] : memref<3072x32xf32, #tpu.memory_space<hbm>> -> memref<1024x32xf32, #tpu.memory_space<hbm>>
      tpu.enqueue_dma source(%dma_start3A_16 : memref<1024x32xf32, #tpu.memory_space<hbm>>) target(%dma_start3A_13 : memref<1024x32xf32, #tpu.memory_space<vmem_shared>>) target_semaphore(%run_scoped3A : memref<!tpu.dma_semaphore, #tpu.memory_space<semaphore_mem>>)
      %dma_wait3A = arith.constant 0 : i32
      %dma_wait3A_17 = tpu.memref_slice %arg8[%mul3A_0, %dma_wait3A] : memref<16384x32xf32, #tpu.memory_space<vmem_shared>> -> memref<1024x32xf32, #tpu.memory_space<vmem_shared>>
      %dma_wait3A_18 = arith.constant 0 : i32
      %dma_wait3A_19 = arith.constant 0 : i32
      %dma_wait3A_20 = tpu.memref_slice %arg6[%dma_wait3A_18, %dma_wait3A_19] : memref<3072x32xf32, #tpu.memory_space<hbm>> -> memref<1024x32xf32, #tpu.memory_space<hbm>>
      tpu.wait_dma2 semaphore(%run_scoped3A : memref<!tpu.dma_semaphore, #tpu.memory_space<semaphore_mem>>) src(%dma_wait3A_20 : memref<1024x32xf32, #tpu.memory_space<hbm>>) dst(%dma_wait3A_17 : memref<1024x32xf32, #tpu.memory_space<vmem_shared>>)
      tpu.yield
    }) : () -> ()
    %barrier3A = arith.constant 0 : index
    tpu.barrier barrier_id(%barrier3A)
    %eq3A = arith.constant 0 : i32
    %eq3A_1 = arith.cmpi eq, %arg0, %eq3A : i32
    %convert_element_type3A = arith.extui %eq3A_1 : i1 to i32
    %cond3A = arith.constant 0 : i32
    %cond3A_2 = arith.cmpi ne, %convert_element_type3A, %cond3A : i32
    scf.if %cond3A_2 {
      %mul3A_13 = arith.constant 16384 : i32
      %mul3A_14 = arith.muli %arg1, %mul3A_13 : i32
      %scan3A = arith.constant 0 : i32
      %scan3A_15 = arith.constant 4 : i32
      %scan3A_16 = arith.addi %scan3A, %scan3A_15 : i32
      %scan3A_17 = arith.constant 1 : i32
      scf.for %scan3A_19 = %scan3A to %scan3A_16 step %scan3A_17  : i32 {
        %mul3A_20 = arith.constant 4 : i32
        %mul3A_21 = arith.muli %mul3A_20, %scan3A_19 : i32
        %mul3A_22 = arith.constant 1024 : i32
        %mul3A_23 = arith.muli %mul3A_21, %mul3A_22 : i32
        %add3A = arith.addi %mul3A_14, %mul3A_23 : i32
        %add3A_24 = arith.constant 0 : i32
        %add3A_25 = arith.addi %add3A, %add3A_24 : i32
        %dma_start3A = tpu.memref_slice %arg4[%add3A_25] : memref<262144xi32, #tpu.memory_space<hbm>> -> memref<1024xi32, #tpu.memory_space<hbm>>
        %dma_start3A_26 = tpu.memref_slice %arg4[%add3A_25] : memref<262144xi32, #tpu.memory_space<hbm>> -> memref<1024xi32, #tpu.memory_space<hbm>>
        tpu.enqueue_dma source(%dma_start3A_26 : memref<1024xi32, #tpu.memory_space<hbm>>) target(%arg9 : memref<1024xi32, #tpu.memory_space<vmem>>) target_semaphore(%arg19 : memref<!tpu.dma_semaphore, #tpu.memory_space<semaphore_mem>>)
        %add3A_27 = arith.constant 0 : i32
        %add3A_28 = arith.addi %add3A, %add3A_27 : i32
        %dma_start3A_29 = tpu.memref_slice %arg5[%add3A_28] : memref<262144xi32, #tpu.memory_space<hbm>> -> memref<1024xi32, #tpu.memory_space<hbm>>
        %dma_start3A_30 = tpu.memref_slice %arg5[%add3A_28] : memref<262144xi32, #tpu.memory_space<hbm>> -> memref<1024xi32, #tpu.memory_space<hbm>>
        tpu.enqueue_dma source(%dma_start3A_30 : memref<1024xi32, #tpu.memory_space<hbm>>) target(%arg13 : memref<1024xi32, #tpu.memory_space<vmem>>) target_semaphore(%arg19 : memref<!tpu.dma_semaphore, #tpu.memory_space<semaphore_mem>>)
        %add3A_31 = arith.constant 1024 : i32
        %add3A_32 = arith.addi %add3A, %add3A_31 : i32
        %dma_start3A_33 = tpu.memref_slice %arg4[%add3A_32] : memref<262144xi32, #tpu.memory_space<hbm>> -> memref<1024xi32, #tpu.memory_space<hbm>>
        %dma_start3A_34 = tpu.memref_slice %arg4[%add3A_32] : memref<262144xi32, #tpu.memory_space<hbm>> -> memref<1024xi32, #tpu.memory_space<hbm>>
        tpu.enqueue_dma source(%dma_start3A_34 : memref<1024xi32, #tpu.memory_space<hbm>>) target(%arg10 : memref<1024xi32, #tpu.memory_space<vmem>>) target_semaphore(%arg20 : memref<!tpu.dma_semaphore, #tpu.memory_space<semaphore_mem>>)
        %add3A_35 = arith.constant 1024 : i32
        %add3A_36 = arith.addi %add3A, %add3A_35 : i32
        %dma_start3A_37 = tpu.memref_slice %arg5[%add3A_36] : memref<262144xi32, #tpu.memory_space<hbm>> -> memref<1024xi32, #tpu.memory_space<hbm>>
        %dma_start3A_38 = tpu.memref_slice %arg5[%add3A_36] : memref<262144xi32, #tpu.memory_space<hbm>> -> memref<1024xi32, #tpu.memory_space<hbm>>
        tpu.enqueue_dma source(%dma_start3A_38 : memref<1024xi32, #tpu.memory_space<hbm>>) target(%arg14 : memref<1024xi32, #tpu.memory_space<vmem>>) target_semaphore(%arg20 : memref<!tpu.dma_semaphore, #tpu.memory_space<semaphore_mem>>)
        %add3A_39 = arith.constant 2048 : i32
        %add3A_40 = arith.addi %add3A, %add3A_39 : i32
        %dma_start3A_41 = tpu.memref_slice %arg4[%add3A_40] : memref<262144xi32, #tpu.memory_space<hbm>> -> memref<1024xi32, #tpu.memory_space<hbm>>
        %dma_start3A_42 = tpu.memref_slice %arg4[%add3A_40] : memref<262144xi32, #tpu.memory_space<hbm>> -> memref<1024xi32, #tpu.memory_space<hbm>>
        tpu.enqueue_dma source(%dma_start3A_42 : memref<1024xi32, #tpu.memory_space<hbm>>) target(%arg11 : memref<1024xi32, #tpu.memory_space<vmem>>) target_semaphore(%arg21 : memref<!tpu.dma_semaphore, #tpu.memory_space<semaphore_mem>>)
        %add3A_43 = arith.constant 2048 : i32
        %add3A_44 = arith.addi %add3A, %add3A_43 : i32
        %dma_start3A_45 = tpu.memref_slice %arg5[%add3A_44] : memref<262144xi32, #tpu.memory_space<hbm>> -> memref<1024xi32, #tpu.memory_space<hbm>>
        %dma_start3A_46 = tpu.memref_slice %arg5[%add3A_44] : memref<262144xi32, #tpu.memory_space<hbm>> -> memref<1024xi32, #tpu.memory_space<hbm>>
        tpu.enqueue_dma source(%dma_start3A_46 : memref<1024xi32, #tpu.memory_space<hbm>>) target(%arg15 : memref<1024xi32, #tpu.memory_space<vmem>>) target_semaphore(%arg21 : memref<!tpu.dma_semaphore, #tpu.memory_space<semaphore_mem>>)
        %add3A_47 = arith.constant 3072 : i32
        %add3A_48 = arith.addi %add3A, %add3A_47 : i32
        %dma_start3A_49 = tpu.memref_slice %arg4[%add3A_48] : memref<262144xi32, #tpu.memory_space<hbm>> -> memref<1024xi32, #tpu.memory_space<hbm>>
        %dma_start3A_50 = tpu.memref_slice %arg4[%add3A_48] : memref<262144xi32, #tpu.memory_space<hbm>> -> memref<1024xi32, #tpu.memory_space<hbm>>
        tpu.enqueue_dma source(%dma_start3A_50 : memref<1024xi32, #tpu.memory_space<hbm>>) target(%arg12 : memref<1024xi32, #tpu.memory_space<vmem>>) target_semaphore(%arg22 : memref<!tpu.dma_semaphore, #tpu.memory_space<semaphore_mem>>)
        %add3A_51 = arith.constant 3072 : i32
        %add3A_52 = arith.addi %add3A, %add3A_51 : i32
        %dma_start3A_53 = tpu.memref_slice %arg5[%add3A_52] : memref<262144xi32, #tpu.memory_space<hbm>> -> memref<1024xi32, #tpu.memory_space<hbm>>
        %dma_start3A_54 = tpu.memref_slice %arg5[%add3A_52] : memref<262144xi32, #tpu.memory_space<hbm>> -> memref<1024xi32, #tpu.memory_space<hbm>>
        tpu.enqueue_dma source(%dma_start3A_54 : memref<1024xi32, #tpu.memory_space<hbm>>) target(%arg16 : memref<1024xi32, #tpu.memory_space<vmem>>) target_semaphore(%arg22 : memref<!tpu.dma_semaphore, #tpu.memory_space<semaphore_mem>>)
        %dma_wait3A = tpu.memref_slice %arg4[%add3A_25] : memref<262144xi32, #tpu.memory_space<hbm>> -> memref<1024xi32, #tpu.memory_space<hbm>>
        %dma_wait3A_55 = tpu.memref_slice %arg4[%add3A_25] : memref<262144xi32, #tpu.memory_space<hbm>> -> memref<1024xi32, #tpu.memory_space<hbm>>
        tpu.wait_dma2 semaphore(%arg19 : memref<!tpu.dma_semaphore, #tpu.memory_space<semaphore_mem>>) src(%dma_wait3A_55 : memref<1024xi32, #tpu.memory_space<hbm>>) dst(%arg9 : memref<1024xi32, #tpu.memory_space<vmem>>)
        %dma_wait3A_56 = tpu.memref_slice %arg5[%add3A_28] : memref<262144xi32, #tpu.memory_space<hbm>> -> memref<1024xi32, #tpu.memory_space<hbm>>
        %dma_wait3A_57 = tpu.memref_slice %arg5[%add3A_28] : memref<262144xi32, #tpu.memory_space<hbm>> -> memref<1024xi32, #tpu.memory_space<hbm>>
        tpu.wait_dma2 semaphore(%arg19 : memref<!tpu.dma_semaphore, #tpu.memory_space<semaphore_mem>>) src(%dma_wait3A_57 : memref<1024xi32, #tpu.memory_space<hbm>>) dst(%arg13 : memref<1024xi32, #tpu.memory_space<vmem>>)
        %dma_start3A_58 = arith.constant 0 : i32
        %dma_start3A_59 = arith.constant 0 : i32
        %dma_start3A_60 = tpu.memref_slice %arg2[%dma_start3A_58, %dma_start3A_59] : memref<16384x32xf32, #tpu.memory_space<hbm>> -> memref<16384x32xf32, #tpu.memory_space<hbm>>
        tpu.enqueue_indirect_dma source(%dma_start3A_60 : memref<16384x32xf32, #tpu.memory_space<hbm>>) target(%arg17 : memref<1024x32xf32, #tpu.memory_space<vmem>>) offsets(%arg9 : memref<1024xi32, #tpu.memory_space<vmem>>) semaphore(%arg23 : memref<!tpu.dma_semaphore, #tpu.memory_space<semaphore_mem>>)
        %dma_wait3A_61 = tpu.memref_slice %arg4[%add3A_32] : memref<262144xi32, #tpu.memory_space<hbm>> -> memref<1024xi32, #tpu.memory_space<hbm>>
        %dma_wait3A_62 = tpu.memref_slice %arg4[%add3A_32] : memref<262144xi32, #tpu.memory_space<hbm>> -> memref<1024xi32, #tpu.memory_space<hbm>>
        tpu.wait_dma2 semaphore(%arg20 : memref<!tpu.dma_semaphore, #tpu.memory_space<semaphore_mem>>) src(%dma_wait3A_62 : memref<1024xi32, #tpu.memory_space<hbm>>) dst(%arg10 : memref<1024xi32, #tpu.memory_space<vmem>>)
        %dma_wait3A_63 = tpu.memref_slice %arg5[%add3A_36] : memref<262144xi32, #tpu.memory_space<hbm>> -> memref<1024xi32, #tpu.memory_space<hbm>>
        %dma_wait3A_64 = tpu.memref_slice %arg5[%add3A_36] : memref<262144xi32, #tpu.memory_space<hbm>> -> memref<1024xi32, #tpu.memory_space<hbm>>
        tpu.wait_dma2 semaphore(%arg20 : memref<!tpu.dma_semaphore, #tpu.memory_space<semaphore_mem>>) src(%dma_wait3A_64 : memref<1024xi32, #tpu.memory_space<hbm>>) dst(%arg14 : memref<1024xi32, #tpu.memory_space<vmem>>)
        %dma_start3A_65 = arith.constant 0 : i32
        %dma_start3A_66 = arith.constant 0 : i32
        %dma_start3A_67 = tpu.memref_slice %arg2[%dma_start3A_65, %dma_start3A_66] : memref<16384x32xf32, #tpu.memory_space<hbm>> -> memref<16384x32xf32, #tpu.memory_space<hbm>>
        tpu.enqueue_indirect_dma source(%dma_start3A_67 : memref<16384x32xf32, #tpu.memory_space<hbm>>) target(%arg18 : memref<1024x32xf32, #tpu.memory_space<vmem>>) offsets(%arg10 : memref<1024xi32, #tpu.memory_space<vmem>>) semaphore(%arg24 : memref<!tpu.dma_semaphore, #tpu.memory_space<semaphore_mem>>)
        %dma_wait3A_68 = arith.constant 0 : i32
        %dma_wait3A_69 = arith.constant 0 : i32
        %dma_wait3A_70 = tpu.memref_slice %arg2[%dma_wait3A_68, %dma_wait3A_69] : memref<16384x32xf32, #tpu.memory_space<hbm>> -> memref<16384x32xf32, #tpu.memory_space<hbm>>
        tpu.wait_indirect_dma semaphore(%arg23 : memref<!tpu.dma_semaphore, #tpu.memory_space<semaphore_mem>>) src(%dma_wait3A_70 : memref<16384x32xf32, #tpu.memory_space<hbm>>) dst(%arg17 : memref<1024x32xf32, #tpu.memory_space<vmem>>)
        %dma_start3A_71 = arith.constant 0 : i32
        %dma_start3A_72 = arith.constant 0 : i32
        %dma_start3A_73 = tpu.memref_slice %arg8[%dma_start3A_71, %dma_start3A_72] : memref<16384x32xf32, #tpu.memory_space<vmem_shared>> -> memref<16384x32xf32, #tpu.memory_space<vmem_shared>>
        tpu.enqueue_indirect_dma source(%arg17 : memref<1024x32xf32, #tpu.memory_space<vmem>>) target(%dma_start3A_73 : memref<16384x32xf32, #tpu.memory_space<vmem_shared>>) offsets(%arg13 : memref<1024xi32, #tpu.memory_space<vmem>>) semaphore(%arg25 : memref<!tpu.dma_semaphore, #tpu.memory_space<semaphore_mem>>) {add = true}
        %dma_wait3A_74 = arith.constant 0 : i32
        %dma_wait3A_75 = arith.constant 0 : i32
        %dma_wait3A_76 = tpu.memref_slice %arg2[%dma_wait3A_74, %dma_wait3A_75] : memref<16384x32xf32, #tpu.memory_space<hbm>> -> memref<16384x32xf32, #tpu.memory_space<hbm>>
        tpu.wait_indirect_dma semaphore(%arg24 : memref<!tpu.dma_semaphore, #tpu.memory_space<semaphore_mem>>) src(%dma_wait3A_76 : memref<16384x32xf32, #tpu.memory_space<hbm>>) dst(%arg18 : memref<1024x32xf32, #tpu.memory_space<vmem>>)
        %dma_start3A_77 = arith.constant 0 : i32
        %dma_start3A_78 = arith.constant 0 : i32
        %dma_start3A_79 = tpu.memref_slice %arg8[%dma_start3A_77, %dma_start3A_78] : memref<16384x32xf32, #tpu.memory_space<vmem_shared>> -> memref<16384x32xf32, #tpu.memory_space<vmem_shared>>
        tpu.enqueue_indirect_dma source(%arg18 : memref<1024x32xf32, #tpu.memory_space<vmem>>) target(%dma_start3A_79 : memref<16384x32xf32, #tpu.memory_space<vmem_shared>>) offsets(%arg14 : memref<1024xi32, #tpu.memory_space<vmem>>) semaphore(%arg26 : memref<!tpu.dma_semaphore, #tpu.memory_space<semaphore_mem>>) {add = true}
        %dma_wait3A_80 = tpu.memref_slice %arg4[%add3A_40] : memref<262144xi32, #tpu.memory_space<hbm>> -> memref<1024xi32, #tpu.memory_space<hbm>>
        %dma_wait3A_81 = tpu.memref_slice %arg4[%add3A_40] : memref<262144xi32, #tpu.memory_space<hbm>> -> memref<1024xi32, #tpu.memory_space<hbm>>
        tpu.wait_dma2 semaphore(%arg21 : memref<!tpu.dma_semaphore, #tpu.memory_space<semaphore_mem>>) src(%dma_wait3A_81 : memref<1024xi32, #tpu.memory_space<hbm>>) dst(%arg11 : memref<1024xi32, #tpu.memory_space<vmem>>)
        %dma_wait3A_82 = tpu.memref_slice %arg5[%add3A_44] : memref<262144xi32, #tpu.memory_space<hbm>> -> memref<1024xi32, #tpu.memory_space<hbm>>
        %dma_wait3A_83 = tpu.memref_slice %arg5[%add3A_44] : memref<262144xi32, #tpu.memory_space<hbm>> -> memref<1024xi32, #tpu.memory_space<hbm>>
        tpu.wait_dma2 semaphore(%arg21 : memref<!tpu.dma_semaphore, #tpu.memory_space<semaphore_mem>>) src(%dma_wait3A_83 : memref<1024xi32, #tpu.memory_space<hbm>>) dst(%arg15 : memref<1024xi32, #tpu.memory_space<vmem>>)
        %dma_wait3A_84 = arith.constant 0 : i32
        %dma_wait3A_85 = arith.constant 0 : i32
        %dma_wait3A_86 = tpu.memref_slice %arg8[%dma_wait3A_84, %dma_wait3A_85] : memref<16384x32xf32, #tpu.memory_space<vmem_shared>> -> memref<16384x32xf32, #tpu.memory_space<vmem_shared>>
        tpu.wait_indirect_dma semaphore(%arg25 : memref<!tpu.dma_semaphore, #tpu.memory_space<semaphore_mem>>) src(%arg17 : memref<1024x32xf32, #tpu.memory_space<vmem>>) dst(%dma_wait3A_86 : memref<16384x32xf32, #tpu.memory_space<vmem_shared>>)
        %dma_start3A_87 = arith.constant 0 : i32
        %dma_start3A_88 = arith.constant 0 : i32
        %dma_start3A_89 = tpu.memref_slice %arg2[%dma_start3A_87, %dma_start3A_88] : memref<16384x32xf32, #tpu.memory_space<hbm>> -> memref<16384x32xf32, #tpu.memory_space<hbm>>
        tpu.enqueue_indirect_dma source(%dma_start3A_89 : memref<16384x32xf32, #tpu.memory_space<hbm>>) target(%arg17 : memref<1024x32xf32, #tpu.memory_space<vmem>>) offsets(%arg11 : memref<1024xi32, #tpu.memory_space<vmem>>) semaphore(%arg23 : memref<!tpu.dma_semaphore, #tpu.memory_space<semaphore_mem>>)
        %dma_wait3A_90 = tpu.memref_slice %arg4[%add3A_48] : memref<262144xi32, #tpu.memory_space<hbm>> -> memref<1024xi32, #tpu.memory_space<hbm>>
        %dma_wait3A_91 = tpu.memref_slice %arg4[%add3A_48] : memref<262144xi32, #tpu.memory_space<hbm>> -> memref<1024xi32, #tpu.memory_space<hbm>>
        tpu.wait_dma2 semaphore(%arg22 : memref<!tpu.dma_semaphore, #tpu.memory_space<semaphore_mem>>) src(%dma_wait3A_91 : memref<1024xi32, #tpu.memory_space<hbm>>) dst(%arg12 : memref<1024xi32, #tpu.memory_space<vmem>>)
        %dma_wait3A_92 = tpu.memref_slice %arg5[%add3A_52] : memref<262144xi32, #tpu.memory_space<hbm>> -> memref<1024xi32, #tpu.memory_space<hbm>>
        %dma_wait3A_93 = tpu.memref_slice %arg5[%add3A_52] : memref<262144xi32, #tpu.memory_space<hbm>> -> memref<1024xi32, #tpu.memory_space<hbm>>
        tpu.wait_dma2 semaphore(%arg22 : memref<!tpu.dma_semaphore, #tpu.memory_space<semaphore_mem>>) src(%dma_wait3A_93 : memref<1024xi32, #tpu.memory_space<hbm>>) dst(%arg16 : memref<1024xi32, #tpu.memory_space<vmem>>)
        %dma_wait3A_94 = arith.constant 0 : i32
        %dma_wait3A_95 = arith.constant 0 : i32
        %dma_wait3A_96 = tpu.memref_slice %arg8[%dma_wait3A_94, %dma_wait3A_95] : memref<16384x32xf32, #tpu.memory_space<vmem_shared>> -> memref<16384x32xf32, #tpu.memory_space<vmem_shared>>
        tpu.wait_indirect_dma semaphore(%arg26 : memref<!tpu.dma_semaphore, #tpu.memory_space<semaphore_mem>>) src(%arg18 : memref<1024x32xf32, #tpu.memory_space<vmem>>) dst(%dma_wait3A_96 : memref<16384x32xf32, #tpu.memory_space<vmem_shared>>)
        %dma_start3A_97 = arith.constant 0 : i32
        %dma_start3A_98 = arith.constant 0 : i32
        %dma_start3A_99 = tpu.memref_slice %arg2[%dma_start3A_97, %dma_start3A_98] : memref<16384x32xf32, #tpu.memory_space<hbm>> -> memref<16384x32xf32, #tpu.memory_space<hbm>>
        tpu.enqueue_indirect_dma source(%dma_start3A_99 : memref<16384x32xf32, #tpu.memory_space<hbm>>) target(%arg18 : memref<1024x32xf32, #tpu.memory_space<vmem>>) offsets(%arg12 : memref<1024xi32, #tpu.memory_space<vmem>>) semaphore(%arg24 : memref<!tpu.dma_semaphore, #tpu.memory_space<semaphore_mem>>)
        %dma_wait3A_100 = arith.constant 0 : i32
        %dma_wait3A_101 = arith.constant 0 : i32
        %dma_wait3A_102 = tpu.memref_slice %arg2[%dma_wait3A_100, %dma_wait3A_101] : memref<16384x32xf32, #tpu.memory_space<hbm>> -> memref<16384x32xf32, #tpu.memory_space<hbm>>
        tpu.wait_indirect_dma semaphore(%arg23 : memref<!tpu.dma_semaphore, #tpu.memory_space<semaphore_mem>>) src(%dma_wait3A_102 : memref<16384x32xf32, #tpu.memory_space<hbm>>) dst(%arg17 : memref<1024x32xf32, #tpu.memory_space<vmem>>)
        %dma_start3A_103 = arith.constant 0 : i32
        %dma_start3A_104 = arith.constant 0 : i32
        %dma_start3A_105 = tpu.memref_slice %arg8[%dma_start3A_103, %dma_start3A_104] : memref<16384x32xf32, #tpu.memory_space<vmem_shared>> -> memref<16384x32xf32, #tpu.memory_space<vmem_shared>>
        tpu.enqueue_indirect_dma source(%arg17 : memref<1024x32xf32, #tpu.memory_space<vmem>>) target(%dma_start3A_105 : memref<16384x32xf32, #tpu.memory_space<vmem_shared>>) offsets(%arg15 : memref<1024xi32, #tpu.memory_space<vmem>>) semaphore(%arg25 : memref<!tpu.dma_semaphore, #tpu.memory_space<semaphore_mem>>) {add = true}
        %dma_wait3A_106 = arith.constant 0 : i32
        %dma_wait3A_107 = arith.constant 0 : i32
        %dma_wait3A_108 = tpu.memref_slice %arg2[%dma_wait3A_106, %dma_wait3A_107] : memref<16384x32xf32, #tpu.memory_space<hbm>> -> memref<16384x32xf32, #tpu.memory_space<hbm>>
        tpu.wait_indirect_dma semaphore(%arg24 : memref<!tpu.dma_semaphore, #tpu.memory_space<semaphore_mem>>) src(%dma_wait3A_108 : memref<16384x32xf32, #tpu.memory_space<hbm>>) dst(%arg18 : memref<1024x32xf32, #tpu.memory_space<vmem>>)
        %dma_start3A_109 = arith.constant 0 : i32
        %dma_start3A_110 = arith.constant 0 : i32
        %dma_start3A_111 = tpu.memref_slice %arg8[%dma_start3A_109, %dma_start3A_110] : memref<16384x32xf32, #tpu.memory_space<vmem_shared>> -> memref<16384x32xf32, #tpu.memory_space<vmem_shared>>
        tpu.enqueue_indirect_dma source(%arg18 : memref<1024x32xf32, #tpu.memory_space<vmem>>) target(%dma_start3A_111 : memref<16384x32xf32, #tpu.memory_space<vmem_shared>>) offsets(%arg16 : memref<1024xi32, #tpu.memory_space<vmem>>) semaphore(%arg26 : memref<!tpu.dma_semaphore, #tpu.memory_space<semaphore_mem>>) {add = true}
        %dma_wait3A_112 = arith.constant 0 : i32
        %dma_wait3A_113 = arith.constant 0 : i32
        %dma_wait3A_114 = tpu.memref_slice %arg8[%dma_wait3A_112, %dma_wait3A_113] : memref<16384x32xf32, #tpu.memory_space<vmem_shared>> -> memref<16384x32xf32, #tpu.memory_space<vmem_shared>>
        tpu.wait_indirect_dma semaphore(%arg25 : memref<!tpu.dma_semaphore, #tpu.memory_space<semaphore_mem>>) src(%arg17 : memref<1024x32xf32, #tpu.memory_space<vmem>>) dst(%dma_wait3A_114 : memref<16384x32xf32, #tpu.memory_space<vmem_shared>>)
        %dma_wait3A_115 = arith.constant 0 : i32
        %dma_wait3A_116 = arith.constant 0 : i32
        %dma_wait3A_117 = tpu.memref_slice %arg8[%dma_wait3A_115, %dma_wait3A_116] : memref<16384x32xf32, #tpu.memory_space<vmem_shared>> -> memref<16384x32xf32, #tpu.memory_space<vmem_shared>>
        tpu.wait_indirect_dma semaphore(%arg26 : memref<!tpu.dma_semaphore, #tpu.memory_space<semaphore_mem>>) src(%arg18 : memref<1024x32xf32, #tpu.memory_space<vmem>>) dst(%dma_wait3A_117 : memref<16384x32xf32, #tpu.memory_space<vmem_shared>>)
      }
      %scan3A_18 = arith.constant 4 : i32
    } else {
    }
    %eq3A_3 = arith.constant 1 : i32
    %eq3A_4 = arith.cmpi eq, %arg0, %eq3A_3 : i32
    %convert_element_type3A_5 = arith.extui %eq3A_4 : i1 to i32
    %cond3A_6 = arith.constant 0 : i32
    %cond3A_7 = arith.cmpi ne, %convert_element_type3A_5, %cond3A_6 : i32
    scf.if %cond3A_7 {
      %mul3A_13 = arith.constant 16384 : i32
      %mul3A_14 = arith.muli %arg1, %mul3A_13 : i32
      %scan3A = arith.constant 0 : i32
      %scan3A_15 = arith.constant 4 : i32
      %scan3A_16 = arith.addi %scan3A, %scan3A_15 : i32
      %scan3A_17 = arith.constant 1 : i32
      scf.for %scan3A_19 = %scan3A to %scan3A_16 step %scan3A_17  : i32 {
        %mul3A_20 = arith.constant 4 : i32
        %mul3A_21 = arith.muli %mul3A_20, %scan3A_19 : i32
        %mul3A_22 = arith.constant 1024 : i32
        %mul3A_23 = arith.muli %mul3A_21, %mul3A_22 : i32
        %add3A = arith.addi %mul3A_14, %mul3A_23 : i32
        %add3A_24 = arith.constant 0 : i32
        %add3A_25 = arith.addi %add3A, %add3A_24 : i32
        %dma_start3A = tpu.memref_slice %arg4[%add3A_25] : memref<262144xi32, #tpu.memory_space<hbm>> -> memref<1024xi32, #tpu.memory_space<hbm>>
        %dma_start3A_26 = tpu.memref_slice %arg4[%add3A_25] : memref<262144xi32, #tpu.memory_space<hbm>> -> memref<1024xi32, #tpu.memory_space<hbm>>
        tpu.enqueue_dma source(%dma_start3A_26 : memref<1024xi32, #tpu.memory_space<hbm>>) target(%arg9 : memref<1024xi32, #tpu.memory_space<vmem>>) target_semaphore(%arg19 : memref<!tpu.dma_semaphore, #tpu.memory_space<semaphore_mem>>)
        %add3A_27 = arith.constant 0 : i32
        %add3A_28 = arith.addi %add3A, %add3A_27 : i32
        %dma_start3A_29 = tpu.memref_slice %arg5[%add3A_28] : memref<262144xi32, #tpu.memory_space<hbm>> -> memref<1024xi32, #tpu.memory_space<hbm>>
        %dma_start3A_30 = tpu.memref_slice %arg5[%add3A_28] : memref<262144xi32, #tpu.memory_space<hbm>> -> memref<1024xi32, #tpu.memory_space<hbm>>
        tpu.enqueue_dma source(%dma_start3A_30 : memref<1024xi32, #tpu.memory_space<hbm>>) target(%arg13 : memref<1024xi32, #tpu.memory_space<vmem>>) target_semaphore(%arg19 : memref<!tpu.dma_semaphore, #tpu.memory_space<semaphore_mem>>)
        %add3A_31 = arith.constant 1024 : i32
        %add3A_32 = arith.addi %add3A, %add3A_31 : i32
        %dma_start3A_33 = tpu.memref_slice %arg4[%add3A_32] : memref<262144xi32, #tpu.memory_space<hbm>> -> memref<1024xi32, #tpu.memory_space<hbm>>
        %dma_start3A_34 = tpu.memref_slice %arg4[%add3A_32] : memref<262144xi32, #tpu.memory_space<hbm>> -> memref<1024xi32, #tpu.memory_space<hbm>>
        tpu.enqueue_dma source(%dma_start3A_34 : memref<1024xi32, #tpu.memory_space<hbm>>) target(%arg10 : memref<1024xi32, #tpu.memory_space<vmem>>) target_semaphore(%arg20 : memref<!tpu.dma_semaphore, #tpu.memory_space<semaphore_mem>>)
        %add3A_35 = arith.constant 1024 : i32
        %add3A_36 = arith.addi %add3A, %add3A_35 : i32
        %dma_start3A_37 = tpu.memref_slice %arg5[%add3A_36] : memref<262144xi32, #tpu.memory_space<hbm>> -> memref<1024xi32, #tpu.memory_space<hbm>>
        %dma_start3A_38 = tpu.memref_slice %arg5[%add3A_36] : memref<262144xi32, #tpu.memory_space<hbm>> -> memref<1024xi32, #tpu.memory_space<hbm>>
        tpu.enqueue_dma source(%dma_start3A_38 : memref<1024xi32, #tpu.memory_space<hbm>>) target(%arg14 : memref<1024xi32, #tpu.memory_space<vmem>>) target_semaphore(%arg20 : memref<!tpu.dma_semaphore, #tpu.memory_space<semaphore_mem>>)
        %add3A_39 = arith.constant 2048 : i32
        %add3A_40 = arith.addi %add3A, %add3A_39 : i32
        %dma_start3A_41 = tpu.memref_slice %arg4[%add3A_40] : memref<262144xi32, #tpu.memory_space<hbm>> -> memref<1024xi32, #tpu.memory_space<hbm>>
        %dma_start3A_42 = tpu.memref_slice %arg4[%add3A_40] : memref<262144xi32, #tpu.memory_space<hbm>> -> memref<1024xi32, #tpu.memory_space<hbm>>
        tpu.enqueue_dma source(%dma_start3A_42 : memref<1024xi32, #tpu.memory_space<hbm>>) target(%arg11 : memref<1024xi32, #tpu.memory_space<vmem>>) target_semaphore(%arg21 : memref<!tpu.dma_semaphore, #tpu.memory_space<semaphore_mem>>)
        %add3A_43 = arith.constant 2048 : i32
        %add3A_44 = arith.addi %add3A, %add3A_43 : i32
        %dma_start3A_45 = tpu.memref_slice %arg5[%add3A_44] : memref<262144xi32, #tpu.memory_space<hbm>> -> memref<1024xi32, #tpu.memory_space<hbm>>
        %dma_start3A_46 = tpu.memref_slice %arg5[%add3A_44] : memref<262144xi32, #tpu.memory_space<hbm>> -> memref<1024xi32, #tpu.memory_space<hbm>>
        tpu.enqueue_dma source(%dma_start3A_46 : memref<1024xi32, #tpu.memory_space<hbm>>) target(%arg15 : memref<1024xi32, #tpu.memory_space<vmem>>) target_semaphore(%arg21 : memref<!tpu.dma_semaphore, #tpu.memory_space<semaphore_mem>>)
        %add3A_47 = arith.constant 3072 : i32
        %add3A_48 = arith.addi %add3A, %add3A_47 : i32
        %dma_start3A_49 = tpu.memref_slice %arg4[%add3A_48] : memref<262144xi32, #tpu.memory_space<hbm>> -> memref<1024xi32, #tpu.memory_space<hbm>>
        %dma_start3A_50 = tpu.memref_slice %arg4[%add3A_48] : memref<262144xi32, #tpu.memory_space<hbm>> -> memref<1024xi32, #tpu.memory_space<hbm>>
        tpu.enqueue_dma source(%dma_start3A_50 : memref<1024xi32, #tpu.memory_space<hbm>>) target(%arg12 : memref<1024xi32, #tpu.memory_space<vmem>>) target_semaphore(%arg22 : memref<!tpu.dma_semaphore, #tpu.memory_space<semaphore_mem>>)
        %add3A_51 = arith.constant 3072 : i32
        %add3A_52 = arith.addi %add3A, %add3A_51 : i32
        %dma_start3A_53 = tpu.memref_slice %arg5[%add3A_52] : memref<262144xi32, #tpu.memory_space<hbm>> -> memref<1024xi32, #tpu.memory_space<hbm>>
        %dma_start3A_54 = tpu.memref_slice %arg5[%add3A_52] : memref<262144xi32, #tpu.memory_space<hbm>> -> memref<1024xi32, #tpu.memory_space<hbm>>
        tpu.enqueue_dma source(%dma_start3A_54 : memref<1024xi32, #tpu.memory_space<hbm>>) target(%arg16 : memref<1024xi32, #tpu.memory_space<vmem>>) target_semaphore(%arg22 : memref<!tpu.dma_semaphore, #tpu.memory_space<semaphore_mem>>)
        %dma_wait3A = tpu.memref_slice %arg4[%add3A_25] : memref<262144xi32, #tpu.memory_space<hbm>> -> memref<1024xi32, #tpu.memory_space<hbm>>
        %dma_wait3A_55 = tpu.memref_slice %arg4[%add3A_25] : memref<262144xi32, #tpu.memory_space<hbm>> -> memref<1024xi32, #tpu.memory_space<hbm>>
        tpu.wait_dma2 semaphore(%arg19 : memref<!tpu.dma_semaphore, #tpu.memory_space<semaphore_mem>>) src(%dma_wait3A_55 : memref<1024xi32, #tpu.memory_space<hbm>>) dst(%arg9 : memref<1024xi32, #tpu.memory_space<vmem>>)
        %dma_wait3A_56 = tpu.memref_slice %arg5[%add3A_28] : memref<262144xi32, #tpu.memory_space<hbm>> -> memref<1024xi32, #tpu.memory_space<hbm>>
        %dma_wait3A_57 = tpu.memref_slice %arg5[%add3A_28] : memref<262144xi32, #tpu.memory_space<hbm>> -> memref<1024xi32, #tpu.memory_space<hbm>>
        tpu.wait_dma2 semaphore(%arg19 : memref<!tpu.dma_semaphore, #tpu.memory_space<semaphore_mem>>) src(%dma_wait3A_57 : memref<1024xi32, #tpu.memory_space<hbm>>) dst(%arg13 : memref<1024xi32, #tpu.memory_space<vmem>>)
        %dma_start3A_58 = arith.constant 0 : i32
        %dma_start3A_59 = arith.constant 0 : i32
        %dma_start3A_60 = tpu.memref_slice %arg3[%dma_start3A_58, %dma_start3A_59] : memref<16384x32xf32, #tpu.memory_space<hbm>> -> memref<16384x32xf32, #tpu.memory_space<hbm>>
        tpu.enqueue_indirect_dma source(%dma_start3A_60 : memref<16384x32xf32, #tpu.memory_space<hbm>>) target(%arg17 : memref<1024x32xf32, #tpu.memory_space<vmem>>) offsets(%arg9 : memref<1024xi32, #tpu.memory_space<vmem>>) semaphore(%arg23 : memref<!tpu.dma_semaphore, #tpu.memory_space<semaphore_mem>>)
        %dma_wait3A_61 = tpu.memref_slice %arg4[%add3A_32] : memref<262144xi32, #tpu.memory_space<hbm>> -> memref<1024xi32, #tpu.memory_space<hbm>>
        %dma_wait3A_62 = tpu.memref_slice %arg4[%add3A_32] : memref<262144xi32, #tpu.memory_space<hbm>> -> memref<1024xi32, #tpu.memory_space<hbm>>
        tpu.wait_dma2 semaphore(%arg20 : memref<!tpu.dma_semaphore, #tpu.memory_space<semaphore_mem>>) src(%dma_wait3A_62 : memref<1024xi32, #tpu.memory_space<hbm>>) dst(%arg10 : memref<1024xi32, #tpu.memory_space<vmem>>)
        %dma_wait3A_63 = tpu.memref_slice %arg5[%add3A_36] : memref<262144xi32, #tpu.memory_space<hbm>> -> memref<1024xi32, #tpu.memory_space<hbm>>
        %dma_wait3A_64 = tpu.memref_slice %arg5[%add3A_36] : memref<262144xi32, #tpu.memory_space<hbm>> -> memref<1024xi32, #tpu.memory_space<hbm>>
        tpu.wait_dma2 semaphore(%arg20 : memref<!tpu.dma_semaphore, #tpu.memory_space<semaphore_mem>>) src(%dma_wait3A_64 : memref<1024xi32, #tpu.memory_space<hbm>>) dst(%arg14 : memref<1024xi32, #tpu.memory_space<vmem>>)
        %dma_start3A_65 = arith.constant 0 : i32
        %dma_start3A_66 = arith.constant 0 : i32
        %dma_start3A_67 = tpu.memref_slice %arg3[%dma_start3A_65, %dma_start3A_66] : memref<16384x32xf32, #tpu.memory_space<hbm>> -> memref<16384x32xf32, #tpu.memory_space<hbm>>
        tpu.enqueue_indirect_dma source(%dma_start3A_67 : memref<16384x32xf32, #tpu.memory_space<hbm>>) target(%arg18 : memref<1024x32xf32, #tpu.memory_space<vmem>>) offsets(%arg10 : memref<1024xi32, #tpu.memory_space<vmem>>) semaphore(%arg24 : memref<!tpu.dma_semaphore, #tpu.memory_space<semaphore_mem>>)
        %dma_wait3A_68 = arith.constant 0 : i32
        %dma_wait3A_69 = arith.constant 0 : i32
        %dma_wait3A_70 = tpu.memref_slice %arg3[%dma_wait3A_68, %dma_wait3A_69] : memref<16384x32xf32, #tpu.memory_space<hbm>> -> memref<16384x32xf32, #tpu.memory_space<hbm>>
        tpu.wait_indirect_dma semaphore(%arg23 : memref<!tpu.dma_semaphore, #tpu.memory_space<semaphore_mem>>) src(%dma_wait3A_70 : memref<16384x32xf32, #tpu.memory_space<hbm>>) dst(%arg17 : memref<1024x32xf32, #tpu.memory_space<vmem>>)
        %dma_start3A_71 = arith.constant 0 : i32
        %dma_start3A_72 = arith.constant 0 : i32
        %dma_start3A_73 = tpu.memref_slice %arg8[%dma_start3A_71, %dma_start3A_72] : memref<16384x32xf32, #tpu.memory_space<vmem_shared>> -> memref<16384x32xf32, #tpu.memory_space<vmem_shared>>
        tpu.enqueue_indirect_dma source(%arg17 : memref<1024x32xf32, #tpu.memory_space<vmem>>) target(%dma_start3A_73 : memref<16384x32xf32, #tpu.memory_space<vmem_shared>>) offsets(%arg13 : memref<1024xi32, #tpu.memory_space<vmem>>) semaphore(%arg25 : memref<!tpu.dma_semaphore, #tpu.memory_space<semaphore_mem>>) {add = true}
        %dma_wait3A_74 = arith.constant 0 : i32
        %dma_wait3A_75 = arith.constant 0 : i32
        %dma_wait3A_76 = tpu.memref_slice %arg3[%dma_wait3A_74, %dma_wait3A_75] : memref<16384x32xf32, #tpu.memory_space<hbm>> -> memref<16384x32xf32, #tpu.memory_space<hbm>>
        tpu.wait_indirect_dma semaphore(%arg24 : memref<!tpu.dma_semaphore, #tpu.memory_space<semaphore_mem>>) src(%dma_wait3A_76 : memref<16384x32xf32, #tpu.memory_space<hbm>>) dst(%arg18 : memref<1024x32xf32, #tpu.memory_space<vmem>>)
        %dma_start3A_77 = arith.constant 0 : i32
        %dma_start3A_78 = arith.constant 0 : i32
        %dma_start3A_79 = tpu.memref_slice %arg8[%dma_start3A_77, %dma_start3A_78] : memref<16384x32xf32, #tpu.memory_space<vmem_shared>> -> memref<16384x32xf32, #tpu.memory_space<vmem_shared>>
        tpu.enqueue_indirect_dma source(%arg18 : memref<1024x32xf32, #tpu.memory_space<vmem>>) target(%dma_start3A_79 : memref<16384x32xf32, #tpu.memory_space<vmem_shared>>) offsets(%arg14 : memref<1024xi32, #tpu.memory_space<vmem>>) semaphore(%arg26 : memref<!tpu.dma_semaphore, #tpu.memory_space<semaphore_mem>>) {add = true}
        %dma_wait3A_80 = tpu.memref_slice %arg4[%add3A_40] : memref<262144xi32, #tpu.memory_space<hbm>> -> memref<1024xi32, #tpu.memory_space<hbm>>
        %dma_wait3A_81 = tpu.memref_slice %arg4[%add3A_40] : memref<262144xi32, #tpu.memory_space<hbm>> -> memref<1024xi32, #tpu.memory_space<hbm>>
        tpu.wait_dma2 semaphore(%arg21 : memref<!tpu.dma_semaphore, #tpu.memory_space<semaphore_mem>>) src(%dma_wait3A_81 : memref<1024xi32, #tpu.memory_space<hbm>>) dst(%arg11 : memref<1024xi32, #tpu.memory_space<vmem>>)
        %dma_wait3A_82 = tpu.memref_slice %arg5[%add3A_44] : memref<262144xi32, #tpu.memory_space<hbm>> -> memref<1024xi32, #tpu.memory_space<hbm>>
        %dma_wait3A_83 = tpu.memref_slice %arg5[%add3A_44] : memref<262144xi32, #tpu.memory_space<hbm>> -> memref<1024xi32, #tpu.memory_space<hbm>>
        tpu.wait_dma2 semaphore(%arg21 : memref<!tpu.dma_semaphore, #tpu.memory_space<semaphore_mem>>) src(%dma_wait3A_83 : memref<1024xi32, #tpu.memory_space<hbm>>) dst(%arg15 : memref<1024xi32, #tpu.memory_space<vmem>>)
        %dma_wait3A_84 = arith.constant 0 : i32
        %dma_wait3A_85 = arith.constant 0 : i32
        %dma_wait3A_86 = tpu.memref_slice %arg8[%dma_wait3A_84, %dma_wait3A_85] : memref<16384x32xf32, #tpu.memory_space<vmem_shared>> -> memref<16384x32xf32, #tpu.memory_space<vmem_shared>>
        tpu.wait_indirect_dma semaphore(%arg25 : memref<!tpu.dma_semaphore, #tpu.memory_space<semaphore_mem>>) src(%arg17 : memref<1024x32xf32, #tpu.memory_space<vmem>>) dst(%dma_wait3A_86 : memref<16384x32xf32, #tpu.memory_space<vmem_shared>>)
        %dma_start3A_87 = arith.constant 0 : i32
        %dma_start3A_88 = arith.constant 0 : i32
        %dma_start3A_89 = tpu.memref_slice %arg3[%dma_start3A_87, %dma_start3A_88] : memref<16384x32xf32, #tpu.memory_space<hbm>> -> memref<16384x32xf32, #tpu.memory_space<hbm>>
        tpu.enqueue_indirect_dma source(%dma_start3A_89 : memref<16384x32xf32, #tpu.memory_space<hbm>>) target(%arg17 : memref<1024x32xf32, #tpu.memory_space<vmem>>) offsets(%arg11 : memref<1024xi32, #tpu.memory_space<vmem>>) semaphore(%arg23 : memref<!tpu.dma_semaphore, #tpu.memory_space<semaphore_mem>>)
        %dma_wait3A_90 = tpu.memref_slice %arg4[%add3A_48] : memref<262144xi32, #tpu.memory_space<hbm>> -> memref<1024xi32, #tpu.memory_space<hbm>>
        %dma_wait3A_91 = tpu.memref_slice %arg4[%add3A_48] : memref<262144xi32, #tpu.memory_space<hbm>> -> memref<1024xi32, #tpu.memory_space<hbm>>
        tpu.wait_dma2 semaphore(%arg22 : memref<!tpu.dma_semaphore, #tpu.memory_space<semaphore_mem>>) src(%dma_wait3A_91 : memref<1024xi32, #tpu.memory_space<hbm>>) dst(%arg12 : memref<1024xi32, #tpu.memory_space<vmem>>)
        %dma_wait3A_92 = tpu.memref_slice %arg5[%add3A_52] : memref<262144xi32, #tpu.memory_space<hbm>> -> memref<1024xi32, #tpu.memory_space<hbm>>
        %dma_wait3A_93 = tpu.memref_slice %arg5[%add3A_52] : memref<262144xi32, #tpu.memory_space<hbm>> -> memref<1024xi32, #tpu.memory_space<hbm>>
        tpu.wait_dma2 semaphore(%arg22 : memref<!tpu.dma_semaphore, #tpu.memory_space<semaphore_mem>>) src(%dma_wait3A_93 : memref<1024xi32, #tpu.memory_space<hbm>>) dst(%arg16 : memref<1024xi32, #tpu.memory_space<vmem>>)
        %dma_wait3A_94 = arith.constant 0 : i32
        %dma_wait3A_95 = arith.constant 0 : i32
        %dma_wait3A_96 = tpu.memref_slice %arg8[%dma_wait3A_94, %dma_wait3A_95] : memref<16384x32xf32, #tpu.memory_space<vmem_shared>> -> memref<16384x32xf32, #tpu.memory_space<vmem_shared>>
        tpu.wait_indirect_dma semaphore(%arg26 : memref<!tpu.dma_semaphore, #tpu.memory_space<semaphore_mem>>) src(%arg18 : memref<1024x32xf32, #tpu.memory_space<vmem>>) dst(%dma_wait3A_96 : memref<16384x32xf32, #tpu.memory_space<vmem_shared>>)
        %dma_start3A_97 = arith.constant 0 : i32
        %dma_start3A_98 = arith.constant 0 : i32
        %dma_start3A_99 = tpu.memref_slice %arg3[%dma_start3A_97, %dma_start3A_98] : memref<16384x32xf32, #tpu.memory_space<hbm>> -> memref<16384x32xf32, #tpu.memory_space<hbm>>
        tpu.enqueue_indirect_dma source(%dma_start3A_99 : memref<16384x32xf32, #tpu.memory_space<hbm>>) target(%arg18 : memref<1024x32xf32, #tpu.memory_space<vmem>>) offsets(%arg12 : memref<1024xi32, #tpu.memory_space<vmem>>) semaphore(%arg24 : memref<!tpu.dma_semaphore, #tpu.memory_space<semaphore_mem>>)
        %dma_wait3A_100 = arith.constant 0 : i32
        %dma_wait3A_101 = arith.constant 0 : i32
        %dma_wait3A_102 = tpu.memref_slice %arg3[%dma_wait3A_100, %dma_wait3A_101] : memref<16384x32xf32, #tpu.memory_space<hbm>> -> memref<16384x32xf32, #tpu.memory_space<hbm>>
        tpu.wait_indirect_dma semaphore(%arg23 : memref<!tpu.dma_semaphore, #tpu.memory_space<semaphore_mem>>) src(%dma_wait3A_102 : memref<16384x32xf32, #tpu.memory_space<hbm>>) dst(%arg17 : memref<1024x32xf32, #tpu.memory_space<vmem>>)
        %dma_start3A_103 = arith.constant 0 : i32
        %dma_start3A_104 = arith.constant 0 : i32
        %dma_start3A_105 = tpu.memref_slice %arg8[%dma_start3A_103, %dma_start3A_104] : memref<16384x32xf32, #tpu.memory_space<vmem_shared>> -> memref<16384x32xf32, #tpu.memory_space<vmem_shared>>
        tpu.enqueue_indirect_dma source(%arg17 : memref<1024x32xf32, #tpu.memory_space<vmem>>) target(%dma_start3A_105 : memref<16384x32xf32, #tpu.memory_space<vmem_shared>>) offsets(%arg15 : memref<1024xi32, #tpu.memory_space<vmem>>) semaphore(%arg25 : memref<!tpu.dma_semaphore, #tpu.memory_space<semaphore_mem>>) {add = true}
        %dma_wait3A_106 = arith.constant 0 : i32
        %dma_wait3A_107 = arith.constant 0 : i32
        %dma_wait3A_108 = tpu.memref_slice %arg3[%dma_wait3A_106, %dma_wait3A_107] : memref<16384x32xf32, #tpu.memory_space<hbm>> -> memref<16384x32xf32, #tpu.memory_space<hbm>>
        tpu.wait_indirect_dma semaphore(%arg24 : memref<!tpu.dma_semaphore, #tpu.memory_space<semaphore_mem>>) src(%dma_wait3A_108 : memref<16384x32xf32, #tpu.memory_space<hbm>>) dst(%arg18 : memref<1024x32xf32, #tpu.memory_space<vmem>>)
        %dma_start3A_109 = arith.constant 0 : i32
        %dma_start3A_110 = arith.constant 0 : i32
        %dma_start3A_111 = tpu.memref_slice %arg8[%dma_start3A_109, %dma_start3A_110] : memref<16384x32xf32, #tpu.memory_space<vmem_shared>> -> memref<16384x32xf32, #tpu.memory_space<vmem_shared>>
        tpu.enqueue_indirect_dma source(%arg18 : memref<1024x32xf32, #tpu.memory_space<vmem>>) target(%dma_start3A_111 : memref<16384x32xf32, #tpu.memory_space<vmem_shared>>) offsets(%arg16 : memref<1024xi32, #tpu.memory_space<vmem>>) semaphore(%arg26 : memref<!tpu.dma_semaphore, #tpu.memory_space<semaphore_mem>>) {add = true}
        %dma_wait3A_112 = arith.constant 0 : i32
        %dma_wait3A_113 = arith.constant 0 : i32
        %dma_wait3A_114 = tpu.memref_slice %arg8[%dma_wait3A_112, %dma_wait3A_113] : memref<16384x32xf32, #tpu.memory_space<vmem_shared>> -> memref<16384x32xf32, #tpu.memory_space<vmem_shared>>
        tpu.wait_indirect_dma semaphore(%arg25 : memref<!tpu.dma_semaphore, #tpu.memory_space<semaphore_mem>>) src(%arg17 : memref<1024x32xf32, #tpu.memory_space<vmem>>) dst(%dma_wait3A_114 : memref<16384x32xf32, #tpu.memory_space<vmem_shared>>)
        %dma_wait3A_115 = arith.constant 0 : i32
        %dma_wait3A_116 = arith.constant 0 : i32
        %dma_wait3A_117 = tpu.memref_slice %arg8[%dma_wait3A_115, %dma_wait3A_116] : memref<16384x32xf32, #tpu.memory_space<vmem_shared>> -> memref<16384x32xf32, #tpu.memory_space<vmem_shared>>
        tpu.wait_indirect_dma semaphore(%arg26 : memref<!tpu.dma_semaphore, #tpu.memory_space<semaphore_mem>>) src(%arg18 : memref<1024x32xf32, #tpu.memory_space<vmem>>) dst(%dma_wait3A_117 : memref<16384x32xf32, #tpu.memory_space<vmem_shared>>)
      }
      %scan3A_18 = arith.constant 4 : i32
    } else {
    }
    %barrier3A_8 = arith.constant 0 : index
    tpu.barrier barrier_id(%barrier3A_8)
    %mul3A_9 = arith.constant 1024 : i32
    %mul3A_10 = arith.muli %arg1, %mul3A_9 : i32
    %mul3A_11 = arith.constant 1024 : i32
    %mul3A_12 = arith.muli %arg1, %mul3A_11 : i32
    "tpu.region"() ({
      %run_scoped3A = tpu.sem_alloc : memref<!tpu.dma_semaphore, #tpu.memory_space<semaphore_mem>>
      %dma_start3A = arith.constant 0 : i32
      %dma_start3A_13 = tpu.memref_slice %arg7[%arg0, %mul3A_12, %dma_start3A] : memref<2x16384x32xf32, #tpu.memory_space<hbm>> -> memref<1x1024x32xf32, #tpu.memory_space<hbm>>
      %dma_start3A_14 = tpu.memref_squeeze %dma_start3A_13 : memref<1x1024x32xf32, #tpu.memory_space<hbm>> -> memref<1024x32xf32, #tpu.memory_space<hbm>>
      %dma_start3A_15 = arith.constant 0 : i32
      %dma_start3A_16 = tpu.memref_slice %arg8[%mul3A_10, %dma_start3A_15] : memref<16384x32xf32, #tpu.memory_space<vmem_shared>> -> memref<1024x32xf32, #tpu.memory_space<vmem_shared>>
      tpu.enqueue_dma source(%dma_start3A_16 : memref<1024x32xf32, #tpu.memory_space<vmem_shared>>) target(%dma_start3A_14 : memref<1024x32xf32, #tpu.memory_space<hbm>>) target_semaphore(%run_scoped3A : memref<!tpu.dma_semaphore, #tpu.memory_space<semaphore_mem>>)
      %dma_wait3A = arith.constant 0 : i32
      %dma_wait3A_17 = tpu.memref_slice %arg7[%arg0, %mul3A_12, %dma_wait3A] : memref<2x16384x32xf32, #tpu.memory_space<hbm>> -> memref<1x1024x32xf32, #tpu.memory_space<hbm>>
      %dma_wait3A_18 = tpu.memref_squeeze %dma_wait3A_17 : memref<1x1024x32xf32, #tpu.memory_space<hbm>> -> memref<1024x32xf32, #tpu.memory_space<hbm>>
      %dma_wait3A_19 = arith.constant 0 : i32
      %dma_wait3A_20 = tpu.memref_slice %arg8[%mul3A_10, %dma_wait3A_19] : memref<16384x32xf32, #tpu.memory_space<vmem_shared>> -> memref<1024x32xf32, #tpu.memory_space<vmem_shared>>
      tpu.wait_dma2 semaphore(%run_scoped3A : memref<!tpu.dma_semaphore, #tpu.memory_space<semaphore_mem>>) src(%dma_wait3A_20 : memref<1024x32xf32, #tpu.memory_space<vmem_shared>>) dst(%dma_wait3A_18 : memref<1024x32xf32, #tpu.memory_space<hbm>>)
      tpu.yield
    }) : () -> ()
    return
  }
}

#map = affine_map<(d0, d1) -> (0, 0)>
#map1 = affine_map<(d0, d1) -> (0)>
#map2 = affine_map<(d0, d1) -> (0, 0, 0)>
module attributes {stable_mosaic.version = 14 : i64} {
  func.func @k(%arg0: i32, %arg1: i32, %arg2: memref<49152x32xf32, #tpu.memory_space<hbm>>, %arg3: memref<49152x32xf32, #tpu.memory_space<hbm>>, %arg4: memref<786432xi32, #tpu.memory_space<hbm>>, %arg5: memref<786432xi32, #tpu.memory_space<hbm>>, %arg6: memref<3072x32xf32, #tpu.memory_space<hbm>>, %arg7: memref<2x49152x32xf32, #tpu.memory_space<hbm>>, %arg8: memref<49152x32xf32, #tpu.memory_space<vmem_shared>>, %arg9: memref<384xi32, #tpu.memory_space<vmem>>, %arg10: memref<384xi32, #tpu.memory_space<vmem>>, %arg11: memref<384xi32, #tpu.memory_space<vmem>>, %arg12: memref<384xi32, #tpu.memory_space<vmem>>, %arg13: memref<384xi32, #tpu.memory_space<vmem>>, %arg14: memref<384xi32, #tpu.memory_space<vmem>>, %arg15: memref<384xi32, #tpu.memory_space<vmem>>, %arg16: memref<384xi32, #tpu.memory_space<vmem>>, %arg17: memref<384x32xf32, #tpu.memory_space<vmem>>, %arg18: memref<384x32xf32, #tpu.memory_space<vmem>>, %arg19: memref<!tpu.dma_semaphore, #tpu.memory_space<semaphore_mem>>, %arg20: memref<!tpu.dma_semaphore, #tpu.memory_space<semaphore_mem>>, %arg21: memref<!tpu.dma_semaphore, #tpu.memory_space<semaphore_mem>>, %arg22: memref<!tpu.dma_semaphore, #tpu.memory_space<semaphore_mem>>, %arg23: memref<!tpu.dma_semaphore, #tpu.memory_space<semaphore_mem>>, %arg24: memref<!tpu.dma_semaphore, #tpu.memory_space<semaphore_mem>>, %arg25: memref<!tpu.dma_semaphore, #tpu.memory_space<semaphore_mem>>, %arg26: memref<!tpu.dma_semaphore, #tpu.memory_space<semaphore_mem>>) attributes {dimension_semantics = [#tpu.dimension_semantics<core_parallel>, #tpu.dimension_semantics<subcore_parallel>], iteration_bounds = array<i64: 2, 16>, scalar_prefetch = 0 : i64, scratch_operands = 19 : i64, tpu.core_type = #tpu.core_type<sc_vector_subcore>, window_params = [{transform_indices = #map}, {transform_indices = #map}, {transform_indices = #map1}, {transform_indices = #map1}, {transform_indices = #map}, {transform_indices = #map2}]} {
    %mul3A = arith.constant 3072 : i32
    %mul3A_0 = arith.muli %arg1, %mul3A : i32
    "tpu.region"() ({
      %run_scoped3A = tpu.sem_alloc : memref<!tpu.dma_semaphore, #tpu.memory_space<semaphore_mem>>
      %dma_start3A = arith.constant 0 : i32
      %dma_start3A_13 = tpu.memref_slice %arg8[%mul3A_0, %dma_start3A] : memref<49152x32xf32, #tpu.memory_space<vmem_shared>> -> memref<3072x32xf32, #tpu.memory_space<vmem_shared>>
      %dma_start3A_14 = arith.constant 0 : i32
      %dma_start3A_15 = arith.constant 0 : i32
      %dma_start3A_16 = tpu.memref_slice %arg6[%dma_start3A_14, %dma_start3A_15] : memref<3072x32xf32, #tpu.memory_space<hbm>> -> memref<3072x32xf32, #tpu.memory_space<hbm>>
      tpu.enqueue_dma source(%dma_start3A_16 : memref<3072x32xf32, #tpu.memory_space<hbm>>) target(%dma_start3A_13 : memref<3072x32xf32, #tpu.memory_space<vmem_shared>>) target_semaphore(%run_scoped3A : memref<!tpu.dma_semaphore, #tpu.memory_space<semaphore_mem>>)
      %dma_wait3A = arith.constant 0 : i32
      %dma_wait3A_17 = tpu.memref_slice %arg8[%mul3A_0, %dma_wait3A] : memref<49152x32xf32, #tpu.memory_space<vmem_shared>> -> memref<3072x32xf32, #tpu.memory_space<vmem_shared>>
      %dma_wait3A_18 = arith.constant 0 : i32
      %dma_wait3A_19 = arith.constant 0 : i32
      %dma_wait3A_20 = tpu.memref_slice %arg6[%dma_wait3A_18, %dma_wait3A_19] : memref<3072x32xf32, #tpu.memory_space<hbm>> -> memref<3072x32xf32, #tpu.memory_space<hbm>>
      tpu.wait_dma2 semaphore(%run_scoped3A : memref<!tpu.dma_semaphore, #tpu.memory_space<semaphore_mem>>) src(%dma_wait3A_20 : memref<3072x32xf32, #tpu.memory_space<hbm>>) dst(%dma_wait3A_17 : memref<3072x32xf32, #tpu.memory_space<vmem_shared>>)
      tpu.yield
    }) : () -> ()
    %barrier3A = arith.constant 0 : index
    tpu.barrier barrier_id(%barrier3A)
    %eq3A = arith.constant 0 : i32
    %eq3A_1 = arith.cmpi eq, %arg0, %eq3A : i32
    %convert_element_type3A = arith.extui %eq3A_1 : i1 to i32
    %cond3A = arith.constant 0 : i32
    %cond3A_2 = arith.cmpi ne, %convert_element_type3A, %cond3A : i32
    scf.if %cond3A_2 {
      %mul3A_13 = arith.constant 16 : i32
      %mul3A_14 = arith.muli %arg0, %mul3A_13 : i32
      %add3A = arith.addi %mul3A_14, %arg1 : i32
      %mul3A_15 = arith.constant 24576 : i32
      %mul3A_16 = arith.muli %add3A, %mul3A_15 : i32
      %scan3A = arith.constant 0 : i32
      %scan3A_17 = arith.constant 16 : i32
      %scan3A_18 = arith.addi %scan3A, %scan3A_17 : i32
      %scan3A_19 = arith.constant 1 : i32
      scf.for %scan3A_21 = %scan3A to %scan3A_18 step %scan3A_19  : i32 {
        %mul3A_22 = arith.constant 4 : i32
        %mul3A_23 = arith.muli %mul3A_22, %scan3A_21 : i32
        %mul3A_24 = arith.constant 384 : i32
        %mul3A_25 = arith.muli %mul3A_23, %mul3A_24 : i32
        %add3A_26 = arith.addi %mul3A_16, %mul3A_25 : i32
        %add3A_27 = arith.constant 0 : i32
        %add3A_28 = arith.addi %add3A_26, %add3A_27 : i32
        %dma_start3A = tpu.memref_slice %arg4[%add3A_28] : memref<786432xi32, #tpu.memory_space<hbm>> -> memref<384xi32, #tpu.memory_space<hbm>>
        %dma_start3A_29 = tpu.memref_slice %arg4[%add3A_28] : memref<786432xi32, #tpu.memory_space<hbm>> -> memref<384xi32, #tpu.memory_space<hbm>>
        tpu.enqueue_dma source(%dma_start3A_29 : memref<384xi32, #tpu.memory_space<hbm>>) target(%arg9 : memref<384xi32, #tpu.memory_space<vmem>>) target_semaphore(%arg19 : memref<!tpu.dma_semaphore, #tpu.memory_space<semaphore_mem>>)
        %add3A_30 = arith.constant 0 : i32
        %add3A_31 = arith.addi %add3A_26, %add3A_30 : i32
        %dma_start3A_32 = tpu.memref_slice %arg5[%add3A_31] : memref<786432xi32, #tpu.memory_space<hbm>> -> memref<384xi32, #tpu.memory_space<hbm>>
        %dma_start3A_33 = tpu.memref_slice %arg5[%add3A_31] : memref<786432xi32, #tpu.memory_space<hbm>> -> memref<384xi32, #tpu.memory_space<hbm>>
        tpu.enqueue_dma source(%dma_start3A_33 : memref<384xi32, #tpu.memory_space<hbm>>) target(%arg13 : memref<384xi32, #tpu.memory_space<vmem>>) target_semaphore(%arg19 : memref<!tpu.dma_semaphore, #tpu.memory_space<semaphore_mem>>)
        %add3A_34 = arith.constant 384 : i32
        %add3A_35 = arith.addi %add3A_26, %add3A_34 : i32
        %dma_start3A_36 = tpu.memref_slice %arg4[%add3A_35] : memref<786432xi32, #tpu.memory_space<hbm>> -> memref<384xi32, #tpu.memory_space<hbm>>
        %dma_start3A_37 = tpu.memref_slice %arg4[%add3A_35] : memref<786432xi32, #tpu.memory_space<hbm>> -> memref<384xi32, #tpu.memory_space<hbm>>
        tpu.enqueue_dma source(%dma_start3A_37 : memref<384xi32, #tpu.memory_space<hbm>>) target(%arg10 : memref<384xi32, #tpu.memory_space<vmem>>) target_semaphore(%arg20 : memref<!tpu.dma_semaphore, #tpu.memory_space<semaphore_mem>>)
        %add3A_38 = arith.constant 384 : i32
        %add3A_39 = arith.addi %add3A_26, %add3A_38 : i32
        %dma_start3A_40 = tpu.memref_slice %arg5[%add3A_39] : memref<786432xi32, #tpu.memory_space<hbm>> -> memref<384xi32, #tpu.memory_space<hbm>>
        %dma_start3A_41 = tpu.memref_slice %arg5[%add3A_39] : memref<786432xi32, #tpu.memory_space<hbm>> -> memref<384xi32, #tpu.memory_space<hbm>>
        tpu.enqueue_dma source(%dma_start3A_41 : memref<384xi32, #tpu.memory_space<hbm>>) target(%arg14 : memref<384xi32, #tpu.memory_space<vmem>>) target_semaphore(%arg20 : memref<!tpu.dma_semaphore, #tpu.memory_space<semaphore_mem>>)
        %add3A_42 = arith.constant 768 : i32
        %add3A_43 = arith.addi %add3A_26, %add3A_42 : i32
        %dma_start3A_44 = tpu.memref_slice %arg4[%add3A_43] : memref<786432xi32, #tpu.memory_space<hbm>> -> memref<384xi32, #tpu.memory_space<hbm>>
        %dma_start3A_45 = tpu.memref_slice %arg4[%add3A_43] : memref<786432xi32, #tpu.memory_space<hbm>> -> memref<384xi32, #tpu.memory_space<hbm>>
        tpu.enqueue_dma source(%dma_start3A_45 : memref<384xi32, #tpu.memory_space<hbm>>) target(%arg11 : memref<384xi32, #tpu.memory_space<vmem>>) target_semaphore(%arg21 : memref<!tpu.dma_semaphore, #tpu.memory_space<semaphore_mem>>)
        %add3A_46 = arith.constant 768 : i32
        %add3A_47 = arith.addi %add3A_26, %add3A_46 : i32
        %dma_start3A_48 = tpu.memref_slice %arg5[%add3A_47] : memref<786432xi32, #tpu.memory_space<hbm>> -> memref<384xi32, #tpu.memory_space<hbm>>
        %dma_start3A_49 = tpu.memref_slice %arg5[%add3A_47] : memref<786432xi32, #tpu.memory_space<hbm>> -> memref<384xi32, #tpu.memory_space<hbm>>
        tpu.enqueue_dma source(%dma_start3A_49 : memref<384xi32, #tpu.memory_space<hbm>>) target(%arg15 : memref<384xi32, #tpu.memory_space<vmem>>) target_semaphore(%arg21 : memref<!tpu.dma_semaphore, #tpu.memory_space<semaphore_mem>>)
        %add3A_50 = arith.constant 1152 : i32
        %add3A_51 = arith.addi %add3A_26, %add3A_50 : i32
        %dma_start3A_52 = tpu.memref_slice %arg4[%add3A_51] : memref<786432xi32, #tpu.memory_space<hbm>> -> memref<384xi32, #tpu.memory_space<hbm>>
        %dma_start3A_53 = tpu.memref_slice %arg4[%add3A_51] : memref<786432xi32, #tpu.memory_space<hbm>> -> memref<384xi32, #tpu.memory_space<hbm>>
        tpu.enqueue_dma source(%dma_start3A_53 : memref<384xi32, #tpu.memory_space<hbm>>) target(%arg12 : memref<384xi32, #tpu.memory_space<vmem>>) target_semaphore(%arg22 : memref<!tpu.dma_semaphore, #tpu.memory_space<semaphore_mem>>)
        %add3A_54 = arith.constant 1152 : i32
        %add3A_55 = arith.addi %add3A_26, %add3A_54 : i32
        %dma_start3A_56 = tpu.memref_slice %arg5[%add3A_55] : memref<786432xi32, #tpu.memory_space<hbm>> -> memref<384xi32, #tpu.memory_space<hbm>>
        %dma_start3A_57 = tpu.memref_slice %arg5[%add3A_55] : memref<786432xi32, #tpu.memory_space<hbm>> -> memref<384xi32, #tpu.memory_space<hbm>>
        tpu.enqueue_dma source(%dma_start3A_57 : memref<384xi32, #tpu.memory_space<hbm>>) target(%arg16 : memref<384xi32, #tpu.memory_space<vmem>>) target_semaphore(%arg22 : memref<!tpu.dma_semaphore, #tpu.memory_space<semaphore_mem>>)
        %dma_wait3A = tpu.memref_slice %arg4[%add3A_28] : memref<786432xi32, #tpu.memory_space<hbm>> -> memref<384xi32, #tpu.memory_space<hbm>>
        %dma_wait3A_58 = tpu.memref_slice %arg4[%add3A_28] : memref<786432xi32, #tpu.memory_space<hbm>> -> memref<384xi32, #tpu.memory_space<hbm>>
        tpu.wait_dma2 semaphore(%arg19 : memref<!tpu.dma_semaphore, #tpu.memory_space<semaphore_mem>>) src(%dma_wait3A_58 : memref<384xi32, #tpu.memory_space<hbm>>) dst(%arg9 : memref<384xi32, #tpu.memory_space<vmem>>)
        %dma_wait3A_59 = tpu.memref_slice %arg5[%add3A_31] : memref<786432xi32, #tpu.memory_space<hbm>> -> memref<384xi32, #tpu.memory_space<hbm>>
        %dma_wait3A_60 = tpu.memref_slice %arg5[%add3A_31] : memref<786432xi32, #tpu.memory_space<hbm>> -> memref<384xi32, #tpu.memory_space<hbm>>
        tpu.wait_dma2 semaphore(%arg19 : memref<!tpu.dma_semaphore, #tpu.memory_space<semaphore_mem>>) src(%dma_wait3A_60 : memref<384xi32, #tpu.memory_space<hbm>>) dst(%arg13 : memref<384xi32, #tpu.memory_space<vmem>>)
        %dma_start3A_61 = arith.constant 0 : i32
        %dma_start3A_62 = arith.constant 0 : i32
        %dma_start3A_63 = tpu.memref_slice %arg2[%dma_start3A_61, %dma_start3A_62] : memref<49152x32xf32, #tpu.memory_space<hbm>> -> memref<49152x32xf32, #tpu.memory_space<hbm>>
        tpu.enqueue_indirect_dma source(%dma_start3A_63 : memref<49152x32xf32, #tpu.memory_space<hbm>>) target(%arg17 : memref<384x32xf32, #tpu.memory_space<vmem>>) offsets(%arg9 : memref<384xi32, #tpu.memory_space<vmem>>) semaphore(%arg23 : memref<!tpu.dma_semaphore, #tpu.memory_space<semaphore_mem>>)
        %dma_wait3A_64 = tpu.memref_slice %arg4[%add3A_35] : memref<786432xi32, #tpu.memory_space<hbm>> -> memref<384xi32, #tpu.memory_space<hbm>>
        %dma_wait3A_65 = tpu.memref_slice %arg4[%add3A_35] : memref<786432xi32, #tpu.memory_space<hbm>> -> memref<384xi32, #tpu.memory_space<hbm>>
        tpu.wait_dma2 semaphore(%arg20 : memref<!tpu.dma_semaphore, #tpu.memory_space<semaphore_mem>>) src(%dma_wait3A_65 : memref<384xi32, #tpu.memory_space<hbm>>) dst(%arg10 : memref<384xi32, #tpu.memory_space<vmem>>)
        %dma_wait3A_66 = tpu.memref_slice %arg5[%add3A_39] : memref<786432xi32, #tpu.memory_space<hbm>> -> memref<384xi32, #tpu.memory_space<hbm>>
        %dma_wait3A_67 = tpu.memref_slice %arg5[%add3A_39] : memref<786432xi32, #tpu.memory_space<hbm>> -> memref<384xi32, #tpu.memory_space<hbm>>
        tpu.wait_dma2 semaphore(%arg20 : memref<!tpu.dma_semaphore, #tpu.memory_space<semaphore_mem>>) src(%dma_wait3A_67 : memref<384xi32, #tpu.memory_space<hbm>>) dst(%arg14 : memref<384xi32, #tpu.memory_space<vmem>>)
        %dma_start3A_68 = arith.constant 0 : i32
        %dma_start3A_69 = arith.constant 0 : i32
        %dma_start3A_70 = tpu.memref_slice %arg2[%dma_start3A_68, %dma_start3A_69] : memref<49152x32xf32, #tpu.memory_space<hbm>> -> memref<49152x32xf32, #tpu.memory_space<hbm>>
        tpu.enqueue_indirect_dma source(%dma_start3A_70 : memref<49152x32xf32, #tpu.memory_space<hbm>>) target(%arg18 : memref<384x32xf32, #tpu.memory_space<vmem>>) offsets(%arg10 : memref<384xi32, #tpu.memory_space<vmem>>) semaphore(%arg24 : memref<!tpu.dma_semaphore, #tpu.memory_space<semaphore_mem>>)
        %dma_wait3A_71 = arith.constant 0 : i32
        %dma_wait3A_72 = arith.constant 0 : i32
        %dma_wait3A_73 = tpu.memref_slice %arg2[%dma_wait3A_71, %dma_wait3A_72] : memref<49152x32xf32, #tpu.memory_space<hbm>> -> memref<49152x32xf32, #tpu.memory_space<hbm>>
        tpu.wait_indirect_dma semaphore(%arg23 : memref<!tpu.dma_semaphore, #tpu.memory_space<semaphore_mem>>) src(%dma_wait3A_73 : memref<49152x32xf32, #tpu.memory_space<hbm>>) dst(%arg17 : memref<384x32xf32, #tpu.memory_space<vmem>>)
        %dma_start3A_74 = arith.constant 0 : i32
        %dma_start3A_75 = arith.constant 0 : i32
        %dma_start3A_76 = tpu.memref_slice %arg8[%dma_start3A_74, %dma_start3A_75] : memref<49152x32xf32, #tpu.memory_space<vmem_shared>> -> memref<49152x32xf32, #tpu.memory_space<vmem_shared>>
        tpu.enqueue_indirect_dma source(%arg17 : memref<384x32xf32, #tpu.memory_space<vmem>>) target(%dma_start3A_76 : memref<49152x32xf32, #tpu.memory_space<vmem_shared>>) offsets(%arg13 : memref<384xi32, #tpu.memory_space<vmem>>) semaphore(%arg25 : memref<!tpu.dma_semaphore, #tpu.memory_space<semaphore_mem>>) {add = true}
        %dma_wait3A_77 = arith.constant 0 : i32
        %dma_wait3A_78 = arith.constant 0 : i32
        %dma_wait3A_79 = tpu.memref_slice %arg2[%dma_wait3A_77, %dma_wait3A_78] : memref<49152x32xf32, #tpu.memory_space<hbm>> -> memref<49152x32xf32, #tpu.memory_space<hbm>>
        tpu.wait_indirect_dma semaphore(%arg24 : memref<!tpu.dma_semaphore, #tpu.memory_space<semaphore_mem>>) src(%dma_wait3A_79 : memref<49152x32xf32, #tpu.memory_space<hbm>>) dst(%arg18 : memref<384x32xf32, #tpu.memory_space<vmem>>)
        %dma_start3A_80 = arith.constant 0 : i32
        %dma_start3A_81 = arith.constant 0 : i32
        %dma_start3A_82 = tpu.memref_slice %arg8[%dma_start3A_80, %dma_start3A_81] : memref<49152x32xf32, #tpu.memory_space<vmem_shared>> -> memref<49152x32xf32, #tpu.memory_space<vmem_shared>>
        tpu.enqueue_indirect_dma source(%arg18 : memref<384x32xf32, #tpu.memory_space<vmem>>) target(%dma_start3A_82 : memref<49152x32xf32, #tpu.memory_space<vmem_shared>>) offsets(%arg14 : memref<384xi32, #tpu.memory_space<vmem>>) semaphore(%arg26 : memref<!tpu.dma_semaphore, #tpu.memory_space<semaphore_mem>>) {add = true}
        %dma_wait3A_83 = tpu.memref_slice %arg4[%add3A_43] : memref<786432xi32, #tpu.memory_space<hbm>> -> memref<384xi32, #tpu.memory_space<hbm>>
        %dma_wait3A_84 = tpu.memref_slice %arg4[%add3A_43] : memref<786432xi32, #tpu.memory_space<hbm>> -> memref<384xi32, #tpu.memory_space<hbm>>
        tpu.wait_dma2 semaphore(%arg21 : memref<!tpu.dma_semaphore, #tpu.memory_space<semaphore_mem>>) src(%dma_wait3A_84 : memref<384xi32, #tpu.memory_space<hbm>>) dst(%arg11 : memref<384xi32, #tpu.memory_space<vmem>>)
        %dma_wait3A_85 = tpu.memref_slice %arg5[%add3A_47] : memref<786432xi32, #tpu.memory_space<hbm>> -> memref<384xi32, #tpu.memory_space<hbm>>
        %dma_wait3A_86 = tpu.memref_slice %arg5[%add3A_47] : memref<786432xi32, #tpu.memory_space<hbm>> -> memref<384xi32, #tpu.memory_space<hbm>>
        tpu.wait_dma2 semaphore(%arg21 : memref<!tpu.dma_semaphore, #tpu.memory_space<semaphore_mem>>) src(%dma_wait3A_86 : memref<384xi32, #tpu.memory_space<hbm>>) dst(%arg15 : memref<384xi32, #tpu.memory_space<vmem>>)
        %dma_wait3A_87 = arith.constant 0 : i32
        %dma_wait3A_88 = arith.constant 0 : i32
        %dma_wait3A_89 = tpu.memref_slice %arg8[%dma_wait3A_87, %dma_wait3A_88] : memref<49152x32xf32, #tpu.memory_space<vmem_shared>> -> memref<49152x32xf32, #tpu.memory_space<vmem_shared>>
        tpu.wait_indirect_dma semaphore(%arg25 : memref<!tpu.dma_semaphore, #tpu.memory_space<semaphore_mem>>) src(%arg17 : memref<384x32xf32, #tpu.memory_space<vmem>>) dst(%dma_wait3A_89 : memref<49152x32xf32, #tpu.memory_space<vmem_shared>>)
        %dma_start3A_90 = arith.constant 0 : i32
        %dma_start3A_91 = arith.constant 0 : i32
        %dma_start3A_92 = tpu.memref_slice %arg2[%dma_start3A_90, %dma_start3A_91] : memref<49152x32xf32, #tpu.memory_space<hbm>> -> memref<49152x32xf32, #tpu.memory_space<hbm>>
        tpu.enqueue_indirect_dma source(%dma_start3A_92 : memref<49152x32xf32, #tpu.memory_space<hbm>>) target(%arg17 : memref<384x32xf32, #tpu.memory_space<vmem>>) offsets(%arg11 : memref<384xi32, #tpu.memory_space<vmem>>) semaphore(%arg23 : memref<!tpu.dma_semaphore, #tpu.memory_space<semaphore_mem>>)
        %dma_wait3A_93 = tpu.memref_slice %arg4[%add3A_51] : memref<786432xi32, #tpu.memory_space<hbm>> -> memref<384xi32, #tpu.memory_space<hbm>>
        %dma_wait3A_94 = tpu.memref_slice %arg4[%add3A_51] : memref<786432xi32, #tpu.memory_space<hbm>> -> memref<384xi32, #tpu.memory_space<hbm>>
        tpu.wait_dma2 semaphore(%arg22 : memref<!tpu.dma_semaphore, #tpu.memory_space<semaphore_mem>>) src(%dma_wait3A_94 : memref<384xi32, #tpu.memory_space<hbm>>) dst(%arg12 : memref<384xi32, #tpu.memory_space<vmem>>)
        %dma_wait3A_95 = tpu.memref_slice %arg5[%add3A_55] : memref<786432xi32, #tpu.memory_space<hbm>> -> memref<384xi32, #tpu.memory_space<hbm>>
        %dma_wait3A_96 = tpu.memref_slice %arg5[%add3A_55] : memref<786432xi32, #tpu.memory_space<hbm>> -> memref<384xi32, #tpu.memory_space<hbm>>
        tpu.wait_dma2 semaphore(%arg22 : memref<!tpu.dma_semaphore, #tpu.memory_space<semaphore_mem>>) src(%dma_wait3A_96 : memref<384xi32, #tpu.memory_space<hbm>>) dst(%arg16 : memref<384xi32, #tpu.memory_space<vmem>>)
        %dma_wait3A_97 = arith.constant 0 : i32
        %dma_wait3A_98 = arith.constant 0 : i32
        %dma_wait3A_99 = tpu.memref_slice %arg8[%dma_wait3A_97, %dma_wait3A_98] : memref<49152x32xf32, #tpu.memory_space<vmem_shared>> -> memref<49152x32xf32, #tpu.memory_space<vmem_shared>>
        tpu.wait_indirect_dma semaphore(%arg26 : memref<!tpu.dma_semaphore, #tpu.memory_space<semaphore_mem>>) src(%arg18 : memref<384x32xf32, #tpu.memory_space<vmem>>) dst(%dma_wait3A_99 : memref<49152x32xf32, #tpu.memory_space<vmem_shared>>)
        %dma_start3A_100 = arith.constant 0 : i32
        %dma_start3A_101 = arith.constant 0 : i32
        %dma_start3A_102 = tpu.memref_slice %arg2[%dma_start3A_100, %dma_start3A_101] : memref<49152x32xf32, #tpu.memory_space<hbm>> -> memref<49152x32xf32, #tpu.memory_space<hbm>>
        tpu.enqueue_indirect_dma source(%dma_start3A_102 : memref<49152x32xf32, #tpu.memory_space<hbm>>) target(%arg18 : memref<384x32xf32, #tpu.memory_space<vmem>>) offsets(%arg12 : memref<384xi32, #tpu.memory_space<vmem>>) semaphore(%arg24 : memref<!tpu.dma_semaphore, #tpu.memory_space<semaphore_mem>>)
        %dma_wait3A_103 = arith.constant 0 : i32
        %dma_wait3A_104 = arith.constant 0 : i32
        %dma_wait3A_105 = tpu.memref_slice %arg2[%dma_wait3A_103, %dma_wait3A_104] : memref<49152x32xf32, #tpu.memory_space<hbm>> -> memref<49152x32xf32, #tpu.memory_space<hbm>>
        tpu.wait_indirect_dma semaphore(%arg23 : memref<!tpu.dma_semaphore, #tpu.memory_space<semaphore_mem>>) src(%dma_wait3A_105 : memref<49152x32xf32, #tpu.memory_space<hbm>>) dst(%arg17 : memref<384x32xf32, #tpu.memory_space<vmem>>)
        %dma_start3A_106 = arith.constant 0 : i32
        %dma_start3A_107 = arith.constant 0 : i32
        %dma_start3A_108 = tpu.memref_slice %arg8[%dma_start3A_106, %dma_start3A_107] : memref<49152x32xf32, #tpu.memory_space<vmem_shared>> -> memref<49152x32xf32, #tpu.memory_space<vmem_shared>>
        tpu.enqueue_indirect_dma source(%arg17 : memref<384x32xf32, #tpu.memory_space<vmem>>) target(%dma_start3A_108 : memref<49152x32xf32, #tpu.memory_space<vmem_shared>>) offsets(%arg15 : memref<384xi32, #tpu.memory_space<vmem>>) semaphore(%arg25 : memref<!tpu.dma_semaphore, #tpu.memory_space<semaphore_mem>>) {add = true}
        %dma_wait3A_109 = arith.constant 0 : i32
        %dma_wait3A_110 = arith.constant 0 : i32
        %dma_wait3A_111 = tpu.memref_slice %arg2[%dma_wait3A_109, %dma_wait3A_110] : memref<49152x32xf32, #tpu.memory_space<hbm>> -> memref<49152x32xf32, #tpu.memory_space<hbm>>
        tpu.wait_indirect_dma semaphore(%arg24 : memref<!tpu.dma_semaphore, #tpu.memory_space<semaphore_mem>>) src(%dma_wait3A_111 : memref<49152x32xf32, #tpu.memory_space<hbm>>) dst(%arg18 : memref<384x32xf32, #tpu.memory_space<vmem>>)
        %dma_start3A_112 = arith.constant 0 : i32
        %dma_start3A_113 = arith.constant 0 : i32
        %dma_start3A_114 = tpu.memref_slice %arg8[%dma_start3A_112, %dma_start3A_113] : memref<49152x32xf32, #tpu.memory_space<vmem_shared>> -> memref<49152x32xf32, #tpu.memory_space<vmem_shared>>
        tpu.enqueue_indirect_dma source(%arg18 : memref<384x32xf32, #tpu.memory_space<vmem>>) target(%dma_start3A_114 : memref<49152x32xf32, #tpu.memory_space<vmem_shared>>) offsets(%arg16 : memref<384xi32, #tpu.memory_space<vmem>>) semaphore(%arg26 : memref<!tpu.dma_semaphore, #tpu.memory_space<semaphore_mem>>) {add = true}
        %dma_wait3A_115 = arith.constant 0 : i32
        %dma_wait3A_116 = arith.constant 0 : i32
        %dma_wait3A_117 = tpu.memref_slice %arg8[%dma_wait3A_115, %dma_wait3A_116] : memref<49152x32xf32, #tpu.memory_space<vmem_shared>> -> memref<49152x32xf32, #tpu.memory_space<vmem_shared>>
        tpu.wait_indirect_dma semaphore(%arg25 : memref<!tpu.dma_semaphore, #tpu.memory_space<semaphore_mem>>) src(%arg17 : memref<384x32xf32, #tpu.memory_space<vmem>>) dst(%dma_wait3A_117 : memref<49152x32xf32, #tpu.memory_space<vmem_shared>>)
        %dma_wait3A_118 = arith.constant 0 : i32
        %dma_wait3A_119 = arith.constant 0 : i32
        %dma_wait3A_120 = tpu.memref_slice %arg8[%dma_wait3A_118, %dma_wait3A_119] : memref<49152x32xf32, #tpu.memory_space<vmem_shared>> -> memref<49152x32xf32, #tpu.memory_space<vmem_shared>>
        tpu.wait_indirect_dma semaphore(%arg26 : memref<!tpu.dma_semaphore, #tpu.memory_space<semaphore_mem>>) src(%arg18 : memref<384x32xf32, #tpu.memory_space<vmem>>) dst(%dma_wait3A_120 : memref<49152x32xf32, #tpu.memory_space<vmem_shared>>)
      }
      %scan3A_20 = arith.constant 16 : i32
    } else {
    }
    %eq3A_3 = arith.constant 1 : i32
    %eq3A_4 = arith.cmpi eq, %arg0, %eq3A_3 : i32
    %convert_element_type3A_5 = arith.extui %eq3A_4 : i1 to i32
    %cond3A_6 = arith.constant 0 : i32
    %cond3A_7 = arith.cmpi ne, %convert_element_type3A_5, %cond3A_6 : i32
    scf.if %cond3A_7 {
      %mul3A_13 = arith.constant 16 : i32
      %mul3A_14 = arith.muli %arg0, %mul3A_13 : i32
      %add3A = arith.addi %mul3A_14, %arg1 : i32
      %mul3A_15 = arith.constant 24576 : i32
      %mul3A_16 = arith.muli %add3A, %mul3A_15 : i32
      %scan3A = arith.constant 0 : i32
      %scan3A_17 = arith.constant 16 : i32
      %scan3A_18 = arith.addi %scan3A, %scan3A_17 : i32
      %scan3A_19 = arith.constant 1 : i32
      scf.for %scan3A_21 = %scan3A to %scan3A_18 step %scan3A_19  : i32 {
        %mul3A_22 = arith.constant 4 : i32
        %mul3A_23 = arith.muli %mul3A_22, %scan3A_21 : i32
        %mul3A_24 = arith.constant 384 : i32
        %mul3A_25 = arith.muli %mul3A_23, %mul3A_24 : i32
        %add3A_26 = arith.addi %mul3A_16, %mul3A_25 : i32
        %add3A_27 = arith.constant 0 : i32
        %add3A_28 = arith.addi %add3A_26, %add3A_27 : i32
        %dma_start3A = tpu.memref_slice %arg4[%add3A_28] : memref<786432xi32, #tpu.memory_space<hbm>> -> memref<384xi32, #tpu.memory_space<hbm>>
        %dma_start3A_29 = tpu.memref_slice %arg4[%add3A_28] : memref<786432xi32, #tpu.memory_space<hbm>> -> memref<384xi32, #tpu.memory_space<hbm>>
        tpu.enqueue_dma source(%dma_start3A_29 : memref<384xi32, #tpu.memory_space<hbm>>) target(%arg9 : memref<384xi32, #tpu.memory_space<vmem>>) target_semaphore(%arg19 : memref<!tpu.dma_semaphore, #tpu.memory_space<semaphore_mem>>)
        %add3A_30 = arith.constant 0 : i32
        %add3A_31 = arith.addi %add3A_26, %add3A_30 : i32
        %dma_start3A_32 = tpu.memref_slice %arg5[%add3A_31] : memref<786432xi32, #tpu.memory_space<hbm>> -> memref<384xi32, #tpu.memory_space<hbm>>
        %dma_start3A_33 = tpu.memref_slice %arg5[%add3A_31] : memref<786432xi32, #tpu.memory_space<hbm>> -> memref<384xi32, #tpu.memory_space<hbm>>
        tpu.enqueue_dma source(%dma_start3A_33 : memref<384xi32, #tpu.memory_space<hbm>>) target(%arg13 : memref<384xi32, #tpu.memory_space<vmem>>) target_semaphore(%arg19 : memref<!tpu.dma_semaphore, #tpu.memory_space<semaphore_mem>>)
        %add3A_34 = arith.constant 384 : i32
        %add3A_35 = arith.addi %add3A_26, %add3A_34 : i32
        %dma_start3A_36 = tpu.memref_slice %arg4[%add3A_35] : memref<786432xi32, #tpu.memory_space<hbm>> -> memref<384xi32, #tpu.memory_space<hbm>>
        %dma_start3A_37 = tpu.memref_slice %arg4[%add3A_35] : memref<786432xi32, #tpu.memory_space<hbm>> -> memref<384xi32, #tpu.memory_space<hbm>>
        tpu.enqueue_dma source(%dma_start3A_37 : memref<384xi32, #tpu.memory_space<hbm>>) target(%arg10 : memref<384xi32, #tpu.memory_space<vmem>>) target_semaphore(%arg20 : memref<!tpu.dma_semaphore, #tpu.memory_space<semaphore_mem>>)
        %add3A_38 = arith.constant 384 : i32
        %add3A_39 = arith.addi %add3A_26, %add3A_38 : i32
        %dma_start3A_40 = tpu.memref_slice %arg5[%add3A_39] : memref<786432xi32, #tpu.memory_space<hbm>> -> memref<384xi32, #tpu.memory_space<hbm>>
        %dma_start3A_41 = tpu.memref_slice %arg5[%add3A_39] : memref<786432xi32, #tpu.memory_space<hbm>> -> memref<384xi32, #tpu.memory_space<hbm>>
        tpu.enqueue_dma source(%dma_start3A_41 : memref<384xi32, #tpu.memory_space<hbm>>) target(%arg14 : memref<384xi32, #tpu.memory_space<vmem>>) target_semaphore(%arg20 : memref<!tpu.dma_semaphore, #tpu.memory_space<semaphore_mem>>)
        %add3A_42 = arith.constant 768 : i32
        %add3A_43 = arith.addi %add3A_26, %add3A_42 : i32
        %dma_start3A_44 = tpu.memref_slice %arg4[%add3A_43] : memref<786432xi32, #tpu.memory_space<hbm>> -> memref<384xi32, #tpu.memory_space<hbm>>
        %dma_start3A_45 = tpu.memref_slice %arg4[%add3A_43] : memref<786432xi32, #tpu.memory_space<hbm>> -> memref<384xi32, #tpu.memory_space<hbm>>
        tpu.enqueue_dma source(%dma_start3A_45 : memref<384xi32, #tpu.memory_space<hbm>>) target(%arg11 : memref<384xi32, #tpu.memory_space<vmem>>) target_semaphore(%arg21 : memref<!tpu.dma_semaphore, #tpu.memory_space<semaphore_mem>>)
        %add3A_46 = arith.constant 768 : i32
        %add3A_47 = arith.addi %add3A_26, %add3A_46 : i32
        %dma_start3A_48 = tpu.memref_slice %arg5[%add3A_47] : memref<786432xi32, #tpu.memory_space<hbm>> -> memref<384xi32, #tpu.memory_space<hbm>>
        %dma_start3A_49 = tpu.memref_slice %arg5[%add3A_47] : memref<786432xi32, #tpu.memory_space<hbm>> -> memref<384xi32, #tpu.memory_space<hbm>>
        tpu.enqueue_dma source(%dma_start3A_49 : memref<384xi32, #tpu.memory_space<hbm>>) target(%arg15 : memref<384xi32, #tpu.memory_space<vmem>>) target_semaphore(%arg21 : memref<!tpu.dma_semaphore, #tpu.memory_space<semaphore_mem>>)
        %add3A_50 = arith.constant 1152 : i32
        %add3A_51 = arith.addi %add3A_26, %add3A_50 : i32
        %dma_start3A_52 = tpu.memref_slice %arg4[%add3A_51] : memref<786432xi32, #tpu.memory_space<hbm>> -> memref<384xi32, #tpu.memory_space<hbm>>
        %dma_start3A_53 = tpu.memref_slice %arg4[%add3A_51] : memref<786432xi32, #tpu.memory_space<hbm>> -> memref<384xi32, #tpu.memory_space<hbm>>
        tpu.enqueue_dma source(%dma_start3A_53 : memref<384xi32, #tpu.memory_space<hbm>>) target(%arg12 : memref<384xi32, #tpu.memory_space<vmem>>) target_semaphore(%arg22 : memref<!tpu.dma_semaphore, #tpu.memory_space<semaphore_mem>>)
        %add3A_54 = arith.constant 1152 : i32
        %add3A_55 = arith.addi %add3A_26, %add3A_54 : i32
        %dma_start3A_56 = tpu.memref_slice %arg5[%add3A_55] : memref<786432xi32, #tpu.memory_space<hbm>> -> memref<384xi32, #tpu.memory_space<hbm>>
        %dma_start3A_57 = tpu.memref_slice %arg5[%add3A_55] : memref<786432xi32, #tpu.memory_space<hbm>> -> memref<384xi32, #tpu.memory_space<hbm>>
        tpu.enqueue_dma source(%dma_start3A_57 : memref<384xi32, #tpu.memory_space<hbm>>) target(%arg16 : memref<384xi32, #tpu.memory_space<vmem>>) target_semaphore(%arg22 : memref<!tpu.dma_semaphore, #tpu.memory_space<semaphore_mem>>)
        %dma_wait3A = tpu.memref_slice %arg4[%add3A_28] : memref<786432xi32, #tpu.memory_space<hbm>> -> memref<384xi32, #tpu.memory_space<hbm>>
        %dma_wait3A_58 = tpu.memref_slice %arg4[%add3A_28] : memref<786432xi32, #tpu.memory_space<hbm>> -> memref<384xi32, #tpu.memory_space<hbm>>
        tpu.wait_dma2 semaphore(%arg19 : memref<!tpu.dma_semaphore, #tpu.memory_space<semaphore_mem>>) src(%dma_wait3A_58 : memref<384xi32, #tpu.memory_space<hbm>>) dst(%arg9 : memref<384xi32, #tpu.memory_space<vmem>>)
        %dma_wait3A_59 = tpu.memref_slice %arg5[%add3A_31] : memref<786432xi32, #tpu.memory_space<hbm>> -> memref<384xi32, #tpu.memory_space<hbm>>
        %dma_wait3A_60 = tpu.memref_slice %arg5[%add3A_31] : memref<786432xi32, #tpu.memory_space<hbm>> -> memref<384xi32, #tpu.memory_space<hbm>>
        tpu.wait_dma2 semaphore(%arg19 : memref<!tpu.dma_semaphore, #tpu.memory_space<semaphore_mem>>) src(%dma_wait3A_60 : memref<384xi32, #tpu.memory_space<hbm>>) dst(%arg13 : memref<384xi32, #tpu.memory_space<vmem>>)
        %dma_start3A_61 = arith.constant 0 : i32
        %dma_start3A_62 = arith.constant 0 : i32
        %dma_start3A_63 = tpu.memref_slice %arg3[%dma_start3A_61, %dma_start3A_62] : memref<49152x32xf32, #tpu.memory_space<hbm>> -> memref<49152x32xf32, #tpu.memory_space<hbm>>
        tpu.enqueue_indirect_dma source(%dma_start3A_63 : memref<49152x32xf32, #tpu.memory_space<hbm>>) target(%arg17 : memref<384x32xf32, #tpu.memory_space<vmem>>) offsets(%arg9 : memref<384xi32, #tpu.memory_space<vmem>>) semaphore(%arg23 : memref<!tpu.dma_semaphore, #tpu.memory_space<semaphore_mem>>)
        %dma_wait3A_64 = tpu.memref_slice %arg4[%add3A_35] : memref<786432xi32, #tpu.memory_space<hbm>> -> memref<384xi32, #tpu.memory_space<hbm>>
        %dma_wait3A_65 = tpu.memref_slice %arg4[%add3A_35] : memref<786432xi32, #tpu.memory_space<hbm>> -> memref<384xi32, #tpu.memory_space<hbm>>
        tpu.wait_dma2 semaphore(%arg20 : memref<!tpu.dma_semaphore, #tpu.memory_space<semaphore_mem>>) src(%dma_wait3A_65 : memref<384xi32, #tpu.memory_space<hbm>>) dst(%arg10 : memref<384xi32, #tpu.memory_space<vmem>>)
        %dma_wait3A_66 = tpu.memref_slice %arg5[%add3A_39] : memref<786432xi32, #tpu.memory_space<hbm>> -> memref<384xi32, #tpu.memory_space<hbm>>
        %dma_wait3A_67 = tpu.memref_slice %arg5[%add3A_39] : memref<786432xi32, #tpu.memory_space<hbm>> -> memref<384xi32, #tpu.memory_space<hbm>>
        tpu.wait_dma2 semaphore(%arg20 : memref<!tpu.dma_semaphore, #tpu.memory_space<semaphore_mem>>) src(%dma_wait3A_67 : memref<384xi32, #tpu.memory_space<hbm>>) dst(%arg14 : memref<384xi32, #tpu.memory_space<vmem>>)
        %dma_start3A_68 = arith.constant 0 : i32
        %dma_start3A_69 = arith.constant 0 : i32
        %dma_start3A_70 = tpu.memref_slice %arg3[%dma_start3A_68, %dma_start3A_69] : memref<49152x32xf32, #tpu.memory_space<hbm>> -> memref<49152x32xf32, #tpu.memory_space<hbm>>
        tpu.enqueue_indirect_dma source(%dma_start3A_70 : memref<49152x32xf32, #tpu.memory_space<hbm>>) target(%arg18 : memref<384x32xf32, #tpu.memory_space<vmem>>) offsets(%arg10 : memref<384xi32, #tpu.memory_space<vmem>>) semaphore(%arg24 : memref<!tpu.dma_semaphore, #tpu.memory_space<semaphore_mem>>)
        %dma_wait3A_71 = arith.constant 0 : i32
        %dma_wait3A_72 = arith.constant 0 : i32
        %dma_wait3A_73 = tpu.memref_slice %arg3[%dma_wait3A_71, %dma_wait3A_72] : memref<49152x32xf32, #tpu.memory_space<hbm>> -> memref<49152x32xf32, #tpu.memory_space<hbm>>
        tpu.wait_indirect_dma semaphore(%arg23 : memref<!tpu.dma_semaphore, #tpu.memory_space<semaphore_mem>>) src(%dma_wait3A_73 : memref<49152x32xf32, #tpu.memory_space<hbm>>) dst(%arg17 : memref<384x32xf32, #tpu.memory_space<vmem>>)
        %dma_start3A_74 = arith.constant 0 : i32
        %dma_start3A_75 = arith.constant 0 : i32
        %dma_start3A_76 = tpu.memref_slice %arg8[%dma_start3A_74, %dma_start3A_75] : memref<49152x32xf32, #tpu.memory_space<vmem_shared>> -> memref<49152x32xf32, #tpu.memory_space<vmem_shared>>
        tpu.enqueue_indirect_dma source(%arg17 : memref<384x32xf32, #tpu.memory_space<vmem>>) target(%dma_start3A_76 : memref<49152x32xf32, #tpu.memory_space<vmem_shared>>) offsets(%arg13 : memref<384xi32, #tpu.memory_space<vmem>>) semaphore(%arg25 : memref<!tpu.dma_semaphore, #tpu.memory_space<semaphore_mem>>) {add = true}
        %dma_wait3A_77 = arith.constant 0 : i32
        %dma_wait3A_78 = arith.constant 0 : i32
        %dma_wait3A_79 = tpu.memref_slice %arg3[%dma_wait3A_77, %dma_wait3A_78] : memref<49152x32xf32, #tpu.memory_space<hbm>> -> memref<49152x32xf32, #tpu.memory_space<hbm>>
        tpu.wait_indirect_dma semaphore(%arg24 : memref<!tpu.dma_semaphore, #tpu.memory_space<semaphore_mem>>) src(%dma_wait3A_79 : memref<49152x32xf32, #tpu.memory_space<hbm>>) dst(%arg18 : memref<384x32xf32, #tpu.memory_space<vmem>>)
        %dma_start3A_80 = arith.constant 0 : i32
        %dma_start3A_81 = arith.constant 0 : i32
        %dma_start3A_82 = tpu.memref_slice %arg8[%dma_start3A_80, %dma_start3A_81] : memref<49152x32xf32, #tpu.memory_space<vmem_shared>> -> memref<49152x32xf32, #tpu.memory_space<vmem_shared>>
        tpu.enqueue_indirect_dma source(%arg18 : memref<384x32xf32, #tpu.memory_space<vmem>>) target(%dma_start3A_82 : memref<49152x32xf32, #tpu.memory_space<vmem_shared>>) offsets(%arg14 : memref<384xi32, #tpu.memory_space<vmem>>) semaphore(%arg26 : memref<!tpu.dma_semaphore, #tpu.memory_space<semaphore_mem>>) {add = true}
        %dma_wait3A_83 = tpu.memref_slice %arg4[%add3A_43] : memref<786432xi32, #tpu.memory_space<hbm>> -> memref<384xi32, #tpu.memory_space<hbm>>
        %dma_wait3A_84 = tpu.memref_slice %arg4[%add3A_43] : memref<786432xi32, #tpu.memory_space<hbm>> -> memref<384xi32, #tpu.memory_space<hbm>>
        tpu.wait_dma2 semaphore(%arg21 : memref<!tpu.dma_semaphore, #tpu.memory_space<semaphore_mem>>) src(%dma_wait3A_84 : memref<384xi32, #tpu.memory_space<hbm>>) dst(%arg11 : memref<384xi32, #tpu.memory_space<vmem>>)
        %dma_wait3A_85 = tpu.memref_slice %arg5[%add3A_47] : memref<786432xi32, #tpu.memory_space<hbm>> -> memref<384xi32, #tpu.memory_space<hbm>>
        %dma_wait3A_86 = tpu.memref_slice %arg5[%add3A_47] : memref<786432xi32, #tpu.memory_space<hbm>> -> memref<384xi32, #tpu.memory_space<hbm>>
        tpu.wait_dma2 semaphore(%arg21 : memref<!tpu.dma_semaphore, #tpu.memory_space<semaphore_mem>>) src(%dma_wait3A_86 : memref<384xi32, #tpu.memory_space<hbm>>) dst(%arg15 : memref<384xi32, #tpu.memory_space<vmem>>)
        %dma_wait3A_87 = arith.constant 0 : i32
        %dma_wait3A_88 = arith.constant 0 : i32
        %dma_wait3A_89 = tpu.memref_slice %arg8[%dma_wait3A_87, %dma_wait3A_88] : memref<49152x32xf32, #tpu.memory_space<vmem_shared>> -> memref<49152x32xf32, #tpu.memory_space<vmem_shared>>
        tpu.wait_indirect_dma semaphore(%arg25 : memref<!tpu.dma_semaphore, #tpu.memory_space<semaphore_mem>>) src(%arg17 : memref<384x32xf32, #tpu.memory_space<vmem>>) dst(%dma_wait3A_89 : memref<49152x32xf32, #tpu.memory_space<vmem_shared>>)
        %dma_start3A_90 = arith.constant 0 : i32
        %dma_start3A_91 = arith.constant 0 : i32
        %dma_start3A_92 = tpu.memref_slice %arg3[%dma_start3A_90, %dma_start3A_91] : memref<49152x32xf32, #tpu.memory_space<hbm>> -> memref<49152x32xf32, #tpu.memory_space<hbm>>
        tpu.enqueue_indirect_dma source(%dma_start3A_92 : memref<49152x32xf32, #tpu.memory_space<hbm>>) target(%arg17 : memref<384x32xf32, #tpu.memory_space<vmem>>) offsets(%arg11 : memref<384xi32, #tpu.memory_space<vmem>>) semaphore(%arg23 : memref<!tpu.dma_semaphore, #tpu.memory_space<semaphore_mem>>)
        %dma_wait3A_93 = tpu.memref_slice %arg4[%add3A_51] : memref<786432xi32, #tpu.memory_space<hbm>> -> memref<384xi32, #tpu.memory_space<hbm>>
        %dma_wait3A_94 = tpu.memref_slice %arg4[%add3A_51] : memref<786432xi32, #tpu.memory_space<hbm>> -> memref<384xi32, #tpu.memory_space<hbm>>
        tpu.wait_dma2 semaphore(%arg22 : memref<!tpu.dma_semaphore, #tpu.memory_space<semaphore_mem>>) src(%dma_wait3A_94 : memref<384xi32, #tpu.memory_space<hbm>>) dst(%arg12 : memref<384xi32, #tpu.memory_space<vmem>>)
        %dma_wait3A_95 = tpu.memref_slice %arg5[%add3A_55] : memref<786432xi32, #tpu.memory_space<hbm>> -> memref<384xi32, #tpu.memory_space<hbm>>
        %dma_wait3A_96 = tpu.memref_slice %arg5[%add3A_55] : memref<786432xi32, #tpu.memory_space<hbm>> -> memref<384xi32, #tpu.memory_space<hbm>>
        tpu.wait_dma2 semaphore(%arg22 : memref<!tpu.dma_semaphore, #tpu.memory_space<semaphore_mem>>) src(%dma_wait3A_96 : memref<384xi32, #tpu.memory_space<hbm>>) dst(%arg16 : memref<384xi32, #tpu.memory_space<vmem>>)
        %dma_wait3A_97 = arith.constant 0 : i32
        %dma_wait3A_98 = arith.constant 0 : i32
        %dma_wait3A_99 = tpu.memref_slice %arg8[%dma_wait3A_97, %dma_wait3A_98] : memref<49152x32xf32, #tpu.memory_space<vmem_shared>> -> memref<49152x32xf32, #tpu.memory_space<vmem_shared>>
        tpu.wait_indirect_dma semaphore(%arg26 : memref<!tpu.dma_semaphore, #tpu.memory_space<semaphore_mem>>) src(%arg18 : memref<384x32xf32, #tpu.memory_space<vmem>>) dst(%dma_wait3A_99 : memref<49152x32xf32, #tpu.memory_space<vmem_shared>>)
        %dma_start3A_100 = arith.constant 0 : i32
        %dma_start3A_101 = arith.constant 0 : i32
        %dma_start3A_102 = tpu.memref_slice %arg3[%dma_start3A_100, %dma_start3A_101] : memref<49152x32xf32, #tpu.memory_space<hbm>> -> memref<49152x32xf32, #tpu.memory_space<hbm>>
        tpu.enqueue_indirect_dma source(%dma_start3A_102 : memref<49152x32xf32, #tpu.memory_space<hbm>>) target(%arg18 : memref<384x32xf32, #tpu.memory_space<vmem>>) offsets(%arg12 : memref<384xi32, #tpu.memory_space<vmem>>) semaphore(%arg24 : memref<!tpu.dma_semaphore, #tpu.memory_space<semaphore_mem>>)
        %dma_wait3A_103 = arith.constant 0 : i32
        %dma_wait3A_104 = arith.constant 0 : i32
        %dma_wait3A_105 = tpu.memref_slice %arg3[%dma_wait3A_103, %dma_wait3A_104] : memref<49152x32xf32, #tpu.memory_space<hbm>> -> memref<49152x32xf32, #tpu.memory_space<hbm>>
        tpu.wait_indirect_dma semaphore(%arg23 : memref<!tpu.dma_semaphore, #tpu.memory_space<semaphore_mem>>) src(%dma_wait3A_105 : memref<49152x32xf32, #tpu.memory_space<hbm>>) dst(%arg17 : memref<384x32xf32, #tpu.memory_space<vmem>>)
        %dma_start3A_106 = arith.constant 0 : i32
        %dma_start3A_107 = arith.constant 0 : i32
        %dma_start3A_108 = tpu.memref_slice %arg8[%dma_start3A_106, %dma_start3A_107] : memref<49152x32xf32, #tpu.memory_space<vmem_shared>> -> memref<49152x32xf32, #tpu.memory_space<vmem_shared>>
        tpu.enqueue_indirect_dma source(%arg17 : memref<384x32xf32, #tpu.memory_space<vmem>>) target(%dma_start3A_108 : memref<49152x32xf32, #tpu.memory_space<vmem_shared>>) offsets(%arg15 : memref<384xi32, #tpu.memory_space<vmem>>) semaphore(%arg25 : memref<!tpu.dma_semaphore, #tpu.memory_space<semaphore_mem>>) {add = true}
        %dma_wait3A_109 = arith.constant 0 : i32
        %dma_wait3A_110 = arith.constant 0 : i32
        %dma_wait3A_111 = tpu.memref_slice %arg3[%dma_wait3A_109, %dma_wait3A_110] : memref<49152x32xf32, #tpu.memory_space<hbm>> -> memref<49152x32xf32, #tpu.memory_space<hbm>>
        tpu.wait_indirect_dma semaphore(%arg24 : memref<!tpu.dma_semaphore, #tpu.memory_space<semaphore_mem>>) src(%dma_wait3A_111 : memref<49152x32xf32, #tpu.memory_space<hbm>>) dst(%arg18 : memref<384x32xf32, #tpu.memory_space<vmem>>)
        %dma_start3A_112 = arith.constant 0 : i32
        %dma_start3A_113 = arith.constant 0 : i32
        %dma_start3A_114 = tpu.memref_slice %arg8[%dma_start3A_112, %dma_start3A_113] : memref<49152x32xf32, #tpu.memory_space<vmem_shared>> -> memref<49152x32xf32, #tpu.memory_space<vmem_shared>>
        tpu.enqueue_indirect_dma source(%arg18 : memref<384x32xf32, #tpu.memory_space<vmem>>) target(%dma_start3A_114 : memref<49152x32xf32, #tpu.memory_space<vmem_shared>>) offsets(%arg16 : memref<384xi32, #tpu.memory_space<vmem>>) semaphore(%arg26 : memref<!tpu.dma_semaphore, #tpu.memory_space<semaphore_mem>>) {add = true}
        %dma_wait3A_115 = arith.constant 0 : i32
        %dma_wait3A_116 = arith.constant 0 : i32
        %dma_wait3A_117 = tpu.memref_slice %arg8[%dma_wait3A_115, %dma_wait3A_116] : memref<49152x32xf32, #tpu.memory_space<vmem_shared>> -> memref<49152x32xf32, #tpu.memory_space<vmem_shared>>
        tpu.wait_indirect_dma semaphore(%arg25 : memref<!tpu.dma_semaphore, #tpu.memory_space<semaphore_mem>>) src(%arg17 : memref<384x32xf32, #tpu.memory_space<vmem>>) dst(%dma_wait3A_117 : memref<49152x32xf32, #tpu.memory_space<vmem_shared>>)
        %dma_wait3A_118 = arith.constant 0 : i32
        %dma_wait3A_119 = arith.constant 0 : i32
        %dma_wait3A_120 = tpu.memref_slice %arg8[%dma_wait3A_118, %dma_wait3A_119] : memref<49152x32xf32, #tpu.memory_space<vmem_shared>> -> memref<49152x32xf32, #tpu.memory_space<vmem_shared>>
        tpu.wait_indirect_dma semaphore(%arg26 : memref<!tpu.dma_semaphore, #tpu.memory_space<semaphore_mem>>) src(%arg18 : memref<384x32xf32, #tpu.memory_space<vmem>>) dst(%dma_wait3A_120 : memref<49152x32xf32, #tpu.memory_space<vmem_shared>>)
      }
      %scan3A_20 = arith.constant 16 : i32
    } else {
    }
    %barrier3A_8 = arith.constant 0 : index
    tpu.barrier barrier_id(%barrier3A_8)
    %mul3A_9 = arith.constant 3072 : i32
    %mul3A_10 = arith.muli %arg1, %mul3A_9 : i32
    %mul3A_11 = arith.constant 3072 : i32
    %mul3A_12 = arith.muli %arg1, %mul3A_11 : i32
    "tpu.region"() ({
      %run_scoped3A = tpu.sem_alloc : memref<!tpu.dma_semaphore, #tpu.memory_space<semaphore_mem>>
      %dma_start3A = arith.constant 0 : i32
      %dma_start3A_13 = tpu.memref_slice %arg7[%arg0, %mul3A_12, %dma_start3A] : memref<2x49152x32xf32, #tpu.memory_space<hbm>> -> memref<1x3072x32xf32, #tpu.memory_space<hbm>>
      %dma_start3A_14 = tpu.memref_squeeze %dma_start3A_13 : memref<1x3072x32xf32, #tpu.memory_space<hbm>> -> memref<3072x32xf32, #tpu.memory_space<hbm>>
      %dma_start3A_15 = arith.constant 0 : i32
      %dma_start3A_16 = tpu.memref_slice %arg8[%mul3A_10, %dma_start3A_15] : memref<49152x32xf32, #tpu.memory_space<vmem_shared>> -> memref<3072x32xf32, #tpu.memory_space<vmem_shared>>
      tpu.enqueue_dma source(%dma_start3A_16 : memref<3072x32xf32, #tpu.memory_space<vmem_shared>>) target(%dma_start3A_14 : memref<3072x32xf32, #tpu.memory_space<hbm>>) target_semaphore(%run_scoped3A : memref<!tpu.dma_semaphore, #tpu.memory_space<semaphore_mem>>)
      %dma_wait3A = arith.constant 0 : i32
      %dma_wait3A_17 = tpu.memref_slice %arg7[%arg0, %mul3A_12, %dma_wait3A] : memref<2x49152x32xf32, #tpu.memory_space<hbm>> -> memref<1x3072x32xf32, #tpu.memory_space<hbm>>
      %dma_wait3A_18 = tpu.memref_squeeze %dma_wait3A_17 : memref<1x3072x32xf32, #tpu.memory_space<hbm>> -> memref<3072x32xf32, #tpu.memory_space<hbm>>
      %dma_wait3A_19 = arith.constant 0 : i32
      %dma_wait3A_20 = tpu.memref_slice %arg8[%mul3A_10, %dma_wait3A_19] : memref<49152x32xf32, #tpu.memory_space<vmem_shared>> -> memref<3072x32xf32, #tpu.memory_space<vmem_shared>>
      tpu.wait_dma2 semaphore(%run_scoped3A : memref<!tpu.dma_semaphore, #tpu.memory_space<semaphore_mem>>) src(%dma_wait3A_20 : memref<3072x32xf32, #tpu.memory_space<vmem_shared>>) dst(%dma_wait3A_18 : memref<3072x32xf32, #tpu.memory_space<hbm>>)
      tpu.yield
    }) : () -> ()
    return
  }
}

#map = affine_map<(d0, d1) -> (0)>
#map1 = affine_map<(d0, d1) -> (0, 0)>
module attributes {stable_mosaic.version = 14 : i64} {
  func.func @k(%arg0: i32, %arg1: i32, %arg2: memref<262144xi32, #tpu.memory_space<hbm>>, %arg3: memref<262144xi32, #tpu.memory_space<hbm>>, %arg4: memref<16384xf32, #tpu.memory_space<hbm>>, %arg5: memref<49152xf32, #tpu.memory_space<hbm>>, %arg6: memref<32x16384xf32, #tpu.memory_space<hbm>>, %arg7: memref<16384xf32, #tpu.memory_space<vmem>>, %arg8: memref<16384xf32, #tpu.memory_space<vmem>>, %arg9: memref<8192xi32, #tpu.memory_space<vmem>>, %arg10: memref<8192xi32, #tpu.memory_space<vmem>>) attributes {dimension_semantics = [#tpu.dimension_semantics<core_parallel>, #tpu.dimension_semantics<subcore_parallel>], iteration_bounds = array<i64: 2, 16>, scalar_prefetch = 0 : i64, scratch_operands = 4 : i64, tpu.core_type = #tpu.core_type<sc_vector_subcore>, window_params = [{transform_indices = #map}, {transform_indices = #map}, {transform_indices = #map}, {transform_indices = #map}, {transform_indices = #map1}]} {
    %mul3A = arith.constant 2 : i32
    %mul3A_0 = arith.muli %arg1, %mul3A : i32
    %add3A = arith.addi %mul3A_0, %arg0 : i32
    %mul3A_1 = arith.constant 8192 : i32
    %mul3A_2 = arith.muli %add3A, %mul3A_1 : i32
    "tpu.region"() ({
      %run_scoped3A = tpu.sem_alloc : memref<!tpu.dma_semaphore, #tpu.memory_space<semaphore_mem>>
      %dma_start3A = arith.constant 0 : i32
      %dma_start3A_7 = tpu.memref_slice %arg5[%dma_start3A] : memref<49152xf32, #tpu.memory_space<hbm>> -> memref<16384xf32, #tpu.memory_space<hbm>>
      %dma_start3A_8 = arith.constant 0 : i32
      %dma_start3A_9 = tpu.memref_slice %arg5[%dma_start3A_8] : memref<49152xf32, #tpu.memory_space<hbm>> -> memref<16384xf32, #tpu.memory_space<hbm>>
      tpu.enqueue_dma source(%dma_start3A_9 : memref<16384xf32, #tpu.memory_space<hbm>>) target(%arg7 : memref<16384xf32, #tpu.memory_space<vmem>>) target_semaphore(%run_scoped3A : memref<!tpu.dma_semaphore, #tpu.memory_space<semaphore_mem>>)
      %dma_wait3A = arith.constant 0 : i32
      %dma_wait3A_10 = tpu.memref_slice %arg5[%dma_wait3A] : memref<49152xf32, #tpu.memory_space<hbm>> -> memref<16384xf32, #tpu.memory_space<hbm>>
      %dma_wait3A_11 = arith.constant 0 : i32
      %dma_wait3A_12 = tpu.memref_slice %arg5[%dma_wait3A_11] : memref<49152xf32, #tpu.memory_space<hbm>> -> memref<16384xf32, #tpu.memory_space<hbm>>
      tpu.wait_dma2 semaphore(%run_scoped3A : memref<!tpu.dma_semaphore, #tpu.memory_space<semaphore_mem>>) src(%dma_wait3A_12 : memref<16384xf32, #tpu.memory_space<hbm>>) dst(%arg7 : memref<16384xf32, #tpu.memory_space<vmem>>)
      tpu.yield
    }) : () -> ()
    "tpu.region"() ({
      %run_scoped3A = tpu.sem_alloc : memref<!tpu.dma_semaphore, #tpu.memory_space<semaphore_mem>>
      tpu.enqueue_dma source(%arg4 : memref<16384xf32, #tpu.memory_space<hbm>>) target(%arg8 : memref<16384xf32, #tpu.memory_space<vmem>>) target_semaphore(%run_scoped3A : memref<!tpu.dma_semaphore, #tpu.memory_space<semaphore_mem>>)
      tpu.wait_dma2 semaphore(%run_scoped3A : memref<!tpu.dma_semaphore, #tpu.memory_space<semaphore_mem>>) src(%arg4 : memref<16384xf32, #tpu.memory_space<hbm>>) dst(%arg8 : memref<16384xf32, #tpu.memory_space<vmem>>)
      tpu.yield
    }) : () -> ()
    "tpu.region"() ({
      %run_scoped3A = tpu.sem_alloc : memref<!tpu.dma_semaphore, #tpu.memory_space<semaphore_mem>>
      %dma_start3A = tpu.memref_slice %arg2[%mul3A_2] : memref<262144xi32, #tpu.memory_space<hbm>> -> memref<8192xi32, #tpu.memory_space<hbm>>
      %dma_start3A_7 = tpu.memref_slice %arg2[%mul3A_2] : memref<262144xi32, #tpu.memory_space<hbm>> -> memref<8192xi32, #tpu.memory_space<hbm>>
      tpu.enqueue_dma source(%dma_start3A_7 : memref<8192xi32, #tpu.memory_space<hbm>>) target(%arg9 : memref<8192xi32, #tpu.memory_space<vmem>>) target_semaphore(%run_scoped3A : memref<!tpu.dma_semaphore, #tpu.memory_space<semaphore_mem>>)
      %dma_wait3A = tpu.memref_slice %arg2[%mul3A_2] : memref<262144xi32, #tpu.memory_space<hbm>> -> memref<8192xi32, #tpu.memory_space<hbm>>
      %dma_wait3A_8 = tpu.memref_slice %arg2[%mul3A_2] : memref<262144xi32, #tpu.memory_space<hbm>> -> memref<8192xi32, #tpu.memory_space<hbm>>
      tpu.wait_dma2 semaphore(%run_scoped3A : memref<!tpu.dma_semaphore, #tpu.memory_space<semaphore_mem>>) src(%dma_wait3A_8 : memref<8192xi32, #tpu.memory_space<hbm>>) dst(%arg9 : memref<8192xi32, #tpu.memory_space<vmem>>)
      tpu.yield
    }) : () -> ()
    "tpu.region"() ({
      %run_scoped3A = tpu.sem_alloc : memref<!tpu.dma_semaphore, #tpu.memory_space<semaphore_mem>>
      %dma_start3A = tpu.memref_slice %arg3[%mul3A_2] : memref<262144xi32, #tpu.memory_space<hbm>> -> memref<8192xi32, #tpu.memory_space<hbm>>
      %dma_start3A_7 = tpu.memref_slice %arg3[%mul3A_2] : memref<262144xi32, #tpu.memory_space<hbm>> -> memref<8192xi32, #tpu.memory_space<hbm>>
      tpu.enqueue_dma source(%dma_start3A_7 : memref<8192xi32, #tpu.memory_space<hbm>>) target(%arg10 : memref<8192xi32, #tpu.memory_space<vmem>>) target_semaphore(%run_scoped3A : memref<!tpu.dma_semaphore, #tpu.memory_space<semaphore_mem>>)
      %dma_wait3A = tpu.memref_slice %arg3[%mul3A_2] : memref<262144xi32, #tpu.memory_space<hbm>> -> memref<8192xi32, #tpu.memory_space<hbm>>
      %dma_wait3A_8 = tpu.memref_slice %arg3[%mul3A_2] : memref<262144xi32, #tpu.memory_space<hbm>> -> memref<8192xi32, #tpu.memory_space<hbm>>
      tpu.wait_dma2 semaphore(%run_scoped3A : memref<!tpu.dma_semaphore, #tpu.memory_space<semaphore_mem>>) src(%dma_wait3A_8 : memref<8192xi32, #tpu.memory_space<hbm>>) dst(%arg10 : memref<8192xi32, #tpu.memory_space<vmem>>)
      tpu.yield
    }) : () -> ()
    %scan3A = arith.constant 0 : i32
    %scan3A_3 = arith.constant 512 : i32
    %scan3A_4 = arith.addi %scan3A, %scan3A_3 : i32
    %scan3A_5 = arith.constant 4 : i32
    scf.for %scan3A_7 = %scan3A to %scan3A_4 step %scan3A_5  : i32 {
      %mul3A_8 = arith.constant 16 : i32
      %mul3A_9 = arith.muli %scan3A_7, %mul3A_8 : i32
      %multiple_of3A = tpu.assume_multiple %mul3A_9, 16 : i32
      %get3A = arith.index_cast %multiple_of3A : i32 to index
      %get3A_10 = tpu.vector_load %arg9[%get3A] {strides = array<i32>} : memref<8192xi32, #tpu.memory_space<vmem>>, vector<16xi32>,
      %get3A_11 = arith.index_cast %multiple_of3A : i32 to index
      %get3A_12 = tpu.vector_load %arg10[%get3A_11] {strides = array<i32>} : memref<8192xi32, #tpu.memory_space<vmem>>, vector<16xi32>,
      %gather3A = tpu.vector_load_idx %arg8[%get3A_10] : memref<16384xf32, #tpu.memory_space<vmem>>[vector<16xi32>], vector<16xf32>,
      tpu.vector_store_idx %arg7[%get3A_12], %gather3A {add = true} : memref<16384xf32, #tpu.memory_space<vmem>>[vector<16xi32>], vector<16xf32>,
      %scan3A_13 = arith.constant 1 : i32
      %scan3A_14 = arith.addi %scan3A_7, %scan3A_13 : i32
      %mul3A_15 = arith.constant 16 : i32
      %mul3A_16 = arith.muli %scan3A_14, %mul3A_15 : i32
      %multiple_of3A_17 = tpu.assume_multiple %mul3A_16, 16 : i32
      %get3A_18 = arith.index_cast %multiple_of3A_17 : i32 to index
      %get3A_19 = tpu.vector_load %arg9[%get3A_18] {strides = array<i32>} : memref<8192xi32, #tpu.memory_space<vmem>>, vector<16xi32>,
      %get3A_20 = arith.index_cast %multiple_of3A_17 : i32 to index
      %get3A_21 = tpu.vector_load %arg10[%get3A_20] {strides = array<i32>} : memref<8192xi32, #tpu.memory_space<vmem>>, vector<16xi32>,
      %gather3A_22 = tpu.vector_load_idx %arg8[%get3A_19] : memref<16384xf32, #tpu.memory_space<vmem>>[vector<16xi32>], vector<16xf32>,
      tpu.vector_store_idx %arg7[%get3A_21], %gather3A_22 {add = true} : memref<16384xf32, #tpu.memory_space<vmem>>[vector<16xi32>], vector<16xf32>,
      %scan3A_23 = arith.constant 2 : i32
      %scan3A_24 = arith.addi %scan3A_7, %scan3A_23 : i32
      %mul3A_25 = arith.constant 16 : i32
      %mul3A_26 = arith.muli %scan3A_24, %mul3A_25 : i32
      %multiple_of3A_27 = tpu.assume_multiple %mul3A_26, 16 : i32
      %get3A_28 = arith.index_cast %multiple_of3A_27 : i32 to index
      %get3A_29 = tpu.vector_load %arg9[%get3A_28] {strides = array<i32>} : memref<8192xi32, #tpu.memory_space<vmem>>, vector<16xi32>,
      %get3A_30 = arith.index_cast %multiple_of3A_27 : i32 to index
      %get3A_31 = tpu.vector_load %arg10[%get3A_30] {strides = array<i32>} : memref<8192xi32, #tpu.memory_space<vmem>>, vector<16xi32>,
      %gather3A_32 = tpu.vector_load_idx %arg8[%get3A_29] : memref<16384xf32, #tpu.memory_space<vmem>>[vector<16xi32>], vector<16xf32>,
      tpu.vector_store_idx %arg7[%get3A_31], %gather3A_32 {add = true} : memref<16384xf32, #tpu.memory_space<vmem>>[vector<16xi32>], vector<16xf32>,
      %scan3A_33 = arith.constant 3 : i32
      %scan3A_34 = arith.addi %scan3A_7, %scan3A_33 : i32
      %mul3A_35 = arith.constant 16 : i32
      %mul3A_36 = arith.muli %scan3A_34, %mul3A_35 : i32
      %multiple_of3A_37 = tpu.assume_multiple %mul3A_36, 16 : i32
      %get3A_38 = arith.index_cast %multiple_of3A_37 : i32 to index
      %get3A_39 = tpu.vector_load %arg9[%get3A_38] {strides = array<i32>} : memref<8192xi32, #tpu.memory_space<vmem>>, vector<16xi32>,
      %get3A_40 = arith.index_cast %multiple_of3A_37 : i32 to index
      %get3A_41 = tpu.vector_load %arg10[%get3A_40] {strides = array<i32>} : memref<8192xi32, #tpu.memory_space<vmem>>, vector<16xi32>,
      %gather3A_42 = tpu.vector_load_idx %arg8[%get3A_39] : memref<16384xf32, #tpu.memory_space<vmem>>[vector<16xi32>], vector<16xf32>,
      tpu.vector_store_idx %arg7[%get3A_41], %gather3A_42 {add = true} : memref<16384xf32, #tpu.memory_space<vmem>>[vector<16xi32>], vector<16xf32>,
    }
    %scan3A_6 = arith.constant 512 : i32
    "tpu.region"() ({
      %run_scoped3A = tpu.sem_alloc : memref<!tpu.dma_semaphore, #tpu.memory_space<semaphore_mem>>
      %dma_start3A = arith.constant 0 : i32
      %dma_start3A_7 = tpu.memref_slice %arg6[%add3A, %dma_start3A] : memref<32x16384xf32, #tpu.memory_space<hbm>> -> memref<1x16384xf32, #tpu.memory_space<hbm>>
      %dma_start3A_8 = tpu.memref_squeeze %dma_start3A_7 : memref<1x16384xf32, #tpu.memory_space<hbm>> -> memref<16384xf32, #tpu.memory_space<hbm>>
      %dma_start3A_9 = arith.constant 0 : i32
      %dma_start3A_10 = tpu.memref_slice %arg6[%add3A, %dma_start3A_9] : memref<32x16384xf32, #tpu.memory_space<hbm>> -> memref<1x16384xf32, #tpu.memory_space<hbm>>
      %dma_start3A_11 = tpu.memref_squeeze %dma_start3A_10 : memref<1x16384xf32, #tpu.memory_space<hbm>> -> memref<16384xf32, #tpu.memory_space<hbm>>
      tpu.enqueue_dma source(%arg7 : memref<16384xf32, #tpu.memory_space<vmem>>) target(%dma_start3A_11 : memref<16384xf32, #tpu.memory_space<hbm>>) target_semaphore(%run_scoped3A : memref<!tpu.dma_semaphore, #tpu.memory_space<semaphore_mem>>)
      %dma_wait3A = arith.constant 0 : i32
      %dma_wait3A_12 = tpu.memref_slice %arg6[%add3A, %dma_wait3A] : memref<32x16384xf32, #tpu.memory_space<hbm>> -> memref<1x16384xf32, #tpu.memory_space<hbm>>
      %dma_wait3A_13 = tpu.memref_squeeze %dma_wait3A_12 : memref<1x16384xf32, #tpu.memory_space<hbm>> -> memref<16384xf32, #tpu.memory_space<hbm>>
      %dma_wait3A_14 = arith.constant 0 : i32
      %dma_wait3A_15 = tpu.memref_slice %arg6[%add3A, %dma_wait3A_14] : memref<32x16384xf32, #tpu.memory_space<hbm>> -> memref<1x16384xf32, #tpu.memory_space<hbm>>
      %dma_wait3A_16 = tpu.memref_squeeze %dma_wait3A_15 : memref<1x16384xf32, #tpu.memory_space<hbm>> -> memref<16384xf32, #tpu.memory_space<hbm>>
      tpu.wait_dma2 semaphore(%run_scoped3A : memref<!tpu.dma_semaphore, #tpu.memory_space<semaphore_mem>>) src(%arg7 : memref<16384xf32, #tpu.memory_space<vmem>>) dst(%dma_wait3A_16 : memref<16384xf32, #tpu.memory_space<hbm>>)
      tpu.yield
    }) : () -> ()
    return
  }
}

module attributes {stable_mosaic.version = 14 : i64} {
  func.func @body(%arg0: memref<512x16xf32, #tpu.memory_space<vmem>>, %arg1: memref<512x8xf32, #tpu.memory_space<vmem>>, %arg2: memref<27x128xf32, #tpu.memory_space<vmem>>, %arg3: memref<1x128xf32, #tpu.memory_space<vmem>>, %arg4: memref<26x64xf32, #tpu.memory_space<vmem>>, %arg5: memref<16x5xf32, #tpu.memory_space<vmem>>, %arg6: memref<16x16xf32, #tpu.memory_space<vmem>>, %arg7: memref<26x26xf32, #tpu.memory_space<vmem>>, %arg8: memref<512x128xf32, #tpu.memory_space<vmem>>, %arg9: memref<512x128xf32, #tpu.memory_space<vmem>>) attributes {dimension_semantics = [], scalar_prefetch = 0 : i64, scratch_operands = 0 : i64, tpu.core_type = #tpu.core_type<tc>} {
    %get3A = arith.constant 0 : index
    %get3A_0 = arith.constant 0 : index
    %get3A_1 = vector.load %arg5[%get3A, %get3A_0] : memref<16x5xf32, #tpu.memory_space<vmem>>, vector<16x5xf32>
    %transpose3A = tpu.transpose %get3A_1, [1, 0] : vector<16x5xf32> -> vector<5x16xf32>
    %dot_general3A = arith.constant dense<0.000000e+00> : vector<16x16xf32>
    %dot_general3A_2 = tpu.matmul %get3A_1, %transpose3A, %dot_general3A {dimension_numbers = #tpu.dot_dimension_numbers<[1], [0], [0], [1], [0, 0, 1, 1], [], []>, transpose_lhs_hint = false} : vector<16x5xf32>, vector<5x16xf32>, vector<16x16xf32> -> vector<16x16xf32>
    %max3A = arith.constant 0.000000e+00 : f32
    %max3A_3 = vector.broadcast %max3A : f32 to vector<16x16xf32>
    %max3A_4 = arith.maximumf %dot_general3A_2, %max3A_3 : vector<16x16xf32>
    %iota3A = tpu.iota {dimensions = array<i32: 0>} : vector<16x16xi32>
    %iota3A_5 = tpu.iota {dimensions = array<i32: 1>} : vector<16x16xi32>
    %le3A = arith.cmpi sle, %iota3A_5, %iota3A : vector<16x16xi32>
    %jit3A = arith.constant 0xFF800000 : f32
    %broadcast_in_dim3A = vector.broadcast %jit3A : f32 to vector<16x16xf32>
    %select_n3A = arith.select %le3A, %max3A_4, %broadcast_in_dim3A : vector<16x16xi1>, vector<16x16xf32>
    %reduce_max3A = arith.constant dense<0xFF800000> : vector<16xf32>
    %reduce_max3A_6 = vector.multi_reduction <maximumf>, %select_n3A, %reduce_max3A [1] : vector<16x16xf32> to vector<16xf32>
    %broadcast_in_dim3A_7 = vector.shape_cast %reduce_max3A_6 : vector<16xf32> to vector<16x1xf32>
    %sub3A = vector.broadcast %broadcast_in_dim3A_7 : vector<16x1xf32> to vector<16x16xf32>
    %sub3A_8 = arith.subf %select_n3A, %sub3A : vector<16x16xf32>
    %exp3A = math.exp %sub3A_8 : vector<16x16xf32>
    %reduce_sum3A = arith.constant dense<0.000000e+00> : vector<16xf32>
    %reduce_sum3A_9 = vector.multi_reduction <add>, %exp3A, %reduce_sum3A [1] : vector<16x16xf32> to vector<16xf32>
    %broadcast_in_dim3A_10 = vector.shape_cast %reduce_sum3A_9 : vector<16xf32> to vector<16x1xf32>
    %div3A = vector.broadcast %broadcast_in_dim3A_10 : vector<16x1xf32> to vector<16x16xf32>
    %div3A_11 = arith.divf %exp3A, %div3A : vector<16x16xf32>
    %swap3A = arith.constant 0 : index
    %swap3A_12 = arith.constant 0 : index
    %swap3A_13 = vector.load %arg6[%swap3A, %swap3A_12] : memref<16x16xf32, #tpu.memory_space<vmem>>, vector<16x16xf32>
    tpu.vector_store %arg6[%swap3A, %swap3A_12], %div3A_11 {strides = array<i32>} : memref<16x16xf32, #tpu.memory_space<vmem>>, vector<16x16xf32>,
    %get3A_14 = arith.constant 0 : index
    %get3A_15 = arith.constant 0 : index
    %get3A_16 = vector.load %arg4[%get3A_14, %get3A_15] : memref<26x64xf32, #tpu.memory_space<vmem>>, vector<26x64xf32>
    %transpose3A_17 = tpu.transpose %get3A_16, [1, 0] : vector<26x64xf32> -> vector<64x26xf32>
    %dot_general3A_18 = arith.constant dense<0.000000e+00> : vector<26x26xf32>
    %dot_general3A_19 = tpu.matmul %get3A_16, %transpose3A_17, %dot_general3A_18 {dimension_numbers = #tpu.dot_dimension_numbers<[1], [0], [0], [1], [0, 0, 1, 1], [], []>, transpose_lhs_hint = false} : vector<26x64xf32>, vector<64x26xf32>, vector<26x26xf32> -> vector<26x26xf32>
    %transpose3A_20 = tpu.transpose %dot_general3A_19, [1, 0] : vector<26x26xf32> -> vector<26x26xf32>
    %add3A = arith.addf %dot_general3A_19, %transpose3A_20 : vector<26x26xf32>
    %div3A_21 = arith.constant 2.000000e+00 : f32
    %div3A_22 = vector.broadcast %div3A_21 : f32 to vector<26x26xf32>
    %div3A_23 = arith.divf %add3A, %div3A_22 : vector<26x26xf32>
    %swap3A_24 = arith.constant 0 : index
    %swap3A_25 = arith.constant 0 : index
    %swap3A_26 = vector.load %arg7[%swap3A_24, %swap3A_25] : memref<26x26xf32, #tpu.memory_space<vmem>>, vector<26x26xf32>
    tpu.vector_store %arg7[%swap3A_24, %swap3A_25], %div3A_23 {strides = array<i32>} : memref<26x26xf32, #tpu.memory_space<vmem>>, vector<26x26xf32>,
    %get3A_27 = arith.constant 0 : index
    %get3A_28 = arith.constant 0 : index
    %get3A_29 = vector.load %arg2[%get3A_27, %get3A_28] : memref<27x128xf32, #tpu.memory_space<vmem>>, vector<27x128xf32>
    %get3A_30 = arith.constant 0 : index
    %get3A_31 = arith.constant 0 : index
    %get3A_32 = vector.load %arg0[%get3A_30, %get3A_31] : memref<512x16xf32, #tpu.memory_space<vmem>>, vector<512x16xf32>
    %slice3A = vector.extract_strided_slice %get3A_29 {offsets = [0, 0], sizes = [16, 128], strides = [1, 1]} : vector<27x128xf32> to vector<16x128xf32>
    %dot_general3A_33 = arith.constant dense<0.000000e+00> : vector<512x128xf32>
    %dot_general3A_34 = tpu.matmul %get3A_32, %slice3A, %dot_general3A_33 {dimension_numbers = #tpu.dot_dimension_numbers<[1], [0], [0], [1], [0, 0, 1, 1], [], []>, transpose_lhs_hint = false} : vector<512x16xf32>, vector<16x128xf32>, vector<512x128xf32> -> vector<512x128xf32>
    %get3A_35 = arith.constant 0 : index
    %get3A_36 = arith.constant 0 : index
    %get3A_37 = vector.load %arg3[%get3A_35, %get3A_36] : memref<1x128xf32, #tpu.memory_space<vmem>>, vector<1x128xf32>
    %add3A_38 = vector.broadcast %get3A_37 : vector<1x128xf32> to vector<512x128xf32>
    %add3A_39 = arith.addf %dot_general3A_34, %add3A_38 : vector<512x128xf32>
    %swap3A_40 = arith.constant 0 : index
    %swap3A_41 = arith.constant 0 : index
    %swap3A_42 = vector.load %arg8[%swap3A_40, %swap3A_41] : memref<512x128xf32, #tpu.memory_space<vmem>>, vector<512x128xf32>
    tpu.vector_store %arg8[%swap3A_40, %swap3A_41], %add3A_39 {strides = array<i32>} : memref<512x128xf32, #tpu.memory_space<vmem>>, vector<512x128xf32>,
    %get3A_43 = arith.constant 0 : index
    %get3A_44 = arith.constant 0 : index
    %get3A_45 = vector.load %arg1[%get3A_43, %get3A_44] : memref<512x8xf32, #tpu.memory_space<vmem>>, vector<512x8xf32>
    %slice3A_46 = vector.extract_strided_slice %get3A_29 {offsets = [16, 0], sizes = [8, 128], strides = [1, 1]} : vector<27x128xf32> to vector<8x128xf32>
    %dot_general3A_47 = arith.constant dense<0.000000e+00> : vector<512x128xf32>
    %dot_general3A_48 = tpu.matmul %get3A_45, %slice3A_46, %dot_general3A_47 {dimension_numbers = #tpu.dot_dimension_numbers<[1], [0], [0], [1], [0, 0, 1, 1], [], []>, transpose_lhs_hint = false} : vector<512x8xf32>, vector<8x128xf32>, vector<512x128xf32> -> vector<512x128xf32>
    %swap3A_49 = arith.constant 0 : index
    %swap3A_50 = arith.constant 0 : index
    %swap3A_51 = vector.load %arg9[%swap3A_49, %swap3A_50] : memref<512x128xf32, #tpu.memory_space<vmem>>, vector<512x128xf32>
    tpu.vector_store %arg9[%swap3A_49, %swap3A_50], %dot_general3A_48 {strides = array<i32>} : memref<512x128xf32, #tpu.memory_space<vmem>>, vector<512x128xf32>,
    return
  }
}

module attributes {stable_mosaic.version = 14 : i64} {
  func.func @body(%arg0: i32, %arg1: memref<2048x128xf32, #tpu.memory_space<vmem>>, %arg2: memref<2048x128xf32, #tpu.memory_space<vmem>>, %arg3: memref<2048x3xf32, #tpu.memory_space<vmem>>, %arg4: memref<3x128xf32, #tpu.memory_space<vmem>>, %arg5: memref<128x128xf32, #tpu.memory_space<vmem>>, %arg6: memref<1x128xf32, #tpu.memory_space<vmem>>, %arg7: memref<128x26xf32, #tpu.memory_space<vmem>>, %arg8: memref<1x26xf32, #tpu.memory_space<vmem>>, %arg9: memref<2048x27xf32, #tpu.memory_space<vmem>>) attributes {dimension_semantics = [#tpu.dimension_semantics<arbitrary>], iteration_bounds = array<i64: 32>, scalar_prefetch = 0 : i64, scratch_operands = 0 : i64, tpu.core_type = #tpu.core_type<tc>, window_params = [{transform_indices = @transform_0, window_bounds = array<i64: 2048, 128>}, {transform_indices = @transform_1, window_bounds = array<i64: 2048, 128>}, {transform_indices = @transform_2, window_bounds = array<i64: 2048, 3>}, {pipeline_mode = #tpu.pipeline_mode<synchronous>, transform_indices = @transform_3, window_bounds = array<i64: 3, 128>}, {pipeline_mode = #tpu.pipeline_mode<synchronous>, transform_indices = @transform_4, window_bounds = array<i64: 128, 128>}, {pipeline_mode = #tpu.pipeline_mode<synchronous>, transform_indices = @transform_5, window_bounds = array<i64: 1, 128>}, {pipeline_mode = #tpu.pipeline_mode<synchronous>, transform_indices = @transform_6, window_bounds = array<i64: 128, 26>}, {pipeline_mode = #tpu.pipeline_mode<synchronous>, transform_indices = @transform_7, window_bounds = array<i64: 1, 26>}, {transform_indices = @transform_8, window_bounds = array<i64: 2048, 27>}]} {
    %get3A = arith.constant 0 : index
    %get3A_0 = arith.constant 0 : index
    %get3A_1 = vector.load %arg3[%get3A, %get3A_0] : memref<2048x3xf32, #tpu.memory_space<vmem>>, vector<2048x3xf32>
    %get3A_2 = arith.constant 0 : index
    %get3A_3 = arith.constant 0 : index
    %get3A_4 = vector.load %arg1[%get3A_2, %get3A_3] : memref<2048x128xf32, #tpu.memory_space<vmem>>, vector<2048x128xf32>
    %get3A_5 = arith.constant 0 : index
    %get3A_6 = arith.constant 0 : index
    %get3A_7 = vector.load %arg2[%get3A_5, %get3A_6] : memref<2048x128xf32, #tpu.memory_space<vmem>>, vector<2048x128xf32>
    %add3A = arith.addf %get3A_4, %get3A_7 : vector<2048x128xf32>
    %get3A_8 = arith.constant 0 : index
    %get3A_9 = arith.constant 0 : index
    %get3A_10 = vector.load %arg4[%get3A_8, %get3A_9] : memref<3x128xf32, #tpu.memory_space<vmem>>, vector<3x128xf32>
    %dot_general3A = arith.constant dense<0.000000e+00> : vector<2048x128xf32>
    %dot_general3A_11 = tpu.matmul %get3A_1, %get3A_10, %dot_general3A {dimension_numbers = #tpu.dot_dimension_numbers<[1], [0], [0], [1], [0, 0, 1, 1], [], []>, transpose_lhs_hint = false} : vector<2048x3xf32>, vector<3x128xf32>, vector<2048x128xf32> -> vector<2048x128xf32>
    %add3A_12 = arith.addf %add3A, %dot_general3A_11 : vector<2048x128xf32>
    %max3A = arith.constant 0.000000e+00 : f32
    %max3A_13 = vector.broadcast %max3A : f32 to vector<2048x128xf32>
    %max3A_14 = arith.maximumf %add3A_12, %max3A_13 : vector<2048x128xf32>
    %get3A_15 = arith.constant 0 : index
    %get3A_16 = arith.constant 0 : index
    %get3A_17 = vector.load %arg5[%get3A_15, %get3A_16] : memref<128x128xf32, #tpu.memory_space<vmem>>, vector<128x128xf32>
    %dot_general3A_18 = arith.constant dense<0.000000e+00> : vector<2048x128xf32>
    %dot_general3A_19 = tpu.matmul %max3A_14, %get3A_17, %dot_general3A_18 {dimension_numbers = #tpu.dot_dimension_numbers<[1], [0], [0], [1], [0, 0, 1, 1], [], []>, transpose_lhs_hint = false} : vector<2048x128xf32>, vector<128x128xf32>, vector<2048x128xf32> -> vector<2048x128xf32>
    %get3A_20 = arith.constant 0 : index
    %get3A_21 = arith.constant 0 : index
    %get3A_22 = vector.load %arg6[%get3A_20, %get3A_21] : memref<1x128xf32, #tpu.memory_space<vmem>>, vector<1x128xf32>
    %add3A_23 = vector.broadcast %get3A_22 : vector<1x128xf32> to vector<2048x128xf32>
    %add3A_24 = arith.addf %dot_general3A_19, %add3A_23 : vector<2048x128xf32>
    %max3A_25 = arith.constant 0.000000e+00 : f32
    %max3A_26 = vector.broadcast %max3A_25 : f32 to vector<2048x128xf32>
    %max3A_27 = arith.maximumf %add3A_24, %max3A_26 : vector<2048x128xf32>
    %get3A_28 = arith.constant 0 : index
    %get3A_29 = arith.constant 0 : index
    %get3A_30 = vector.load %arg7[%get3A_28, %get3A_29] : memref<128x26xf32, #tpu.memory_space<vmem>>, vector<128x26xf32>
    %dot_general3A_31 = arith.constant dense<0.000000e+00> : vector<2048x26xf32>
    %dot_general3A_32 = tpu.matmul %max3A_27, %get3A_30, %dot_general3A_31 {dimension_numbers = #tpu.dot_dimension_numbers<[1], [0], [0], [1], [0, 0, 1, 1], [], []>, transpose_lhs_hint = false} : vector<2048x128xf32>, vector<128x26xf32>, vector<2048x26xf32> -> vector<2048x26xf32>
    %get3A_33 = arith.constant 0 : index
    %get3A_34 = arith.constant 0 : index
    %get3A_35 = vector.load %arg8[%get3A_33, %get3A_34] : memref<1x26xf32, #tpu.memory_space<vmem>>, vector<1x26xf32>
    %add3A_36 = vector.broadcast %get3A_35 : vector<1x26xf32> to vector<2048x26xf32>
    %add3A_37 = arith.addf %dot_general3A_32, %add3A_36 : vector<2048x26xf32>
    %slice3A = vector.extract_strided_slice %get3A_1 {offsets = [0, 2], sizes = [2048, 1], strides = [1, 1]} : vector<2048x3xf32> to vector<2048x1xf32>
    %concatenate3A = tpu.concatenate %add3A_37, %slice3A in 1 : vector<2048x26xf32>, vector<2048x1xf32> -> vector<2048x27xf32>
    %swap3A = arith.constant 0 : index
    %swap3A_38 = arith.constant 0 : index
    %swap3A_39 = vector.load %arg9[%swap3A, %swap3A_38] : memref<2048x27xf32, #tpu.memory_space<vmem>>, vector<2048x27xf32>
    tpu.vector_store %arg9[%swap3A, %swap3A_38], %concatenate3A {strides = array<i32>} : memref<2048x27xf32, #tpu.memory_space<vmem>>, vector<2048x27xf32>,
    return
  }
  func.func @transform_0(%arg0: i32) -> (i32, i32) {
    %c0_i32 = arith.constant 0 : i32
    %c0_i32_0 = arith.constant 0 : i32
    return %arg0, %c0_i32 : i32, i32
  }
  func.func @transform_1(%arg0: i32) -> (i32, i32) {
    %c0_i32 = arith.constant 0 : i32
    %c0_i32_0 = arith.constant 0 : i32
    return %arg0, %c0_i32 : i32, i32
  }
  func.func @transform_2(%arg0: i32) -> (i32, i32) {
    %c0_i32 = arith.constant 0 : i32
    %c0_i32_0 = arith.constant 0 : i32
    return %arg0, %c0_i32 : i32, i32
  }
  func.func @transform_3(%arg0: i32) -> (i32, i32) {
    %c0_i32 = arith.constant 0 : i32
    %c0_i32_0 = arith.constant 0 : i32
    %c0_i32_1 = arith.constant 0 : i32
    return %c0_i32, %c0_i32_0 : i32, i32
  }
  func.func @transform_4(%arg0: i32) -> (i32, i32) {
    %c0_i32 = arith.constant 0 : i32
    %c0_i32_0 = arith.constant 0 : i32
    %c0_i32_1 = arith.constant 0 : i32
    return %c0_i32, %c0_i32_0 : i32, i32
  }
  func.func @transform_5(%arg0: i32) -> (i32, i32) {
    %c0_i32 = arith.constant 0 : i32
    %c0_i32_0 = arith.constant 0 : i32
    %c0_i32_1 = arith.constant 0 : i32
    return %c0_i32, %c0_i32_0 : i32, i32
  }
  func.func @transform_6(%arg0: i32) -> (i32, i32) {
    %c0_i32 = arith.constant 0 : i32
    %c0_i32_0 = arith.constant 0 : i32
    %c0_i32_1 = arith.constant 0 : i32
    return %c0_i32, %c0_i32_0 : i32, i32
  }
  func.func @transform_7(%arg0: i32) -> (i32, i32) {
    %c0_i32 = arith.constant 0 : i32
    %c0_i32_0 = arith.constant 0 : i32
    %c0_i32_1 = arith.constant 0 : i32
    return %c0_i32, %c0_i32_0 : i32, i32
  }
  func.func @transform_8(%arg0: i32) -> (i32, i32) {
    %c0_i32 = arith.constant 0 : i32
    %c0_i32_0 = arith.constant 0 : i32
    return %arg0, %c0_i32 : i32, i32
  }
}

module attributes {stable_mosaic.version = 14 : i64} {
  func.func @body(%arg0: i32, %arg1: memref<2048x27xf32, #tpu.memory_space<vmem>>, %arg2: memref<32x2048xf32, #tpu.memory_space<vmem>>, %arg3: memref<27x64xf32, #tpu.memory_space<vmem>>, %arg4: memref<2048x32xf32, #tpu.memory_space<vmem>>, %arg5: memref<2048x32xf32, #tpu.memory_space<vmem>>, %arg6: memref<2048x1xf32, #tpu.memory_space<vmem>>) attributes {dimension_semantics = [#tpu.dimension_semantics<arbitrary>], iteration_bounds = array<i64: 24>, scalar_prefetch = 0 : i64, scratch_operands = 0 : i64, tpu.core_type = #tpu.core_type<tc>, window_params = [{transform_indices = @transform_0, window_bounds = array<i64: 2048, 27>}, {transform_indices = @transform_1, window_bounds = array<i64: 32, 2048>}, {pipeline_mode = #tpu.pipeline_mode<synchronous>, transform_indices = @transform_2, window_bounds = array<i64: 27, 64>}, {transform_indices = @transform_3, window_bounds = array<i64: 2048, 32>}, {transform_indices = @transform_4, window_bounds = array<i64: 2048, 32>}, {transform_indices = @transform_5, window_bounds = array<i64: 2048, 1>}]} {
    %get3A = arith.constant 0 : index
    %get3A_0 = arith.constant 0 : index
    %get3A_1 = vector.load %arg2[%get3A, %get3A_0] : memref<32x2048xf32, #tpu.memory_space<vmem>>, vector<32x2048xf32>
    %reduce_sum3A = arith.constant dense<0.000000e+00> : vector<2048xf32>
    %reduce_sum3A_2 = vector.multi_reduction <add>, %get3A_1, %reduce_sum3A [0] : vector<32x2048xf32> to vector<2048xf32>
    %broadcast_in_dim3A = vector.shape_cast %reduce_sum3A_2 : vector<2048xf32> to vector<1x2048xf32>
    %add3A = arith.constant 1.000000e+00 : f32
    %add3A_3 = vector.broadcast %add3A : f32 to vector<1x2048xf32>
    %add3A_4 = arith.addf %broadcast_in_dim3A, %add3A_3 : vector<1x2048xf32>
    %rsqrt3A = math.rsqrt %add3A_4 : vector<1x2048xf32>
    %transpose3A = tpu.transpose %rsqrt3A, [1, 0] : vector<1x2048xf32> -> vector<2048x1xf32>
    %get3A_5 = arith.constant 0 : index
    %get3A_6 = arith.constant 0 : index
    %get3A_7 = vector.load %arg1[%get3A_5, %get3A_6] : memref<2048x27xf32, #tpu.memory_space<vmem>>, vector<2048x27xf32>
    %get3A_8 = arith.constant 0 : index
    %get3A_9 = arith.constant 0 : index
    %get3A_10 = vector.load %arg3[%get3A_8, %get3A_9] : memref<27x64xf32, #tpu.memory_space<vmem>>, vector<27x64xf32>
    %dot_general3A = arith.constant dense<0.000000e+00> : vector<2048x64xf32>
    %dot_general3A_11 = tpu.matmul %get3A_7, %get3A_10, %dot_general3A {dimension_numbers = #tpu.dot_dimension_numbers<[1], [0], [0], [1], [0, 0, 1, 1], [], []>, transpose_lhs_hint = false} : vector<2048x27xf32>, vector<27x64xf32>, vector<2048x64xf32> -> vector<2048x64xf32>
    %mul3A = vector.broadcast %transpose3A : vector<2048x1xf32> to vector<2048x64xf32>
    %mul3A_12 = arith.mulf %dot_general3A_11, %mul3A : vector<2048x64xf32>
    %slice3A = vector.extract_strided_slice %mul3A_12 {offsets = [0, 0], sizes = [2048, 32], strides = [1, 1]} : vector<2048x64xf32> to vector<2048x32xf32>
    %swap3A = arith.constant 0 : index
    %swap3A_13 = arith.constant 0 : index
    %swap3A_14 = vector.load %arg4[%swap3A, %swap3A_13] : memref<2048x32xf32, #tpu.memory_space<vmem>>, vector<2048x32xf32>
    tpu.vector_store %arg4[%swap3A, %swap3A_13], %slice3A {strides = array<i32>} : memref<2048x32xf32, #tpu.memory_space<vmem>>, vector<2048x32xf32>,
    %slice3A_15 = vector.extract_strided_slice %mul3A_12 {offsets = [0, 32], sizes = [2048, 32], strides = [1, 1]} : vector<2048x64xf32> to vector<2048x32xf32>
    %swap3A_16 = arith.constant 0 : index
    %swap3A_17 = arith.constant 0 : index
    %swap3A_18 = vector.load %arg5[%swap3A_16, %swap3A_17] : memref<2048x32xf32, #tpu.memory_space<vmem>>, vector<2048x32xf32>
    tpu.vector_store %arg5[%swap3A_16, %swap3A_17], %slice3A_15 {strides = array<i32>} : memref<2048x32xf32, #tpu.memory_space<vmem>>, vector<2048x32xf32>,
    %swap3A_19 = arith.constant 0 : index
    %swap3A_20 = arith.constant 0 : index
    %swap3A_21 = vector.load %arg6[%swap3A_19, %swap3A_20] : memref<2048x1xf32, #tpu.memory_space<vmem>>, vector<2048x1xf32>
    tpu.vector_store %arg6[%swap3A_19, %swap3A_20], %transpose3A {strides = array<i32>} : memref<2048x1xf32, #tpu.memory_space<vmem>>, vector<2048x1xf32>,
    return
  }
  func.func @transform_0(%arg0: i32) -> (i32, i32) {
    %c0_i32 = arith.constant 0 : i32
    %c0_i32_0 = arith.constant 0 : i32
    return %arg0, %c0_i32 : i32, i32
  }
  func.func @transform_1(%arg0: i32) -> (i32, i32) {
    %c0_i32 = arith.constant 0 : i32
    %c0_i32_0 = arith.constant 0 : i32
    return %c0_i32, %arg0 : i32, i32
  }
  func.func @transform_2(%arg0: i32) -> (i32, i32) {
    %c0_i32 = arith.constant 0 : i32
    %c0_i32_0 = arith.constant 0 : i32
    %c0_i32_1 = arith.constant 0 : i32
    return %c0_i32, %c0_i32_0 : i32, i32
  }
  func.func @transform_3(%arg0: i32) -> (i32, i32) {
    %c0_i32 = arith.constant 0 : i32
    %c0_i32_0 = arith.constant 0 : i32
    return %arg0, %c0_i32 : i32, i32
  }
  func.func @transform_4(%arg0: i32) -> (i32, i32) {
    %c0_i32 = arith.constant 0 : i32
    %c0_i32_0 = arith.constant 0 : i32
    return %arg0, %c0_i32 : i32, i32
  }
  func.func @transform_5(%arg0: i32) -> (i32, i32) {
    %c0_i32 = arith.constant 0 : i32
    %c0_i32_0 = arith.constant 0 : i32
    return %arg0, %c0_i32 : i32, i32
  }
}

module attributes {stable_mosaic.version = 14 : i64} {
  func.func @body(%arg0: i32, %arg1: memref<2x2048x32xf32, #tpu.memory_space<vmem>>, %arg2: memref<2048x32xf32, #tpu.memory_space<vmem>>, %arg3: memref<2048x32xf32, #tpu.memory_space<vmem>>, %arg4: memref<2048x1xf32, #tpu.memory_space<vmem>>, %arg5: memref<1x64xf32, #tpu.memory_space<vmem>>, %arg6: memref<64x26xf32, #tpu.memory_space<vmem>>, %arg7: memref<2048x32xf32, #tpu.memory_space<vmem>>) attributes {dimension_semantics = [#tpu.dimension_semantics<arbitrary>], iteration_bounds = array<i64: 24>, scalar_prefetch = 0 : i64, scratch_operands = 0 : i64, tpu.core_type = #tpu.core_type<tc>, window_params = [{transform_indices = @transform_0, window_bounds = array<i64: 2, 2048, 32>}, {transform_indices = @transform_1, window_bounds = array<i64: 2048, 32>}, {transform_indices = @transform_2, window_bounds = array<i64: 2048, 32>}, {transform_indices = @transform_3, window_bounds = array<i64: 2048, 1>}, {pipeline_mode = #tpu.pipeline_mode<synchronous>, transform_indices = @transform_4, window_bounds = array<i64: 1, 64>}, {pipeline_mode = #tpu.pipeline_mode<synchronous>, transform_indices = @transform_5, window_bounds = array<i64: 64, 26>}, {transform_indices = @transform_6, window_bounds = array<i64: 2048, 32>}]} {
    %get3A = arith.constant 0 : index
    %get3A_0 = arith.constant 0 : index
    %get3A_1 = arith.constant 0 : index
    %get3A_2 = vector.load %arg1[%get3A, %get3A_0, %get3A_1] : memref<2x2048x32xf32, #tpu.memory_space<vmem>>, vector<2x2048x32xf32>
    %get3A_3 = arith.constant 0 : index
    %get3A_4 = arith.constant 0 : index
    %get3A_5 = vector.load %arg2[%get3A_3, %get3A_4] : memref<2048x32xf32, #tpu.memory_space<vmem>>, vector<2048x32xf32>
    %get3A_6 = arith.constant 0 : index
    %get3A_7 = arith.constant 0 : index
    %get3A_8 = vector.load %arg3[%get3A_6, %get3A_7] : memref<2048x32xf32, #tpu.memory_space<vmem>>, vector<2048x32xf32>
    %concatenate3A = tpu.concatenate %get3A_5, %get3A_8 in 1 : vector<2048x32xf32>, vector<2048x32xf32> -> vector<2048x64xf32>
    %slice3A = vector.extract_strided_slice %get3A_2 {offsets = [0, 0, 0], sizes = [1, 2048, 32], strides = [1, 1, 1]} : vector<2x2048x32xf32> to vector<1x2048x32xf32>
    %squeeze3A = vector.shape_cast %slice3A : vector<1x2048x32xf32> to vector<2048x32xf32>
    %slice3A_9 = vector.extract_strided_slice %get3A_2 {offsets = [1, 0, 0], sizes = [1, 2048, 32], strides = [1, 1, 1]} : vector<2x2048x32xf32> to vector<1x2048x32xf32>
    %squeeze3A_10 = vector.shape_cast %slice3A_9 : vector<1x2048x32xf32> to vector<2048x32xf32>
    %concatenate3A_11 = tpu.concatenate %squeeze3A, %squeeze3A_10 in 1 : vector<2048x32xf32>, vector<2048x32xf32> -> vector<2048x64xf32>
    %get3A_12 = arith.constant 0 : index
    %get3A_13 = arith.constant 0 : index
    %get3A_14 = vector.load %arg4[%get3A_12, %get3A_13] : memref<2048x1xf32, #tpu.memory_space<vmem>>, vector<2048x1xf32>
    %add3A = arith.addf %concatenate3A_11, %concatenate3A : vector<2048x64xf32>
    %mul3A = vector.broadcast %get3A_14 : vector<2048x1xf32> to vector<2048x64xf32>
    %mul3A_15 = arith.mulf %mul3A, %add3A : vector<2048x64xf32>
    %get3A_16 = arith.constant 0 : index
    %get3A_17 = arith.constant 0 : index
    %get3A_18 = vector.load %arg5[%get3A_16, %get3A_17] : memref<1x64xf32, #tpu.memory_space<vmem>>, vector<1x64xf32>
    %add3A_19 = vector.broadcast %get3A_18 : vector<1x64xf32> to vector<2048x64xf32>
    %add3A_20 = arith.addf %mul3A_15, %add3A_19 : vector<2048x64xf32>
    %max3A = arith.constant 0.000000e+00 : f32
    %max3A_21 = vector.broadcast %max3A : f32 to vector<2048x64xf32>
    %max3A_22 = arith.maximumf %add3A_20, %max3A_21 : vector<2048x64xf32>
    %get3A_23 = arith.constant 0 : index
    %get3A_24 = arith.constant 0 : index
    %get3A_25 = vector.load %arg6[%get3A_23, %get3A_24] : memref<64x26xf32, #tpu.memory_space<vmem>>, vector<64x26xf32>
    %dot_general3A = arith.constant dense<0.000000e+00> : vector<2048x26xf32>
    %dot_general3A_26 = tpu.matmul %max3A_22, %get3A_25, %dot_general3A {dimension_numbers = #tpu.dot_dimension_numbers<[1], [0], [0], [1], [0, 0, 1, 1], [], []>, transpose_lhs_hint = false} : vector<2048x64xf32>, vector<64x26xf32>, vector<2048x26xf32> -> vector<2048x26xf32>
    %mul3A_27 = vector.broadcast %get3A_14 : vector<2048x1xf32> to vector<2048x26xf32>
    %mul3A_28 = arith.mulf %dot_general3A_26, %mul3A_27 : vector<2048x26xf32>
    %broadcast_in_dim3A = arith.constant 0.000000e+00 : f32
    %broadcast_in_dim3A_29 = vector.broadcast %broadcast_in_dim3A : f32 to vector<2048x6xf32>
    %concatenate3A_30 = tpu.concatenate %mul3A_28, %broadcast_in_dim3A_29 in 1 : vector<2048x26xf32>, vector<2048x6xf32> -> vector<2048x32xf32>
    %swap3A = arith.constant 0 : index
    %swap3A_31 = arith.constant 0 : index
    %swap3A_32 = vector.load %arg7[%swap3A, %swap3A_31] : memref<2048x32xf32, #tpu.memory_space<vmem>>, vector<2048x32xf32>
    tpu.vector_store %arg7[%swap3A, %swap3A_31], %concatenate3A_30 {strides = array<i32>} : memref<2048x32xf32, #tpu.memory_space<vmem>>, vector<2048x32xf32>,
    return
  }
  func.func @transform_0(%arg0: i32) -> (i32, i32, i32) {
    %c0_i32 = arith.constant 0 : i32
    %c0_i32_0 = arith.constant 0 : i32
    %c0_i32_1 = arith.constant 0 : i32
    return %c0_i32, %arg0, %c0_i32_0 : i32, i32, i32
  }
  func.func @transform_1(%arg0: i32) -> (i32, i32) {
    %c0_i32 = arith.constant 0 : i32
    %c0_i32_0 = arith.constant 0 : i32
    return %arg0, %c0_i32 : i32, i32
  }
  func.func @transform_2(%arg0: i32) -> (i32, i32) {
    %c0_i32 = arith.constant 0 : i32
    %c0_i32_0 = arith.constant 0 : i32
    return %arg0, %c0_i32 : i32, i32
  }
  func.func @transform_3(%arg0: i32) -> (i32, i32) {
    %c0_i32 = arith.constant 0 : i32
    %c0_i32_0 = arith.constant 0 : i32
    return %arg0, %c0_i32 : i32, i32
  }
  func.func @transform_4(%arg0: i32) -> (i32, i32) {
    %c0_i32 = arith.constant 0 : i32
    %c0_i32_0 = arith.constant 0 : i32
    %c0_i32_1 = arith.constant 0 : i32
    return %c0_i32, %c0_i32_0 : i32, i32
  }
  func.func @transform_5(%arg0: i32) -> (i32, i32) {
    %c0_i32 = arith.constant 0 : i32
    %c0_i32_0 = arith.constant 0 : i32
    %c0_i32_1 = arith.constant 0 : i32
    return %c0_i32, %c0_i32_0 : i32, i32
  }
  func.func @transform_6(%arg0: i32) -> (i32, i32) {
    %c0_i32 = arith.constant 0 : i32
    %c0_i32_0 = arith.constant 0 : i32
    return %arg0, %c0_i32 : i32, i32
  }
}

module attributes {stable_mosaic.version = 14 : i64} {
  func.func @body(%arg0: i32, %arg1: memref<2x3072x32xf32, #tpu.memory_space<vmem>>, %arg2: memref<3072x32xf32, #tpu.memory_space<vmem>>, %arg3: memref<3072x1xf32, #tpu.memory_space<vmem>>, %arg4: memref<1x26xf32, #tpu.memory_space<vmem>>, %arg5: memref<3072x27xf32, #tpu.memory_space<vmem>>, %arg6: memref<1024x27xf32, #tpu.memory_space<vmem>>, %arg7: memref<4x12xf32, #tpu.memory_space<vmem>>, %arg8: memref<26x26xf32, #tpu.memory_space<vmem>>, %arg9: memref<1x1xf32, #tpu.memory_space<vmem>>, %arg10: memref<32x1024xf32, #tpu.memory_space<vmem>>, %arg11: memref<27x64xf32, #tpu.memory_space<vmem>>, %arg12: memref<1024x27xf32, #tpu.memory_space<vmem>>, %arg13: memref<1024x1xf32, #tpu.memory_space<vmem>>, %arg14: memref<1024x32xf32, #tpu.memory_space<vmem>>, %arg15: memref<1024x32xf32, #tpu.memory_space<vmem>>) attributes {dimension_semantics = [#tpu.dimension_semantics<arbitrary>], iteration_bounds = array<i64: 16>, scalar_prefetch = 0 : i64, scratch_operands = 0 : i64, tpu.core_type = #tpu.core_type<tc>, window_params = [{transform_indices = @transform_0, window_bounds = array<i64: 2, 3072, 32>}, {transform_indices = @transform_1, window_bounds = array<i64: 3072, 32>}, {transform_indices = @transform_2, window_bounds = array<i64: 3072, 1>}, {pipeline_mode = #tpu.pipeline_mode<synchronous>, transform_indices = @transform_3, window_bounds = array<i64: 1, 26>}, {transform_indices = @transform_4, window_bounds = array<i64: 3072, 27>}, {transform_indices = @transform_5, window_bounds = array<i64: 1024, 27>}, {pipeline_mode = #tpu.pipeline_mode<synchronous>, transform_indices = @transform_6, window_bounds = array<i64: 4, 12>}, {pipeline_mode = #tpu.pipeline_mode<synchronous>, transform_indices = @transform_7, window_bounds = array<i64: 26, 26>}, {pipeline_mode = #tpu.pipeline_mode<synchronous>, transform_indices = @transform_8, window_bounds = array<i64: 1, 1>}, {transform_indices = @transform_9, window_bounds = array<i64: 32, 1024>}, {pipeline_mode = #tpu.pipeline_mode<synchronous>, transform_indices = @transform_10, window_bounds = array<i64: 27, 64>}, {transform_indices = @transform_11, window_bounds = array<i64: 1024, 27>}, {transform_indices = @transform_12, window_bounds = array<i64: 1024, 1>}, {transform_indices = @transform_13, window_bounds = array<i64: 1024, 32>}, {transform_indices = @transform_14, window_bounds = array<i64: 1024, 32>}]} {
    %get3A = arith.constant 0 : index
    %get3A_0 = arith.constant 0 : index
    %get3A_1 = arith.constant 0 : index
    %get3A_2 = vector.load %arg1[%get3A, %get3A_0, %get3A_1] : memref<2x3072x32xf32, #tpu.memory_space<vmem>>, vector<2x3072x32xf32>
    %get3A_3 = arith.constant 0 : index
    %get3A_4 = arith.constant 0 : index
    %get3A_5 = vector.load %arg3[%get3A_3, %get3A_4] : memref<3072x1xf32, #tpu.memory_space<vmem>>, vector<3072x1xf32>
    %slice3A = vector.extract_strided_slice %get3A_2 {offsets = [0, 0, 0], sizes = [1, 3072, 32], strides = [1, 1, 1]} : vector<2x3072x32xf32> to vector<1x3072x32xf32>
    %squeeze3A = vector.shape_cast %slice3A : vector<1x3072x32xf32> to vector<3072x32xf32>
    %slice3A_6 = vector.extract_strided_slice %get3A_2 {offsets = [1, 0, 0], sizes = [1, 3072, 32], strides = [1, 1, 1]} : vector<2x3072x32xf32> to vector<1x3072x32xf32>
    %squeeze3A_7 = vector.shape_cast %slice3A_6 : vector<1x3072x32xf32> to vector<3072x32xf32>
    %add3A = arith.addf %squeeze3A, %squeeze3A_7 : vector<3072x32xf32>
    %get3A_8 = arith.constant 0 : index
    %get3A_9 = arith.constant 0 : index
    %get3A_10 = vector.load %arg2[%get3A_8, %get3A_9] : memref<3072x32xf32, #tpu.memory_space<vmem>>, vector<3072x32xf32>
    %add3A_11 = arith.addf %add3A, %get3A_10 : vector<3072x32xf32>
    %mul3A = vector.broadcast %get3A_5 : vector<3072x1xf32> to vector<3072x32xf32>
    %mul3A_12 = arith.mulf %mul3A, %add3A_11 : vector<3072x32xf32>
    %slice3A_13 = vector.extract_strided_slice %mul3A_12 {offsets = [0, 0], sizes = [3072, 26], strides = [1, 1]} : vector<3072x32xf32> to vector<3072x26xf32>
    %get3A_14 = arith.constant 0 : index
    %get3A_15 = arith.constant 0 : index
    %get3A_16 = vector.load %arg4[%get3A_14, %get3A_15] : memref<1x26xf32, #tpu.memory_space<vmem>>, vector<1x26xf32>
    %add3A_17 = vector.broadcast %get3A_16 : vector<1x26xf32> to vector<3072x26xf32>
    %add3A_18 = arith.addf %slice3A_13, %add3A_17 : vector<3072x26xf32>
    %reshape3A = vector.shape_cast %add3A_18 : vector<3072x26xf32> to vector<256x12x26xf32>
    %get3A_19 = arith.constant 0 : index
    %get3A_20 = arith.constant 0 : index
    %get3A_21 = vector.load %arg6[%get3A_19, %get3A_20] : memref<1024x27xf32, #tpu.memory_space<vmem>>, vector<1024x27xf32>
    %slice3A_22 = vector.extract_strided_slice %get3A_21 {offsets = [0, 0], sizes = [1024, 26], strides = [1, 1]} : vector<1024x27xf32> to vector<1024x26xf32>
    %reshape3A_23 = vector.shape_cast %slice3A_22 : vector<1024x26xf32> to vector<256x4x26xf32>
    %get3A_24 = arith.constant 0 : index
    %get3A_25 = arith.constant 0 : index
    %get3A_26 = vector.load %arg5[%get3A_24, %get3A_25] : memref<3072x27xf32, #tpu.memory_space<vmem>>, vector<3072x27xf32>
    %slice3A_27 = vector.extract_strided_slice %get3A_26 {offsets = [0, 26], sizes = [3072, 1], strides = [1, 1]} : vector<3072x27xf32> to vector<3072x1xf32>
    %squeeze3A_28 = vector.shape_cast %slice3A_27 : vector<3072x1xf32> to vector<3072xf32>
    %reshape3A_29 = vector.shape_cast %squeeze3A_28 : vector<3072xf32> to vector<256x12xf32>
    %get3A_30 = arith.constant 0 : index
    %get3A_31 = arith.constant 0 : index
    %get3A_32 = vector.load %arg8[%get3A_30, %get3A_31] : memref<26x26xf32, #tpu.memory_space<vmem>>, vector<26x26xf32>
    %slice3A_33 = vector.extract_strided_slice %reshape3A_23 {offsets = [0, 0, 0], sizes = [256, 1, 26], strides = [1, 1, 1]} : vector<256x4x26xf32> to vector<256x1x26xf32>
    %sub3A = vector.broadcast %slice3A_33 : vector<256x1x26xf32> to vector<256x12x26xf32>
    %sub3A_34 = arith.subf %reshape3A, %sub3A : vector<256x12x26xf32>
    %reshape3A_35 = vector.shape_cast %sub3A_34 : vector<256x12x26xf32> to vector<3072x26xf32>
    %dot_general3A = arith.constant dense<0.000000e+00> : vector<3072x26xf32>
    %dot_general3A_36 = tpu.matmul %reshape3A_35, %get3A_32, %dot_general3A {dimension_numbers = #tpu.dot_dimension_numbers<[1], [0], [0], [1], [0, 0, 1, 1], [], []>, transpose_lhs_hint = false} : vector<3072x26xf32>, vector<26x26xf32>, vector<3072x26xf32> -> vector<3072x26xf32>
    %mul3A_37 = arith.mulf %dot_general3A_36, %reshape3A_35 : vector<3072x26xf32>
    %reduce_sum3A = arith.constant dense<0.000000e+00> : vector<3072xf32>
    %reduce_sum3A_38 = vector.multi_reduction <add>, %mul3A_37, %reduce_sum3A [1] : vector<3072x26xf32> to vector<3072xf32>
    %reshape3A_39 = vector.shape_cast %reduce_sum3A_38 : vector<3072xf32> to vector<256x1x12xf32>
    %slice3A_40 = vector.extract_strided_slice %reshape3A_23 {offsets = [0, 1, 0], sizes = [256, 1, 26], strides = [1, 1, 1]} : vector<256x4x26xf32> to vector<256x1x26xf32>
    %sub3A_41 = vector.broadcast %slice3A_40 : vector<256x1x26xf32> to vector<256x12x26xf32>
    %sub3A_42 = arith.subf %reshape3A, %sub3A_41 : vector<256x12x26xf32>
    %reshape3A_43 = vector.shape_cast %sub3A_42 : vector<256x12x26xf32> to vector<3072x26xf32>
    %dot_general3A_44 = arith.constant dense<0.000000e+00> : vector<3072x26xf32>
    %dot_general3A_45 = tpu.matmul %reshape3A_43, %get3A_32, %dot_general3A_44 {dimension_numbers = #tpu.dot_dimension_numbers<[1], [0], [0], [1], [0, 0, 1, 1], [], []>, transpose_lhs_hint = false} : vector<3072x26xf32>, vector<26x26xf32>, vector<3072x26xf32> -> vector<3072x26xf32>
    %mul3A_46 = arith.mulf %dot_general3A_45, %reshape3A_43 : vector<3072x26xf32>
    %reduce_sum3A_47 = arith.constant dense<0.000000e+00> : vector<3072xf32>
    %reduce_sum3A_48 = vector.multi_reduction <add>, %mul3A_46, %reduce_sum3A_47 [1] : vector<3072x26xf32> to vector<3072xf32>
    %reshape3A_49 = vector.shape_cast %reduce_sum3A_48 : vector<3072xf32> to vector<256x1x12xf32>
    %slice3A_50 = vector.extract_strided_slice %reshape3A_23 {offsets = [0, 2, 0], sizes = [256, 1, 26], strides = [1, 1, 1]} : vector<256x4x26xf32> to vector<256x1x26xf32>
    %sub3A_51 = vector.broadcast %slice3A_50 : vector<256x1x26xf32> to vector<256x12x26xf32>
    %sub3A_52 = arith.subf %reshape3A, %sub3A_51 : vector<256x12x26xf32>
    %reshape3A_53 = vector.shape_cast %sub3A_52 : vector<256x12x26xf32> to vector<3072x26xf32>
    %dot_general3A_54 = arith.constant dense<0.000000e+00> : vector<3072x26xf32>
    %dot_general3A_55 = tpu.matmul %reshape3A_53, %get3A_32, %dot_general3A_54 {dimension_numbers = #tpu.dot_dimension_numbers<[1], [0], [0], [1], [0, 0, 1, 1], [], []>, transpose_lhs_hint = false} : vector<3072x26xf32>, vector<26x26xf32>, vector<3072x26xf32> -> vector<3072x26xf32>
    %mul3A_56 = arith.mulf %dot_general3A_55, %reshape3A_53 : vector<3072x26xf32>
    %reduce_sum3A_57 = arith.constant dense<0.000000e+00> : vector<3072xf32>
    %reduce_sum3A_58 = vector.multi_reduction <add>, %mul3A_56, %reduce_sum3A_57 [1] : vector<3072x26xf32> to vector<3072xf32>
    %reshape3A_59 = vector.shape_cast %reduce_sum3A_58 : vector<3072xf32> to vector<256x1x12xf32>
    %slice3A_60 = vector.extract_strided_slice %reshape3A_23 {offsets = [0, 3, 0], sizes = [256, 1, 26], strides = [1, 1, 1]} : vector<256x4x26xf32> to vector<256x1x26xf32>
    %sub3A_61 = vector.broadcast %slice3A_60 : vector<256x1x26xf32> to vector<256x12x26xf32>
    %sub3A_62 = arith.subf %reshape3A, %sub3A_61 : vector<256x12x26xf32>
    %reshape3A_63 = vector.shape_cast %sub3A_62 : vector<256x12x26xf32> to vector<3072x26xf32>
    %dot_general3A_64 = arith.constant dense<0.000000e+00> : vector<3072x26xf32>
    %dot_general3A_65 = tpu.matmul %reshape3A_63, %get3A_32, %dot_general3A_64 {dimension_numbers = #tpu.dot_dimension_numbers<[1], [0], [0], [1], [0, 0, 1, 1], [], []>, transpose_lhs_hint = false} : vector<3072x26xf32>, vector<26x26xf32>, vector<3072x26xf32> -> vector<3072x26xf32>
    %mul3A_66 = arith.mulf %dot_general3A_65, %reshape3A_63 : vector<3072x26xf32>
    %reduce_sum3A_67 = arith.constant dense<0.000000e+00> : vector<3072xf32>
    %reduce_sum3A_68 = vector.multi_reduction <add>, %mul3A_66, %reduce_sum3A_67 [1] : vector<3072x26xf32> to vector<3072xf32>
    %reshape3A_69 = vector.shape_cast %reduce_sum3A_68 : vector<3072xf32> to vector<256x1x12xf32>
    %concatenate3A = tpu.concatenate %reshape3A_39, %reshape3A_49, %reshape3A_59, %reshape3A_69 in 1 : vector<256x1x12xf32>, vector<256x1x12xf32>, vector<256x1x12xf32>, vector<256x1x12xf32> -> vector<256x4x12xf32>
    %get3A_70 = arith.constant 0 : index
    %get3A_71 = arith.constant 0 : index
    %get3A_72 = vector.load %arg9[%get3A_70, %get3A_71] : memref<1x1xf32, #tpu.memory_space<vmem>>, vector<1x1xf32>
    %get3A_73 = vector.extract %get3A_72[0, 0] : f32 from vector<1x1xf32>
    %neg3A = arith.constant 0.000000e+00 : f32
    %neg3A_74 = arith.subf %neg3A, %get3A_73 : f32
    %exp3A = math.exp %neg3A_74 : f32
    %add3A_75 = arith.constant 1.000000e+00 : f32
    %add3A_76 = arith.addf %add3A_75, %exp3A : f32
    %div3A = arith.constant 1.000000e+00 : f32
    %div3A_77 = arith.divf %div3A, %add3A_76 : f32
    %mul3A_78 = arith.constant 0.00999999977 : f32
    %mul3A_79 = arith.mulf %mul3A_78, %div3A_77 : f32
    %div3A_80 = arith.constant -5.000000e-01 : f32
    %div3A_81 = arith.divf %div3A_80, %mul3A_79 : f32
    %mul3A_82 = vector.broadcast %div3A_81 : f32 to vector<256x4x12xf32>
    %mul3A_83 = arith.mulf %concatenate3A, %mul3A_82 : vector<256x4x12xf32>
    %get3A_84 = arith.constant 0 : index
    %get3A_85 = arith.constant 0 : index
    %get3A_86 = vector.load %arg7[%get3A_84, %get3A_85] : memref<4x12xf32, #tpu.memory_space<vmem>>, vector<4x12xf32>
    %broadcast_in_dim3A = vector.shape_cast %get3A_86 : vector<4x12xf32> to vector<1x4x12xf32>
    %eq3A = arith.constant 0.000000e+00 : f32
    %eq3A_87 = vector.broadcast %eq3A : f32 to vector<1x4x12xf32>
    %eq3A_88 = arith.cmpf oeq, %broadcast_in_dim3A, %eq3A_87 : vector<1x4x12xf32>
    %jit3A = arith.constant 0xFF800000 : f32
    %broadcast_in_dim3A_89 = vector.shape_cast %eq3A_88 : vector<1x4x12xi1> to vector<1x4x12xi1>
    %broadcast_in_dim3A_90 = vector.broadcast %broadcast_in_dim3A_89 : vector<1x4x12xi1> to vector<256x4x12xi1>
    %broadcast_in_dim3A_91 = vector.broadcast %jit3A : f32 to vector<256x4x12xf32>
    %select_n3A = arith.select %broadcast_in_dim3A_90, %broadcast_in_dim3A_91, %mul3A_83 : vector<256x4x12xi1>, vector<256x4x12xf32>
    %reduce_max3A = arith.constant dense<0xFF800000> : vector<256x4xf32>
    %reduce_max3A_92 = vector.multi_reduction <maximumf>, %select_n3A, %reduce_max3A [2] : vector<256x4x12xf32> to vector<256x4xf32>
    %broadcast_in_dim3A_93 = vector.shape_cast %reduce_max3A_92 : vector<256x4xf32> to vector<256x4x1xf32>
    %sub3A_94 = vector.broadcast %broadcast_in_dim3A_93 : vector<256x4x1xf32> to vector<256x4x12xf32>
    %sub3A_95 = arith.subf %select_n3A, %sub3A_94 : vector<256x4x12xf32>
    %exp3A_96 = math.exp %sub3A_95 : vector<256x4x12xf32>
    %reduce_sum3A_97 = arith.constant dense<0.000000e+00> : vector<256x4xf32>
    %reduce_sum3A_98 = vector.multi_reduction <add>, %exp3A_96, %reduce_sum3A_97 [2] : vector<256x4x12xf32> to vector<256x4xf32>
    %broadcast_in_dim3A_99 = vector.shape_cast %reduce_sum3A_98 : vector<256x4xf32> to vector<256x4x1xf32>
    %div3A_100 = vector.broadcast %broadcast_in_dim3A_99 : vector<256x4x1xf32> to vector<256x4x12xf32>
    %div3A_101 = arith.divf %exp3A_96, %div3A_100 : vector<256x4x12xf32>
    %broadcast_in_dim3A_102 = vector.shape_cast %reshape3A_29 : vector<256x12xf32> to vector<256x1x12xf32>
    %mul3A_103 = vector.broadcast %broadcast_in_dim3A_102 : vector<256x1x12xf32> to vector<256x4x12xf32>
    %mul3A_104 = arith.mulf %div3A_101, %mul3A_103 : vector<256x4x12xf32>
    %reduce_sum3A_105 = arith.constant dense<0.000000e+00> : vector<256x4xf32>
    %reduce_sum3A_106 = vector.multi_reduction <add>, %mul3A_104, %reduce_sum3A_105 [2] : vector<256x4x12xf32> to vector<256x4xf32>
    %broadcast_in_dim3A_107 = vector.shape_cast %reduce_sum3A_106 : vector<256x4xf32> to vector<256x4x1xf32>
    %concatenate3A_108 = tpu.concatenate %reshape3A_23, %broadcast_in_dim3A_107 in 2 : vector<256x4x26xf32>, vector<256x4x1xf32> -> vector<256x4x27xf32>
    %reshape3A_109 = vector.shape_cast %concatenate3A_108 : vector<256x4x27xf32> to vector<1024x27xf32>
    %swap3A = arith.constant 0 : index
    %swap3A_110 = arith.constant 0 : index
    %swap3A_111 = vector.load %arg12[%swap3A, %swap3A_110] : memref<1024x27xf32, #tpu.memory_space<vmem>>, vector<1024x27xf32>
    tpu.vector_store %arg12[%swap3A, %swap3A_110], %reshape3A_109 {strides = array<i32>} : memref<1024x27xf32, #tpu.memory_space<vmem>>, vector<1024x27xf32>,
    %get3A_112 = arith.constant 0 : index
    %get3A_113 = arith.constant 0 : index
    %get3A_114 = vector.load %arg10[%get3A_112, %get3A_113] : memref<32x1024xf32, #tpu.memory_space<vmem>>, vector<32x1024xf32>
    %reduce_sum3A_115 = arith.constant dense<0.000000e+00> : vector<1024xf32>
    %reduce_sum3A_116 = vector.multi_reduction <add>, %get3A_114, %reduce_sum3A_115 [0] : vector<32x1024xf32> to vector<1024xf32>
    %broadcast_in_dim3A_117 = vector.shape_cast %reduce_sum3A_116 : vector<1024xf32> to vector<1x1024xf32>
    %add3A_118 = arith.constant 1.000000e+00 : f32
    %add3A_119 = vector.broadcast %add3A_118 : f32 to vector<1x1024xf32>
    %add3A_120 = arith.addf %broadcast_in_dim3A_117, %add3A_119 : vector<1x1024xf32>
    %rsqrt3A = math.rsqrt %add3A_120 : vector<1x1024xf32>
    %transpose3A = tpu.transpose %rsqrt3A, [1, 0] : vector<1x1024xf32> -> vector<1024x1xf32>
    %swap3A_121 = arith.constant 0 : index
    %swap3A_122 = arith.constant 0 : index
    %swap3A_123 = vector.load %arg13[%swap3A_121, %swap3A_122] : memref<1024x1xf32, #tpu.memory_space<vmem>>, vector<1024x1xf32>
    tpu.vector_store %arg13[%swap3A_121, %swap3A_122], %transpose3A {strides = array<i32>} : memref<1024x1xf32, #tpu.memory_space<vmem>>, vector<1024x1xf32>,
    %get3A_124 = arith.constant 0 : index
    %get3A_125 = arith.constant 0 : index
    %get3A_126 = vector.load %arg11[%get3A_124, %get3A_125] : memref<27x64xf32, #tpu.memory_space<vmem>>, vector<27x64xf32>
    %dot_general3A_127 = arith.constant dense<0.000000e+00> : vector<1024x64xf32>
    %dot_general3A_128 = tpu.matmul %reshape3A_109, %get3A_126, %dot_general3A_127 {dimension_numbers = #tpu.dot_dimension_numbers<[1], [0], [0], [1], [0, 0, 1, 1], [], []>, transpose_lhs_hint = false} : vector<1024x27xf32>, vector<27x64xf32>, vector<1024x64xf32> -> vector<1024x64xf32>
    %mul3A_129 = vector.broadcast %transpose3A : vector<1024x1xf32> to vector<1024x64xf32>
    %mul3A_130 = arith.mulf %dot_general3A_128, %mul3A_129 : vector<1024x64xf32>
    %slice3A_131 = vector.extract_strided_slice %mul3A_130 {offsets = [0, 0], sizes = [1024, 32], strides = [1, 1]} : vector<1024x64xf32> to vector<1024x32xf32>
    %swap3A_132 = arith.constant 0 : index
    %swap3A_133 = arith.constant 0 : index
    %swap3A_134 = vector.load %arg14[%swap3A_132, %swap3A_133] : memref<1024x32xf32, #tpu.memory_space<vmem>>, vector<1024x32xf32>
    tpu.vector_store %arg14[%swap3A_132, %swap3A_133], %slice3A_131 {strides = array<i32>} : memref<1024x32xf32, #tpu.memory_space<vmem>>, vector<1024x32xf32>,
    %slice3A_135 = vector.extract_strided_slice %mul3A_130 {offsets = [0, 32], sizes = [1024, 32], strides = [1, 1]} : vector<1024x64xf32> to vector<1024x32xf32>
    %swap3A_136 = arith.constant 0 : index
    %swap3A_137 = arith.constant 0 : index
    %swap3A_138 = vector.load %arg15[%swap3A_136, %swap3A_137] : memref<1024x32xf32, #tpu.memory_space<vmem>>, vector<1024x32xf32>
    tpu.vector_store %arg15[%swap3A_136, %swap3A_137], %slice3A_135 {strides = array<i32>} : memref<1024x32xf32, #tpu.memory_space<vmem>>, vector<1024x32xf32>,
    return
  }
  func.func @transform_0(%arg0: i32) -> (i32, i32, i32) {
    %c0_i32 = arith.constant 0 : i32
    %c0_i32_0 = arith.constant 0 : i32
    %c0_i32_1 = arith.constant 0 : i32
    return %c0_i32, %arg0, %c0_i32_0 : i32, i32, i32
  }
  func.func @transform_1(%arg0: i32) -> (i32, i32) {
    %c0_i32 = arith.constant 0 : i32
    %c0_i32_0 = arith.constant 0 : i32
    return %arg0, %c0_i32 : i32, i32
  }
  func.func @transform_2(%arg0: i32) -> (i32, i32) {
    %c0_i32 = arith.constant 0 : i32
    %c0_i32_0 = arith.constant 0 : i32
    return %arg0, %c0_i32 : i32, i32
  }
  func.func @transform_3(%arg0: i32) -> (i32, i32) {
    %c0_i32 = arith.constant 0 : i32
    %c0_i32_0 = arith.constant 0 : i32
    %c0_i32_1 = arith.constant 0 : i32
    return %c0_i32, %c0_i32_0 : i32, i32
  }
  func.func @transform_4(%arg0: i32) -> (i32, i32) {
    %c0_i32 = arith.constant 0 : i32
    %c0_i32_0 = arith.constant 0 : i32
    return %arg0, %c0_i32 : i32, i32
  }
  func.func @transform_5(%arg0: i32) -> (i32, i32) {
    %add3A = arith.constant 48 : i32
    %add3A_0 = arith.addi %add3A, %arg0 : i32
    %c0_i32 = arith.constant 0 : i32
    %c0_i32_1 = arith.constant 0 : i32
    return %add3A_0, %c0_i32 : i32, i32
  }
  func.func @transform_6(%arg0: i32) -> (i32, i32) {
    %c0_i32 = arith.constant 0 : i32
    %c0_i32_0 = arith.constant 0 : i32
    %c0_i32_1 = arith.constant 0 : i32
    return %c0_i32, %c0_i32_0 : i32, i32
  }
  func.func @transform_7(%arg0: i32) -> (i32, i32) {
    %c0_i32 = arith.constant 0 : i32
    %c0_i32_0 = arith.constant 0 : i32
    %c0_i32_1 = arith.constant 0 : i32
    return %c0_i32, %c0_i32_0 : i32, i32
  }
  func.func @transform_8(%arg0: i32) -> (i32, i32) {
    %c0_i32 = arith.constant 0 : i32
    %c0_i32_0 = arith.constant 0 : i32
    %c0_i32_1 = arith.constant 0 : i32
    return %c0_i32, %c0_i32_0 : i32, i32
  }
  func.func @transform_9(%arg0: i32) -> (i32, i32) {
    %c0_i32 = arith.constant 0 : i32
    %c0_i32_0 = arith.constant 0 : i32
    return %c0_i32, %arg0 : i32, i32
  }
  func.func @transform_10(%arg0: i32) -> (i32, i32) {
    %c0_i32 = arith.constant 0 : i32
    %c0_i32_0 = arith.constant 0 : i32
    %c0_i32_1 = arith.constant 0 : i32
    return %c0_i32, %c0_i32_0 : i32, i32
  }
  func.func @transform_11(%arg0: i32) -> (i32, i32) {
    %c0_i32 = arith.constant 0 : i32
    %c0_i32_0 = arith.constant 0 : i32
    return %arg0, %c0_i32 : i32, i32
  }
  func.func @transform_12(%arg0: i32) -> (i32, i32) {
    %c0_i32 = arith.constant 0 : i32
    %c0_i32_0 = arith.constant 0 : i32
    return %arg0, %c0_i32 : i32, i32
  }
  func.func @transform_13(%arg0: i32) -> (i32, i32) {
    %c0_i32 = arith.constant 0 : i32
    %c0_i32_0 = arith.constant 0 : i32
    return %arg0, %c0_i32 : i32, i32
  }
  func.func @transform_14(%arg0: i32) -> (i32, i32) {
    %c0_i32 = arith.constant 0 : i32
    %c0_i32_0 = arith.constant 0 : i32
    return %arg0, %c0_i32 : i32, i32
  }
}

module attributes {stable_mosaic.version = 14 : i64} {
  func.func @body(%arg0: i32, %arg1: memref<2x2048x32xf32, #tpu.memory_space<vmem>>, %arg2: memref<2048x32xf32, #tpu.memory_space<vmem>>, %arg3: memref<2048x32xf32, #tpu.memory_space<vmem>>, %arg4: memref<2048x1xf32, #tpu.memory_space<vmem>>, %arg5: memref<1x64xf32, #tpu.memory_space<vmem>>, %arg6: memref<64x1xf32, #tpu.memory_space<vmem>>, %arg7: memref<2048x1xf32, #tpu.memory_space<vmem>>) attributes {dimension_semantics = [#tpu.dimension_semantics<arbitrary>], iteration_bounds = array<i64: 8>, scalar_prefetch = 0 : i64, scratch_operands = 0 : i64, tpu.core_type = #tpu.core_type<tc>, window_params = [{transform_indices = @transform_0, window_bounds = array<i64: 2, 2048, 32>}, {transform_indices = @transform_1, window_bounds = array<i64: 2048, 32>}, {transform_indices = @transform_2, window_bounds = array<i64: 2048, 32>}, {transform_indices = @transform_3, window_bounds = array<i64: 2048, 1>}, {pipeline_mode = #tpu.pipeline_mode<synchronous>, transform_indices = @transform_4, window_bounds = array<i64: 1, 64>}, {pipeline_mode = #tpu.pipeline_mode<synchronous>, transform_indices = @transform_5, window_bounds = array<i64: 64, 1>}, {transform_indices = @transform_6, window_bounds = array<i64: 2048, 1>}]} {
    %get3A = arith.constant 0 : index
    %get3A_0 = arith.constant 0 : index
    %get3A_1 = arith.constant 0 : index
    %get3A_2 = vector.load %arg1[%get3A, %get3A_0, %get3A_1] : memref<2x2048x32xf32, #tpu.memory_space<vmem>>, vector<2x2048x32xf32>
    %get3A_3 = arith.constant 0 : index
    %get3A_4 = arith.constant 0 : index
    %get3A_5 = vector.load %arg2[%get3A_3, %get3A_4] : memref<2048x32xf32, #tpu.memory_space<vmem>>, vector<2048x32xf32>
    %get3A_6 = arith.constant 0 : index
    %get3A_7 = arith.constant 0 : index
    %get3A_8 = vector.load %arg3[%get3A_6, %get3A_7] : memref<2048x32xf32, #tpu.memory_space<vmem>>, vector<2048x32xf32>
    %concatenate3A = tpu.concatenate %get3A_5, %get3A_8 in 1 : vector<2048x32xf32>, vector<2048x32xf32> -> vector<2048x64xf32>
    %slice3A = vector.extract_strided_slice %get3A_2 {offsets = [0, 0, 0], sizes = [1, 2048, 32], strides = [1, 1, 1]} : vector<2x2048x32xf32> to vector<1x2048x32xf32>
    %squeeze3A = vector.shape_cast %slice3A : vector<1x2048x32xf32> to vector<2048x32xf32>
    %slice3A_9 = vector.extract_strided_slice %get3A_2 {offsets = [1, 0, 0], sizes = [1, 2048, 32], strides = [1, 1, 1]} : vector<2x2048x32xf32> to vector<1x2048x32xf32>
    %squeeze3A_10 = vector.shape_cast %slice3A_9 : vector<1x2048x32xf32> to vector<2048x32xf32>
    %concatenate3A_11 = tpu.concatenate %squeeze3A, %squeeze3A_10 in 1 : vector<2048x32xf32>, vector<2048x32xf32> -> vector<2048x64xf32>
    %get3A_12 = arith.constant 0 : index
    %get3A_13 = arith.constant 0 : index
    %get3A_14 = vector.load %arg4[%get3A_12, %get3A_13] : memref<2048x1xf32, #tpu.memory_space<vmem>>, vector<2048x1xf32>
    %add3A = arith.addf %concatenate3A_11, %concatenate3A : vector<2048x64xf32>
    %mul3A = vector.broadcast %get3A_14 : vector<2048x1xf32> to vector<2048x64xf32>
    %mul3A_15 = arith.mulf %mul3A, %add3A : vector<2048x64xf32>
    %get3A_16 = arith.constant 0 : index
    %get3A_17 = arith.constant 0 : index
    %get3A_18 = vector.load %arg5[%get3A_16, %get3A_17] : memref<1x64xf32, #tpu.memory_space<vmem>>, vector<1x64xf32>
    %add3A_19 = vector.broadcast %get3A_18 : vector<1x64xf32> to vector<2048x64xf32>
    %add3A_20 = arith.addf %mul3A_15, %add3A_19 : vector<2048x64xf32>
    %max3A = arith.constant 0.000000e+00 : f32
    %max3A_21 = vector.broadcast %max3A : f32 to vector<2048x64xf32>
    %max3A_22 = arith.maximumf %add3A_20, %max3A_21 : vector<2048x64xf32>
    %get3A_23 = arith.constant 0 : index
    %get3A_24 = arith.constant 0 : index
    %get3A_25 = vector.load %arg6[%get3A_23, %get3A_24] : memref<64x1xf32, #tpu.memory_space<vmem>>, vector<64x1xf32>
    %dot_general3A = arith.constant dense<0.000000e+00> : vector<2048x1xf32>
    %dot_general3A_26 = tpu.matmul %max3A_22, %get3A_25, %dot_general3A {dimension_numbers = #tpu.dot_dimension_numbers<[1], [0], [0], [1], [0, 0, 1, 1], [], []>, transpose_lhs_hint = false} : vector<2048x64xf32>, vector<64x1xf32>, vector<2048x1xf32> -> vector<2048x1xf32>
    %mul3A_27 = arith.mulf %dot_general3A_26, %get3A_14 : vector<2048x1xf32>
    %swap3A = arith.constant 0 : index
    %swap3A_28 = arith.constant 0 : index
    %swap3A_29 = vector.load %arg7[%swap3A, %swap3A_28] : memref<2048x1xf32, #tpu.memory_space<vmem>>, vector<2048x1xf32>
    tpu.vector_store %arg7[%swap3A, %swap3A_28], %mul3A_27 {strides = array<i32>} : memref<2048x1xf32, #tpu.memory_space<vmem>>, vector<2048x1xf32>,
    return
  }
  func.func @transform_0(%arg0: i32) -> (i32, i32, i32) {
    %c0_i32 = arith.constant 0 : i32
    %c0_i32_0 = arith.constant 0 : i32
    %c0_i32_1 = arith.constant 0 : i32
    return %c0_i32, %arg0, %c0_i32_0 : i32, i32, i32
  }
  func.func @transform_1(%arg0: i32) -> (i32, i32) {
    %c0_i32 = arith.constant 0 : i32
    %c0_i32_0 = arith.constant 0 : i32
    return %arg0, %c0_i32 : i32, i32
  }
  func.func @transform_2(%arg0: i32) -> (i32, i32) {
    %c0_i32 = arith.constant 0 : i32
    %c0_i32_0 = arith.constant 0 : i32
    return %arg0, %c0_i32 : i32, i32
  }
  func.func @transform_3(%arg0: i32) -> (i32, i32) {
    %c0_i32 = arith.constant 0 : i32
    %c0_i32_0 = arith.constant 0 : i32
    return %arg0, %c0_i32 : i32, i32
  }
  func.func @transform_4(%arg0: i32) -> (i32, i32) {
    %c0_i32 = arith.constant 0 : i32
    %c0_i32_0 = arith.constant 0 : i32
    %c0_i32_1 = arith.constant 0 : i32
    return %c0_i32, %c0_i32_0 : i32, i32
  }
  func.func @transform_5(%arg0: i32) -> (i32, i32) {
    %c0_i32 = arith.constant 0 : i32
    %c0_i32_0 = arith.constant 0 : i32
    %c0_i32_1 = arith.constant 0 : i32
    return %c0_i32, %c0_i32_0 : i32, i32
  }
  func.func @transform_6(%arg0: i32) -> (i32, i32) {
    %c0_i32 = arith.constant 0 : i32
    %c0_i32_0 = arith.constant 0 : i32
    return %arg0, %c0_i32 : i32, i32
  }
}

module attributes {stable_mosaic.version = 14 : i64} {
  func.func @body(%arg0: i32, %arg1: memref<32x1024xf32, #tpu.memory_space<vmem>>, %arg2: memref<1024x1xf32, #tpu.memory_space<vmem>>, %arg3: memref<1024x1xf32, #tpu.memory_space<vmem>>, %arg4: memref<1x1xf32, #tpu.memory_space<vmem>>, %arg5: memref<3072x27xf32, #tpu.memory_space<vmem>>, %arg6: memref<1024x27xf32, #tpu.memory_space<vmem>>, %arg7: memref<256x4xf32, #tpu.memory_space<vmem>>, %arg8: memref<256x16x16xf32, #tpu.memory_space<vmem>>) attributes {dimension_semantics = [#tpu.dimension_semantics<arbitrary>], iteration_bounds = array<i64: 16>, scalar_prefetch = 0 : i64, scratch_operands = 0 : i64, tpu.core_type = #tpu.core_type<tc>, window_params = [{transform_indices = @transform_0, window_bounds = array<i64: 32, 1024>}, {transform_indices = @transform_1, window_bounds = array<i64: 1024, 1>}, {transform_indices = @transform_2, window_bounds = array<i64: 1024, 1>}, {pipeline_mode = #tpu.pipeline_mode<synchronous>, transform_indices = @transform_3, window_bounds = array<i64: 1, 1>}, {transform_indices = @transform_4, window_bounds = array<i64: 3072, 27>}, {transform_indices = @transform_5, window_bounds = array<i64: 1024, 27>}, {transform_indices = @transform_6, window_bounds = array<i64: 256, 4>}, {transform_indices = @transform_7, window_bounds = array<i64: 256, 16, 16>}]} {
    %get3A = arith.constant 0 : index
    %get3A_0 = arith.constant 0 : index
    %get3A_1 = vector.load %arg1[%get3A, %get3A_0] : memref<32x1024xf32, #tpu.memory_space<vmem>>, vector<32x1024xf32>
    %reduce_sum3A = arith.constant dense<0.000000e+00> : vector<1024xf32>
    %reduce_sum3A_2 = vector.multi_reduction <add>, %get3A_1, %reduce_sum3A [0] : vector<32x1024xf32> to vector<1024xf32>
    %reshape3A = vector.shape_cast %reduce_sum3A_2 : vector<1024xf32> to vector<1024x1xf32>
    %get3A_3 = arith.constant 0 : index
    %get3A_4 = arith.constant 0 : index
    %get3A_5 = vector.load %arg3[%get3A_3, %get3A_4] : memref<1024x1xf32, #tpu.memory_space<vmem>>, vector<1024x1xf32>
    %get3A_6 = arith.constant 0 : index
    %get3A_7 = arith.constant 0 : index
    %get3A_8 = vector.load %arg2[%get3A_6, %get3A_7] : memref<1024x1xf32, #tpu.memory_space<vmem>>, vector<1024x1xf32>
    %add3A = arith.addf %reshape3A, %get3A_8 : vector<1024x1xf32>
    %mul3A = arith.mulf %get3A_5, %add3A : vector<1024x1xf32>
    %get3A_9 = arith.constant 0 : index
    %get3A_10 = arith.constant 0 : index
    %get3A_11 = vector.load %arg4[%get3A_9, %get3A_10] : memref<1x1xf32, #tpu.memory_space<vmem>>, vector<1x1xf32>
    %add3A_12 = vector.broadcast %get3A_11 : vector<1x1xf32> to vector<1024x1xf32>
    %add3A_13 = arith.addf %mul3A, %add3A_12 : vector<1024x1xf32>
    %reshape3A_14 = vector.shape_cast %add3A_13 : vector<1024x1xf32> to vector<256x4xf32>
    %swap3A = arith.constant 0 : index
    %swap3A_15 = arith.constant 0 : index
    %swap3A_16 = vector.load %arg7[%swap3A, %swap3A_15] : memref<256x4xf32, #tpu.memory_space<vmem>>, vector<256x4xf32>
    tpu.vector_store %arg7[%swap3A, %swap3A_15], %reshape3A_14 {strides = array<i32>} : memref<256x4xf32, #tpu.memory_space<vmem>>, vector<256x4xf32>,
    %get3A_17 = arith.constant 0 : index
    %get3A_18 = arith.constant 0 : index
    %get3A_19 = vector.load %arg5[%get3A_17, %get3A_18] : memref<3072x27xf32, #tpu.memory_space<vmem>>, vector<3072x27xf32>
    %reshape3A_20 = vector.shape_cast %get3A_19 : vector<3072x27xf32> to vector<256x12x27xf32>
    %get3A_21 = arith.constant 0 : index
    %get3A_22 = arith.constant 0 : index
    %get3A_23 = vector.load %arg6[%get3A_21, %get3A_22] : memref<1024x27xf32, #tpu.memory_space<vmem>>, vector<1024x27xf32>
    %reshape3A_24 = vector.shape_cast %get3A_23 : vector<1024x27xf32> to vector<256x4x27xf32>
    %concatenate3A = tpu.concatenate %reshape3A_20, %reshape3A_24 in 1 : vector<256x12x27xf32>, vector<256x4x27xf32> -> vector<256x16x27xf32>
    %slice3A = vector.extract_strided_slice %concatenate3A {offsets = [0, 0, 0], sizes = [256, 1, 27], strides = [1, 1, 1]} : vector<256x16x27xf32> to vector<256x1x27xf32>
    %sub3A = vector.broadcast %slice3A : vector<256x1x27xf32> to vector<256x16x27xf32>
    %sub3A_25 = arith.subf %concatenate3A, %sub3A : vector<256x16x27xf32>
    %mul3A_26 = arith.mulf %sub3A_25, %sub3A_25 : vector<256x16x27xf32>
    %reduce_sum3A_27 = arith.constant dense<0.000000e+00> : vector<256x16xf32>
    %reduce_sum3A_28 = vector.multi_reduction <add>, %mul3A_26, %reduce_sum3A_27 [2] : vector<256x16x27xf32> to vector<256x16xf32>
    %max3A = arith.constant 9.99999996E-13 : f32
    %max3A_29 = vector.broadcast %max3A : f32 to vector<256x16xf32>
    %max3A_30 = arith.maximumf %reduce_sum3A_28, %max3A_29 : vector<256x16xf32>
    %sqrt3A = math.sqrt %max3A_30 : vector<256x16xf32>
    %swap3A_31 = arith.constant 0 : index
    %swap3A_32 = arith.constant 0 : index
    %swap3A_33 = arith.constant 0 : index
    %swap3A_34 = vector.load %arg8[%swap3A_31, %swap3A_32, %swap3A_33] : memref<256x16x16xf32, #tpu.memory_space<vmem>>, vector<256x1x16xf32>
    %swap3A_35 = vector.shape_cast %swap3A_34 : vector<256x1x16xf32> to vector<256x16xf32>
    %swap3A_36 = vector.shape_cast %sqrt3A : vector<256x16xf32> to vector<256x1x16xf32>
    tpu.vector_store %arg8[%swap3A_31, %swap3A_32, %swap3A_33], %swap3A_36 {strides = array<i32>} : memref<256x16x16xf32, #tpu.memory_space<vmem>>, vector<256x1x16xf32>,
    %slice3A_37 = vector.extract_strided_slice %concatenate3A {offsets = [0, 1, 0], sizes = [256, 1, 27], strides = [1, 1, 1]} : vector<256x16x27xf32> to vector<256x1x27xf32>
    %sub3A_38 = vector.broadcast %slice3A_37 : vector<256x1x27xf32> to vector<256x16x27xf32>
    %sub3A_39 = arith.subf %concatenate3A, %sub3A_38 : vector<256x16x27xf32>
    %mul3A_40 = arith.mulf %sub3A_39, %sub3A_39 : vector<256x16x27xf32>
    %reduce_sum3A_41 = arith.constant dense<0.000000e+00> : vector<256x16xf32>
    %reduce_sum3A_42 = vector.multi_reduction <add>, %mul3A_40, %reduce_sum3A_41 [2] : vector<256x16x27xf32> to vector<256x16xf32>
    %max3A_43 = arith.constant 9.99999996E-13 : f32
    %max3A_44 = vector.broadcast %max3A_43 : f32 to vector<256x16xf32>
    %max3A_45 = arith.maximumf %reduce_sum3A_42, %max3A_44 : vector<256x16xf32>
    %sqrt3A_46 = math.sqrt %max3A_45 : vector<256x16xf32>
    %swap3A_47 = arith.constant 0 : index
    %swap3A_48 = arith.constant 1 : index
    %swap3A_49 = arith.constant 0 : index
    %swap3A_50 = vector.load %arg8[%swap3A_47, %swap3A_48, %swap3A_49] : memref<256x16x16xf32, #tpu.memory_space<vmem>>, vector<256x1x16xf32>
    %swap3A_51 = vector.shape_cast %swap3A_50 : vector<256x1x16xf32> to vector<256x16xf32>
    %swap3A_52 = vector.shape_cast %sqrt3A_46 : vector<256x16xf32> to vector<256x1x16xf32>
    tpu.vector_store %arg8[%swap3A_47, %swap3A_48, %swap3A_49], %swap3A_52 {strides = array<i32>} : memref<256x16x16xf32, #tpu.memory_space<vmem>>, vector<256x1x16xf32>,
    %slice3A_53 = vector.extract_strided_slice %concatenate3A {offsets = [0, 2, 0], sizes = [256, 1, 27], strides = [1, 1, 1]} : vector<256x16x27xf32> to vector<256x1x27xf32>
    %sub3A_54 = vector.broadcast %slice3A_53 : vector<256x1x27xf32> to vector<256x16x27xf32>
    %sub3A_55 = arith.subf %concatenate3A, %sub3A_54 : vector<256x16x27xf32>
    %mul3A_56 = arith.mulf %sub3A_55, %sub3A_55 : vector<256x16x27xf32>
    %reduce_sum3A_57 = arith.constant dense<0.000000e+00> : vector<256x16xf32>
    %reduce_sum3A_58 = vector.multi_reduction <add>, %mul3A_56, %reduce_sum3A_57 [2] : vector<256x16x27xf32> to vector<256x16xf32>
    %max3A_59 = arith.constant 9.99999996E-13 : f32
    %max3A_60 = vector.broadcast %max3A_59 : f32 to vector<256x16xf32>
    %max3A_61 = arith.maximumf %reduce_sum3A_58, %max3A_60 : vector<256x16xf32>
    %sqrt3A_62 = math.sqrt %max3A_61 : vector<256x16xf32>
    %swap3A_63 = arith.constant 0 : index
    %swap3A_64 = arith.constant 2 : index
    %swap3A_65 = arith.constant 0 : index
    %swap3A_66 = vector.load %arg8[%swap3A_63, %swap3A_64, %swap3A_65] : memref<256x16x16xf32, #tpu.memory_space<vmem>>, vector<256x1x16xf32>
    %swap3A_67 = vector.shape_cast %swap3A_66 : vector<256x1x16xf32> to vector<256x16xf32>
    %swap3A_68 = vector.shape_cast %sqrt3A_62 : vector<256x16xf32> to vector<256x1x16xf32>
    tpu.vector_store %arg8[%swap3A_63, %swap3A_64, %swap3A_65], %swap3A_68 {strides = array<i32>} : memref<256x16x16xf32, #tpu.memory_space<vmem>>, vector<256x1x16xf32>,
    %slice3A_69 = vector.extract_strided_slice %concatenate3A {offsets = [0, 3, 0], sizes = [256, 1, 27], strides = [1, 1, 1]} : vector<256x16x27xf32> to vector<256x1x27xf32>
    %sub3A_70 = vector.broadcast %slice3A_69 : vector<256x1x27xf32> to vector<256x16x27xf32>
    %sub3A_71 = arith.subf %concatenate3A, %sub3A_70 : vector<256x16x27xf32>
    %mul3A_72 = arith.mulf %sub3A_71, %sub3A_71 : vector<256x16x27xf32>
    %reduce_sum3A_73 = arith.constant dense<0.000000e+00> : vector<256x16xf32>
    %reduce_sum3A_74 = vector.multi_reduction <add>, %mul3A_72, %reduce_sum3A_73 [2] : vector<256x16x27xf32> to vector<256x16xf32>
    %max3A_75 = arith.constant 9.99999996E-13 : f32
    %max3A_76 = vector.broadcast %max3A_75 : f32 to vector<256x16xf32>
    %max3A_77 = arith.maximumf %reduce_sum3A_74, %max3A_76 : vector<256x16xf32>
    %sqrt3A_78 = math.sqrt %max3A_77 : vector<256x16xf32>
    %swap3A_79 = arith.constant 0 : index
    %swap3A_80 = arith.constant 3 : index
    %swap3A_81 = arith.constant 0 : index
    %swap3A_82 = vector.load %arg8[%swap3A_79, %swap3A_80, %swap3A_81] : memref<256x16x16xf32, #tpu.memory_space<vmem>>, vector<256x1x16xf32>
    %swap3A_83 = vector.shape_cast %swap3A_82 : vector<256x1x16xf32> to vector<256x16xf32>
    %swap3A_84 = vector.shape_cast %sqrt3A_78 : vector<256x16xf32> to vector<256x1x16xf32>
    tpu.vector_store %arg8[%swap3A_79, %swap3A_80, %swap3A_81], %swap3A_84 {strides = array<i32>} : memref<256x16x16xf32, #tpu.memory_space<vmem>>, vector<256x1x16xf32>,
    %slice3A_85 = vector.extract_strided_slice %concatenate3A {offsets = [0, 4, 0], sizes = [256, 1, 27], strides = [1, 1, 1]} : vector<256x16x27xf32> to vector<256x1x27xf32>
    %sub3A_86 = vector.broadcast %slice3A_85 : vector<256x1x27xf32> to vector<256x16x27xf32>
    %sub3A_87 = arith.subf %concatenate3A, %sub3A_86 : vector<256x16x27xf32>
    %mul3A_88 = arith.mulf %sub3A_87, %sub3A_87 : vector<256x16x27xf32>
    %reduce_sum3A_89 = arith.constant dense<0.000000e+00> : vector<256x16xf32>
    %reduce_sum3A_90 = vector.multi_reduction <add>, %mul3A_88, %reduce_sum3A_89 [2] : vector<256x16x27xf32> to vector<256x16xf32>
    %max3A_91 = arith.constant 9.99999996E-13 : f32
    %max3A_92 = vector.broadcast %max3A_91 : f32 to vector<256x16xf32>
    %max3A_93 = arith.maximumf %reduce_sum3A_90, %max3A_92 : vector<256x16xf32>
    %sqrt3A_94 = math.sqrt %max3A_93 : vector<256x16xf32>
    %swap3A_95 = arith.constant 0 : index
    %swap3A_96 = arith.constant 4 : index
    %swap3A_97 = arith.constant 0 : index
    %swap3A_98 = vector.load %arg8[%swap3A_95, %swap3A_96, %swap3A_97] : memref<256x16x16xf32, #tpu.memory_space<vmem>>, vector<256x1x16xf32>
    %swap3A_99 = vector.shape_cast %swap3A_98 : vector<256x1x16xf32> to vector<256x16xf32>
    %swap3A_100 = vector.shape_cast %sqrt3A_94 : vector<256x16xf32> to vector<256x1x16xf32>
    tpu.vector_store %arg8[%swap3A_95, %swap3A_96, %swap3A_97], %swap3A_100 {strides = array<i32>} : memref<256x16x16xf32, #tpu.memory_space<vmem>>, vector<256x1x16xf32>,
    %slice3A_101 = vector.extract_strided_slice %concatenate3A {offsets = [0, 5, 0], sizes = [256, 1, 27], strides = [1, 1, 1]} : vector<256x16x27xf32> to vector<256x1x27xf32>
    %sub3A_102 = vector.broadcast %slice3A_101 : vector<256x1x27xf32> to vector<256x16x27xf32>
    %sub3A_103 = arith.subf %concatenate3A, %sub3A_102 : vector<256x16x27xf32>
    %mul3A_104 = arith.mulf %sub3A_103, %sub3A_103 : vector<256x16x27xf32>
    %reduce_sum3A_105 = arith.constant dense<0.000000e+00> : vector<256x16xf32>
    %reduce_sum3A_106 = vector.multi_reduction <add>, %mul3A_104, %reduce_sum3A_105 [2] : vector<256x16x27xf32> to vector<256x16xf32>
    %max3A_107 = arith.constant 9.99999996E-13 : f32
    %max3A_108 = vector.broadcast %max3A_107 : f32 to vector<256x16xf32>
    %max3A_109 = arith.maximumf %reduce_sum3A_106, %max3A_108 : vector<256x16xf32>
    %sqrt3A_110 = math.sqrt %max3A_109 : vector<256x16xf32>
    %swap3A_111 = arith.constant 0 : index
    %swap3A_112 = arith.constant 5 : index
    %swap3A_113 = arith.constant 0 : index
    %swap3A_114 = vector.load %arg8[%swap3A_111, %swap3A_112, %swap3A_113] : memref<256x16x16xf32, #tpu.memory_space<vmem>>, vector<256x1x16xf32>
    %swap3A_115 = vector.shape_cast %swap3A_114 : vector<256x1x16xf32> to vector<256x16xf32>
    %swap3A_116 = vector.shape_cast %sqrt3A_110 : vector<256x16xf32> to vector<256x1x16xf32>
    tpu.vector_store %arg8[%swap3A_111, %swap3A_112, %swap3A_113], %swap3A_116 {strides = array<i32>} : memref<256x16x16xf32, #tpu.memory_space<vmem>>, vector<256x1x16xf32>,
    %slice3A_117 = vector.extract_strided_slice %concatenate3A {offsets = [0, 6, 0], sizes = [256, 1, 27], strides = [1, 1, 1]} : vector<256x16x27xf32> to vector<256x1x27xf32>
    %sub3A_118 = vector.broadcast %slice3A_117 : vector<256x1x27xf32> to vector<256x16x27xf32>
    %sub3A_119 = arith.subf %concatenate3A, %sub3A_118 : vector<256x16x27xf32>
    %mul3A_120 = arith.mulf %sub3A_119, %sub3A_119 : vector<256x16x27xf32>
    %reduce_sum3A_121 = arith.constant dense<0.000000e+00> : vector<256x16xf32>
    %reduce_sum3A_122 = vector.multi_reduction <add>, %mul3A_120, %reduce_sum3A_121 [2] : vector<256x16x27xf32> to vector<256x16xf32>
    %max3A_123 = arith.constant 9.99999996E-13 : f32
    %max3A_124 = vector.broadcast %max3A_123 : f32 to vector<256x16xf32>
    %max3A_125 = arith.maximumf %reduce_sum3A_122, %max3A_124 : vector<256x16xf32>
    %sqrt3A_126 = math.sqrt %max3A_125 : vector<256x16xf32>
    %swap3A_127 = arith.constant 0 : index
    %swap3A_128 = arith.constant 6 : index
    %swap3A_129 = arith.constant 0 : index
    %swap3A_130 = vector.load %arg8[%swap3A_127, %swap3A_128, %swap3A_129] : memref<256x16x16xf32, #tpu.memory_space<vmem>>, vector<256x1x16xf32>
    %swap3A_131 = vector.shape_cast %swap3A_130 : vector<256x1x16xf32> to vector<256x16xf32>
    %swap3A_132 = vector.shape_cast %sqrt3A_126 : vector<256x16xf32> to vector<256x1x16xf32>
    tpu.vector_store %arg8[%swap3A_127, %swap3A_128, %swap3A_129], %swap3A_132 {strides = array<i32>} : memref<256x16x16xf32, #tpu.memory_space<vmem>>, vector<256x1x16xf32>,
    %slice3A_133 = vector.extract_strided_slice %concatenate3A {offsets = [0, 7, 0], sizes = [256, 1, 27], strides = [1, 1, 1]} : vector<256x16x27xf32> to vector<256x1x27xf32>
    %sub3A_134 = vector.broadcast %slice3A_133 : vector<256x1x27xf32> to vector<256x16x27xf32>
    %sub3A_135 = arith.subf %concatenate3A, %sub3A_134 : vector<256x16x27xf32>
    %mul3A_136 = arith.mulf %sub3A_135, %sub3A_135 : vector<256x16x27xf32>
    %reduce_sum3A_137 = arith.constant dense<0.000000e+00> : vector<256x16xf32>
    %reduce_sum3A_138 = vector.multi_reduction <add>, %mul3A_136, %reduce_sum3A_137 [2] : vector<256x16x27xf32> to vector<256x16xf32>
    %max3A_139 = arith.constant 9.99999996E-13 : f32
    %max3A_140 = vector.broadcast %max3A_139 : f32 to vector<256x16xf32>
    %max3A_141 = arith.maximumf %reduce_sum3A_138, %max3A_140 : vector<256x16xf32>
    %sqrt3A_142 = math.sqrt %max3A_141 : vector<256x16xf32>
    %swap3A_143 = arith.constant 0 : index
    %swap3A_144 = arith.constant 7 : index
    %swap3A_145 = arith.constant 0 : index
    %swap3A_146 = vector.load %arg8[%swap3A_143, %swap3A_144, %swap3A_145] : memref<256x16x16xf32, #tpu.memory_space<vmem>>, vector<256x1x16xf32>
    %swap3A_147 = vector.shape_cast %swap3A_146 : vector<256x1x16xf32> to vector<256x16xf32>
    %swap3A_148 = vector.shape_cast %sqrt3A_142 : vector<256x16xf32> to vector<256x1x16xf32>
    tpu.vector_store %arg8[%swap3A_143, %swap3A_144, %swap3A_145], %swap3A_148 {strides = array<i32>} : memref<256x16x16xf32, #tpu.memory_space<vmem>>, vector<256x1x16xf32>,
    %slice3A_149 = vector.extract_strided_slice %concatenate3A {offsets = [0, 8, 0], sizes = [256, 1, 27], strides = [1, 1, 1]} : vector<256x16x27xf32> to vector<256x1x27xf32>
    %sub3A_150 = vector.broadcast %slice3A_149 : vector<256x1x27xf32> to vector<256x16x27xf32>
    %sub3A_151 = arith.subf %concatenate3A, %sub3A_150 : vector<256x16x27xf32>
    %mul3A_152 = arith.mulf %sub3A_151, %sub3A_151 : vector<256x16x27xf32>
    %reduce_sum3A_153 = arith.constant dense<0.000000e+00> : vector<256x16xf32>
    %reduce_sum3A_154 = vector.multi_reduction <add>, %mul3A_152, %reduce_sum3A_153 [2] : vector<256x16x27xf32> to vector<256x16xf32>
    %max3A_155 = arith.constant 9.99999996E-13 : f32
    %max3A_156 = vector.broadcast %max3A_155 : f32 to vector<256x16xf32>
    %max3A_157 = arith.maximumf %reduce_sum3A_154, %max3A_156 : vector<256x16xf32>
    %sqrt3A_158 = math.sqrt %max3A_157 : vector<256x16xf32>
    %swap3A_159 = arith.constant 0 : index
    %swap3A_160 = arith.constant 8 : index
    %swap3A_161 = arith.constant 0 : index
    %swap3A_162 = vector.load %arg8[%swap3A_159, %swap3A_160, %swap3A_161] : memref<256x16x16xf32, #tpu.memory_space<vmem>>, vector<256x1x16xf32>
    %swap3A_163 = vector.shape_cast %swap3A_162 : vector<256x1x16xf32> to vector<256x16xf32>
    %swap3A_164 = vector.shape_cast %sqrt3A_158 : vector<256x16xf32> to vector<256x1x16xf32>
    tpu.vector_store %arg8[%swap3A_159, %swap3A_160, %swap3A_161], %swap3A_164 {strides = array<i32>} : memref<256x16x16xf32, #tpu.memory_space<vmem>>, vector<256x1x16xf32>,
    %slice3A_165 = vector.extract_strided_slice %concatenate3A {offsets = [0, 9, 0], sizes = [256, 1, 27], strides = [1, 1, 1]} : vector<256x16x27xf32> to vector<256x1x27xf32>
    %sub3A_166 = vector.broadcast %slice3A_165 : vector<256x1x27xf32> to vector<256x16x27xf32>
    %sub3A_167 = arith.subf %concatenate3A, %sub3A_166 : vector<256x16x27xf32>
    %mul3A_168 = arith.mulf %sub3A_167, %sub3A_167 : vector<256x16x27xf32>
    %reduce_sum3A_169 = arith.constant dense<0.000000e+00> : vector<256x16xf32>
    %reduce_sum3A_170 = vector.multi_reduction <add>, %mul3A_168, %reduce_sum3A_169 [2] : vector<256x16x27xf32> to vector<256x16xf32>
    %max3A_171 = arith.constant 9.99999996E-13 : f32
    %max3A_172 = vector.broadcast %max3A_171 : f32 to vector<256x16xf32>
    %max3A_173 = arith.maximumf %reduce_sum3A_170, %max3A_172 : vector<256x16xf32>
    %sqrt3A_174 = math.sqrt %max3A_173 : vector<256x16xf32>
    %swap3A_175 = arith.constant 0 : index
    %swap3A_176 = arith.constant 9 : index
    %swap3A_177 = arith.constant 0 : index
    %swap3A_178 = vector.load %arg8[%swap3A_175, %swap3A_176, %swap3A_177] : memref<256x16x16xf32, #tpu.memory_space<vmem>>, vector<256x1x16xf32>
    %swap3A_179 = vector.shape_cast %swap3A_178 : vector<256x1x16xf32> to vector<256x16xf32>
    %swap3A_180 = vector.shape_cast %sqrt3A_174 : vector<256x16xf32> to vector<256x1x16xf32>
    tpu.vector_store %arg8[%swap3A_175, %swap3A_176, %swap3A_177], %swap3A_180 {strides = array<i32>} : memref<256x16x16xf32, #tpu.memory_space<vmem>>, vector<256x1x16xf32>,
    %slice3A_181 = vector.extract_strided_slice %concatenate3A {offsets = [0, 10, 0], sizes = [256, 1, 27], strides = [1, 1, 1]} : vector<256x16x27xf32> to vector<256x1x27xf32>
    %sub3A_182 = vector.broadcast %slice3A_181 : vector<256x1x27xf32> to vector<256x16x27xf32>
    %sub3A_183 = arith.subf %concatenate3A, %sub3A_182 : vector<256x16x27xf32>
    %mul3A_184 = arith.mulf %sub3A_183, %sub3A_183 : vector<256x16x27xf32>
    %reduce_sum3A_185 = arith.constant dense<0.000000e+00> : vector<256x16xf32>
    %reduce_sum3A_186 = vector.multi_reduction <add>, %mul3A_184, %reduce_sum3A_185 [2] : vector<256x16x27xf32> to vector<256x16xf32>
    %max3A_187 = arith.constant 9.99999996E-13 : f32
    %max3A_188 = vector.broadcast %max3A_187 : f32 to vector<256x16xf32>
    %max3A_189 = arith.maximumf %reduce_sum3A_186, %max3A_188 : vector<256x16xf32>
    %sqrt3A_190 = math.sqrt %max3A_189 : vector<256x16xf32>
    %swap3A_191 = arith.constant 0 : index
    %swap3A_192 = arith.constant 10 : index
    %swap3A_193 = arith.constant 0 : index
    %swap3A_194 = vector.load %arg8[%swap3A_191, %swap3A_192, %swap3A_193] : memref<256x16x16xf32, #tpu.memory_space<vmem>>, vector<256x1x16xf32>
    %swap3A_195 = vector.shape_cast %swap3A_194 : vector<256x1x16xf32> to vector<256x16xf32>
    %swap3A_196 = vector.shape_cast %sqrt3A_190 : vector<256x16xf32> to vector<256x1x16xf32>
    tpu.vector_store %arg8[%swap3A_191, %swap3A_192, %swap3A_193], %swap3A_196 {strides = array<i32>} : memref<256x16x16xf32, #tpu.memory_space<vmem>>, vector<256x1x16xf32>,
    %slice3A_197 = vector.extract_strided_slice %concatenate3A {offsets = [0, 11, 0], sizes = [256, 1, 27], strides = [1, 1, 1]} : vector<256x16x27xf32> to vector<256x1x27xf32>
    %sub3A_198 = vector.broadcast %slice3A_197 : vector<256x1x27xf32> to vector<256x16x27xf32>
    %sub3A_199 = arith.subf %concatenate3A, %sub3A_198 : vector<256x16x27xf32>
    %mul3A_200 = arith.mulf %sub3A_199, %sub3A_199 : vector<256x16x27xf32>
    %reduce_sum3A_201 = arith.constant dense<0.000000e+00> : vector<256x16xf32>
    %reduce_sum3A_202 = vector.multi_reduction <add>, %mul3A_200, %reduce_sum3A_201 [2] : vector<256x16x27xf32> to vector<256x16xf32>
    %max3A_203 = arith.constant 9.99999996E-13 : f32
    %max3A_204 = vector.broadcast %max3A_203 : f32 to vector<256x16xf32>
    %max3A_205 = arith.maximumf %reduce_sum3A_202, %max3A_204 : vector<256x16xf32>
    %sqrt3A_206 = math.sqrt %max3A_205 : vector<256x16xf32>
    %swap3A_207 = arith.constant 0 : index
    %swap3A_208 = arith.constant 11 : index
    %swap3A_209 = arith.constant 0 : index
    %swap3A_210 = vector.load %arg8[%swap3A_207, %swap3A_208, %swap3A_209] : memref<256x16x16xf32, #tpu.memory_space<vmem>>, vector<256x1x16xf32>
    %swap3A_211 = vector.shape_cast %swap3A_210 : vector<256x1x16xf32> to vector<256x16xf32>
    %swap3A_212 = vector.shape_cast %sqrt3A_206 : vector<256x16xf32> to vector<256x1x16xf32>
    tpu.vector_store %arg8[%swap3A_207, %swap3A_208, %swap3A_209], %swap3A_212 {strides = array<i32>} : memref<256x16x16xf32, #tpu.memory_space<vmem>>, vector<256x1x16xf32>,
    %slice3A_213 = vector.extract_strided_slice %concatenate3A {offsets = [0, 12, 0], sizes = [256, 1, 27], strides = [1, 1, 1]} : vector<256x16x27xf32> to vector<256x1x27xf32>
    %sub3A_214 = vector.broadcast %slice3A_213 : vector<256x1x27xf32> to vector<256x16x27xf32>
    %sub3A_215 = arith.subf %concatenate3A, %sub3A_214 : vector<256x16x27xf32>
    %mul3A_216 = arith.mulf %sub3A_215, %sub3A_215 : vector<256x16x27xf32>
    %reduce_sum3A_217 = arith.constant dense<0.000000e+00> : vector<256x16xf32>
    %reduce_sum3A_218 = vector.multi_reduction <add>, %mul3A_216, %reduce_sum3A_217 [2] : vector<256x16x27xf32> to vector<256x16xf32>
    %max3A_219 = arith.constant 9.99999996E-13 : f32
    %max3A_220 = vector.broadcast %max3A_219 : f32 to vector<256x16xf32>
    %max3A_221 = arith.maximumf %reduce_sum3A_218, %max3A_220 : vector<256x16xf32>
    %sqrt3A_222 = math.sqrt %max3A_221 : vector<256x16xf32>
    %swap3A_223 = arith.constant 0 : index
    %swap3A_224 = arith.constant 12 : index
    %swap3A_225 = arith.constant 0 : index
    %swap3A_226 = vector.load %arg8[%swap3A_223, %swap3A_224, %swap3A_225] : memref<256x16x16xf32, #tpu.memory_space<vmem>>, vector<256x1x16xf32>
    %swap3A_227 = vector.shape_cast %swap3A_226 : vector<256x1x16xf32> to vector<256x16xf32>
    %swap3A_228 = vector.shape_cast %sqrt3A_222 : vector<256x16xf32> to vector<256x1x16xf32>
    tpu.vector_store %arg8[%swap3A_223, %swap3A_224, %swap3A_225], %swap3A_228 {strides = array<i32>} : memref<256x16x16xf32, #tpu.memory_space<vmem>>, vector<256x1x16xf32>,
    %slice3A_229 = vector.extract_strided_slice %concatenate3A {offsets = [0, 13, 0], sizes = [256, 1, 27], strides = [1, 1, 1]} : vector<256x16x27xf32> to vector<256x1x27xf32>
    %sub3A_230 = vector.broadcast %slice3A_229 : vector<256x1x27xf32> to vector<256x16x27xf32>
    %sub3A_231 = arith.subf %concatenate3A, %sub3A_230 : vector<256x16x27xf32>
    %mul3A_232 = arith.mulf %sub3A_231, %sub3A_231 : vector<256x16x27xf32>
    %reduce_sum3A_233 = arith.constant dense<0.000000e+00> : vector<256x16xf32>
    %reduce_sum3A_234 = vector.multi_reduction <add>, %mul3A_232, %reduce_sum3A_233 [2] : vector<256x16x27xf32> to vector<256x16xf32>
    %max3A_235 = arith.constant 9.99999996E-13 : f32
    %max3A_236 = vector.broadcast %max3A_235 : f32 to vector<256x16xf32>
    %max3A_237 = arith.maximumf %reduce_sum3A_234, %max3A_236 : vector<256x16xf32>
    %sqrt3A_238 = math.sqrt %max3A_237 : vector<256x16xf32>
    %swap3A_239 = arith.constant 0 : index
    %swap3A_240 = arith.constant 13 : index
    %swap3A_241 = arith.constant 0 : index
    %swap3A_242 = vector.load %arg8[%swap3A_239, %swap3A_240, %swap3A_241] : memref<256x16x16xf32, #tpu.memory_space<vmem>>, vector<256x1x16xf32>
    %swap3A_243 = vector.shape_cast %swap3A_242 : vector<256x1x16xf32> to vector<256x16xf32>
    %swap3A_244 = vector.shape_cast %sqrt3A_238 : vector<256x16xf32> to vector<256x1x16xf32>
    tpu.vector_store %arg8[%swap3A_239, %swap3A_240, %swap3A_241], %swap3A_244 {strides = array<i32>} : memref<256x16x16xf32, #tpu.memory_space<vmem>>, vector<256x1x16xf32>,
    %slice3A_245 = vector.extract_strided_slice %concatenate3A {offsets = [0, 14, 0], sizes = [256, 1, 27], strides = [1, 1, 1]} : vector<256x16x27xf32> to vector<256x1x27xf32>
    %sub3A_246 = vector.broadcast %slice3A_245 : vector<256x1x27xf32> to vector<256x16x27xf32>
    %sub3A_247 = arith.subf %concatenate3A, %sub3A_246 : vector<256x16x27xf32>
    %mul3A_248 = arith.mulf %sub3A_247, %sub3A_247 : vector<256x16x27xf32>
    %reduce_sum3A_249 = arith.constant dense<0.000000e+00> : vector<256x16xf32>
    %reduce_sum3A_250 = vector.multi_reduction <add>, %mul3A_248, %reduce_sum3A_249 [2] : vector<256x16x27xf32> to vector<256x16xf32>
    %max3A_251 = arith.constant 9.99999996E-13 : f32
    %max3A_252 = vector.broadcast %max3A_251 : f32 to vector<256x16xf32>
    %max3A_253 = arith.maximumf %reduce_sum3A_250, %max3A_252 : vector<256x16xf32>
    %sqrt3A_254 = math.sqrt %max3A_253 : vector<256x16xf32>
    %swap3A_255 = arith.constant 0 : index
    %swap3A_256 = arith.constant 14 : index
    %swap3A_257 = arith.constant 0 : index
    %swap3A_258 = vector.load %arg8[%swap3A_255, %swap3A_256, %swap3A_257] : memref<256x16x16xf32, #tpu.memory_space<vmem>>, vector<256x1x16xf32>
    %swap3A_259 = vector.shape_cast %swap3A_258 : vector<256x1x16xf32> to vector<256x16xf32>
    %swap3A_260 = vector.shape_cast %sqrt3A_254 : vector<256x16xf32> to vector<256x1x16xf32>
    tpu.vector_store %arg8[%swap3A_255, %swap3A_256, %swap3A_257], %swap3A_260 {strides = array<i32>} : memref<256x16x16xf32, #tpu.memory_space<vmem>>, vector<256x1x16xf32>,
    %slice3A_261 = vector.extract_strided_slice %concatenate3A {offsets = [0, 15, 0], sizes = [256, 1, 27], strides = [1, 1, 1]} : vector<256x16x27xf32> to vector<256x1x27xf32>
    %sub3A_262 = vector.broadcast %slice3A_261 : vector<256x1x27xf32> to vector<256x16x27xf32>
    %sub3A_263 = arith.subf %concatenate3A, %sub3A_262 : vector<256x16x27xf32>
    %mul3A_264 = arith.mulf %sub3A_263, %sub3A_263 : vector<256x16x27xf32>
    %reduce_sum3A_265 = arith.constant dense<0.000000e+00> : vector<256x16xf32>
    %reduce_sum3A_266 = vector.multi_reduction <add>, %mul3A_264, %reduce_sum3A_265 [2] : vector<256x16x27xf32> to vector<256x16xf32>
    %max3A_267 = arith.constant 9.99999996E-13 : f32
    %max3A_268 = vector.broadcast %max3A_267 : f32 to vector<256x16xf32>
    %max3A_269 = arith.maximumf %reduce_sum3A_266, %max3A_268 : vector<256x16xf32>
    %sqrt3A_270 = math.sqrt %max3A_269 : vector<256x16xf32>
    %swap3A_271 = arith.constant 0 : index
    %swap3A_272 = arith.constant 15 : index
    %swap3A_273 = arith.constant 0 : index
    %swap3A_274 = vector.load %arg8[%swap3A_271, %swap3A_272, %swap3A_273] : memref<256x16x16xf32, #tpu.memory_space<vmem>>, vector<256x1x16xf32>
    %swap3A_275 = vector.shape_cast %swap3A_274 : vector<256x1x16xf32> to vector<256x16xf32>
    %swap3A_276 = vector.shape_cast %sqrt3A_270 : vector<256x16xf32> to vector<256x1x16xf32>
    tpu.vector_store %arg8[%swap3A_271, %swap3A_272, %swap3A_273], %swap3A_276 {strides = array<i32>} : memref<256x16x16xf32, #tpu.memory_space<vmem>>, vector<256x1x16xf32>,
    return
  }
  func.func @transform_0(%arg0: i32) -> (i32, i32) {
    %c0_i32 = arith.constant 0 : i32
    %c0_i32_0 = arith.constant 0 : i32
    return %c0_i32, %arg0 : i32, i32
  }
  func.func @transform_1(%arg0: i32) -> (i32, i32) {
    %c0_i32 = arith.constant 0 : i32
    %c0_i32_0 = arith.constant 0 : i32
    return %arg0, %c0_i32 : i32, i32
  }
  func.func @transform_2(%arg0: i32) -> (i32, i32) {
    %c0_i32 = arith.constant 0 : i32
    %c0_i32_0 = arith.constant 0 : i32
    return %arg0, %c0_i32 : i32, i32
  }
  func.func @transform_3(%arg0: i32) -> (i32, i32) {
    %c0_i32 = arith.constant 0 : i32
    %c0_i32_0 = arith.constant 0 : i32
    %c0_i32_1 = arith.constant 0 : i32
    return %c0_i32, %c0_i32_0 : i32, i32
  }
  func.func @transform_4(%arg0: i32) -> (i32, i32) {
    %c0_i32 = arith.constant 0 : i32
    %c0_i32_0 = arith.constant 0 : i32
    return %arg0, %c0_i32 : i32, i32
  }
  func.func @transform_5(%arg0: i32) -> (i32, i32) {
    %c0_i32 = arith.constant 0 : i32
    %c0_i32_0 = arith.constant 0 : i32
    return %arg0, %c0_i32 : i32, i32
  }
  func.func @transform_6(%arg0: i32) -> (i32, i32) {
    %c0_i32 = arith.constant 0 : i32
    %c0_i32_0 = arith.constant 0 : i32
    return %arg0, %c0_i32 : i32, i32
  }
  func.func @transform_7(%arg0: i32) -> (i32, i32, i32) {
    %c0_i32 = arith.constant 0 : i32
    %c0_i32_0 = arith.constant 0 : i32
    %c0_i32_1 = arith.constant 0 : i32
    return %arg0, %c0_i32, %c0_i32_0 : i32, i32, i32
  }
}

</mosaic_0001>

<sc_bundles>
// kernel: kernel.16.cloned.1.call-start
scs
__scs_entry_jumppad:
0x0: {  	(pc) =	sbr.rel $0x88, $3  }
0x1: {  	(tag) =	ssettag $0x0;
	lr =	simm.s32 $0x1  }
0x2: {  	[smem:$0x3F88] =	sst lr;
	_ =	strace $0xD0000000  }
0x3: {  	_ = 	snop  }
0x4: {  	_ = 	snop  }
0x5: {  	_ = 	snop  }
0x6: {  	_ = 	snop  }
0x7: {  	_ = 	snop  }
__scs_overlays_trampoline_lowered:
0x8: {  	[smem:$0x3F97] =	sst s0  }
0x9: {  	[smem:$0x3F98] =	sst s1  }
0xa: {  	[smem:$0x3F99] =	sst s2  }
0xb: {  	[smem:$0x3F9A] =	sst s3  }
0xc: {  	[smem:$0x3F9B] =	sst s4  }
0xd: {  	[smem:$0x3F9C] =	sst s5  }
0xe: {  	[smem:$0x3F9D] =	sst s6  }
0xf: {  	[smem:$0x3F9E] =	sst s7  }
0x10: {  	[smem:$0x3F9F] =	sst s8  }
0x11: {  	[smem:$0x3FA0] =	sst s9;
	s0 =	simm.s32 @!p0 $0x0  }
0x12: {  	s1 =	sld [smem:$0x3F86];
	s0 =	simm.s32 @p0 $0x1  }
0x13: {  	[smem:$0x3FA1] =	sst s0;
	s0 =	simm.s32 @!p1 $0x0  }
0x14: {  	s2 =	sld [smem:$0x3F85];
	s0 =	simm.s32 @p1 $0x1  }
0x15: {  	[smem:$0x3FA2] =	sst s0;
	s0 =	simm.s32 @!p2 $0x0  }
0x16: {  	s3 =	sld [smem:$0x3FDB];
	s0 =	simm.s32 @p2 $0x1  }
0x17: {  	s4 =	simm.s32 $0x1BF5;
	[smem:$0x3FA4] =	sst s0  }
0x18: {  	s0 =	sld [smem:$0x3F87];
	_ =	swait.ge [sflag:s4], $0x0  }
0x19: {  	s7 =	sld [smem:$0x3F88]  }
0x1a: {  	s8 =	sadd.s32 $0xFFFFE003, lr  }
0x1b: {  	s9 =	sadd.s32 $0xFFFFFEF7, lr;
	s5 =	simm.s32 $0xFFFFFFFF;
	p2 =	slt.u32 s8, $0xFFFFF086  }
0x1c: {  	p1 =	slt.u32 s9, $0xF7A;
	s5 =	simm.s32 @!p2 $0x0  }
0x1d: {  	s5 =	simm.s32 @p1 $0x1;
	p0 =	seq.s32 s7, s2  }
0x1e: {  	s7 =	smul.u32 @!p0 $0xF7A, s2;
	p2 =	seq.s32 @!p0 s5, $0x0  }
0x1f: {  	s9 =	smul.u32 $0xF7A, s1;
	s8 =	simm.s32 @!p0 $0x1BF5;
	p2 =	por !p2, p0  }
0x20: {  	[sflag:s8] =	ssyncset.s32 @!p0 $0xFFFFF086;
	s6 =	sadd.s32 @!p0 s3, s7;
	s7 =	simm.s32 @!p0 $0x108  }
0x21: {  	s3 =	sadd.s32 s3, s9;
	s6 =	sadd.s32 @!p0 $0x88, s6;
	s7 =	simm.s32 @p2 $0x1082  }
0x22: {  	[simem:s7], [sflag:s8] =	dma.local @!p0 [hbm:s6], $0xF7A  }
0x23: {  	s9 =	sor.u32 $0xD0000000, s2;
	s6 =	simm.s32 $0x108;
	_ =	swait.ge @!p0 [sflag:s8], $0x0  }
0x24: {  	s3 =	sadd.s32 $0x88, s3;
	s6 =	simm.s32 @!p1 $0x1082;
	[sflag:s4] =	ssyncset.s32 $0xFFFFF086  }
0x25: {  	[simem:s6], [sflag:s4] =	dma.local [hbm:s3], $0xF7A  }
0x26: {  	[smem:$0x3F88] =	sst s1;
	(tag) =	ssettag s2;
	_ =	strace s9  }
0x27: {  	s1 =	sld [smem:$0x3F98]  }
0x28: {  	s2 =	sld [smem:$0x3F99]  }
0x29: {  	s4 =	sld [smem:$0x3F9B]  }
0x2a: {  	p0 =	seq.s32 s5, $0x0;
	s5 =	sld [smem:$0x3F9C]  }
0x2b: {  	s6 =	sld [smem:$0x3F9D]  }
0x2c: {  	s7 =	sld [smem:$0x3F9E]  }
0x2d: {  	s3 =	simm.s32 $0x108;
	s8 =	sld [smem:$0x3F9F]  }
0x2e: {  	s3 =	simm.s32 @!p0 $0x1082;
	s9 =	sld [smem:$0x3FA0]  }
0x2f: {  	lr =	sadd.s32 s0, s3;
	s0 =	sld [smem:$0x3F97]  }
0x30: {  	s3 =	sld [smem:$0x3F9A]  }
0x31: {  	[smem:$0x3FA3] =	sst s10  }
0x32: {  	s10 =	sld [smem:$0x3FA1];
	_ =	sdelay $0x3  }
0x33: {  	p0 =	seq.s32 s10, $0x1;
	s10 =	sld [smem:$0x3FA3];
	_ =	sdelay $0x3  }
0x34: {  	[smem:$0x3FA3] =	sst s10  }
0x35: {  	s10 =	sld [smem:$0x3FA2];
	_ =	sdelay $0x3  }
0x36: {  	p1 =	seq.s32 s10, $0x1;
	s10 =	sld [smem:$0x3FA3];
	_ =	sdelay $0x3  }
0x37: {  	[smem:$0x3FA3] =	sst s10  }
0x38: {  	s10 =	sld [smem:$0x3FA4]  }
0x39: {  	_ = 	snop;
	(pc) =	sbr.ind lr, $3  }
0x3a: {  	_ = 	snop  }
0x3b: {  	_ = 	snop  }
0x3c: {  	p2 =	seq.s32 s10, $0x1;
	s10 =	sld [smem:$0x3FA3]  }
0x3d: {  	_ =	shalt  }
0x3e: {  	_ =	shalt  }
0x3f: {  	_ =	shalt  }
0x40: {  	_ =	shalt  }
0x41: {  	_ =	shalt  }
0x42: {  	_ =	shalt  }
0x43: {  	_ =	shalt  }
0x44: {  	_ =	shalt  }
0x45: {  	_ =	shalt  }
0x46: {  	_ =	shalt  }
0x47: {  	_ =	shalt  }
0x48: {  	_ =	shalt  }
0x49: {  	_ =	shalt  }
0x4a: {  	_ =	shalt  }
0x4b: {  	_ =	shalt  }
0x4c: {  	_ =	shalt  }
0x4d: {  	_ =	shalt  }
0x4e: {  	_ =	shalt  }
0x4f: {  	_ =	shalt  }
0x50: {  	_ =	shalt  }
0x51: {  	_ =	shalt  }
0x52: {  	_ =	shalt  }
0x53: {  	_ =	shalt  }
0x54: {  	_ =	shalt  }
0x55: {  	_ =	shalt  }
0x56: {  	_ =	shalt  }
0x57: {  	_ =	shalt  }
0x58: {  	_ =	shalt  }
0x59: {  	_ =	shalt  }
0x5a: {  	_ =	shalt  }
0x5b: {  	_ =	shalt  }
0x5c: {  	_ =	shalt  }
0x5d: {  	_ =	shalt  }
0x5e: {  	_ =	shalt  }
0x5f: {  	_ =	shalt  }
0x60: {  	_ =	shalt  }
0x61: {  	_ =	shalt  }
0x62: {  	_ =	shalt  }
0x63: {  	_ =	shalt  }
0x64: {  	_ =	shalt  }
0x65: {  	_ =	shalt  }
0x66: {  	_ =	shalt  }
0x67: {  	_ =	shalt  }
0x68: {  	_ =	shalt  }
0x69: {  	_ =	shalt  }
0x6a: {  	_ =	shalt  }
0x6b: {  	_ =	shalt  }
0x6c: {  	_ =	shalt  }
0x6d: {  	_ =	shalt  }
0x6e: {  	_ =	shalt  }
0x6f: {  	_ =	shalt  }
0x70: {  	_ =	shalt  }
0x71: {  	_ =	shalt  }
0x72: {  	_ =	shalt  }
0x73: {  	_ =	shalt  }
0x74: {  	_ =	shalt  }
0x75: {  	_ =	shalt  }
0x76: {  	_ =	shalt  }
0x77: {  	_ =	shalt  }
0x78: {  	_ =	shalt  }
0x79: {  	_ =	shalt  }
0x7a: {  	_ =	shalt  }
0x7b: {  	_ =	shalt  }
0x7c: {  	_ =	shalt  }
0x7d: {  	_ =	shalt  }
0x7e: {  	_ =	shalt  }
0x7f: {  	_ =	shalt  }
0x80: {  	_ =	shalt  }
0x81: {  	_ =	shalt  }
0x82: {  	_ =	shalt  }
0x83: {  	_ =	shalt  }
0x84: {  	_ =	shalt  }
0x85: {  	_ =	shalt  }
0x86: {  	_ =	shalt  }
0x87: {  	_ =	shalt  }
.Lfunc_end0:
.L_simem_size_0:
called_computation_lowered:
.L_overlay_start_0:
0x88: {  	s2 =	sld [smem:$0x3FD9]  }
0x89: {  	s3 =	sld [smem:$0x3FFE];
	_ =	sdelay $0x1  }
0x8a: {  	s1 =	srdreg.scid  }
0x8b: {  	s0 =	sand.u32 $0x1, s1  }
0x8c: {  	s16 =	sshll.u32 s0, $0xA;
	s2 =	sadd.s32 s3, s2  }
0x8d: {  	s2 =	sadd.s32 s2, s16  }
0x8e: {  	[smem:$0x3FAF] =	sst s2  }
0x8f: {  	_ = 	snop  }
0x90: {  	(tm) =	ssettm $0x1  }
0x91: {  	s17 =	sld [smem:$0x3FFB];
	_ =	sdelay $0x3  }
0x92: {  	_ =	strace s17  }
0x93: {  	s2 =	sld [smem:$0x3FFC];
	_ =	sdelay $0x3  }
0x94: {  	_ =	strace s2  }
0x95: {  	s2 =	sld [smem:$0x3FFD];
	_ =	sdelay $0x3  }
0x96: {  	_ =	strace s2  }
0x97: {  	_ =	strace $0x8FFFFFFF  }
0x98: {  	s18 =	sld [smem:$0x3FDB];
	_ =	sdelay $0x1  }
0x99: {  	s19 =	simm.s32 $_scs_section_size  }
0x9a: {  	s4 =	simm.s32 $_size__tile_overlayer_lowered;
	s5 =	simm.s32 $_tile_overlayer_lowered  }
0x9b: {  	s22 =	simm.s32 $0x1BFF;
	s21 =	sshll.u32 s5, $0x1;
	s2 =	sadd.s32 s19, s18  }
0x9c: {  	s6 =	simm.s32 $0x0;
	s20 =	sshll.u32 s4, $0x1;
	s4 =	sadd.s32 s21, s2  }
0x9d: {  	[timem:s6], [sflag:s22] =	dma.local [hbm:s4], s20  }
0x9e: {  	_ =	swait.ge [sflag:s22], s20  }
0x9f: {  	s3 =	ssub.s32 $0x0, s20;
	[sflag:s22] =	ssyncset.done $0x0  }
0xa0: {  	[sflag:s22] =	ssyncadd.s32 s3;
	_ =	sdelay $0x1  }
0xa1: {  	s23 =	simm.s32 $0x1B8B  }
0xa2: {  	_ =	swait.ge [sflag:s23], $0x1  }
0xa3: {  	[sflag:s23] =	ssyncset.done $0x0  }
0xa4: {  	s25 =	simm.s32 $0x1B8E;
	s24 =	sld [smem:$0x3FFE];
	[sflag:s23] =	ssyncadd.s32 $0xFFFFFFFF  }
0xa5: {  	s26 =	simm.s32 $execute0_lowered;
	[smem:$0x3FD2] =	sst s25  }
0xa6: {  	s4 =	sshll.u32 s26, $0x1;
	_ =	strace $0x80000046;
	[dreg:$0x1] =	wrdreg $0xFFFFFFFF  }
0xa7: {  	s28 =	simm.s32 $_size_execute0_lowered;
	s2 =	sadd.s32 s2, s4;
	[dreg:$0x0] =	wrdreg $0x0  }
0xa8: {  	s4 =	sshll.u32 s28, $0x1;
	[dreg:$0x2] =	wrdreg s2  }
0xa9: {  	[dreg:$0x3] =	wrdreg s4  }
0xaa: {  	[dreg:$0x4] =	wrdreg $0xC0  }
0xab: {  	_ =	task [dreg:s6], $0x5FFFF  }
0xac: {  	[dreg:$0x1] =	wrdreg $0xFFFFFFFF  }
0xad: {  	[dreg:$0x0] =	wrdreg $0x60  }
0xae: {  	[dreg:$0x2] =	wrdreg s24  }
0xaf: {  	[dreg:$0x3] =	wrdreg $0x9  }
0xb0: {  	_ =	task.clear_ibuf [dreg:s6], $0x4FFFF;
	_ =	strace $0x90000046  }
0xb1: {  	s29 =	simm.s32 $0x9;
	_ =	strace $0x80000048  }
0xb2: {  	_ =	swait.ge [sflag:s29], $0x1  }
0xb3: {  	[sflag:s29] =	ssyncadd.s32 $0xFFFFFFFF  }
0xb4: {  	_ =	strace $0x90000048  }
0xb5: {  	_ =	sfence  }
0xb6: {  	s30 =	sld [smem:$0x0];
	_ =	sdelay $0x2  }
0xb7: {  	s31 =	sshll.u32 s1, $0xD;
	s1 =	sshrl.u32 s1, $0x2  }
0xb8: {  	s3 =	sand.u32 $0x4000, s31;
	s1 =	sadd.s32 s1, s30  }
0xb9: {  	s0 =	sor.u32 s3, s0;
	s1 =	sshll.u32 s1, $0x11  }
0xba: {  	s0 =	sor.u32 s1, s0  }
0xbb: {  	s0 =	sadd.s32 $0x8F2B, s0  }
0xbc: {  	[sflag:s0] =	ssyncadd.remote.s32 $0x1  }
0xbd: {  	_ =	sfence.sel $0xFFFF  }
0xbe: {  	[dreg:$0x0] =	wrdreg $0xFFFFFFFF;
	(pc) =	sbr.abs _section_cstart, $3  }
0xbf: {  	[dreg:$0x1] =	wrdreg $0xFFFFFFFF  }
0xc0: {  	_ =	task.clear_ibuf [dreg:s6], $0x2FFFF;
	_ =	strace $0x9FFFFFFF  }
0xc1: {  	(tm) =	ssettm $0x7FFFFFFF  }
tec
execute0_lowered:
.L_overlay_start_1:
0x0: {  	(tag) =	ssettag $0x1  }
0x1: {  	s1 =	srdreg.scid  }
0x2: {  	s0 =	stileid.u32;
	s4 =	rddreg [dreg:$0x0]  }
0x3: {  	s2 =	simm.s32 $0x0;
	s3 =	sand.u32 $0x1, s1;
	s31 =	sshll.u32 s0, $0x1  }
0x4: {  	s9 =	simm.s32 $0x0;
	s1 =	rddreg [dreg:$0x1];
	s5 =	sor.u32 s3, s31  }
0x5: {  	[smem:$0x7FF] =	sst s2;
	s7 =	ssub.s32 $0x2, s3;
	s6 =	smul.u32 $0xC00, s5  }
0x6: {  	_ =	strace $0x80000047;
	s5 =	smul.u32 $0x1800, s5;
	s8 =	sshrl.u32 s7, $0x1  }
0x7: {  	s3 =	sadd.s32 $0x1EE00, s4;
	s7 =	ssub.s32 s7, s8;
	s6 =	sadd.s32 s6, s4  }
0x8: {  	s8 =	simm.s32 $0xC000;
	s5 =	sadd.s32 s5, s4;
	s4 =	sadd.s32 $0x6E00, s6  }
0x9: {  	v0 =	vimm.f32 $1.000000000e+00;
	s5 =	sadd.s32 $0x20600, s5;
	s6 =	smax.u32 s7, $0x1;
	s7 =	simm.s32 $0x1  }
.LBB2_1:
0xa: {  	[tilespmem:s2], [sflag:$0x1] =	stream.linear.gather [hbm4b:s3+s2], $0xC000, $0x38;
	[tilespmem:$0x12000] =	vst v63  }
0xb: {  	_ =	swait.ge [sflag:s7], $0xC000  }
0xc: {  	[sflag:s7] =	ssyncset.done $0x0  }
0xd: {  	[sflag:s7] =	ssyncadd.s32 $0xFFFF4000  }
0xe: {  	[tilespmem:s8], [sflag:$0x1] =	stream.linear.gather [hbm4b:s4+s2], $0x6000, $0x38;
	[tilespmem:$0x12000] =	vst v63  }
0xf: {  	_ =	swait.ge [sflag:s7], $0x6000  }
0x10: {  	[sflag:s7] =	ssyncset.done $0x0  }
0x11: {  	s10 =	simm.s32 $0xFFFFFFFC;
	s11 =	simm.s32 $0xC020;
	[sflag:s7] =	ssyncadd.s32 $0xFFFFA000  }
.LBB2_2:
0x12: {  	v1 =	vld [tilespmem:s11+$0xFFFFFFE0];
	_ =	sdelay $0x7  }
0x13: {  	[tilespmem:v1+s2+$0x0] =	vst.idx.add.f32.msk $0xffff, v0  }
0x14: {  	v1 =	vld [tilespmem:s11+$0xFFFFFFF0];
	_ =	sdelay $0x7  }
0x15: {  	[tilespmem:v1+s2+$0x0] =	vst.idx.add.f32.msk $0xffff, v0  }
0x16: {  	v1 =	vld [tilespmem:s11+$0x0];
	_ =	sdelay $0x7  }
0x17: {  	[tilespmem:v1+s2+$0x0] =	vst.idx.add.f32.msk $0xffff, v0  }
0x18: {  	v1 =	vld [tilespmem:s11+$0x10];
	_ =	sdelay $0x1  }
0x19: {  	s10 =	sadd.s32 $0x4, s10  }
0x1a: {  	p0 =	slt.u32 s10, $0x5FC  }
.Ltmp0:
0x1b: {  	_ = 	snop;
	(pc) =	sbr.rel @p0 .LBB2_2-.Ltmp0, $2  }
0x1c: {  	_ =	sdelay $0x2  }
0x1d: {  	s11 =	sadd.s32 $0x40, s11;
	[tilespmem:v1+s2+$0x0] =	vst.idx.add.f32.msk $0xffff, v0  }
0x1e: {  	s9 =	sadd.s32 $0x1, s9  }
0x1f: {  	p0 =	sne.s32 s9, s6  }
.Ltmp1:
0x20: {  	_ = 	snop;
	(pc) =	sbr.rel @p0 .LBB2_1-.Ltmp1, $4  }
0x21: {  	[hbm4b:s5+s2] =	stream.linear.scatter [tilespmem:s2], [sflag:$0x1], $0xC000, $0x38;
	[tilespmem:$0x12000] =	vst v63  }
0x22: {  	_ =	swait.ge [sflag:s7], $0xC000  }
0x23: {  	[sflag:s7] =	ssyncset.done $0x0  }
0x24: {  	[sflag:s7] =	ssyncadd.s32 $0xFFFF4000  }
0x25: {  	_ =	sfence.sel $0x180000  }
0x26: {  	[bflag:$0x0] =	sbarrier.arrive $0xFFFF  }
0x27: {  	p0 =	sne.s32 s0, $0x0;
	_ =	strace $0x90000047  }
0x28: {  	s0 =	sadd.s32 @!p0 $0x100000, s1;
	[bflag:$0x2] =	sbarrier.arrive $0xFFFF  }
0x29: {  	[sflag:s0] =	ssyncadd.tile.s32 @!p0 $0x1;
	_ =	shalt  }
.Lfunc_end2:
_tile_overlayer_lowered:
.L_overlay_start_2:
0x2a: {  	(tag) =	ssettag $0x2  }
0x2b: {  	s0 =	rddreg [dreg:$0x0];
	s2 =	stileid.u32  }
0x2c: {  	s1 =	rddreg [dreg:$0x1];
	p0 =	sne.s32 s2, $0x0  }
0x2d: {  	s3 =	rddreg [dreg:$0x2];
	[bflag:$0x3] =	sbarrier.arrive $0xFFFF;
	s2 =	simm.s32 @!p0 $0x1C01  }
0x2e: {  	[timem:s3], [sflag:s2] =	dma.local @!p0 [hbm:s0], s1  }
0x2f: {  	s0 =	simm.s32 @!p0 $0x1  }
0x30: {  	_ =	swait.ge @!p0 [sflag:s0], s1  }
0x31: {  	s1 =	ssub.s32 @!p0 $0x0, s1;
	[sflag:s0] =	ssyncset.done @!p0 $0x0  }
0x32: {  	[sflag:s0] =	ssyncadd.s32 @!p0 s1  }
0x33: {  	[bflag:$0x3] =	sbarrier.arrive $0xFFFF  }
0x34: {  	_ =	shalt  }

// kernel: kernel.19.cloned.1.call-start
scs
__scs_entry_jumppad:
0x0: {  	(pc) =	sbr.rel $0x88, $3  }
0x1: {  	(tag) =	ssettag $0x0;
	lr =	simm.s32 $0x1  }
0x2: {  	[smem:$0x3F88] =	sst lr;
	_ =	strace $0xD0000000  }
0x3: {  	_ = 	snop  }
0x4: {  	_ = 	snop  }
0x5: {  	_ = 	snop  }
0x6: {  	_ = 	snop  }
0x7: {  	_ = 	snop  }
__scs_overlays_trampoline_lowered:
0x8: {  	[smem:$0x3F97] =	sst s0  }
0x9: {  	[smem:$0x3F98] =	sst s1  }
0xa: {  	[smem:$0x3F99] =	sst s2  }
0xb: {  	[smem:$0x3F9A] =	sst s3  }
0xc: {  	[smem:$0x3F9B] =	sst s4  }
0xd: {  	[smem:$0x3F9C] =	sst s5  }
0xe: {  	[smem:$0x3F9D] =	sst s6  }
0xf: {  	[smem:$0x3F9E] =	sst s7  }
0x10: {  	[smem:$0x3F9F] =	sst s8  }
0x11: {  	[smem:$0x3FA0] =	sst s9;
	s0 =	simm.s32 @!p0 $0x0  }
0x12: {  	s1 =	sld [smem:$0x3F86];
	s0 =	simm.s32 @p0 $0x1  }
0x13: {  	[smem:$0x3FA1] =	sst s0;
	s0 =	simm.s32 @!p1 $0x0  }
0x14: {  	s2 =	sld [smem:$0x3F85];
	s0 =	simm.s32 @p1 $0x1  }
0x15: {  	[smem:$0x3FA2] =	sst s0;
	s0 =	simm.s32 @!p2 $0x0  }
0x16: {  	s3 =	sld [smem:$0x3FDB];
	s0 =	simm.s32 @p2 $0x1  }
0x17: {  	s4 =	simm.s32 $0x1BF5;
	[smem:$0x3FA4] =	sst s0  }
0x18: {  	s0 =	sld [smem:$0x3F87];
	_ =	swait.ge [sflag:s4], $0x0  }
0x19: {  	s7 =	sld [smem:$0x3F88]  }
0x1a: {  	s8 =	sadd.s32 $0xFFFFE003, lr  }
0x1b: {  	s9 =	sadd.s32 $0xFFFFFEF7, lr;
	s5 =	simm.s32 $0xFFFFFFFF;
	p2 =	slt.u32 s8, $0xFFFFF086  }
0x1c: {  	p1 =	slt.u32 s9, $0xF7A;
	s5 =	simm.s32 @!p2 $0x0  }
0x1d: {  	s5 =	simm.s32 @p1 $0x1;
	p0 =	seq.s32 s7, s2  }
0x1e: {  	s7 =	smul.u32 @!p0 $0xF7A, s2;
	p2 =	seq.s32 @!p0 s5, $0x0  }
0x1f: {  	s9 =	smul.u32 $0xF7A, s1;
	s8 =	simm.s32 @!p0 $0x1BF5;
	p2 =	por !p2, p0  }
0x20: {  	[sflag:s8] =	ssyncset.s32 @!p0 $0xFFFFF086;
	s6 =	sadd.s32 @!p0 s3, s7;
	s7 =	simm.s32 @!p0 $0x108  }
0x21: {  	s3 =	sadd.s32 s3, s9;
	s6 =	sadd.s32 @!p0 $0x88, s6;
	s7 =	simm.s32 @p2 $0x1082  }
0x22: {  	[simem:s7], [sflag:s8] =	dma.local @!p0 [hbm:s6], $0xF7A  }
0x23: {  	s9 =	sor.u32 $0xD0000000, s2;
	s6 =	simm.s32 $0x108;
	_ =	swait.ge @!p0 [sflag:s8], $0x0  }
0x24: {  	s3 =	sadd.s32 $0x88, s3;
	s6 =	simm.s32 @!p1 $0x1082;
	[sflag:s4] =	ssyncset.s32 $0xFFFFF086  }
0x25: {  	[simem:s6], [sflag:s4] =	dma.local [hbm:s3], $0xF7A  }
0x26: {  	[smem:$0x3F88] =	sst s1;
	(tag) =	ssettag s2;
	_ =	strace s9  }
0x27: {  	s1 =	sld [smem:$0x3F98]  }
0x28: {  	s2 =	sld [smem:$0x3F99]  }
0x29: {  	s4 =	sld [smem:$0x3F9B]  }
0x2a: {  	p0 =	seq.s32 s5, $0x0;
	s5 =	sld [smem:$0x3F9C]  }
0x2b: {  	s6 =	sld [smem:$0x3F9D]  }
0x2c: {  	s7 =	sld [smem:$0x3F9E]  }
0x2d: {  	s3 =	simm.s32 $0x108;
	s8 =	sld [smem:$0x3F9F]  }
0x2e: {  	s3 =	simm.s32 @!p0 $0x1082;
	s9 =	sld [smem:$0x3FA0]  }
0x2f: {  	lr =	sadd.s32 s0, s3;
	s0 =	sld [smem:$0x3F97]  }
0x30: {  	s3 =	sld [smem:$0x3F9A]  }
0x31: {  	[smem:$0x3FA3] =	sst s10  }
0x32: {  	s10 =	sld [smem:$0x3FA1];
	_ =	sdelay $0x3  }
0x33: {  	p0 =	seq.s32 s10, $0x1;
	s10 =	sld [smem:$0x3FA3];
	_ =	sdelay $0x3  }
0x34: {  	[smem:$0x3FA3] =	sst s10  }
0x35: {  	s10 =	sld [smem:$0x3FA2];
	_ =	sdelay $0x3  }
0x36: {  	p1 =	seq.s32 s10, $0x1;
	s10 =	sld [smem:$0x3FA3];
	_ =	sdelay $0x3  }
0x37: {  	[smem:$0x3FA3] =	sst s10  }
0x38: {  	s10 =	sld [smem:$0x3FA4]  }
0x39: {  	_ = 	snop;
	(pc) =	sbr.ind lr, $3  }
0x3a: {  	_ = 	snop  }
0x3b: {  	_ = 	snop  }
0x3c: {  	p2 =	seq.s32 s10, $0x1;
	s10 =	sld [smem:$0x3FA3]  }
0x3d: {  	_ =	shalt  }
0x3e: {  	_ =	shalt  }
0x3f: {  	_ =	shalt  }
0x40: {  	_ =	shalt  }
0x41: {  	_ =	shalt  }
0x42: {  	_ =	shalt  }
0x43: {  	_ =	shalt  }
0x44: {  	_ =	shalt  }
0x45: {  	_ =	shalt  }
0x46: {  	_ =	shalt  }
0x47: {  	_ =	shalt  }
0x48: {  	_ =	shalt  }
0x49: {  	_ =	shalt  }
0x4a: {  	_ =	shalt  }
0x4b: {  	_ =	shalt  }
0x4c: {  	_ =	shalt  }
0x4d: {  	_ =	shalt  }
0x4e: {  	_ =	shalt  }
0x4f: {  	_ =	shalt  }
0x50: {  	_ =	shalt  }
0x51: {  	_ =	shalt  }
0x52: {  	_ =	shalt  }
0x53: {  	_ =	shalt  }
0x54: {  	_ =	shalt  }
0x55: {  	_ =	shalt  }
0x56: {  	_ =	shalt  }
0x57: {  	_ =	shalt  }
0x58: {  	_ =	shalt  }
0x59: {  	_ =	shalt  }
0x5a: {  	_ =	shalt  }
0x5b: {  	_ =	shalt  }
0x5c: {  	_ =	shalt  }
0x5d: {  	_ =	shalt  }
0x5e: {  	_ =	shalt  }
0x5f: {  	_ =	shalt  }
0x60: {  	_ =	shalt  }
0x61: {  	_ =	shalt  }
0x62: {  	_ =	shalt  }
0x63: {  	_ =	shalt  }
0x64: {  	_ =	shalt  }
0x65: {  	_ =	shalt  }
0x66: {  	_ =	shalt  }
0x67: {  	_ =	shalt  }
0x68: {  	_ =	shalt  }
0x69: {  	_ =	shalt  }
0x6a: {  	_ =	shalt  }
0x6b: {  	_ =	shalt  }
0x6c: {  	_ =	shalt  }
0x6d: {  	_ =	shalt  }
0x6e: {  	_ =	shalt  }
0x6f: {  	_ =	shalt  }
0x70: {  	_ =	shalt  }
0x71: {  	_ =	shalt  }
0x72: {  	_ =	shalt  }
0x73: {  	_ =	shalt  }
0x74: {  	_ =	shalt  }
0x75: {  	_ =	shalt  }
0x76: {  	_ =	shalt  }
0x77: {  	_ =	shalt  }
0x78: {  	_ =	shalt  }
0x79: {  	_ =	shalt  }
0x7a: {  	_ =	shalt  }
0x7b: {  	_ =	shalt  }
0x7c: {  	_ =	shalt  }
0x7d: {  	_ =	shalt  }
0x7e: {  	_ =	shalt  }
0x7f: {  	_ =	shalt  }
0x80: {  	_ =	shalt  }
0x81: {  	_ =	shalt  }
0x82: {  	_ =	shalt  }
0x83: {  	_ =	shalt  }
0x84: {  	_ =	shalt  }
0x85: {  	_ =	shalt  }
0x86: {  	_ =	shalt  }
0x87: {  	_ =	shalt  }
.Lfunc_end0:
.L_simem_size_0:
called_computation.1_lowered:
.L_overlay_start_0:
0x88: {  	s2 =	sld [smem:$0x3FD9]  }
0x89: {  	s3 =	sld [smem:$0x3FFE];
	_ =	sdelay $0x1  }
0x8a: {  	s1 =	srdreg.scid  }
0x8b: {  	s0 =	sand.u32 $0x1, s1  }
0x8c: {  	s17 =	sshll.u32 s0, $0xA;
	s2 =	sadd.s32 s3, s2  }
0x8d: {  	s2 =	sadd.s32 s2, s17  }
0x8e: {  	[smem:$0x3FAF] =	sst s2  }
0x8f: {  	_ = 	snop  }
0x90: {  	(tm) =	ssettm $0x1  }
0x91: {  	s18 =	sld [smem:$0x3FFB];
	_ =	sdelay $0x3  }
0x92: {  	_ =	strace s18  }
0x93: {  	s2 =	sld [smem:$0x3FFC];
	_ =	sdelay $0x3  }
0x94: {  	_ =	strace s2  }
0x95: {  	s2 =	sld [smem:$0x3FFD];
	_ =	sdelay $0x3  }
0x96: {  	_ =	strace s2  }
0x97: {  	_ =	strace $0x8FFFFFFF  }
0x98: {  	s19 =	sld [smem:$0x3FDB];
	_ =	sdelay $0x1  }
0x99: {  	s20 =	simm.s32 $_scs_section_size  }
0x9a: {  	s4 =	simm.s32 $_size__tile_overlayer_lowered;
	s5 =	simm.s32 $_tile_overlayer_lowered  }
0x9b: {  	s6 =	simm.s32 $0x1BFF;
	s21 =	sshll.u32 s5, $0x1;
	s3 =	sadd.s32 s20, s19  }
0x9c: {  	s22 =	simm.s32 $0x0;
	s4 =	sshll.u32 s4, $0x1;
	s5 =	sadd.s32 s21, s3  }
0x9d: {  	[timem:s22], [sflag:s6] =	dma.local [hbm:s5], s4  }
0x9e: {  	_ =	swait.ge [sflag:s6], s4  }
0x9f: {  	s4 =	ssub.s32 $0x0, s4;
	[sflag:s6] =	ssyncset.done $0x0  }
0xa0: {  	[sflag:s6] =	ssyncadd.s32 s4;
	_ =	sdelay $0x1  }
0xa1: {  	s23 =	simm.s32 $0x1B8B  }
0xa2: {  	_ =	swait.ge [sflag:s23], $0x1  }
0xa3: {  	[sflag:s23] =	ssyncset.done $0x0  }
0xa4: {  	[sflag:s23] =	ssyncadd.s32 $0xFFFFFFFF  }
0xa5: {  	s4 =	sld [smem:$0x0]  }
0xa6: {  	s5 =	sand.u32 $0xFFFFFFFE, s1  }
0xa7: {  	p0 =	sne.s32 s1, s5  }
0xa8: {  	s5 =	sshll.u32 @p0 s5, $0xE  }
0xa9: {  	s5 =	sadd.s32 @p0 $0x11B8D, s5;
	s6 =	sshll.u32 @p0 s4, $0x11  }
0xaa: {  	s5 =	sor.u32 @p0 s6, s5  }
0xab: {  	[sflag:s5] =	ssyncadd.remote.s32 @p0 $0x1;
	_ =	sdelay $0x1  }
0xac: {  	s5 =	simm.s32 @p0 $0x1B8D  }
0xad: {  	_ =	swait.eq @p0 [sflag:s5], $0x1  }
0xae: {  	[sflag:s5] =	ssyncadd.s32 @p0 $0xFFFFFFFF  }
0xaf: {  	s6 =	sshll.u32 @!p0 s1, $0xE  }
0xb0: {  	s6 =	sor.u32 @!p0 $0x4000, s6;
	s5 =	simm.s32 @!p0 $0x1B8D  }
0xb1: {  	s4 =	sshll.u32 @!p0 s4, $0x11;
	s6 =	sadd.s32 @!p0 $0x11B8D, s6;
	_ =	swait.eq @!p0 [sflag:s5], $0x1  }
0xb2: {  	s4 =	sor.u32 @!p0 s4, s6;
	[sflag:s5] =	ssyncadd.s32 @!p0 $0xFFFFFFFF  }
0xb3: {  	s25 =	simm.s32 $0x1B8E;
	s24 =	sld [smem:$0x3FFE];
	[sflag:s4] =	ssyncadd.remote.s32 @!p0 $0x1  }
0xb4: {  	s26 =	simm.s32 $execute0_lowered;
	[smem:$0x3FD2] =	sst s25  }
0xb5: {  	s5 =	sshll.u32 s26, $0x1;
	_ =	strace $0x8000004F;
	[dreg:$0x1] =	wrdreg $0xFFFFFFFF  }
0xb6: {  	s28 =	simm.s32 $_size_execute0_lowered;
	s3 =	sadd.s32 s3, s5;
	[dreg:$0x0] =	wrdreg $0x0  }
0xb7: {  	s5 =	sshll.u32 s28, $0x1;
	[dreg:$0x2] =	wrdreg s3  }
0xb8: {  	[dreg:$0x3] =	wrdreg s5  }
0xb9: {  	[dreg:$0x4] =	wrdreg $0xC0  }
0xba: {  	_ =	task [dreg:s22], $0x5FFFF  }
0xbb: {  	[dreg:$0x1] =	wrdreg $0xFFFFFFFF  }
0xbc: {  	[dreg:$0x0] =	wrdreg $0x60  }
0xbd: {  	[dreg:$0x2] =	wrdreg s24  }
0xbe: {  	[dreg:$0x3] =	wrdreg $0x9  }
0xbf: {  	_ =	task.clear_ibuf [dreg:s22], $0x4FFFF;
	_ =	strace $0x9000004F  }
0xc0: {  	s29 =	simm.s32 $0x9;
	_ =	strace $0x80000051  }
0xc1: {  	_ =	swait.ge [sflag:s29], $0x1  }
0xc2: {  	[sflag:s29] =	ssyncadd.s32 $0xFFFFFFFF  }
0xc3: {  	_ =	strace $0x90000051  }
0xc4: {  	_ =	sfence  }
0xc5: {  	s30 =	sld [smem:$0x0];
	_ =	sdelay $0x2  }
0xc6: {  	s31 =	sshll.u32 s1, $0xD;
	s1 =	sshrl.u32 s1, $0x2  }
0xc7: {  	s4 =	sand.u32 $0x4000, s31;
	s1 =	sadd.s32 s1, s30  }
0xc8: {  	s0 =	sor.u32 s4, s0;
	s1 =	sshll.u32 s1, $0x11  }
0xc9: {  	s0 =	sor.u32 s1, s0  }
0xca: {  	s0 =	sadd.s32 $0x8F2B, s0  }
0xcb: {  	[sflag:s0] =	ssyncadd.remote.s32 $0x1  }
0xcc: {  	_ =	sfence.sel $0xFFFF  }
0xcd: {  	[dreg:$0x0] =	wrdreg $0xFFFFFFFF;
	(pc) =	sbr.abs _section_cstart, $3  }
0xce: {  	[dreg:$0x1] =	wrdreg $0xFFFFFFFF  }
0xcf: {  	_ =	task.clear_ibuf [dreg:s22], $0x2FFFF;
	_ =	strace $0x9FFFFFFF  }
0xd0: {  	(tm) =	ssettm $0x7FFFFFFF  }
0xd1: {  	_ =	shalt  }
tec
execute0_lowered:
.L_overlay_start_1:
0x0: {  	(tag) =	ssettag $0x1  }
0x1: {  	s4 =	rddreg [dreg:$0x0]  }
0x2: {  	s0 =	rddreg [dreg:$0x1];
	s3 =	srdreg.scid  }
0x3: {  	s1 =	stileid.u32;
	s2 =	simm.s32 $0x0;
	s9 =	simm.s32 $0x0  }
0x4: {  	s3 =	sand.u32 $0x1, s3;
	s5 =	sshll.u32 s1, $0x1;
	[smem:$0x7FF] =	sst s2  }
0x5: {  	s5 =	sor.u32 s3, s5;
	_ =	strace $0x80000050;
	s7 =	ssub.s32 $0x2, s3  }
0x6: {  	s3 =	sadd.s32 $0x1EE00, s4;
	s6 =	sshll.u32 s5, $0xA;
	s5 =	sshll.u32 s5, $0xB  }
0x7: {  	s8 =	sshrl.u32 s7, $0x1;
	s6 =	sadd.s32 s6, s4;
	s5 =	sadd.s32 s5, s4  }
0x8: {  	s7 =	ssub.s32 s7, s8;
	s8 =	simm.s32 $0x4000;
	s4 =	sadd.s32 $0x323600, s6  }
0x9: {  	v0 =	vimm.f32 $1.000000000e+00;
	s5 =	sadd.s32 $0x333600, s5;
	s6 =	smax.u32 s7, $0x1;
	s7 =	simm.s32 $0x1  }
.LBB2_1:
0xa: {  	[tilespmem:s2], [sflag:$0x1] =	stream.linear.gather [hbm4b:s3+s2], $0x4000, $0x38;
	[tilespmem:$0x6000] =	vst v63  }
0xb: {  	_ =	swait.ge [sflag:s7], $0x4000  }
0xc: {  	[sflag:s7] =	ssyncset.done $0x0  }
0xd: {  	[sflag:s7] =	ssyncadd.s32 $0xFFFFC000  }
0xe: {  	[tilespmem:s8], [sflag:$0x1] =	stream.linear.gather [hbm4b:s4+s2], $0x2000, $0x38;
	[tilespmem:$0x6000] =	vst v63  }
0xf: {  	_ =	swait.ge [sflag:s7], $0x2000  }
0x10: {  	[sflag:s7] =	ssyncset.done $0x0  }
0x11: {  	s10 =	simm.s32 $0xFFFFFFFC;
	s11 =	simm.s32 $0x4020;
	[sflag:s7] =	ssyncadd.s32 $0xFFFFE000  }
.LBB2_2:
0x12: {  	v1 =	vld [tilespmem:s11+$0xFFFFFFE0];
	_ =	sdelay $0x7  }
0x13: {  	[tilespmem:v1+s2+$0x0] =	vst.idx.add.f32.msk $0xffff, v0  }
0x14: {  	v1 =	vld [tilespmem:s11+$0xFFFFFFF0];
	_ =	sdelay $0x7  }
0x15: {  	[tilespmem:v1+s2+$0x0] =	vst.idx.add.f32.msk $0xffff, v0  }
0x16: {  	v1 =	vld [tilespmem:s11+$0x0];
	_ =	sdelay $0x7  }
0x17: {  	[tilespmem:v1+s2+$0x0] =	vst.idx.add.f32.msk $0xffff, v0  }
0x18: {  	v1 =	vld [tilespmem:s11+$0x10];
	_ =	sdelay $0x1  }
0x19: {  	s10 =	sadd.s32 $0x4, s10  }
0x1a: {  	p0 =	slt.u32 s10, $0x1FC  }
.Ltmp0:
0x1b: {  	_ = 	snop;
	(pc) =	sbr.rel @p0 .LBB2_2-.Ltmp0, $2  }
0x1c: {  	_ =	sdelay $0x2  }
0x1d: {  	s11 =	sadd.s32 $0x40, s11;
	[tilespmem:v1+s2+$0x0] =	vst.idx.add.f32.msk $0xffff, v0  }
0x1e: {  	s9 =	sadd.s32 $0x1, s9  }
0x1f: {  	p0 =	sne.s32 s9, s6  }
.Ltmp1:
0x20: {  	_ = 	snop;
	(pc) =	sbr.rel @p0 .LBB2_1-.Ltmp1, $4  }
0x21: {  	[hbm4b:s5+s2] =	stream.linear.scatter [tilespmem:s2], [sflag:$0x1], $0x4000, $0x38;
	[tilespmem:$0x6000] =	vst v63  }
0x22: {  	_ =	swait.ge [sflag:s7], $0x4000  }
0x23: {  	[sflag:s7] =	ssyncset.done $0x0  }
0x24: {  	[sflag:s7] =	ssyncadd.s32 $0xFFFFC000  }
0x25: {  	_ =	sfence.sel $0x180000  }
0x26: {  	[bflag:$0x0] =	sbarrier.arrive $0xFFFF  }
0x27: {  	p0 =	sne.s32 s1, $0x0;
	_ =	strace $0x90000050  }
0x28: {  	s0 =	sadd.s32 @!p0 $0x100000, s0;
	[bflag:$0x2] =	sbarrier.arrive $0xFFFF  }
0x29: {  	[sflag:s0] =	ssyncadd.tile.s32 @!p0 $0x1;
	_ =	shalt  }
.Lfunc_end2:
_tile_overlayer_lowered:
.L_overlay_start_2:
0x2a: {  	(tag) =	ssettag $0x2  }
0x2b: {  	s0 =	rddreg [dreg:$0x0];
	s2 =	stileid.u32  }
0x2c: {  	s1 =	rddreg [dreg:$0x1];
	p0 =	sne.s32 s2, $0x0  }
0x2d: {  	s3 =	rddreg [dreg:$0x2];
	[bflag:$0x3] =	sbarrier.arrive $0xFFFF;
	s2 =	simm.s32 @!p0 $0x1C01  }
0x2e: {  	[timem:s3], [sflag:s2] =	dma.local @!p0 [hbm:s0], s1  }
0x2f: {  	s0 =	simm.s32 @!p0 $0x1  }
0x30: {  	_ =	swait.ge @!p0 [sflag:s0], s1  }
0x31: {  	s1 =	ssub.s32 @!p0 $0x0, s1;
	[sflag:s0] =	ssyncset.done @!p0 $0x0  }
0x32: {  	[sflag:s0] =	ssyncadd.s32 @!p0 s1  }
0x33: {  	[bflag:$0x3] =	sbarrier.arrive $0xFFFF  }
0x34: {  	_ =	shalt  }

// kernel: kernel.22.cloned.1.call-start
scs
__scs_entry_jumppad:
0x0: {  	(pc) =	sbr.rel $0x88, $3  }
0x1: {  	(tag) =	ssettag $0x0;
	lr =	simm.s32 $0x1  }
0x2: {  	[smem:$0x3F88] =	sst lr;
	_ =	strace $0xD0000000  }
0x3: {  	_ = 	snop  }
0x4: {  	_ = 	snop  }
0x5: {  	_ = 	snop  }
0x6: {  	_ = 	snop  }
0x7: {  	_ = 	snop  }
__scs_overlays_trampoline_lowered:
0x8: {  	[smem:$0x3F97] =	sst s0  }
0x9: {  	[smem:$0x3F98] =	sst s1  }
0xa: {  	[smem:$0x3F99] =	sst s2  }
0xb: {  	[smem:$0x3F9A] =	sst s3  }
0xc: {  	[smem:$0x3F9B] =	sst s4  }
0xd: {  	[smem:$0x3F9C] =	sst s5  }
0xe: {  	[smem:$0x3F9D] =	sst s6  }
0xf: {  	[smem:$0x3F9E] =	sst s7  }
0x10: {  	[smem:$0x3F9F] =	sst s8  }
0x11: {  	[smem:$0x3FA0] =	sst s9;
	s0 =	simm.s32 @!p0 $0x0  }
0x12: {  	s1 =	sld [smem:$0x3F86];
	s0 =	simm.s32 @p0 $0x1  }
0x13: {  	[smem:$0x3FA1] =	sst s0;
	s0 =	simm.s32 @!p1 $0x0  }
0x14: {  	s2 =	sld [smem:$0x3F85];
	s0 =	simm.s32 @p1 $0x1  }
0x15: {  	[smem:$0x3FA2] =	sst s0;
	s0 =	simm.s32 @!p2 $0x0  }
0x16: {  	s3 =	sld [smem:$0x3FDB];
	s0 =	simm.s32 @p2 $0x1  }
0x17: {  	s4 =	simm.s32 $0x1BF5;
	[smem:$0x3FA4] =	sst s0  }
0x18: {  	s0 =	sld [smem:$0x3F87];
	_ =	swait.ge [sflag:s4], $0x0  }
0x19: {  	s7 =	sld [smem:$0x3F88]  }
0x1a: {  	s8 =	sadd.s32 $0xFFFFE003, lr  }
0x1b: {  	s9 =	sadd.s32 $0xFFFFFEF7, lr;
	s5 =	simm.s32 $0xFFFFFFFF;
	p2 =	slt.u32 s8, $0xFFFFF086  }
0x1c: {  	p1 =	slt.u32 s9, $0xF7A;
	s5 =	simm.s32 @!p2 $0x0  }
0x1d: {  	s5 =	simm.s32 @p1 $0x1;
	p0 =	seq.s32 s7, s2  }
0x1e: {  	s7 =	smul.u32 @!p0 $0xF7A, s2;
	p2 =	seq.s32 @!p0 s5, $0x0  }
0x1f: {  	s9 =	smul.u32 $0xF7A, s1;
	s8 =	simm.s32 @!p0 $0x1BF5;
	p2 =	por !p2, p0  }
0x20: {  	[sflag:s8] =	ssyncset.s32 @!p0 $0xFFFFF086;
	s6 =	sadd.s32 @!p0 s3, s7;
	s7 =	simm.s32 @!p0 $0x108  }
0x21: {  	s3 =	sadd.s32 s3, s9;
	s6 =	sadd.s32 @!p0 $0x88, s6;
	s7 =	simm.s32 @p2 $0x1082  }
0x22: {  	[simem:s7], [sflag:s8] =	dma.local @!p0 [hbm:s6], $0xF7A  }
0x23: {  	s9 =	sor.u32 $0xD0000000, s2;
	s6 =	simm.s32 $0x108;
	_ =	swait.ge @!p0 [sflag:s8], $0x0  }
0x24: {  	s3 =	sadd.s32 $0x88, s3;
	s6 =	simm.s32 @!p1 $0x1082;
	[sflag:s4] =	ssyncset.s32 $0xFFFFF086  }
0x25: {  	[simem:s6], [sflag:s4] =	dma.local [hbm:s3], $0xF7A  }
0x26: {  	[smem:$0x3F88] =	sst s1;
	(tag) =	ssettag s2;
	_ =	strace s9  }
0x27: {  	s1 =	sld [smem:$0x3F98]  }
0x28: {  	s2 =	sld [smem:$0x3F99]  }
0x29: {  	s4 =	sld [smem:$0x3F9B]  }
0x2a: {  	p0 =	seq.s32 s5, $0x0;
	s5 =	sld [smem:$0x3F9C]  }
0x2b: {  	s6 =	sld [smem:$0x3F9D]  }
0x2c: {  	s7 =	sld [smem:$0x3F9E]  }
0x2d: {  	s3 =	simm.s32 $0x108;
	s8 =	sld [smem:$0x3F9F]  }
0x2e: {  	s3 =	simm.s32 @!p0 $0x1082;
	s9 =	sld [smem:$0x3FA0]  }
0x2f: {  	lr =	sadd.s32 s0, s3;
	s0 =	sld [smem:$0x3F97]  }
0x30: {  	s3 =	sld [smem:$0x3F9A]  }
0x31: {  	[smem:$0x3FA3] =	sst s10  }
0x32: {  	s10 =	sld [smem:$0x3FA1];
	_ =	sdelay $0x3  }
0x33: {  	p0 =	seq.s32 s10, $0x1;
	s10 =	sld [smem:$0x3FA3];
	_ =	sdelay $0x3  }
0x34: {  	[smem:$0x3FA3] =	sst s10  }
0x35: {  	s10 =	sld [smem:$0x3FA2];
	_ =	sdelay $0x3  }
0x36: {  	p1 =	seq.s32 s10, $0x1;
	s10 =	sld [smem:$0x3FA3];
	_ =	sdelay $0x3  }
0x37: {  	[smem:$0x3FA3] =	sst s10  }
0x38: {  	s10 =	sld [smem:$0x3FA4]  }
0x39: {  	_ = 	snop;
	(pc) =	sbr.ind lr, $3  }
0x3a: {  	_ = 	snop  }
0x3b: {  	_ = 	snop  }
0x3c: {  	p2 =	seq.s32 s10, $0x1;
	s10 =	sld [smem:$0x3FA3]  }
0x3d: {  	_ =	shalt  }
0x3e: {  	_ =	shalt  }
0x3f: {  	_ =	shalt  }
0x40: {  	_ =	shalt  }
0x41: {  	_ =	shalt  }
0x42: {  	_ =	shalt  }
0x43: {  	_ =	shalt  }
0x44: {  	_ =	shalt  }
0x45: {  	_ =	shalt  }
0x46: {  	_ =	shalt  }
0x47: {  	_ =	shalt  }
0x48: {  	_ =	shalt  }
0x49: {  	_ =	shalt  }
0x4a: {  	_ =	shalt  }
0x4b: {  	_ =	shalt  }
0x4c: {  	_ =	shalt  }
0x4d: {  	_ =	shalt  }
0x4e: {  	_ =	shalt  }
0x4f: {  	_ =	shalt  }
0x50: {  	_ =	shalt  }
0x51: {  	_ =	shalt  }
0x52: {  	_ =	shalt  }
0x53: {  	_ =	shalt  }
0x54: {  	_ =	shalt  }
0x55: {  	_ =	shalt  }
0x56: {  	_ =	shalt  }
0x57: {  	_ =	shalt  }
0x58: {  	_ =	shalt  }
0x59: {  	_ =	shalt  }
0x5a: {  	_ =	shalt  }
0x5b: {  	_ =	shalt  }
0x5c: {  	_ =	shalt  }
0x5d: {  	_ =	shalt  }
0x5e: {  	_ =	shalt  }
0x5f: {  	_ =	shalt  }
0x60: {  	_ =	shalt  }
0x61: {  	_ =	shalt  }
0x62: {  	_ =	shalt  }
0x63: {  	_ =	shalt  }
0x64: {  	_ =	shalt  }
0x65: {  	_ =	shalt  }
0x66: {  	_ =	shalt  }
0x67: {  	_ =	shalt  }
0x68: {  	_ =	shalt  }
0x69: {  	_ =	shalt  }
0x6a: {  	_ =	shalt  }
0x6b: {  	_ =	shalt  }
0x6c: {  	_ =	shalt  }
0x6d: {  	_ =	shalt  }
0x6e: {  	_ =	shalt  }
0x6f: {  	_ =	shalt  }
0x70: {  	_ =	shalt  }
0x71: {  	_ =	shalt  }
0x72: {  	_ =	shalt  }
0x73: {  	_ =	shalt  }
0x74: {  	_ =	shalt  }
0x75: {  	_ =	shalt  }
0x76: {  	_ =	shalt  }
0x77: {  	_ =	shalt  }
0x78: {  	_ =	shalt  }
0x79: {  	_ =	shalt  }
0x7a: {  	_ =	shalt  }
0x7b: {  	_ =	shalt  }
0x7c: {  	_ =	shalt  }
0x7d: {  	_ =	shalt  }
0x7e: {  	_ =	shalt  }
0x7f: {  	_ =	shalt  }
0x80: {  	_ =	shalt  }
0x81: {  	_ =	shalt  }
0x82: {  	_ =	shalt  }
0x83: {  	_ =	shalt  }
0x84: {  	_ =	shalt  }
0x85: {  	_ =	shalt  }
0x86: {  	_ =	shalt  }
0x87: {  	_ =	shalt  }
.Lfunc_end0:
.L_simem_size_0:
called_computation.2_lowered:
.L_overlay_start_0:
0x88: {  	s2 =	sld [smem:$0x3FD9]  }
0x89: {  	s3 =	sld [smem:$0x3FFE];
	_ =	sdelay $0x1  }
0x8a: {  	s1 =	srdreg.scid  }
0x8b: {  	s0 =	sand.u32 $0x1, s1  }
0x8c: {  	s17 =	sshll.u32 s0, $0xA;
	s2 =	sadd.s32 s3, s2  }
0x8d: {  	s2 =	sadd.s32 s2, s17  }
0x8e: {  	[smem:$0x3FAF] =	sst s2  }
0x8f: {  	_ = 	snop  }
0x90: {  	(tm) =	ssettm $0x1  }
0x91: {  	s18 =	sld [smem:$0x3FFB];
	_ =	sdelay $0x3  }
0x92: {  	_ =	strace s18  }
0x93: {  	s2 =	sld [smem:$0x3FFC];
	_ =	sdelay $0x3  }
0x94: {  	_ =	strace s2  }
0x95: {  	s2 =	sld [smem:$0x3FFD];
	_ =	sdelay $0x3  }
0x96: {  	_ =	strace s2  }
0x97: {  	_ =	strace $0x8FFFFFFF  }
0x98: {  	s19 =	sld [smem:$0x3FDB];
	_ =	sdelay $0x1  }
0x99: {  	s20 =	simm.s32 $_scs_section_size  }
0x9a: {  	s4 =	simm.s32 $_size__tile_overlayer_lowered;
	s5 =	simm.s32 $_tile_overlayer_lowered  }
0x9b: {  	s6 =	simm.s32 $0x1BFF;
	s21 =	sshll.u32 s5, $0x1;
	s3 =	sadd.s32 s20, s19  }
0x9c: {  	s22 =	simm.s32 $0x0;
	s4 =	sshll.u32 s4, $0x1;
	s5 =	sadd.s32 s21, s3  }
0x9d: {  	[timem:s22], [sflag:s6] =	dma.local [hbm:s5], s4  }
0x9e: {  	_ =	swait.ge [sflag:s6], s4  }
0x9f: {  	s4 =	ssub.s32 $0x0, s4;
	[sflag:s6] =	ssyncset.done $0x0  }
0xa0: {  	[sflag:s6] =	ssyncadd.s32 s4;
	_ =	sdelay $0x1  }
0xa1: {  	s23 =	simm.s32 $0x1B8B  }
0xa2: {  	_ =	swait.ge [sflag:s23], $0x1  }
0xa3: {  	[sflag:s23] =	ssyncset.done $0x0  }
0xa4: {  	[sflag:s23] =	ssyncadd.s32 $0xFFFFFFFF  }
0xa5: {  	s4 =	sld [smem:$0x0]  }
0xa6: {  	s5 =	sand.u32 $0xFFFFFFFE, s1  }
0xa7: {  	p0 =	sne.s32 s1, s5  }
0xa8: {  	s5 =	sshll.u32 @p0 s5, $0xE  }
0xa9: {  	s5 =	sadd.s32 @p0 $0x11B8D, s5;
	s6 =	sshll.u32 @p0 s4, $0x11  }
0xaa: {  	s5 =	sor.u32 @p0 s6, s5  }
0xab: {  	[sflag:s5] =	ssyncadd.remote.s32 @p0 $0x1;
	_ =	sdelay $0x1  }
0xac: {  	s5 =	simm.s32 @p0 $0x1B8D  }
0xad: {  	_ =	swait.eq @p0 [sflag:s5], $0x1  }
0xae: {  	[sflag:s5] =	ssyncadd.s32 @p0 $0xFFFFFFFF  }
0xaf: {  	s6 =	sshll.u32 @!p0 s1, $0xE  }
0xb0: {  	s6 =	sor.u32 @!p0 $0x4000, s6;
	s5 =	simm.s32 @!p0 $0x1B8D  }
0xb1: {  	s4 =	sshll.u32 @!p0 s4, $0x11;
	s6 =	sadd.s32 @!p0 $0x11B8D, s6;
	_ =	swait.eq @!p0 [sflag:s5], $0x1  }
0xb2: {  	s4 =	sor.u32 @!p0 s4, s6;
	[sflag:s5] =	ssyncadd.s32 @!p0 $0xFFFFFFFF  }
0xb3: {  	s25 =	simm.s32 $0x1B8E;
	s24 =	sld [smem:$0x3FFE];
	[sflag:s4] =	ssyncadd.remote.s32 @!p0 $0x1  }
0xb4: {  	s26 =	simm.s32 $execute0_lowered;
	[smem:$0x3FD2] =	sst s25  }
0xb5: {  	s5 =	sshll.u32 s26, $0x1;
	_ =	strace $0x80000049;
	[dreg:$0x1] =	wrdreg $0xFFFFFFFF  }
0xb6: {  	s28 =	simm.s32 $_size_execute0_lowered;
	s3 =	sadd.s32 s3, s5;
	[dreg:$0x0] =	wrdreg $0x0  }
0xb7: {  	s5 =	sshll.u32 s28, $0x1;
	[dreg:$0x2] =	wrdreg s3  }
0xb8: {  	[dreg:$0x3] =	wrdreg s5  }
0xb9: {  	[dreg:$0x4] =	wrdreg $0xC0  }
0xba: {  	_ =	task [dreg:s22], $0x5FFFF  }
0xbb: {  	[dreg:$0x1] =	wrdreg $0xFFFFFFFF  }
0xbc: {  	[dreg:$0x0] =	wrdreg $0x60  }
0xbd: {  	[dreg:$0x2] =	wrdreg s24  }
0xbe: {  	[dreg:$0x3] =	wrdreg $0xA  }
0xbf: {  	_ =	task.clear_ibuf [dreg:s22], $0x4FFFF;
	_ =	strace $0x90000049  }
0xc0: {  	s29 =	simm.s32 $0xA;
	_ =	strace $0x8000004B  }
0xc1: {  	_ =	swait.ge [sflag:s29], $0x1  }
0xc2: {  	[sflag:s29] =	ssyncadd.s32 $0xFFFFFFFF  }
0xc3: {  	_ =	strace $0x9000004B  }
0xc4: {  	_ =	sfence  }
0xc5: {  	s30 =	sld [smem:$0x0];
	_ =	sdelay $0x2  }
0xc6: {  	s31 =	sshll.u32 s1, $0xD;
	s1 =	sshrl.u32 s1, $0x2  }
0xc7: {  	s4 =	sand.u32 $0x4000, s31;
	s1 =	sadd.s32 s1, s30  }
0xc8: {  	s0 =	sor.u32 s4, s0;
	s1 =	sshll.u32 s1, $0x11  }
0xc9: {  	s0 =	sor.u32 s1, s0  }
0xca: {  	s0 =	sadd.s32 $0x8F2B, s0  }
0xcb: {  	[sflag:s0] =	ssyncadd.remote.s32 $0x1  }
0xcc: {  	_ =	sfence.sel $0xFFFF  }
0xcd: {  	[dreg:$0x0] =	wrdreg $0xFFFFFFFF;
	(pc) =	sbr.abs _section_cstart, $3  }
0xce: {  	[dreg:$0x1] =	wrdreg $0xFFFFFFFF  }
0xcf: {  	_ =	task.clear_ibuf [dreg:s22], $0x2FFFF;
	_ =	strace $0x9FFFFFFF  }
0xd0: {  	(tm) =	ssettm $0x7FFFFFFF  }
0xd1: {  	_ =	shalt  }
tec
execute0_lowered:
.L_overlay_start_1:
0x0: {  	(tag) =	ssettag $0x1  }
0x1: {  	s5 =	rddreg [dreg:$0x0]  }
0x2: {  	s0 =	rddreg [dreg:$0x1];
	s2 =	simm.s32 $0x0;
	s3 =	srdreg.scid  }
0x3: {  	s1 =	stileid.u32;
	s12 =	simm.s32 $0x200;
	s13 =	simm.s32 $0x8200  }
0x4: {  	s14 =	simm.s32 $0x1;
	s15 =	simm.s32 $0x2;
	s16 =	simm.s32 $0x0  }
0x5: {  	[smem:$0x7FF] =	sst s2;
	s6 =	sand.u32 $0x1, s3;
	s7 =	sshll.u32 s1, $0xC  }
0x6: {  	s3 =	sadd.s32 $0x50600, s5;
	s4 =	sadd.s32 $0x52600, s5;
	s29 =	sshll.u32 s1, $0x10  }
0x7: {  	_ =	strace $0x8000004A;
	s8 =	sshll.u32 s6, $0xB;
	s9 =	ssub.s32 $0x2, s6  }
0x8: {  	s6 =	sshll.u32 s6, $0xF;
	s7 =	sor.u32 s8, s7;
	s10 =	sshrl.u32 s9, $0x1  }
0x9: {  	s8 =	sadd.s32 s29, s5;
	s7 =	sshrl.u32 s7, $0x3;
	s30 =	ssub.s32 s9, s10  }
0xa: {  	s31 =	sadd.s32 s6, s8;
	s10 =	simm.s32 $0x3;
	s11 =	sadd.s32 s7, s5  }
0xb: {  	s5 =	smax.u32 s30, $0x1;
	s6 =	sadd.s32 $0x158600, s31;
	s7 =	sadd.s32 $0x58600, s31  }
0xc: {  	s8 =	sadd.s32 $0x54600, s11;
	s9 =	sadd.s32 $0x56600, s11;
	s11 =	simm.s32 $0x100  }
.LBB2_1:
0xd: {  	s17 =	sadd.s32 $0x0, s9  }
0xe: {  	[tilespmem:s2], [sflag:$0x3] =	stream.linear.gather [hbm4b:s17+s2], $0x100, $0x38;
	[tilespmem:$0x10200] =	vst v63  }
0xf: {  	_ =	swait.ge [sflag:s10], $0x100  }
0x10: {  	[sflag:s10] =	ssyncset.done $0x0  }
0x11: {  	s31 =	sadd.s32 $0x0, s8;
	[sflag:s10] =	ssyncadd.s32 $0xFFFFFF00  }
0x12: {  	[tilespmem:s11], [sflag:$0x3] =	stream.linear.gather [hbm4b:s31+s2], $0x100, $0x38;
	[tilespmem:$0x10200] =	vst v63  }
0x13: {  	_ =	swait.ge [sflag:s10], $0x100  }
0x14: {  	[sflag:s10] =	ssyncset.done $0x0  }
0x15: {  	[sflag:s10] =	ssyncadd.s32 $0xFFFFFF00  }
0x16: {  	[tilespmem:s12], [sflag:$0x1] =	stream.indirect.gather [hbm4b:s3+s11], $0x80, s2, s11, $0xb8;
	[tilespmem:$0x10200] =	vst v63  }
0x17: {  	_ = 	snop  }
0x18: {  	[tilespmem:s13], [sflag:$0x2] =	stream.indirect.gather [hbm4b:s4+s11], $0x80, s11, s11, $0xb8;
	[tilespmem:$0x10200] =	vst v63  }
0x19: {  	_ =	swait.ge [sflag:s14], $0x8000  }
0x1a: {  	[sflag:s14] =	ssyncset.done $0x0  }
0x1b: {  	[sflag:s14] =	ssyncadd.s32 $0xFFFF8000  }
0x1c: {  	[hbm4b:s7+s2] =	stream.linear.scatter [tilespmem:s12], [sflag:$0x3], $0x8000, $0x38;
	[tilespmem:$0x10200] =	vst v63  }
0x1d: {  	_ =	swait.ge [sflag:s10], $0x8000  }
0x1e: {  	[sflag:s10] =	ssyncset.done $0x0  }
0x1f: {  	[sflag:s10] =	ssyncadd.s32 $0xFFFF8000  }
0x20: {  	_ =	swait.ge [sflag:s15], $0x8000  }
0x21: {  	[sflag:s15] =	ssyncset.done $0x0  }
0x22: {  	[sflag:s15] =	ssyncadd.s32 $0xFFFF8000  }
0x23: {  	[hbm4b:s6+s2] =	stream.linear.scatter [tilespmem:s13], [sflag:$0x3], $0x8000, $0x38;
	[tilespmem:$0x10200] =	vst v63  }
0x24: {  	s19 =	simm.s32 $0x20;
	s20 =	simm.s32 $0x40;
	_ =	swait.ge [sflag:s10], $0x8000  }
0x25: {  	s18 =	sadd.s32 $0x1000, s7;
	s17 =	sadd.s32 $0x1000, s6;
	[sflag:s10] =	ssyncset.done $0x0  }
.LBB2_2:
0x26: {  	s21 =	sadd.s32 s19, s9  }
0x27: {  	[sflag:s10] =	ssyncadd.s32 $0xFFFF8000;
	s22 =	smov.u32 s20;
	s23 =	sadd.s32 $0x20, s20  }
0x28: {  	[tilespmem:s2], [sflag:$0x3] =	stream.linear.gather [hbm4b:s21+s2], $0x100, $0x38;
	[tilespmem:$0x10200] =	vst v63  }
0x29: {  	p0 =	sne.s32 s20, $0xE0;
	_ =	swait.ge [sflag:s10], $0x100  }
0x2a: {  	[sflag:s10] =	ssyncset.done $0x0  }
0x2b: {  	s20 =	sadd.s32 s19, s8;
	s19 =	smov.u32 s22;
	[sflag:s10] =	ssyncadd.s32 $0xFFFFFF00  }
0x2c: {  	[tilespmem:s11], [sflag:$0x3] =	stream.linear.gather [hbm4b:s20+s2], $0x100, $0x38;
	[tilespmem:$0x10200] =	vst v63  }
0x2d: {  	_ =	swait.ge [sflag:s10], $0x100  }
0x2e: {  	[sflag:s10] =	ssyncset.done $0x0  }
0x2f: {  	[sflag:s10] =	ssyncadd.s32 $0xFFFFFF00  }
0x30: {  	[tilespmem:s12], [sflag:$0x1] =	stream.indirect.gather [hbm4b:s3+s11], $0x80, s2, s11, $0xb8;
	[tilespmem:$0x10200] =	vst v63  }
0x31: {  	_ = 	snop  }
0x32: {  	[tilespmem:s13], [sflag:$0x2] =	stream.indirect.gather [hbm4b:s4+s11], $0x80, s11, s11, $0xb8;
	[tilespmem:$0x10200] =	vst v63  }
0x33: {  	_ =	swait.ge [sflag:s14], $0x8000  }
0x34: {  	[sflag:s14] =	ssyncset.done $0x0  }
0x35: {  	[sflag:s14] =	ssyncadd.s32 $0xFFFF8000  }
0x36: {  	[hbm4b:s18+s2] =	stream.linear.scatter [tilespmem:s12], [sflag:$0x3], $0x8000, $0x38;
	[tilespmem:$0x10200] =	vst v63  }
0x37: {  	_ =	swait.ge [sflag:s10], $0x8000  }
0x38: {  	[sflag:s10] =	ssyncset.done $0x0  }
0x39: {  	[sflag:s10] =	ssyncadd.s32 $0xFFFF8000  }
0x3a: {  	_ =	swait.ge [sflag:s15], $0x8000  }
.Ltmp0:
0x3b: {  	[sflag:s15] =	ssyncset.done $0x0;
	(pc) =	sbr.rel @p0 .LBB2_2-.Ltmp0, $4  }
0x3c: {  	[sflag:s15] =	ssyncadd.s32 $0xFFFF8000  }
0x3d: {  	[hbm4b:s17+s2] =	stream.linear.scatter [tilespmem:s13], [sflag:$0x3], $0x8000, $0x38;
	[tilespmem:$0x10200] =	vst v63  }
0x3e: {  	s20 =	smov.u32 s23;
	_ =	swait.ge [sflag:s10], $0x8000  }
0x3f: {  	s18 =	sadd.s32 $0x1000, s18;
	s17 =	sadd.s32 $0x1000, s17;
	[sflag:s10] =	ssyncset.done $0x0  }
0x40: {  	s20 =	sadd.s32 s19, s9;
	[sflag:s10] =	ssyncadd.s32 $0xFFFF8000  }
0x41: {  	[tilespmem:s2], [sflag:$0x3] =	stream.linear.gather [hbm4b:s20+s2], $0x100, $0x38;
	[tilespmem:$0x10200] =	vst v63  }
0x42: {  	_ =	swait.ge [sflag:s10], $0x100  }
0x43: {  	[sflag:s10] =	ssyncset.done $0x0  }
0x44: {  	s31 =	sadd.s32 s19, s8;
	[sflag:s10] =	ssyncadd.s32 $0xFFFFFF00  }
0x45: {  	[tilespmem:s11], [sflag:$0x3] =	stream.linear.gather [hbm4b:s31+s2], $0x100, $0x38;
	[tilespmem:$0x10200] =	vst v63  }
0x46: {  	_ =	swait.ge [sflag:s10], $0x100  }
0x47: {  	[sflag:s10] =	ssyncset.done $0x0  }
0x48: {  	[sflag:s10] =	ssyncadd.s32 $0xFFFFFF00  }
0x49: {  	[tilespmem:s12], [sflag:$0x1] =	stream.indirect.gather [hbm4b:s3+s11], $0x80, s2, s11, $0xb8;
	[tilespmem:$0x10200] =	vst v63  }
0x4a: {  	_ = 	snop  }
0x4b: {  	[tilespmem:s13], [sflag:$0x2] =	stream.indirect.gather [hbm4b:s4+s11], $0x80, s11, s11, $0xb8;
	[tilespmem:$0x10200] =	vst v63  }
0x4c: {  	_ =	swait.ge [sflag:s14], $0x8000  }
0x4d: {  	[sflag:s14] =	ssyncset.done $0x0  }
0x4e: {  	[sflag:s14] =	ssyncadd.s32 $0xFFFF8000  }
0x4f: {  	[hbm4b:s18+s2] =	stream.linear.scatter [tilespmem:s12], [sflag:$0x3], $0x8000, $0x38;
	[tilespmem:$0x10200] =	vst v63  }
0x50: {  	_ =	swait.ge [sflag:s10], $0x8000  }
0x51: {  	[sflag:s10] =	ssyncset.done $0x0  }
0x52: {  	[sflag:s10] =	ssyncadd.s32 $0xFFFF8000  }
0x53: {  	s16 =	sadd.s32 $0x1, s16;
	_ =	swait.ge [sflag:s15], $0x8000  }
0x54: {  	p0 =	sne.s32 s16, s5;
	[sflag:s15] =	ssyncset.done $0x0  }
.Ltmp1:
0x55: {  	[sflag:s15] =	ssyncadd.s32 $0xFFFF8000;
	(pc) =	sbr.rel @p0 .LBB2_1-.Ltmp1, $4  }
0x56: {  	[hbm4b:s17+s2] =	stream.linear.scatter [tilespmem:s13], [sflag:$0x3], $0x8000, $0x38;
	[tilespmem:$0x10200] =	vst v63  }
0x57: {  	_ =	swait.ge [sflag:s10], $0x8000  }
0x58: {  	[sflag:s10] =	ssyncset.done $0x0  }
0x59: {  	[sflag:s10] =	ssyncadd.s32 $0xFFFF8000  }
0x5a: {  	_ =	sfence.sel $0x180000  }
0x5b: {  	[bflag:$0x0] =	sbarrier.arrive $0xFFFF  }
0x5c: {  	p0 =	sne.s32 s1, $0x0;
	_ =	strace $0x9000004A  }
0x5d: {  	s0 =	sadd.s32 @!p0 $0x100000, s0;
	[bflag:$0x2] =	sbarrier.arrive $0xFFFF  }
0x5e: {  	[sflag:s0] =	ssyncadd.tile.s32 @!p0 $0x1;
	_ =	shalt  }
.Lfunc_end2:
_tile_overlayer_lowered:
.L_overlay_start_2:
0x5f: {  	(tag) =	ssettag $0x2  }
0x60: {  	s0 =	rddreg [dreg:$0x0];
	s2 =	stileid.u32  }
0x61: {  	s1 =	rddreg [dreg:$0x1];
	p0 =	sne.s32 s2, $0x0  }
0x62: {  	s3 =	rddreg [dreg:$0x2];
	[bflag:$0x3] =	sbarrier.arrive $0xFFFF;
	s2 =	simm.s32 @!p0 $0x1C03  }
0x63: {  	[timem:s3], [sflag:s2] =	dma.local @!p0 [hbm:s0], s1  }
0x64: {  	s0 =	simm.s32 @!p0 $0x3  }
0x65: {  	_ =	swait.ge @!p0 [sflag:s0], s1  }
0x66: {  	s1 =	ssub.s32 @!p0 $0x0, s1;
	[sflag:s0] =	ssyncset.done @!p0 $0x0  }
0x67: {  	[sflag:s0] =	ssyncadd.s32 @!p0 s1  }
0x68: {  	[bflag:$0x3] =	sbarrier.arrive $0xFFFF  }
0x69: {  	_ =	shalt  }

// kernel: kernel.25.cloned.1.call-start
scs
__scs_entry_jumppad:
0x0: {  	(pc) =	sbr.rel $0x88, $3  }
0x1: {  	(tag) =	ssettag $0x0;
	lr =	simm.s32 $0x1  }
0x2: {  	[smem:$0x3F88] =	sst lr;
	_ =	strace $0xD0000000  }
0x3: {  	_ = 	snop  }
0x4: {  	_ = 	snop  }
0x5: {  	_ = 	snop  }
0x6: {  	_ = 	snop  }
0x7: {  	_ = 	snop  }
__scs_overlays_trampoline_lowered:
0x8: {  	[smem:$0x3F97] =	sst s0  }
0x9: {  	[smem:$0x3F98] =	sst s1  }
0xa: {  	[smem:$0x3F99] =	sst s2  }
0xb: {  	[smem:$0x3F9A] =	sst s3  }
0xc: {  	[smem:$0x3F9B] =	sst s4  }
0xd: {  	[smem:$0x3F9C] =	sst s5  }
0xe: {  	[smem:$0x3F9D] =	sst s6  }
0xf: {  	[smem:$0x3F9E] =	sst s7  }
0x10: {  	[smem:$0x3F9F] =	sst s8  }
0x11: {  	[smem:$0x3FA0] =	sst s9;
	s0 =	simm.s32 @!p0 $0x0  }
0x12: {  	s1 =	sld [smem:$0x3F86];
	s0 =	simm.s32 @p0 $0x1  }
0x13: {  	[smem:$0x3FA1] =	sst s0;
	s0 =	simm.s32 @!p1 $0x0  }
0x14: {  	s2 =	sld [smem:$0x3F85];
	s0 =	simm.s32 @p1 $0x1  }
0x15: {  	[smem:$0x3FA2] =	sst s0;
	s0 =	simm.s32 @!p2 $0x0  }
0x16: {  	s3 =	sld [smem:$0x3FDB];
	s0 =	simm.s32 @p2 $0x1  }
0x17: {  	s4 =	simm.s32 $0x1BF5;
	[smem:$0x3FA4] =	sst s0  }
0x18: {  	s0 =	sld [smem:$0x3F87];
	_ =	swait.ge [sflag:s4], $0x0  }
0x19: {  	s7 =	sld [smem:$0x3F88]  }
0x1a: {  	s8 =	sadd.s32 $0xFFFFE003, lr  }
0x1b: {  	s9 =	sadd.s32 $0xFFFFFEF7, lr;
	s5 =	simm.s32 $0xFFFFFFFF;
	p2 =	slt.u32 s8, $0xFFFFF086  }
0x1c: {  	p1 =	slt.u32 s9, $0xF7A;
	s5 =	simm.s32 @!p2 $0x0  }
0x1d: {  	s5 =	simm.s32 @p1 $0x1;
	p0 =	seq.s32 s7, s2  }
0x1e: {  	s7 =	smul.u32 @!p0 $0xF7A, s2;
	p2 =	seq.s32 @!p0 s5, $0x0  }
0x1f: {  	s9 =	smul.u32 $0xF7A, s1;
	s8 =	simm.s32 @!p0 $0x1BF5;
	p2 =	por !p2, p0  }
0x20: {  	[sflag:s8] =	ssyncset.s32 @!p0 $0xFFFFF086;
	s6 =	sadd.s32 @!p0 s3, s7;
	s7 =	simm.s32 @!p0 $0x108  }
0x21: {  	s3 =	sadd.s32 s3, s9;
	s6 =	sadd.s32 @!p0 $0x88, s6;
	s7 =	simm.s32 @p2 $0x1082  }
0x22: {  	[simem:s7], [sflag:s8] =	dma.local @!p0 [hbm:s6], $0xF7A  }
0x23: {  	s9 =	sor.u32 $0xD0000000, s2;
	s6 =	simm.s32 $0x108;
	_ =	swait.ge @!p0 [sflag:s8], $0x0  }
0x24: {  	s3 =	sadd.s32 $0x88, s3;
	s6 =	simm.s32 @!p1 $0x1082;
	[sflag:s4] =	ssyncset.s32 $0xFFFFF086  }
0x25: {  	[simem:s6], [sflag:s4] =	dma.local [hbm:s3], $0xF7A  }
0x26: {  	[smem:$0x3F88] =	sst s1;
	(tag) =	ssettag s2;
	_ =	strace s9  }
0x27: {  	s1 =	sld [smem:$0x3F98]  }
0x28: {  	s2 =	sld [smem:$0x3F99]  }
0x29: {  	s4 =	sld [smem:$0x3F9B]  }
0x2a: {  	p0 =	seq.s32 s5, $0x0;
	s5 =	sld [smem:$0x3F9C]  }
0x2b: {  	s6 =	sld [smem:$0x3F9D]  }
0x2c: {  	s7 =	sld [smem:$0x3F9E]  }
0x2d: {  	s3 =	simm.s32 $0x108;
	s8 =	sld [smem:$0x3F9F]  }
0x2e: {  	s3 =	simm.s32 @!p0 $0x1082;
	s9 =	sld [smem:$0x3FA0]  }
0x2f: {  	lr =	sadd.s32 s0, s3;
	s0 =	sld [smem:$0x3F97]  }
0x30: {  	s3 =	sld [smem:$0x3F9A]  }
0x31: {  	[smem:$0x3FA3] =	sst s10  }
0x32: {  	s10 =	sld [smem:$0x3FA1];
	_ =	sdelay $0x3  }
0x33: {  	p0 =	seq.s32 s10, $0x1;
	s10 =	sld [smem:$0x3FA3];
	_ =	sdelay $0x3  }
0x34: {  	[smem:$0x3FA3] =	sst s10  }
0x35: {  	s10 =	sld [smem:$0x3FA2];
	_ =	sdelay $0x3  }
0x36: {  	p1 =	seq.s32 s10, $0x1;
	s10 =	sld [smem:$0x3FA3];
	_ =	sdelay $0x3  }
0x37: {  	[smem:$0x3FA3] =	sst s10  }
0x38: {  	s10 =	sld [smem:$0x3FA4]  }
0x39: {  	_ = 	snop;
	(pc) =	sbr.ind lr, $3  }
0x3a: {  	_ = 	snop  }
0x3b: {  	_ = 	snop  }
0x3c: {  	p2 =	seq.s32 s10, $0x1;
	s10 =	sld [smem:$0x3FA3]  }
0x3d: {  	_ =	shalt  }
0x3e: {  	_ =	shalt  }
0x3f: {  	_ =	shalt  }
0x40: {  	_ =	shalt  }
0x41: {  	_ =	shalt  }
0x42: {  	_ =	shalt  }
0x43: {  	_ =	shalt  }
0x44: {  	_ =	shalt  }
0x45: {  	_ =	shalt  }
0x46: {  	_ =	shalt  }
0x47: {  	_ =	shalt  }
0x48: {  	_ =	shalt  }
0x49: {  	_ =	shalt  }
0x4a: {  	_ =	shalt  }
0x4b: {  	_ =	shalt  }
0x4c: {  	_ =	shalt  }
0x4d: {  	_ =	shalt  }
0x4e: {  	_ =	shalt  }
0x4f: {  	_ =	shalt  }
0x50: {  	_ =	shalt  }
0x51: {  	_ =	shalt  }
0x52: {  	_ =	shalt  }
0x53: {  	_ =	shalt  }
0x54: {  	_ =	shalt  }
0x55: {  	_ =	shalt  }
0x56: {  	_ =	shalt  }
0x57: {  	_ =	shalt  }
0x58: {  	_ =	shalt  }
0x59: {  	_ =	shalt  }
0x5a: {  	_ =	shalt  }
0x5b: {  	_ =	shalt  }
0x5c: {  	_ =	shalt  }
0x5d: {  	_ =	shalt  }
0x5e: {  	_ =	shalt  }
0x5f: {  	_ =	shalt  }
0x60: {  	_ =	shalt  }
0x61: {  	_ =	shalt  }
0x62: {  	_ =	shalt  }
0x63: {  	_ =	shalt  }
0x64: {  	_ =	shalt  }
0x65: {  	_ =	shalt  }
0x66: {  	_ =	shalt  }
0x67: {  	_ =	shalt  }
0x68: {  	_ =	shalt  }
0x69: {  	_ =	shalt  }
0x6a: {  	_ =	shalt  }
0x6b: {  	_ =	shalt  }
0x6c: {  	_ =	shalt  }
0x6d: {  	_ =	shalt  }
0x6e: {  	_ =	shalt  }
0x6f: {  	_ =	shalt  }
0x70: {  	_ =	shalt  }
0x71: {  	_ =	shalt  }
0x72: {  	_ =	shalt  }
0x73: {  	_ =	shalt  }
0x74: {  	_ =	shalt  }
0x75: {  	_ =	shalt  }
0x76: {  	_ =	shalt  }
0x77: {  	_ =	shalt  }
0x78: {  	_ =	shalt  }
0x79: {  	_ =	shalt  }
0x7a: {  	_ =	shalt  }
0x7b: {  	_ =	shalt  }
0x7c: {  	_ =	shalt  }
0x7d: {  	_ =	shalt  }
0x7e: {  	_ =	shalt  }
0x7f: {  	_ =	shalt  }
0x80: {  	_ =	shalt  }
0x81: {  	_ =	shalt  }
0x82: {  	_ =	shalt  }
0x83: {  	_ =	shalt  }
0x84: {  	_ =	shalt  }
0x85: {  	_ =	shalt  }
0x86: {  	_ =	shalt  }
0x87: {  	_ =	shalt  }
.Lfunc_end0:
.L_simem_size_0:
called_computation.3_lowered:
.L_overlay_start_0:
0x88: {  	s2 =	sld [smem:$0x3FD9]  }
0x89: {  	s3 =	sld [smem:$0x3FFE];
	_ =	sdelay $0x1  }
0x8a: {  	s1 =	srdreg.scid  }
0x8b: {  	s0 =	sand.u32 $0x1, s1  }
0x8c: {  	s14 =	sshll.u32 s0, $0xA;
	s2 =	sadd.s32 s3, s2  }
0x8d: {  	s2 =	sadd.s32 s2, s14  }
0x8e: {  	[smem:$0x3FAF] =	sst s2  }
0x8f: {  	_ = 	snop  }
0x90: {  	s2 =	sld [smem:$0x3FD0];
	_ =	sdelay $0x2  }
0x91: {  	s15 =	simm.s32 $0xB;
	s4 =	simm.s32 $0x10  }
0x92: {  	[smem:s4], [sflag:s15] =	dma.local [hbm:s2], $0x1  }
0x93: {  	_ =	swait.eq [sflag:s15], $0x1  }
0x94: {  	[sflag:s15] =	ssyncset.done $0x0  }
0x95: {  	[sflag:s15] =	ssyncadd.s32 $0xFFFFFFFF  }
0x96: {  	s16 =	sld [smem:$0x11];
	(tm) =	ssettm $0x1  }
0x97: {  	s17 =	sld [smem:$0x3FFB];
	_ =	sdelay $0x3  }
0x98: {  	_ =	strace s17  }
0x99: {  	s3 =	sld [smem:$0x3FFC];
	_ =	sdelay $0x3  }
0x9a: {  	_ =	strace s3  }
0x9b: {  	s3 =	sld [smem:$0x3FFD];
	_ =	sdelay $0x3  }
0x9c: {  	_ =	strace s3  }
0x9d: {  	_ =	strace $0x8FFFFFFF  }
0x9e: {  	s18 =	sld [smem:$0x3FDB];
	_ =	sdelay $0x1  }
0x9f: {  	s19 =	simm.s32 $_scs_section_size  }
0xa0: {  	s5 =	simm.s32 $_size__tile_overlayer_lowered;
	s6 =	simm.s32 $_tile_overlayer_lowered  }
0xa1: {  	s22 =	simm.s32 $0x1BFF;
	s21 =	sshll.u32 s6, $0x1;
	s3 =	sadd.s32 s19, s18  }
0xa2: {  	s7 =	simm.s32 $0x0;
	s20 =	sshll.u32 s5, $0x1;
	s5 =	sadd.s32 s21, s3  }
0xa3: {  	[timem:s7], [sflag:s22] =	dma.local [hbm:s5], s20  }
0xa4: {  	_ =	swait.ge [sflag:s22], s20  }
0xa5: {  	s4 =	ssub.s32 $0x0, s20;
	[sflag:s22] =	ssyncset.done $0x0  }
0xa6: {  	[sflag:s22] =	ssyncadd.s32 s4;
	_ =	sdelay $0x1  }
0xa7: {  	s23 =	simm.s32 $0x1B8B  }
0xa8: {  	_ =	swait.ge [sflag:s23], $0x1  }
0xa9: {  	[sflag:s23] =	ssyncset.done $0x0  }
0xaa: {  	s25 =	simm.s32 $0x1B8E;
	s24 =	sld [smem:$0x3FFE];
	[sflag:s23] =	ssyncadd.s32 $0xFFFFFFFF  }
0xab: {  	s26 =	simm.s32 $execute0_lowered;
	[smem:$0x3FD2] =	sst s25  }
0xac: {  	s5 =	sshll.u32 s26, $0x1;
	_ =	strace $0x8000004C;
	[dreg:$0x1] =	wrdreg $0xFFFFFFFF  }
0xad: {  	s28 =	simm.s32 $_size_execute0_lowered;
	s3 =	sadd.s32 s3, s5;
	[dreg:$0x0] =	wrdreg $0x0  }
0xae: {  	s5 =	sshll.u32 s28, $0x1;
	[dreg:$0x2] =	wrdreg s3  }
0xaf: {  	[dreg:$0x3] =	wrdreg s5  }
0xb0: {  	[dreg:$0x4] =	wrdreg $0xC0  }
0xb1: {  	_ =	task [dreg:s7], $0x5FFFF  }
0xb2: {  	[dreg:$0x1] =	wrdreg $0xFFFFFFFF  }
0xb3: {  	[dreg:$0x0] =	wrdreg $0x60  }
0xb4: {  	[dreg:$0x2] =	wrdreg s24  }
0xb5: {  	[dreg:$0x3] =	wrdreg s16  }
0xb6: {  	[dreg:$0x4] =	wrdreg $0x0  }
0xb7: {  	[dreg:$0x5] =	wrdreg $0xA  }
0xb8: {  	_ =	task.clear_ibuf [dreg:s7], $0x6FFFF;
	_ =	strace $0x9000004C  }
0xb9: {  	s29 =	simm.s32 $0xA;
	_ =	strace $0x8000004E  }
0xba: {  	_ =	swait.ge [sflag:s29], $0x1  }
0xbb: {  	[sflag:s29] =	ssyncadd.s32 $0xFFFFFFFF  }
0xbc: {  	_ =	strace $0x9000004E  }
0xbd: {  	_ =	sfence  }
0xbe: {  	s30 =	sld [smem:$0x0];
	_ =	sdelay $0x2  }
0xbf: {  	s31 =	sshll.u32 s1, $0xD;
	s1 =	sshrl.u32 s1, $0x2  }
0xc0: {  	s3 =	sand.u32 $0x4000, s31;
	s1 =	sadd.s32 s1, s30  }
0xc1: {  	s0 =	sor.u32 s3, s0;
	s1 =	sshll.u32 s1, $0x11  }
0xc2: {  	s0 =	sor.u32 s1, s0  }
0xc3: {  	s0 =	sadd.s32 $0x8F2B, s0  }
0xc4: {  	[sflag:s0] =	ssyncadd.remote.s32 $0x1  }
0xc5: {  	_ =	sfence.sel $0xFFFF  }
0xc6: {  	[dreg:$0x0] =	wrdreg $0xFFFFFFFF;
	(pc) =	sbr.abs _section_cstart, $3  }
0xc7: {  	[dreg:$0x1] =	wrdreg $0xFFFFFFFF  }
0xc8: {  	_ =	task.clear_ibuf [dreg:s7], $0x2FFFF;
	_ =	strace $0x9FFFFFFF  }
0xc9: {  	(tm) =	ssettm $0x7FFFFFFF  }
tec
execute0_lowered:
.L_overlay_start_1:
0x0: {  	(tag) =	ssettag $0x1  }
0x1: {  	s0 =	rddreg [dreg:$0x0]  }
0x2: {  	s1 =	rddreg [dreg:$0x1]  }
0x3: {  	s2 =	rddreg [dreg:$0x2];
	s12 =	stileid.u32  }
0x4: {  	s4 =	srdreg.scid;
	s3 =	simm.s32 $0x0;
	s14 =	simm.s32 $0x18000  }
0x5: {  	s15 =	simm.s32 $0x18600;
	s16 =	simm.s32 $0x18180;
	s17 =	simm.s32 $0x18780  }
0x6: {  	s18 =	simm.s32 $0x18300;
	s19 =	simm.s32 $0x18900;
	s20 =	simm.s32 $0x18480  }
0x7: {  	s21 =	simm.s32 $0x18A80;
	s22 =	simm.s32 $0x1;
	s23 =	simm.s32 $0x180  }
0x8: {  	s28 =	simm.s32 $0x5;
	s29 =	simm.s32 $0x6;
	s30 =	simm.s32 $0x3  }
0x9: {  	s31 =	simm.s32 $0x7;
	s6 =	smul.u32 $0x1800, s12;
	s7 =	sand.u32 $0x1, s4  }
0xa: {  	s8 =	smul.u32 $0x18000, s12;
	[smem:$0x7FF] =	sst s3;
	s4 =	sadd.s32 $0x290600, s0  }
0xb: {  	s5 =	sadd.s32 $0x260600, s0;
	s10 =	sadd.s32 $0x2C0600, s0;
	s12 =	sshll.u32 s12, $0x6  }
0xc: {  	s9 =	smul.u32 $0x180000, s7;
	_ =	strace $0x8000004D;
	[dreg:$0x4] =	wrdreg s10  }
0xd: {  	s24 =	ssub.s32 $0x2, s7;
	s12 =	sor.u32 $0x1C09, s12;
	p0 =	seq.s32 s7, $0x1  }
0xe: {  	s11 =	sadd.s32 s6, s0;
	s25 =	sshrl.u32 s24, $0x1;
	s10 =	sadd.s32 s6, s1  }
0xf: {  	s1 =	simm.s32 $0x8;
	s6 =	simm.s32 $0x0;
	[dreg:$0x5] =	wrdreg s12  }
0x10: {  	s9 =	sadd.s32 s8, s9;
	s8 =	sadd.s32 s8, s2;
	s11 =	sadd.s32 $0x6E00, s11  }
.Ltmp0:
0x11: {  	s9 =	sshrl.u32 s9, $0x3;
	s8 =	sshrl.u32 s8, $0x3;
	(pc) =	sbr.rel .LBB2_1-.Ltmp0, $4  }
0x12: {  	s0 =	sadd.s32 s9, s0;
	s9 =	ssub.s32 s24, s25;
	s24 =	simm.s32 $0x18C00  }
0x13: {  	s25 =	simm.s32 $0x2;
	[dreg:$0x8] =	wrdreg s8;
	s0 =	sadd.s32 $0x2C3600, s0  }
0x14: {  	s26 =	smax.u32 s9, $0x1;
	s9 =	simm.s32 $0x9;
	[dreg:$0x6] =	wrdreg s0  }
0x15: {  	[dreg:$0x7] =	wrdreg s26;
	s26 =	simm.s32 $0x1BC00;
	s0 =	simm.s32 $0x4  }
.LBB2_7:
0x16: {  	s7 =	sadd.s32 s8, s10;
	[sflag:s1] =	ssyncadd.s32 $0xFFFFD000  }
0x17: {  	[tilespmem:s14], [sflag:$0x1] =	stream.linear.gather [hbm4b:s7+s3], $0x180, $0x38;
	[tilespmem:$0x1EC00] =	vst v63  }
0x18: {  	s8 =	sadd.s32 s8, s11  }
0x19: {  	[tilespmem:s15], [sflag:$0x1] =	stream.linear.gather [hbm4b:s8+s3], $0x180, $0x38;
	[tilespmem:$0x1EC00] =	vst v63  }
0x1a: {  	s9 =	sadd.s32 $0x30, s7  }
0x1b: {  	[tilespmem:s16], [sflag:$0x2] =	stream.linear.gather [hbm4b:s9+s3], $0x180, $0x38;
	[tilespmem:$0x1EC00] =	vst v63  }
0x1c: {  	s12 =	sadd.s32 $0x30, s8  }
0x1d: {  	[tilespmem:s17], [sflag:$0x2] =	stream.linear.gather [hbm4b:s12+s3], $0x180, $0x38;
	[tilespmem:$0x1EC00] =	vst v63  }
0x1e: {  	s13 =	sadd.s32 $0x60, s7  }
0x1f: {  	[tilespmem:s18], [sflag:$0x3] =	stream.linear.gather [hbm4b:s13+s3], $0x180, $0x38;
	[tilespmem:$0x1EC00] =	vst v63  }
0x20: {  	s12 =	sadd.s32 $0x60, s8  }
0x21: {  	[tilespmem:s19], [sflag:$0x3] =	stream.linear.gather [hbm4b:s12+s3], $0x180, $0x38;
	[tilespmem:$0x1EC00] =	vst v63  }
0x22: {  	s7 =	sadd.s32 $0x90, s7  }
0x23: {  	[tilespmem:s20], [sflag:$0x4] =	stream.linear.gather [hbm4b:s7+s3], $0x180, $0x38;
	[tilespmem:$0x1EC00] =	vst v63  }
0x24: {  	s13 =	sadd.s32 $0x90, s8  }
0x25: {  	[tilespmem:s21], [sflag:$0x4] =	stream.linear.gather [hbm4b:s13+s3], $0x180, $0x38;
	[tilespmem:$0x1EC00] =	vst v63  }
0x26: {  	_ =	swait.ge [sflag:s22], $0x180  }
0x27: {  	[sflag:s22] =	ssyncset.done $0x0  }
0x28: {  	[sflag:s22] =	ssyncadd.s32 $0xFFFFFE80  }
0x29: {  	_ =	swait.ge [sflag:s22], $0x180  }
0x2a: {  	[sflag:s22] =	ssyncset.done $0x0  }
0x2b: {  	[sflag:s22] =	ssyncadd.s32 $0xFFFFFE80  }
0x2c: {  	[tilespmem:s24], [sflag:$0x5] =	stream.indirect.gather [hbm4b:s5+s23], $0x20, s14, s23, $0xb8;
	[tilespmem:$0x1EC00] =	vst v63  }
0x2d: {  	_ =	swait.ge [sflag:s25], $0x180  }
0x2e: {  	[sflag:s25] =	ssyncset.done $0x0  }
0x2f: {  	[sflag:s25] =	ssyncadd.s32 $0xFFFFFE80  }
0x30: {  	_ =	swait.ge [sflag:s25], $0x180  }
0x31: {  	[sflag:s25] =	ssyncset.done $0x0  }
0x32: {  	[sflag:s25] =	ssyncadd.s32 $0xFFFFFE80  }
0x33: {  	[tilespmem:s26], [sflag:$0x6] =	stream.indirect.gather [hbm4b:s5+s23], $0x20, s16, s23, $0xb8;
	[tilespmem:$0x1EC00] =	vst v63  }
0x34: {  	_ =	swait.ge [sflag:s28], $0x3000  }
0x35: {  	[sflag:s28] =	ssyncset.done $0x0  }
0x36: {  	[sflag:s28] =	ssyncadd.s32 $0xFFFFD000  }
0x37: {  	[spmem:s2] =	stream.indirect.scatter.add.f32 [tilespmem:s24], [sflag:$0x7], $0x20, s15, s23, $0xb8;
	[tilespmem:$0x1EC00] =	vst v63  }
0x38: {  	_ =	swait.ge [sflag:s29], $0x3000  }
0x39: {  	[sflag:s29] =	ssyncset.done $0x0  }
0x3a: {  	[sflag:s29] =	ssyncadd.s32 $0xFFFFD000  }
0x3b: {  	[spmem:s2] =	stream.indirect.scatter.add.f32 [tilespmem:s26], [sflag:$0x8], $0x20, s17, s23, $0xb8;
	[tilespmem:$0x1EC00] =	vst v63  }
0x3c: {  	_ =	swait.ge [sflag:s30], $0x180  }
0x3d: {  	[sflag:s30] =	ssyncset.done $0x0  }
0x3e: {  	[sflag:s30] =	ssyncadd.s32 $0xFFFFFE80  }
0x3f: {  	_ =	swait.ge [sflag:s30], $0x180  }
0x40: {  	[sflag:s30] =	ssyncset.done $0x0  }
0x41: {  	[sflag:s30] =	ssyncadd.s32 $0xFFFFFE80  }
0x42: {  	_ =	swait.ge [sflag:s31], $0x3000  }
0x43: {  	[sflag:s31] =	ssyncset.done $0x0  }
0x44: {  	[sflag:s31] =	ssyncadd.s32 $0xFFFFD000  }
0x45: {  	[tilespmem:s24], [sflag:$0x5] =	stream.indirect.gather [hbm4b:s5+s23], $0x20, s18, s23, $0xb8;
	[tilespmem:$0x1EC00] =	vst v63  }
0x46: {  	_ =	swait.ge [sflag:s0], $0x180  }
0x47: {  	[sflag:s0] =	ssyncset.done $0x0  }
0x48: {  	[sflag:s0] =	ssyncadd.s32 $0xFFFFFE80  }
0x49: {  	_ =	swait.ge [sflag:s0], $0x180  }
0x4a: {  	[sflag:s0] =	ssyncset.done $0x0  }
0x4b: {  	[sflag:s0] =	ssyncadd.s32 $0xFFFFFE80  }
0x4c: {  	_ =	swait.ge [sflag:s1], $0x3000  }
0x4d: {  	[sflag:s1] =	ssyncset.done $0x0  }
0x4e: {  	[sflag:s1] =	ssyncadd.s32 $0xFFFFD000  }
0x4f: {  	[tilespmem:s26], [sflag:$0x6] =	stream.indirect.gather [hbm4b:s5+s23], $0x20, s20, s23, $0xb8;
	[tilespmem:$0x1EC00] =	vst v63  }
0x50: {  	_ =	swait.ge [sflag:s28], $0x3000  }
0x51: {  	[sflag:s28] =	ssyncset.done $0x0  }
0x52: {  	[sflag:s28] =	ssyncadd.s32 $0xFFFFD000  }
0x53: {  	[spmem:s2] =	stream.indirect.scatter.add.f32 [tilespmem:s24], [sflag:$0x7], $0x20, s19, s23, $0xb8;
	[tilespmem:$0x1EC00] =	vst v63  }
0x54: {  	_ =	swait.ge [sflag:s29], $0x3000  }
0x55: {  	[sflag:s29] =	ssyncset.done $0x0  }
0x56: {  	[sflag:s29] =	ssyncadd.s32 $0xFFFFD000  }
0x57: {  	[spmem:s2] =	stream.indirect.scatter.add.f32 [tilespmem:s26], [sflag:$0x8], $0x20, s21, s23, $0xb8;
	[tilespmem:$0x1EC00] =	vst v63  }
0x58: {  	_ =	swait.ge [sflag:s31], $0x3000  }
0x59: {  	[sflag:s31] =	ssyncset.done $0x0  }
0x5a: {  	[sflag:s31] =	ssyncadd.s32 $0xFFFFD000  }
0x5b: {  	_ =	swait.ge [sflag:s1], $0x3000  }
0x5c: {  	[sflag:s1] =	ssyncset.done $0x0  }
0x5d: {  	[sflag:s1] =	ssyncadd.s32 $0xFFFFD000  }
.LBB2_8:
0x5e: {  	[bflag:$0x0] =	sbarrier.arrive $0xFFFF  }
0x5f: {  	s12 =	rddreg [dreg:$0x5]  }
0x60: {  	s7 =	rddreg [dreg:$0x6]  }
0x61: {  	s9 =	simm.s32 $0x9;
	s8 =	rddreg [dreg:$0x8]  }
0x62: {  	[hbm:s7], [sflag:s12] =	dma.local [spmem:s8], $0x3000  }
0x63: {  	_ =	swait.ge [sflag:s9], $0x3000  }
0x64: {  	s6 =	sadd.s32 $0x1, s6;
	s13 =	rddreg [dreg:$0x7]  }
0x65: {  	p1 =	sne.s32 s6, s13  }
.Ltmp1:
0x66: {  	_ = 	snop;
	(pc) =	sbr.rel @!p1 .LBB2_9-.Ltmp1, $3  }
0x67: {  	_ =	sdelay $0x1  }
0x68: {  	[sflag:s9] =	ssyncset.done $0x0  }
0x69: {  	[sflag:s9] =	ssyncadd.s32 $0xFFFFD000  }
.LBB2_1:
0x6a: {  	s7 =	rddreg [dreg:$0x4]  }
0x6b: {  	[spmem:s8], [sflag:s12] =	dma.local [hbm:s7], $0x3000  }
.Ltmp2:
0x6c: {  	_ =	swait.ge [sflag:s9], $0x3000;
	(pc) =	sbr.rel @!p0 .LBB2_2-.Ltmp2, $4  }
0x6d: {  	[sflag:s9] =	ssyncset.done $0x0  }
0x6e: {  	[sflag:s9] =	ssyncadd.s32 $0xFFFFD000  }
0x6f: {  	[bflag:$0x0] =	sbarrier.arrive $0xFFFF  }
0x70: {  	s7 =	sadd.s32 $0x0, s10  }
0x71: {  	[tilespmem:s14], [sflag:$0x1] =	stream.linear.gather [hbm4b:s7+s3], $0x180, $0x38;
	[tilespmem:$0x1EC00] =	vst v63  }
0x72: {  	s8 =	sadd.s32 $0x0, s11  }
0x73: {  	[tilespmem:s15], [sflag:$0x1] =	stream.linear.gather [hbm4b:s8+s3], $0x180, $0x38;
	[tilespmem:$0x1EC00] =	vst v63  }
0x74: {  	s9 =	sadd.s32 $0x30, s7  }
0x75: {  	[tilespmem:s16], [sflag:$0x2] =	stream.linear.gather [hbm4b:s9+s3], $0x180, $0x38;
	[tilespmem:$0x1EC00] =	vst v63  }
0x76: {  	s13 =	sadd.s32 $0x30, s8  }
0x77: {  	[tilespmem:s17], [sflag:$0x2] =	stream.linear.gather [hbm4b:s13+s3], $0x180, $0x38;
	[tilespmem:$0x1EC00] =	vst v63  }
0x78: {  	s12 =	sadd.s32 $0x60, s7  }
0x79: {  	[tilespmem:s18], [sflag:$0x3] =	stream.linear.gather [hbm4b:s12+s3], $0x180, $0x38;
	[tilespmem:$0x1EC00] =	vst v63  }
0x7a: {  	s13 =	sadd.s32 $0x60, s8  }
0x7b: {  	[tilespmem:s19], [sflag:$0x3] =	stream.linear.gather [hbm4b:s13+s3], $0x180, $0x38;
	[tilespmem:$0x1EC00] =	vst v63  }
0x7c: {  	s12 =	sadd.s32 $0x90, s7  }
0x7d: {  	[tilespmem:s20], [sflag:$0x4] =	stream.linear.gather [hbm4b:s12+s3], $0x180, $0x38;
	[tilespmem:$0x1EC00] =	vst v63  }
0x7e: {  	s13 =	sadd.s32 $0x90, s8  }
0x7f: {  	[tilespmem:s21], [sflag:$0x4] =	stream.linear.gather [hbm4b:s13+s3], $0x180, $0x38;
	[tilespmem:$0x1EC00] =	vst v63  }
0x80: {  	_ =	swait.ge [sflag:s22], $0x180  }
0x81: {  	[sflag:s22] =	ssyncset.done $0x0  }
0x82: {  	[sflag:s22] =	ssyncadd.s32 $0xFFFFFE80  }
0x83: {  	_ =	swait.ge [sflag:s22], $0x180  }
0x84: {  	[sflag:s22] =	ssyncset.done $0x0  }
0x85: {  	[sflag:s22] =	ssyncadd.s32 $0xFFFFFE80  }
0x86: {  	[tilespmem:s24], [sflag:$0x5] =	stream.indirect.gather [hbm4b:s5+s23], $0x20, s14, s23, $0xb8;
	[tilespmem:$0x1EC00] =	vst v63  }
0x87: {  	_ =	swait.ge [sflag:s25], $0x180  }
0x88: {  	[sflag:s25] =	ssyncset.done $0x0  }
0x89: {  	[sflag:s25] =	ssyncadd.s32 $0xFFFFFE80  }
0x8a: {  	_ =	swait.ge [sflag:s25], $0x180  }
0x8b: {  	[sflag:s25] =	ssyncset.done $0x0  }
0x8c: {  	[sflag:s25] =	ssyncadd.s32 $0xFFFFFE80  }
0x8d: {  	[tilespmem:s26], [sflag:$0x6] =	stream.indirect.gather [hbm4b:s5+s23], $0x20, s16, s23, $0xb8;
	[tilespmem:$0x1EC00] =	vst v63  }
0x8e: {  	_ =	swait.ge [sflag:s28], $0x3000  }
0x8f: {  	[sflag:s28] =	ssyncset.done $0x0  }
0x90: {  	[sflag:s28] =	ssyncadd.s32 $0xFFFFD000  }
0x91: {  	[spmem:s2] =	stream.indirect.scatter.add.f32 [tilespmem:s24], [sflag:$0x7], $0x20, s15, s23, $0xb8;
	[tilespmem:$0x1EC00] =	vst v63  }
0x92: {  	_ =	swait.ge [sflag:s29], $0x3000  }
0x93: {  	[sflag:s29] =	ssyncset.done $0x0  }
0x94: {  	[sflag:s29] =	ssyncadd.s32 $0xFFFFD000  }
0x95: {  	[spmem:s2] =	stream.indirect.scatter.add.f32 [tilespmem:s26], [sflag:$0x8], $0x20, s17, s23, $0xb8;
	[tilespmem:$0x1EC00] =	vst v63  }
0x96: {  	_ =	swait.ge [sflag:s30], $0x180  }
0x97: {  	[sflag:s30] =	ssyncset.done $0x0  }
0x98: {  	[sflag:s30] =	ssyncadd.s32 $0xFFFFFE80  }
0x99: {  	_ =	swait.ge [sflag:s30], $0x180  }
0x9a: {  	[sflag:s30] =	ssyncset.done $0x0  }
0x9b: {  	[sflag:s30] =	ssyncadd.s32 $0xFFFFFE80  }
0x9c: {  	_ =	swait.ge [sflag:s31], $0x3000  }
0x9d: {  	[sflag:s31] =	ssyncset.done $0x0  }
0x9e: {  	[sflag:s31] =	ssyncadd.s32 $0xFFFFD000  }
0x9f: {  	[tilespmem:s24], [sflag:$0x5] =	stream.indirect.gather [hbm4b:s5+s23], $0x20, s18, s23, $0xb8;
	[tilespmem:$0x1EC00] =	vst v63  }
0xa0: {  	_ =	swait.ge [sflag:s0], $0x180  }
0xa1: {  	[sflag:s0] =	ssyncset.done $0x0  }
0xa2: {  	[sflag:s0] =	ssyncadd.s32 $0xFFFFFE80  }
0xa3: {  	_ =	swait.ge [sflag:s0], $0x180  }
0xa4: {  	[sflag:s0] =	ssyncset.done $0x0  }
0xa5: {  	[sflag:s0] =	ssyncadd.s32 $0xFFFFFE80  }
0xa6: {  	_ =	swait.ge [sflag:s1], $0x3000  }
0xa7: {  	[sflag:s1] =	ssyncset.done $0x0  }
0xa8: {  	[sflag:s1] =	ssyncadd.s32 $0xFFFFD000  }
0xa9: {  	[tilespmem:s26], [sflag:$0x6] =	stream.indirect.gather [hbm4b:s5+s23], $0x20, s20, s23, $0xb8;
	[tilespmem:$0x1EC00] =	vst v63  }
0xaa: {  	_ =	swait.ge [sflag:s28], $0x3000  }
0xab: {  	[sflag:s28] =	ssyncset.done $0x0  }
0xac: {  	[sflag:s28] =	ssyncadd.s32 $0xFFFFD000  }
0xad: {  	[spmem:s2] =	stream.indirect.scatter.add.f32 [tilespmem:s24], [sflag:$0x7], $0x20, s19, s23, $0xb8;
	[tilespmem:$0x1EC00] =	vst v63  }
0xae: {  	_ =	swait.ge [sflag:s29], $0x3000  }
0xaf: {  	[sflag:s29] =	ssyncset.done $0x0  }
0xb0: {  	[sflag:s29] =	ssyncadd.s32 $0xFFFFD000  }
0xb1: {  	[spmem:s2] =	stream.indirect.scatter.add.f32 [tilespmem:s26], [sflag:$0x8], $0x20, s21, s23, $0xb8;
	[tilespmem:$0x1EC00] =	vst v63  }
0xb2: {  	_ =	swait.ge [sflag:s31], $0x3000  }
0xb3: {  	[sflag:s31] =	ssyncset.done $0x0  }
0xb4: {  	[sflag:s31] =	ssyncadd.s32 $0xFFFFD000  }
0xb5: {  	_ =	swait.ge [sflag:s1], $0x3000  }
0xb6: {  	s7 =	simm.s32 $0x180;
	s8 =	simm.s32 $0xC0;
	[sflag:s1] =	ssyncset.done $0x0  }
.LBB2_6:
0xb7: {  	s12 =	sadd.s32 s8, s10  }
0xb8: {  	[sflag:s1] =	ssyncadd.s32 $0xFFFFD000;
	s13 =	smov.u32 s7;
	s9 =	sadd.s32 $0xC0, s7  }
0xb9: {  	[tilespmem:s14], [sflag:$0x1] =	stream.linear.gather [hbm4b:s12+s3], $0x180, $0x38;
	[tilespmem:$0x1EC00] =	vst v63  }
0xba: {  	p1 =	sne.s32 s7, $0x1740;
	s7 =	sadd.s32 s8, s11;
	s8 =	smov.u32 s13  }
0xbb: {  	[tilespmem:s15], [sflag:$0x1] =	stream.linear.gather [hbm4b:s7+s3], $0x180, $0x38;
	[tilespmem:$0x1EC00] =	vst v63  }
0xbc: {  	s13 =	sadd.s32 $0x30, s12  }
0xbd: {  	[tilespmem:s16], [sflag:$0x2] =	stream.linear.gather [hbm4b:s13+s3], $0x180, $0x38;
	[tilespmem:$0x1EC00] =	vst v63  }
0xbe: {  	s13 =	sadd.s32 $0x30, s7  }
0xbf: {  	[tilespmem:s17], [sflag:$0x2] =	stream.linear.gather [hbm4b:s13+s3], $0x180, $0x38;
	[tilespmem:$0x1EC00] =	vst v63  }
0xc0: {  	s13 =	sadd.s32 $0x60, s12  }
0xc1: {  	[tilespmem:s18], [sflag:$0x3] =	stream.linear.gather [hbm4b:s13+s3], $0x180, $0x38;
	[tilespmem:$0x1EC00] =	vst v63  }
0xc2: {  	s13 =	sadd.s32 $0x60, s7  }
0xc3: {  	[tilespmem:s19], [sflag:$0x3] =	stream.linear.gather [hbm4b:s13+s3], $0x180, $0x38;
	[tilespmem:$0x1EC00] =	vst v63  }
0xc4: {  	s12 =	sadd.s32 $0x90, s12  }
0xc5: {  	[tilespmem:s20], [sflag:$0x4] =	stream.linear.gather [hbm4b:s12+s3], $0x180, $0x38;
	[tilespmem:$0x1EC00] =	vst v63  }
0xc6: {  	s7 =	sadd.s32 $0x90, s7  }
0xc7: {  	[tilespmem:s21], [sflag:$0x4] =	stream.linear.gather [hbm4b:s7+s3], $0x180, $0x38;
	[tilespmem:$0x1EC00] =	vst v63  }
0xc8: {  	_ =	swait.ge [sflag:s22], $0x180  }
0xc9: {  	[sflag:s22] =	ssyncset.done $0x0  }
0xca: {  	[sflag:s22] =	ssyncadd.s32 $0xFFFFFE80  }
0xcb: {  	_ =	swait.ge [sflag:s22], $0x180  }
0xcc: {  	[sflag:s22] =	ssyncset.done $0x0  }
0xcd: {  	[sflag:s22] =	ssyncadd.s32 $0xFFFFFE80  }
0xce: {  	[tilespmem:s24], [sflag:$0x5] =	stream.indirect.gather [hbm4b:s5+s23], $0x20, s14, s23, $0xb8;
	[tilespmem:$0x1EC00] =	vst v63  }
0xcf: {  	_ =	swait.ge [sflag:s25], $0x180  }
0xd0: {  	[sflag:s25] =	ssyncset.done $0x0  }
0xd1: {  	[sflag:s25] =	ssyncadd.s32 $0xFFFFFE80  }
0xd2: {  	_ =	swait.ge [sflag:s25], $0x180  }
0xd3: {  	[sflag:s25] =	ssyncset.done $0x0  }
0xd4: {  	[sflag:s25] =	ssyncadd.s32 $0xFFFFFE80  }
0xd5: {  	[tilespmem:s26], [sflag:$0x6] =	stream.indirect.gather [hbm4b:s5+s23], $0x20, s16, s23, $0xb8;
	[tilespmem:$0x1EC00] =	vst v63  }
0xd6: {  	_ =	swait.ge [sflag:s28], $0x3000  }
0xd7: {  	[sflag:s28] =	ssyncset.done $0x0  }
0xd8: {  	[sflag:s28] =	ssyncadd.s32 $0xFFFFD000  }
0xd9: {  	[spmem:s2] =	stream.indirect.scatter.add.f32 [tilespmem:s24], [sflag:$0x7], $0x20, s15, s23, $0xb8;
	[tilespmem:$0x1EC00] =	vst v63  }
0xda: {  	_ =	swait.ge [sflag:s29], $0x3000  }
0xdb: {  	[sflag:s29] =	ssyncset.done $0x0  }
0xdc: {  	[sflag:s29] =	ssyncadd.s32 $0xFFFFD000  }
0xdd: {  	[spmem:s2] =	stream.indirect.scatter.add.f32 [tilespmem:s26], [sflag:$0x8], $0x20, s17, s23, $0xb8;
	[tilespmem:$0x1EC00] =	vst v63  }
0xde: {  	_ =	swait.ge [sflag:s30], $0x180  }
0xdf: {  	[sflag:s30] =	ssyncset.done $0x0  }
0xe0: {  	[sflag:s30] =	ssyncadd.s32 $0xFFFFFE80  }
0xe1: {  	_ =	swait.ge [sflag:s30], $0x180  }
0xe2: {  	[sflag:s30] =	ssyncset.done $0x0  }
0xe3: {  	[sflag:s30] =	ssyncadd.s32 $0xFFFFFE80  }
0xe4: {  	_ =	swait.ge [sflag:s31], $0x3000  }
0xe5: {  	[sflag:s31] =	ssyncset.done $0x0  }
0xe6: {  	[sflag:s31] =	ssyncadd.s32 $0xFFFFD000  }
0xe7: {  	[tilespmem:s24], [sflag:$0x5] =	stream.indirect.gather [hbm4b:s5+s23], $0x20, s18, s23, $0xb8;
	[tilespmem:$0x1EC00] =	vst v63  }
0xe8: {  	_ =	swait.ge [sflag:s0], $0x180  }
0xe9: {  	[sflag:s0] =	ssyncset.done $0x0  }
0xea: {  	[sflag:s0] =	ssyncadd.s32 $0xFFFFFE80  }
0xeb: {  	_ =	swait.ge [sflag:s0], $0x180  }
0xec: {  	[sflag:s0] =	ssyncset.done $0x0  }
0xed: {  	[sflag:s0] =	ssyncadd.s32 $0xFFFFFE80  }
0xee: {  	_ =	swait.ge [sflag:s1], $0x3000  }
0xef: {  	[sflag:s1] =	ssyncset.done $0x0  }
0xf0: {  	[sflag:s1] =	ssyncadd.s32 $0xFFFFD000  }
0xf1: {  	[tilespmem:s26], [sflag:$0x6] =	stream.indirect.gather [hbm4b:s5+s23], $0x20, s20, s23, $0xb8;
	[tilespmem:$0x1EC00] =	vst v63  }
0xf2: {  	_ =	swait.ge [sflag:s28], $0x3000  }
0xf3: {  	[sflag:s28] =	ssyncset.done $0x0  }
0xf4: {  	[sflag:s28] =	ssyncadd.s32 $0xFFFFD000  }
0xf5: {  	[spmem:s2] =	stream.indirect.scatter.add.f32 [tilespmem:s24], [sflag:$0x7], $0x20, s19, s23, $0xb8;
	[tilespmem:$0x1EC00] =	vst v63  }
0xf6: {  	_ =	swait.ge [sflag:s29], $0x3000  }
0xf7: {  	[sflag:s29] =	ssyncset.done $0x0  }
0xf8: {  	[sflag:s29] =	ssyncadd.s32 $0xFFFFD000  }
0xf9: {  	[spmem:s2] =	stream.indirect.scatter.add.f32 [tilespmem:s26], [sflag:$0x8], $0x20, s21, s23, $0xb8;
	[tilespmem:$0x1EC00] =	vst v63  }
.Ltmp3:
0xfa: {  	_ =	swait.ge [sflag:s31], $0x3000;
	(pc) =	sbr.rel @p1 .LBB2_6-.Ltmp3, $4  }
0xfb: {  	[sflag:s31] =	ssyncset.done $0x0  }
0xfc: {  	[sflag:s31] =	ssyncadd.s32 $0xFFFFD000  }
0xfd: {  	_ =	swait.ge [sflag:s1], $0x3000  }
0xfe: {  	s7 =	smov.u32 s9;
	[sflag:s1] =	ssyncset.done $0x0  }
.Ltmp4:
0xff: {  	_ = 	snop;
	(pc) =	sbr.rel .LBB2_7-.Ltmp4, $1  }
0x100: {  	_ =	sdelay $0x3  }
.LBB2_2:
0x101: {  	[tilespmem:s14], [sflag:$0x1] =	stream.linear.gather [hbm4b:s7+s3], $0x180, $0x38;
	[tilespmem:$0x1EC00] =	vst v63  }
0x102: {  	s8 =	sadd.s32 $0x0, s11  }
0x103: {  	[tilespmem:s15], [sflag:$0x1] =	stream.linear.gather [hbm4b:s8+s3], $0x180, $0x38;
	[tilespmem:$0x1EC00] =	vst v63  }
0x104: {  	s9 =	sadd.s32 $0x30, s7  }
0x105: {  	[tilespmem:s16], [sflag:$0x2] =	stream.linear.gather [hbm4b:s9+s3], $0x180, $0x38;
	[tilespmem:$0x1EC00] =	vst v63  }
0x106: {  	s13 =	sadd.s32 $0x30, s8  }
0x107: {  	[tilespmem:s17], [sflag:$0x2] =	stream.linear.gather [hbm4b:s13+s3], $0x180, $0x38;
	[tilespmem:$0x1EC00] =	vst v63  }
0x108: {  	s12 =	sadd.s32 $0x60, s7  }
0x109: {  	[tilespmem:s18], [sflag:$0x3] =	stream.linear.gather [hbm4b:s12+s3], $0x180, $0x38;
	[tilespmem:$0x1EC00] =	vst v63  }
0x10a: {  	s13 =	sadd.s32 $0x60, s8  }
0x10b: {  	[tilespmem:s19], [sflag:$0x3] =	stream.linear.gather [hbm4b:s13+s3], $0x180, $0x38;
	[tilespmem:$0x1EC00] =	vst v63  }
0x10c: {  	s12 =	sadd.s32 $0x90, s7  }
0x10d: {  	[tilespmem:s20], [sflag:$0x4] =	stream.linear.gather [hbm4b:s12+s3], $0x180, $0x38;
	[tilespmem:$0x1EC00] =	vst v63  }
0x10e: {  	s13 =	sadd.s32 $0x90, s8  }
0x10f: {  	[tilespmem:s21], [sflag:$0x4] =	stream.linear.gather [hbm4b:s13+s3], $0x180, $0x38;
	[tilespmem:$0x1EC00] =	vst v63  }
0x110: {  	_ =	swait.ge [sflag:s22], $0x180  }
0x111: {  	[sflag:s22] =	ssyncset.done $0x0  }
0x112: {  	[sflag:s22] =	ssyncadd.s32 $0xFFFFFE80  }
0x113: {  	_ =	swait.ge [sflag:s22], $0x180  }
0x114: {  	[sflag:s22] =	ssyncset.done $0x0  }
0x115: {  	[sflag:s22] =	ssyncadd.s32 $0xFFFFFE80  }
0x116: {  	[tilespmem:s24], [sflag:$0x5] =	stream.indirect.gather [hbm4b:s4+s23], $0x20, s14, s23, $0xb8;
	[tilespmem:$0x1EC00] =	vst v63  }
0x117: {  	_ =	swait.ge [sflag:s25], $0x180  }
0x118: {  	[sflag:s25] =	ssyncset.done $0x0  }
0x119: {  	[sflag:s25] =	ssyncadd.s32 $0xFFFFFE80  }
0x11a: {  	_ =	swait.ge [sflag:s25], $0x180  }
0x11b: {  	[sflag:s25] =	ssyncset.done $0x0  }
0x11c: {  	[sflag:s25] =	ssyncadd.s32 $0xFFFFFE80  }
0x11d: {  	[tilespmem:s26], [sflag:$0x6] =	stream.indirect.gather [hbm4b:s4+s23], $0x20, s16, s23, $0xb8;
	[tilespmem:$0x1EC00] =	vst v63  }
0x11e: {  	_ =	swait.ge [sflag:s28], $0x3000  }
0x11f: {  	[sflag:s28] =	ssyncset.done $0x0  }
0x120: {  	[sflag:s28] =	ssyncadd.s32 $0xFFFFD000  }
0x121: {  	[spmem:s2] =	stream.indirect.scatter.add.f32 [tilespmem:s24], [sflag:$0x7], $0x20, s15, s23, $0xb8;
	[tilespmem:$0x1EC00] =	vst v63  }
0x122: {  	_ =	swait.ge [sflag:s29], $0x3000  }
0x123: {  	[sflag:s29] =	ssyncset.done $0x0  }
0x124: {  	[sflag:s29] =	ssyncadd.s32 $0xFFFFD000  }
0x125: {  	[spmem:s2] =	stream.indirect.scatter.add.f32 [tilespmem:s26], [sflag:$0x8], $0x20, s17, s23, $0xb8;
	[tilespmem:$0x1EC00] =	vst v63  }
0x126: {  	_ =	swait.ge [sflag:s30], $0x180  }
0x127: {  	[sflag:s30] =	ssyncset.done $0x0  }
0x128: {  	[sflag:s30] =	ssyncadd.s32 $0xFFFFFE80  }
0x129: {  	_ =	swait.ge [sflag:s30], $0x180  }
0x12a: {  	[sflag:s30] =	ssyncset.done $0x0  }
0x12b: {  	[sflag:s30] =	ssyncadd.s32 $0xFFFFFE80  }
0x12c: {  	_ =	swait.ge [sflag:s31], $0x3000  }
0x12d: {  	[sflag:s31] =	ssyncset.done $0x0  }
0x12e: {  	[sflag:s31] =	ssyncadd.s32 $0xFFFFD000  }
0x12f: {  	[tilespmem:s24], [sflag:$0x5] =	stream.indirect.gather [hbm4b:s4+s23], $0x20, s18, s23, $0xb8;
	[tilespmem:$0x1EC00] =	vst v63  }
0x130: {  	_ =	swait.ge [sflag:s0], $0x180  }
0x131: {  	[sflag:s0] =	ssyncset.done $0x0  }
0x132: {  	[sflag:s0] =	ssyncadd.s32 $0xFFFFFE80  }
0x133: {  	_ =	swait.ge [sflag:s0], $0x180  }
0x134: {  	[sflag:s0] =	ssyncset.done $0x0  }
0x135: {  	[sflag:s0] =	ssyncadd.s32 $0xFFFFFE80  }
0x136: {  	_ =	swait.ge [sflag:s1], $0x3000  }
0x137: {  	[sflag:s1] =	ssyncset.done $0x0  }
0x138: {  	[sflag:s1] =	ssyncadd.s32 $0xFFFFD000  }
0x139: {  	[tilespmem:s26], [sflag:$0x6] =	stream.indirect.gather [hbm4b:s4+s23], $0x20, s20, s23, $0xb8;
	[tilespmem:$0x1EC00] =	vst v63  }
0x13a: {  	_ =	swait.ge [sflag:s28], $0x3000  }
0x13b: {  	[sflag:s28] =	ssyncset.done $0x0  }
0x13c: {  	[sflag:s28] =	ssyncadd.s32 $0xFFFFD000  }
0x13d: {  	[spmem:s2] =	stream.indirect.scatter.add.f32 [tilespmem:s24], [sflag:$0x7], $0x20, s19, s23, $0xb8;
	[tilespmem:$0x1EC00] =	vst v63  }
0x13e: {  	_ =	swait.ge [sflag:s29], $0x3000  }
0x13f: {  	[sflag:s29] =	ssyncset.done $0x0  }
0x140: {  	[sflag:s29] =	ssyncadd.s32 $0xFFFFD000  }
0x141: {  	[spmem:s2] =	stream.indirect.scatter.add.f32 [tilespmem:s26], [sflag:$0x8], $0x20, s21, s23, $0xb8;
	[tilespmem:$0x1EC00] =	vst v63  }
0x142: {  	_ =	swait.ge [sflag:s31], $0x3000  }
0x143: {  	[sflag:s31] =	ssyncset.done $0x0  }
0x144: {  	[sflag:s31] =	ssyncadd.s32 $0xFFFFD000  }
0x145: {  	_ =	swait.ge [sflag:s1], $0x3000  }
0x146: {  	s9 =	simm.s32 $0x180;
	s8 =	simm.s32 $0xC0;
	[sflag:s1] =	ssyncset.done $0x0  }
.LBB2_3:
0x147: {  	s12 =	sadd.s32 s8, s10  }
0x148: {  	[sflag:s1] =	ssyncadd.s32 $0xFFFFD000;
	s13 =	smov.u32 s9;
	s7 =	sadd.s32 $0xC0, s9  }
0x149: {  	[tilespmem:s14], [sflag:$0x1] =	stream.linear.gather [hbm4b:s12+s3], $0x180, $0x38;
	[tilespmem:$0x1EC00] =	vst v63  }
0x14a: {  	p1 =	seq.s32 s9, $0x1740;
	s9 =	sadd.s32 s8, s11;
	s8 =	smov.u32 s13  }
0x14b: {  	[tilespmem:s15], [sflag:$0x1] =	stream.linear.gather [hbm4b:s9+s3], $0x180, $0x38;
	[tilespmem:$0x1EC00] =	vst v63  }
0x14c: {  	s13 =	sadd.s32 $0x30, s12  }
0x14d: {  	[tilespmem:s16], [sflag:$0x2] =	stream.linear.gather [hbm4b:s13+s3], $0x180, $0x38;
	[tilespmem:$0x1EC00] =	vst v63  }
0x14e: {  	s13 =	sadd.s32 $0x30, s9  }
0x14f: {  	[tilespmem:s17], [sflag:$0x2] =	stream.linear.gather [hbm4b:s13+s3], $0x180, $0x38;
	[tilespmem:$0x1EC00] =	vst v63  }
0x150: {  	s13 =	sadd.s32 $0x60, s12  }
0x151: {  	[tilespmem:s18], [sflag:$0x3] =	stream.linear.gather [hbm4b:s13+s3], $0x180, $0x38;
	[tilespmem:$0x1EC00] =	vst v63  }
0x152: {  	s13 =	sadd.s32 $0x60, s9  }
0x153: {  	[tilespmem:s19], [sflag:$0x3] =	stream.linear.gather [hbm4b:s13+s3], $0x180, $0x38;
	[tilespmem:$0x1EC00] =	vst v63  }
0x154: {  	s12 =	sadd.s32 $0x90, s12  }
0x155: {  	[tilespmem:s20], [sflag:$0x4] =	stream.linear.gather [hbm4b:s12+s3], $0x180, $0x38;
	[tilespmem:$0x1EC00] =	vst v63  }
0x156: {  	s9 =	sadd.s32 $0x90, s9  }
0x157: {  	[tilespmem:s21], [sflag:$0x4] =	stream.linear.gather [hbm4b:s9+s3], $0x180, $0x38;
	[tilespmem:$0x1EC00] =	vst v63  }
0x158: {  	_ =	swait.ge [sflag:s22], $0x180  }
0x159: {  	[sflag:s22] =	ssyncset.done $0x0  }
0x15a: {  	[sflag:s22] =	ssyncadd.s32 $0xFFFFFE80  }
0x15b: {  	_ =	swait.ge [sflag:s22], $0x180  }
0x15c: {  	[sflag:s22] =	ssyncset.done $0x0  }
0x15d: {  	[sflag:s22] =	ssyncadd.s32 $0xFFFFFE80  }
0x15e: {  	[tilespmem:s24], [sflag:$0x5] =	stream.indirect.gather [hbm4b:s4+s23], $0x20, s14, s23, $0xb8;
	[tilespmem:$0x1EC00] =	vst v63  }
0x15f: {  	_ =	swait.ge [sflag:s25], $0x180  }
0x160: {  	[sflag:s25] =	ssyncset.done $0x0  }
0x161: {  	[sflag:s25] =	ssyncadd.s32 $0xFFFFFE80  }
0x162: {  	_ =	swait.ge [sflag:s25], $0x180  }
0x163: {  	[sflag:s25] =	ssyncset.done $0x0  }
0x164: {  	[sflag:s25] =	ssyncadd.s32 $0xFFFFFE80  }
0x165: {  	[tilespmem:s26], [sflag:$0x6] =	stream.indirect.gather [hbm4b:s4+s23], $0x20, s16, s23, $0xb8;
	[tilespmem:$0x1EC00] =	vst v63  }
0x166: {  	_ =	swait.ge [sflag:s28], $0x3000  }
0x167: {  	[sflag:s28] =	ssyncset.done $0x0  }
0x168: {  	[sflag:s28] =	ssyncadd.s32 $0xFFFFD000  }
0x169: {  	[spmem:s2] =	stream.indirect.scatter.add.f32 [tilespmem:s24], [sflag:$0x7], $0x20, s15, s23, $0xb8;
	[tilespmem:$0x1EC00] =	vst v63  }
0x16a: {  	_ =	swait.ge [sflag:s29], $0x3000  }
0x16b: {  	[sflag:s29] =	ssyncset.done $0x0  }
0x16c: {  	[sflag:s29] =	ssyncadd.s32 $0xFFFFD000  }
0x16d: {  	[spmem:s2] =	stream.indirect.scatter.add.f32 [tilespmem:s26], [sflag:$0x8], $0x20, s17, s23, $0xb8;
	[tilespmem:$0x1EC00] =	vst v63  }
0x16e: {  	_ =	swait.ge [sflag:s30], $0x180  }
0x16f: {  	[sflag:s30] =	ssyncset.done $0x0  }
0x170: {  	[sflag:s30] =	ssyncadd.s32 $0xFFFFFE80  }
0x171: {  	_ =	swait.ge [sflag:s30], $0x180  }
0x172: {  	[sflag:s30] =	ssyncset.done $0x0  }
0x173: {  	[sflag:s30] =	ssyncadd.s32 $0xFFFFFE80  }
0x174: {  	_ =	swait.ge [sflag:s31], $0x3000  }
0x175: {  	[sflag:s31] =	ssyncset.done $0x0  }
0x176: {  	[sflag:s31] =	ssyncadd.s32 $0xFFFFD000  }
0x177: {  	[tilespmem:s24], [sflag:$0x5] =	stream.indirect.gather [hbm4b:s4+s23], $0x20, s18, s23, $0xb8;
	[tilespmem:$0x1EC00] =	vst v63  }
0x178: {  	_ =	swait.ge [sflag:s0], $0x180  }
0x179: {  	[sflag:s0] =	ssyncset.done $0x0  }
0x17a: {  	[sflag:s0] =	ssyncadd.s32 $0xFFFFFE80  }
0x17b: {  	_ =	swait.ge [sflag:s0], $0x180  }
0x17c: {  	[sflag:s0] =	ssyncset.done $0x0  }
0x17d: {  	[sflag:s0] =	ssyncadd.s32 $0xFFFFFE80  }
0x17e: {  	_ =	swait.ge [sflag:s1], $0x3000  }
0x17f: {  	[sflag:s1] =	ssyncset.done $0x0  }
0x180: {  	[sflag:s1] =	ssyncadd.s32 $0xFFFFD000  }
0x181: {  	[tilespmem:s26], [sflag:$0x6] =	stream.indirect.gather [hbm4b:s4+s23], $0x20, s20, s23, $0xb8;
	[tilespmem:$0x1EC00] =	vst v63  }
0x182: {  	_ =	swait.ge [sflag:s28], $0x3000  }
0x183: {  	[sflag:s28] =	ssyncset.done $0x0  }
0x184: {  	[sflag:s28] =	ssyncadd.s32 $0xFFFFD000  }
0x185: {  	[spmem:s2] =	stream.indirect.scatter.add.f32 [tilespmem:s24], [sflag:$0x7], $0x20, s19, s23, $0xb8;
	[tilespmem:$0x1EC00] =	vst v63  }
0x186: {  	_ =	swait.ge [sflag:s29], $0x3000  }
0x187: {  	[sflag:s29] =	ssyncset.done $0x0  }
0x188: {  	[sflag:s29] =	ssyncadd.s32 $0xFFFFD000  }
0x189: {  	[spmem:s2] =	stream.indirect.scatter.add.f32 [tilespmem:s26], [sflag:$0x8], $0x20, s21, s23, $0xb8;
	[tilespmem:$0x1EC00] =	vst v63  }
.Ltmp5:
0x18a: {  	_ =	swait.ge [sflag:s31], $0x3000;
	(pc) =	sbr.rel @!p1 .LBB2_3-.Ltmp5, $4  }
0x18b: {  	[sflag:s31] =	ssyncset.done $0x0  }
0x18c: {  	[sflag:s31] =	ssyncadd.s32 $0xFFFFD000  }
0x18d: {  	_ =	swait.ge [sflag:s1], $0x3000  }
0x18e: {  	s9 =	smov.u32 s7;
	[sflag:s1] =	ssyncset.done $0x0  }
0x18f: {  	s7 =	sadd.s32 s8, s10;
	[sflag:s1] =	ssyncadd.s32 $0xFFFFD000  }
0x190: {  	[tilespmem:s14], [sflag:$0x1] =	stream.linear.gather [hbm4b:s7+s3], $0x180, $0x38;
	[tilespmem:$0x1EC00] =	vst v63  }
0x191: {  	s8 =	sadd.s32 s8, s11  }
0x192: {  	[tilespmem:s15], [sflag:$0x1] =	stream.linear.gather [hbm4b:s8+s3], $0x180, $0x38;
	[tilespmem:$0x1EC00] =	vst v63  }
0x193: {  	s9 =	sadd.s32 $0x30, s7  }
0x194: {  	[tilespmem:s16], [sflag:$0x2] =	stream.linear.gather [hbm4b:s9+s3], $0x180, $0x38;
	[tilespmem:$0x1EC00] =	vst v63  }
0x195: {  	s12 =	sadd.s32 $0x30, s8  }
0x196: {  	[tilespmem:s17], [sflag:$0x2] =	stream.linear.gather [hbm4b:s12+s3], $0x180, $0x38;
	[tilespmem:$0x1EC00] =	vst v63  }
0x197: {  	s13 =	sadd.s32 $0x60, s7  }
0x198: {  	[tilespmem:s18], [sflag:$0x3] =	stream.linear.gather [hbm4b:s13+s3], $0x180, $0x38;
	[tilespmem:$0x1EC00] =	vst v63  }
0x199: {  	s12 =	sadd.s32 $0x60, s8  }
0x19a: {  	[tilespmem:s19], [sflag:$0x3] =	stream.linear.gather [hbm4b:s12+s3], $0x180, $0x38;
	[tilespmem:$0x1EC00] =	vst v63  }
0x19b: {  	s7 =	sadd.s32 $0x90, s7  }
0x19c: {  	[tilespmem:s20], [sflag:$0x4] =	stream.linear.gather [hbm4b:s7+s3], $0x180, $0x38;
	[tilespmem:$0x1EC00] =	vst v63  }
0x19d: {  	s13 =	sadd.s32 $0x90, s8  }
0x19e: {  	[tilespmem:s21], [sflag:$0x4] =	stream.linear.gather [hbm4b:s13+s3], $0x180, $0x38;
	[tilespmem:$0x1EC00] =	vst v63  }
0x19f: {  	_ =	swait.ge [sflag:s22], $0x180  }
0x1a0: {  	[sflag:s22] =	ssyncset.done $0x0  }
0x1a1: {  	[sflag:s22] =	ssyncadd.s32 $0xFFFFFE80  }
0x1a2: {  	_ =	swait.ge [sflag:s22], $0x180  }
0x1a3: {  	[sflag:s22] =	ssyncset.done $0x0  }
0x1a4: {  	[sflag:s22] =	ssyncadd.s32 $0xFFFFFE80  }
0x1a5: {  	[tilespmem:s24], [sflag:$0x5] =	stream.indirect.gather [hbm4b:s4+s23], $0x20, s14, s23, $0xb8;
	[tilespmem:$0x1EC00] =	vst v63  }
0x1a6: {  	_ =	swait.ge [sflag:s25], $0x180  }
0x1a7: {  	[sflag:s25] =	ssyncset.done $0x0  }
0x1a8: {  	[sflag:s25] =	ssyncadd.s32 $0xFFFFFE80  }
0x1a9: {  	_ =	swait.ge [sflag:s25], $0x180  }
0x1aa: {  	[sflag:s25] =	ssyncset.done $0x0  }
0x1ab: {  	[sflag:s25] =	ssyncadd.s32 $0xFFFFFE80  }
0x1ac: {  	[tilespmem:s26], [sflag:$0x6] =	stream.indirect.gather [hbm4b:s4+s23], $0x20, s16, s23, $0xb8;
	[tilespmem:$0x1EC00] =	vst v63  }
0x1ad: {  	_ =	swait.ge [sflag:s28], $0x3000  }
0x1ae: {  	[sflag:s28] =	ssyncset.done $0x0  }
0x1af: {  	[sflag:s28] =	ssyncadd.s32 $0xFFFFD000  }
0x1b0: {  	[spmem:s2] =	stream.indirect.scatter.add.f32 [tilespmem:s24], [sflag:$0x7], $0x20, s15, s23, $0xb8;
	[tilespmem:$0x1EC00] =	vst v63  }
0x1b1: {  	_ =	swait.ge [sflag:s29], $0x3000  }
0x1b2: {  	[sflag:s29] =	ssyncset.done $0x0  }
0x1b3: {  	[sflag:s29] =	ssyncadd.s32 $0xFFFFD000  }
0x1b4: {  	[spmem:s2] =	stream.indirect.scatter.add.f32 [tilespmem:s26], [sflag:$0x8], $0x20, s17, s23, $0xb8;
	[tilespmem:$0x1EC00] =	vst v63  }
0x1b5: {  	_ =	swait.ge [sflag:s30], $0x180  }
0x1b6: {  	[sflag:s30] =	ssyncset.done $0x0  }
0x1b7: {  	[sflag:s30] =	ssyncadd.s32 $0xFFFFFE80  }
0x1b8: {  	_ =	swait.ge [sflag:s30], $0x180  }
0x1b9: {  	[sflag:s30] =	ssyncset.done $0x0  }
0x1ba: {  	[sflag:s30] =	ssyncadd.s32 $0xFFFFFE80  }
0x1bb: {  	_ =	swait.ge [sflag:s31], $0x3000  }
0x1bc: {  	[sflag:s31] =	ssyncset.done $0x0  }
0x1bd: {  	[sflag:s31] =	ssyncadd.s32 $0xFFFFD000  }
0x1be: {  	[tilespmem:s24], [sflag:$0x5] =	stream.indirect.gather [hbm4b:s4+s23], $0x20, s18, s23, $0xb8;
	[tilespmem:$0x1EC00] =	vst v63  }
0x1bf: {  	_ =	swait.ge [sflag:s0], $0x180  }
0x1c0: {  	[sflag:s0] =	ssyncset.done $0x0  }
0x1c1: {  	[sflag:s0] =	ssyncadd.s32 $0xFFFFFE80  }
0x1c2: {  	_ =	swait.ge [sflag:s0], $0x180  }
0x1c3: {  	[sflag:s0] =	ssyncset.done $0x0  }
0x1c4: {  	[sflag:s0] =	ssyncadd.s32 $0xFFFFFE80  }
0x1c5: {  	_ =	swait.ge [sflag:s1], $0x3000  }
0x1c6: {  	[sflag:s1] =	ssyncset.done $0x0  }
0x1c7: {  	[sflag:s1] =	ssyncadd.s32 $0xFFFFD000  }
0x1c8: {  	[tilespmem:s26], [sflag:$0x6] =	stream.indirect.gather [hbm4b:s4+s23], $0x20, s20, s23, $0xb8;
	[tilespmem:$0x1EC00] =	vst v63  }
0x1c9: {  	_ =	swait.ge [sflag:s28], $0x3000  }
0x1ca: {  	[sflag:s28] =	ssyncset.done $0x0  }
0x1cb: {  	[sflag:s28] =	ssyncadd.s32 $0xFFFFD000  }
0x1cc: {  	[spmem:s2] =	stream.indirect.scatter.add.f32 [tilespmem:s24], [sflag:$0x7], $0x20, s19, s23, $0xb8;
	[tilespmem:$0x1EC00] =	vst v63  }
0x1cd: {  	_ =	swait.ge [sflag:s29], $0x3000  }
0x1ce: {  	[sflag:s29] =	ssyncset.done $0x0  }
0x1cf: {  	[sflag:s29] =	ssyncadd.s32 $0xFFFFD000  }
0x1d0: {  	[spmem:s2] =	stream.indirect.scatter.add.f32 [tilespmem:s26], [sflag:$0x8], $0x20, s21, s23, $0xb8;
	[tilespmem:$0x1EC00] =	vst v63  }
0x1d1: {  	_ =	swait.ge [sflag:s31], $0x3000  }
.Ltmp6:
0x1d2: {  	[sflag:s31] =	ssyncset.done $0x0;
	(pc) =	sbr.rel .LBB2_8-.Ltmp6, $4  }
0x1d3: {  	[sflag:s31] =	ssyncadd.s32 $0xFFFFD000  }
0x1d4: {  	_ =	swait.ge [sflag:s1], $0x3000  }
0x1d5: {  	[sflag:s1] =	ssyncset.done $0x0  }
0x1d6: {  	[sflag:s1] =	ssyncadd.s32 $0xFFFFD000  }
.LBB2_9:
0x1d7: {  	_ =	sfence.sel $0x180000  }
0x1d8: {  	[bflag:$0x0] =	sbarrier.arrive $0xFFFF  }
0x1d9: {  	_ =	strace $0x9000004D  }
0x1da: {  	s0 =	stileid.u32;
	[bflag:$0x2] =	sbarrier.arrive $0xFFFF  }
0x1db: {  	p0 =	sne.s32 s0, $0x0;
	s0 =	rddreg [dreg:$0x3]  }
0x1dc: {  	s0 =	sadd.s32 @!p0 $0x100000, s0  }
0x1dd: {  	[sflag:s0] =	ssyncadd.tile.s32 @!p0 $0x1;
	_ =	shalt  }
.Lfunc_end2:
_tile_overlayer_lowered:
.L_overlay_start_2:
0x1de: {  	(tag) =	ssettag $0x2  }
0x1df: {  	s0 =	rddreg [dreg:$0x0];
	s2 =	stileid.u32  }
0x1e0: {  	s1 =	rddreg [dreg:$0x1];
	p0 =	sne.s32 s2, $0x0  }
0x1e1: {  	s3 =	rddreg [dreg:$0x2];
	[bflag:$0x3] =	sbarrier.arrive $0xFFFF;
	s2 =	simm.s32 @!p0 $0x1C09  }
0x1e2: {  	[timem:s3], [sflag:s2] =	dma.local @!p0 [hbm:s0], s1  }
0x1e3: {  	s0 =	simm.s32 @!p0 $0x9  }
0x1e4: {  	_ =	swait.ge @!p0 [sflag:s0], s1  }
0x1e5: {  	s1 =	ssub.s32 @!p0 $0x0, s1;
	[sflag:s0] =	ssyncset.done @!p0 $0x0  }
0x1e6: {  	[sflag:s0] =	ssyncadd.s32 @!p0 s1  }
0x1e7: {  	[bflag:$0x3] =	sbarrier.arrive $0xFFFF  }
0x1e8: {  	_ =	shalt  }

// kernel: kernel.28.cloned.1.call-start
scs
__scs_entry_jumppad:
0x0: {  	(pc) =	sbr.rel $0x88, $3  }
0x1: {  	(tag) =	ssettag $0x0;
	lr =	simm.s32 $0x1  }
0x2: {  	[smem:$0x3F88] =	sst lr;
	_ =	strace $0xD0000000  }
0x3: {  	_ = 	snop  }
0x4: {  	_ = 	snop  }
0x5: {  	_ = 	snop  }
0x6: {  	_ = 	snop  }
0x7: {  	_ = 	snop  }
__scs_overlays_trampoline_lowered:
0x8: {  	[smem:$0x3F97] =	sst s0  }
0x9: {  	[smem:$0x3F98] =	sst s1  }
0xa: {  	[smem:$0x3F99] =	sst s2  }
0xb: {  	[smem:$0x3F9A] =	sst s3  }
0xc: {  	[smem:$0x3F9B] =	sst s4  }
0xd: {  	[smem:$0x3F9C] =	sst s5  }
0xe: {  	[smem:$0x3F9D] =	sst s6  }
0xf: {  	[smem:$0x3F9E] =	sst s7  }
0x10: {  	[smem:$0x3F9F] =	sst s8  }
0x11: {  	[smem:$0x3FA0] =	sst s9;
	s0 =	simm.s32 @!p0 $0x0  }
0x12: {  	s1 =	sld [smem:$0x3F86];
	s0 =	simm.s32 @p0 $0x1  }
0x13: {  	[smem:$0x3FA1] =	sst s0;
	s0 =	simm.s32 @!p1 $0x0  }
0x14: {  	s2 =	sld [smem:$0x3F85];
	s0 =	simm.s32 @p1 $0x1  }
0x15: {  	[smem:$0x3FA2] =	sst s0;
	s0 =	simm.s32 @!p2 $0x0  }
0x16: {  	s3 =	sld [smem:$0x3FDB];
	s0 =	simm.s32 @p2 $0x1  }
0x17: {  	s4 =	simm.s32 $0x1BF5;
	[smem:$0x3FA4] =	sst s0  }
0x18: {  	s0 =	sld [smem:$0x3F87];
	_ =	swait.ge [sflag:s4], $0x0  }
0x19: {  	s7 =	sld [smem:$0x3F88]  }
0x1a: {  	s8 =	sadd.s32 $0xFFFFE003, lr  }
0x1b: {  	s9 =	sadd.s32 $0xFFFFFEF7, lr;
	s5 =	simm.s32 $0xFFFFFFFF;
	p2 =	slt.u32 s8, $0xFFFFF086  }
0x1c: {  	p1 =	slt.u32 s9, $0xF7A;
	s5 =	simm.s32 @!p2 $0x0  }
0x1d: {  	s5 =	simm.s32 @p1 $0x1;
	p0 =	seq.s32 s7, s2  }
0x1e: {  	s7 =	smul.u32 @!p0 $0xF7A, s2;
	p2 =	seq.s32 @!p0 s5, $0x0  }
0x1f: {  	s9 =	smul.u32 $0xF7A, s1;
	s8 =	simm.s32 @!p0 $0x1BF5;
	p2 =	por !p2, p0  }
0x20: {  	[sflag:s8] =	ssyncset.s32 @!p0 $0xFFFFF086;
	s6 =	sadd.s32 @!p0 s3, s7;
	s7 =	simm.s32 @!p0 $0x108  }
0x21: {  	s3 =	sadd.s32 s3, s9;
	s6 =	sadd.s32 @!p0 $0x88, s6;
	s7 =	simm.s32 @p2 $0x1082  }
0x22: {  	[simem:s7], [sflag:s8] =	dma.local @!p0 [hbm:s6], $0xF7A  }
0x23: {  	s9 =	sor.u32 $0xD0000000, s2;
	s6 =	simm.s32 $0x108;
	_ =	swait.ge @!p0 [sflag:s8], $0x0  }
0x24: {  	s3 =	sadd.s32 $0x88, s3;
	s6 =	simm.s32 @!p1 $0x1082;
	[sflag:s4] =	ssyncset.s32 $0xFFFFF086  }
0x25: {  	[simem:s6], [sflag:s4] =	dma.local [hbm:s3], $0xF7A  }
0x26: {  	[smem:$0x3F88] =	sst s1;
	(tag) =	ssettag s2;
	_ =	strace s9  }
0x27: {  	s1 =	sld [smem:$0x3F98]  }
0x28: {  	s2 =	sld [smem:$0x3F99]  }
0x29: {  	s4 =	sld [smem:$0x3F9B]  }
0x2a: {  	p0 =	seq.s32 s5, $0x0;
	s5 =	sld [smem:$0x3F9C]  }
0x2b: {  	s6 =	sld [smem:$0x3F9D]  }
0x2c: {  	s7 =	sld [smem:$0x3F9E]  }
0x2d: {  	s3 =	simm.s32 $0x108;
	s8 =	sld [smem:$0x3F9F]  }
0x2e: {  	s3 =	simm.s32 @!p0 $0x1082;
	s9 =	sld [smem:$0x3FA0]  }
0x2f: {  	lr =	sadd.s32 s0, s3;
	s0 =	sld [smem:$0x3F97]  }
0x30: {  	s3 =	sld [smem:$0x3F9A]  }
0x31: {  	[smem:$0x3FA3] =	sst s10  }
0x32: {  	s10 =	sld [smem:$0x3FA1];
	_ =	sdelay $0x3  }
0x33: {  	p0 =	seq.s32 s10, $0x1;
	s10 =	sld [smem:$0x3FA3];
	_ =	sdelay $0x3  }
0x34: {  	[smem:$0x3FA3] =	sst s10  }
0x35: {  	s10 =	sld [smem:$0x3FA2];
	_ =	sdelay $0x3  }
0x36: {  	p1 =	seq.s32 s10, $0x1;
	s10 =	sld [smem:$0x3FA3];
	_ =	sdelay $0x3  }
0x37: {  	[smem:$0x3FA3] =	sst s10  }
0x38: {  	s10 =	sld [smem:$0x3FA4]  }
0x39: {  	_ = 	snop;
	(pc) =	sbr.ind lr, $3  }
0x3a: {  	_ = 	snop  }
0x3b: {  	_ = 	snop  }
0x3c: {  	p2 =	seq.s32 s10, $0x1;
	s10 =	sld [smem:$0x3FA3]  }
0x3d: {  	_ =	shalt  }
0x3e: {  	_ =	shalt  }
0x3f: {  	_ =	shalt  }
0x40: {  	_ =	shalt  }
0x41: {  	_ =	shalt  }
0x42: {  	_ =	shalt  }
0x43: {  	_ =	shalt  }
0x44: {  	_ =	shalt  }
0x45: {  	_ =	shalt  }
0x46: {  	_ =	shalt  }
0x47: {  	_ =	shalt  }
0x48: {  	_ =	shalt  }
0x49: {  	_ =	shalt  }
0x4a: {  	_ =	shalt  }
0x4b: {  	_ =	shalt  }
0x4c: {  	_ =	shalt  }
0x4d: {  	_ =	shalt  }
0x4e: {  	_ =	shalt  }
0x4f: {  	_ =	shalt  }
0x50: {  	_ =	shalt  }
0x51: {  	_ =	shalt  }
0x52: {  	_ =	shalt  }
0x53: {  	_ =	shalt  }
0x54: {  	_ =	shalt  }
0x55: {  	_ =	shalt  }
0x56: {  	_ =	shalt  }
0x57: {  	_ =	shalt  }
0x58: {  	_ =	shalt  }
0x59: {  	_ =	shalt  }
0x5a: {  	_ =	shalt  }
0x5b: {  	_ =	shalt  }
0x5c: {  	_ =	shalt  }
0x5d: {  	_ =	shalt  }
0x5e: {  	_ =	shalt  }
0x5f: {  	_ =	shalt  }
0x60: {  	_ =	shalt  }
0x61: {  	_ =	shalt  }
0x62: {  	_ =	shalt  }
0x63: {  	_ =	shalt  }
0x64: {  	_ =	shalt  }
0x65: {  	_ =	shalt  }
0x66: {  	_ =	shalt  }
0x67: {  	_ =	shalt  }
0x68: {  	_ =	shalt  }
0x69: {  	_ =	shalt  }
0x6a: {  	_ =	shalt  }
0x6b: {  	_ =	shalt  }
0x6c: {  	_ =	shalt  }
0x6d: {  	_ =	shalt  }
0x6e: {  	_ =	shalt  }
0x6f: {  	_ =	shalt  }
0x70: {  	_ =	shalt  }
0x71: {  	_ =	shalt  }
0x72: {  	_ =	shalt  }
0x73: {  	_ =	shalt  }
0x74: {  	_ =	shalt  }
0x75: {  	_ =	shalt  }
0x76: {  	_ =	shalt  }
0x77: {  	_ =	shalt  }
0x78: {  	_ =	shalt  }
0x79: {  	_ =	shalt  }
0x7a: {  	_ =	shalt  }
0x7b: {  	_ =	shalt  }
0x7c: {  	_ =	shalt  }
0x7d: {  	_ =	shalt  }
0x7e: {  	_ =	shalt  }
0x7f: {  	_ =	shalt  }
0x80: {  	_ =	shalt  }
0x81: {  	_ =	shalt  }
0x82: {  	_ =	shalt  }
0x83: {  	_ =	shalt  }
0x84: {  	_ =	shalt  }
0x85: {  	_ =	shalt  }
0x86: {  	_ =	shalt  }
0x87: {  	_ =	shalt  }
.Lfunc_end0:
.L_simem_size_0:
called_computation.4_lowered:
.L_overlay_start_0:
0x88: {  	s2 =	sld [smem:$0x3FD9]  }
0x89: {  	s3 =	sld [smem:$0x3FFE];
	_ =	sdelay $0x1  }
0x8a: {  	s1 =	srdreg.scid  }
0x8b: {  	s0 =	sand.u32 $0x1, s1  }
0x8c: {  	s15 =	sshll.u32 s0, $0xA;
	s2 =	sadd.s32 s3, s2  }
0x8d: {  	s2 =	sadd.s32 s2, s15  }
0x8e: {  	[smem:$0x3FAF] =	sst s2  }
0x8f: {  	_ = 	snop  }
0x90: {  	s2 =	sld [smem:$0x3FD0];
	_ =	sdelay $0x2  }
0x91: {  	s16 =	simm.s32 $0xB;
	s4 =	simm.s32 $0x10  }
0x92: {  	[smem:s4], [sflag:s16] =	dma.local [hbm:s2], $0x1  }
0x93: {  	_ =	swait.eq [sflag:s16], $0x1  }
0x94: {  	[sflag:s16] =	ssyncset.done $0x0  }
0x95: {  	[sflag:s16] =	ssyncadd.s32 $0xFFFFFFFF  }
0x96: {  	s17 =	sld [smem:$0x11];
	(tm) =	ssettm $0x1  }
0x97: {  	s18 =	sld [smem:$0x3FFB];
	_ =	sdelay $0x3  }
0x98: {  	_ =	strace s18  }
0x99: {  	s2 =	sld [smem:$0x3FFC];
	_ =	sdelay $0x3  }
0x9a: {  	_ =	strace s2  }
0x9b: {  	s2 =	sld [smem:$0x3FFD];
	_ =	sdelay $0x3  }
0x9c: {  	_ =	strace s2  }
0x9d: {  	_ =	strace $0x8FFFFFFF  }
0x9e: {  	s19 =	sld [smem:$0x3FDB];
	_ =	sdelay $0x1  }
0x9f: {  	s20 =	simm.s32 $_scs_section_size  }
0xa0: {  	s5 =	simm.s32 $_size__tile_overlayer_lowered;
	s6 =	simm.s32 $_tile_overlayer_lowered  }
0xa1: {  	s7 =	simm.s32 $0x1BFF;
	s21 =	sshll.u32 s6, $0x1;
	s4 =	sadd.s32 s20, s19  }
0xa2: {  	s22 =	simm.s32 $0x0;
	s5 =	sshll.u32 s5, $0x1;
	s6 =	sadd.s32 s21, s4  }
0xa3: {  	[timem:s22], [sflag:s7] =	dma.local [hbm:s6], s5  }
0xa4: {  	_ =	swait.ge [sflag:s7], s5  }
0xa5: {  	s5 =	ssub.s32 $0x0, s5;
	[sflag:s7] =	ssyncset.done $0x0  }
0xa6: {  	[sflag:s7] =	ssyncadd.s32 s5;
	_ =	sdelay $0x1  }
0xa7: {  	s23 =	simm.s32 $0x1B8B  }
0xa8: {  	_ =	swait.ge [sflag:s23], $0x1  }
0xa9: {  	[sflag:s23] =	ssyncset.done $0x0  }
0xaa: {  	[sflag:s23] =	ssyncadd.s32 $0xFFFFFFFF  }
0xab: {  	s5 =	sld [smem:$0x0]  }
0xac: {  	s6 =	sand.u32 $0xFFFFFFFE, s1  }
0xad: {  	p0 =	sne.s32 s1, s6  }
0xae: {  	s6 =	sshll.u32 @p0 s6, $0xE  }
0xaf: {  	s6 =	sadd.s32 @p0 $0x11B8D, s6;
	s7 =	sshll.u32 @p0 s5, $0x11  }
0xb0: {  	s6 =	sor.u32 @p0 s7, s6  }
0xb1: {  	[sflag:s6] =	ssyncadd.remote.s32 @p0 $0x1;
	_ =	sdelay $0x1  }
0xb2: {  	s6 =	simm.s32 @p0 $0x1B8D  }
0xb3: {  	_ =	swait.eq @p0 [sflag:s6], $0x1  }
0xb4: {  	[sflag:s6] =	ssyncadd.s32 @p0 $0xFFFFFFFF  }
0xb5: {  	s7 =	sshll.u32 @!p0 s1, $0xE  }
0xb6: {  	s7 =	sor.u32 @!p0 $0x4000, s7;
	s6 =	simm.s32 @!p0 $0x1B8D  }
0xb7: {  	s5 =	sshll.u32 @!p0 s5, $0x11;
	s7 =	sadd.s32 @!p0 $0x11B8D, s7;
	_ =	swait.eq @!p0 [sflag:s6], $0x1  }
0xb8: {  	s5 =	sor.u32 @!p0 s5, s7;
	[sflag:s6] =	ssyncadd.s32 @!p0 $0xFFFFFFFF  }
0xb9: {  	s25 =	simm.s32 $0x1B8E;
	s24 =	sld [smem:$0x3FFE];
	[sflag:s5] =	ssyncadd.remote.s32 @!p0 $0x1  }
0xba: {  	s26 =	simm.s32 $execute0_lowered;
	[smem:$0x3FD2] =	sst s25  }
0xbb: {  	s6 =	sshll.u32 s26, $0x1;
	_ =	strace $0x80000052;
	[dreg:$0x1] =	wrdreg $0xFFFFFFFF  }
0xbc: {  	s28 =	simm.s32 $_size_execute0_lowered;
	s4 =	sadd.s32 s4, s6;
	[dreg:$0x0] =	wrdreg $0x0  }
0xbd: {  	s6 =	sshll.u32 s28, $0x1;
	[dreg:$0x2] =	wrdreg s4  }
0xbe: {  	[dreg:$0x3] =	wrdreg s6  }
0xbf: {  	[dreg:$0x4] =	wrdreg $0xC0  }
0xc0: {  	_ =	task [dreg:s22], $0x5FFFF  }
0xc1: {  	[dreg:$0x1] =	wrdreg $0xFFFFFFFF  }
0xc2: {  	[dreg:$0x0] =	wrdreg $0x60  }
0xc3: {  	[dreg:$0x2] =	wrdreg s24  }
0xc4: {  	[dreg:$0x3] =	wrdreg s17  }
0xc5: {  	[dreg:$0x4] =	wrdreg $0x0  }
0xc6: {  	[dreg:$0x5] =	wrdreg $0xA  }
0xc7: {  	_ =	task.clear_ibuf [dreg:s22], $0x6FFFF;
	_ =	strace $0x90000052  }
0xc8: {  	s29 =	simm.s32 $0xA;
	_ =	strace $0x80000054  }
0xc9: {  	_ =	swait.ge [sflag:s29], $0x1  }
0xca: {  	[sflag:s29] =	ssyncadd.s32 $0xFFFFFFFF  }
0xcb: {  	_ =	strace $0x90000054  }
0xcc: {  	_ =	sfence  }
0xcd: {  	s30 =	sld [smem:$0x0];
	_ =	sdelay $0x2  }
0xce: {  	s31 =	sshll.u32 s1, $0xD;
	s1 =	sshrl.u32 s1, $0x2  }
0xcf: {  	s4 =	sand.u32 $0x4000, s31;
	s1 =	sadd.s32 s1, s30  }
0xd0: {  	s0 =	sor.u32 s4, s0;
	s1 =	sshll.u32 s1, $0x11  }
0xd1: {  	s0 =	sor.u32 s1, s0  }
0xd2: {  	s0 =	sadd.s32 $0x8F2B, s0  }
0xd3: {  	[sflag:s0] =	ssyncadd.remote.s32 $0x1  }
0xd4: {  	_ =	sfence.sel $0xFFFF  }
0xd5: {  	[dreg:$0x0] =	wrdreg $0xFFFFFFFF;
	(pc) =	sbr.abs _section_cstart, $3  }
0xd6: {  	[dreg:$0x1] =	wrdreg $0xFFFFFFFF  }
0xd7: {  	_ =	task.clear_ibuf [dreg:s22], $0x2FFFF;
	_ =	strace $0x9FFFFFFF  }
0xd8: {  	(tm) =	ssettm $0x7FFFFFFF  }
0xd9: {  	_ =	shalt  }
tec
execute0_lowered:
.L_overlay_start_1:
0x0: {  	(tag) =	ssettag $0x1  }
0x1: {  	s0 =	rddreg [dreg:$0x0]  }
0x2: {  	s1 =	rddreg [dreg:$0x1]  }
0x3: {  	s2 =	rddreg [dreg:$0x2]  }
0x4: {  	s11 =	stileid.u32;
	s4 =	srdreg.scid;
	s3 =	simm.s32 $0x0  }
0x5: {  	s13 =	simm.s32 $0x18000;
	s14 =	simm.s32 $0x18600;
	s15 =	simm.s32 $0x18180  }
0x6: {  	s16 =	simm.s32 $0x18780;
	s17 =	simm.s32 $0x18300;
	s18 =	simm.s32 $0x18900  }
0x7: {  	s19 =	simm.s32 $0x18480;
	s20 =	simm.s32 $0x18A80;
	s21 =	simm.s32 $0x1  }
0x8: {  	s22 =	simm.s32 $0x180;
	s23 =	simm.s32 $0x18C00;
	s28 =	simm.s32 $0x6  }
0x9: {  	s29 =	simm.s32 $0x3;
	s30 =	simm.s32 $0x7;
	s5 =	smul.u32 $0xC00, s11  }
0xa: {  	s31 =	simm.s32 $0x4;
	s6 =	smul.u32 $0x18000, s11;
	[smem:$0x7FF] =	sst s3  }
0xb: {  	s7 =	sand.u32 $0x1, s4;
	s4 =	sadd.s32 $0x260600, s0;
	s9 =	sadd.s32 $0x2C0600, s0  }
0xc: {  	s11 =	sshll.u32 s11, $0x6;
	s8 =	smul.u32 $0x180000, s7;
	_ =	strace $0x80000053  }
0xd: {  	[dreg:$0x4] =	wrdreg s9;
	s24 =	ssub.s32 $0x2, s7;
	p0 =	seq.s32 s7, $0x1  }
0xe: {  	s10 =	sadd.s32 s5, s0;
	s25 =	sshrl.u32 s24, $0x1;
	s12 =	sadd.s32 s6, s2  }
0xf: {  	s9 =	sadd.s32 s5, s1;
	s1 =	simm.s32 $0x0;
	s8 =	sadd.s32 s6, s8  }
0x10: {  	s6 =	sor.u32 $0x1C09, s11;
	s10 =	sadd.s32 $0x6E00, s10;
	s7 =	sshrl.u32 s12, $0x3  }
.Ltmp0:
0x11: {  	s8 =	sshrl.u32 s8, $0x3;
	[dreg:$0x5] =	wrdreg s6;
	(pc) =	sbr.rel .LBB2_1-.Ltmp0, $4  }
0x12: {  	s12 =	simm.s32 $0x9;
	[dreg:$0x8] =	wrdreg s7;
	s0 =	sadd.s32 s8, s0  }
0x13: {  	s8 =	ssub.s32 s24, s25;
	s24 =	simm.s32 $0x2;
	s0 =	sadd.s32 $0x2C3600, s0  }
0x14: {  	s25 =	simm.s32 $0x1BC00;
	s26 =	smax.u32 s8, $0x1;
	[dreg:$0x6] =	wrdreg s0  }
0x15: {  	[dreg:$0x7] =	wrdreg s26;
	s26 =	simm.s32 $0x5;
	s0 =	simm.s32 $0x8  }
.LBB2_7:
0x16: {  	s6 =	sadd.s32 $0xC000, s8;
	s5 =	sadd.s32 s5, s10;
	[sflag:s0] =	ssyncadd.s32 $0xFFFFD000  }
0x17: {  	[tilespmem:s13], [sflag:$0x1] =	stream.linear.gather [hbm4b:s6+s3], $0x180, $0x38;
	[tilespmem:$0x1EC00] =	vst v63  }
0x18: {  	s7 =	sadd.s32 $0xC000, s5  }
0x19: {  	[tilespmem:s14], [sflag:$0x1] =	stream.linear.gather [hbm4b:s7+s3], $0x180, $0x38;
	[tilespmem:$0x1EC00] =	vst v63  }
0x1a: {  	s11 =	sadd.s32 $0xC030, s8  }
0x1b: {  	[tilespmem:s15], [sflag:$0x2] =	stream.linear.gather [hbm4b:s11+s3], $0x180, $0x38;
	[tilespmem:$0x1EC00] =	vst v63  }
0x1c: {  	s7 =	sadd.s32 $0xC030, s5  }
0x1d: {  	[tilespmem:s16], [sflag:$0x2] =	stream.linear.gather [hbm4b:s7+s3], $0x180, $0x38;
	[tilespmem:$0x1EC00] =	vst v63  }
0x1e: {  	s11 =	sadd.s32 $0xC060, s8  }
0x1f: {  	[tilespmem:s17], [sflag:$0x3] =	stream.linear.gather [hbm4b:s11+s3], $0x180, $0x38;
	[tilespmem:$0x1EC00] =	vst v63  }
0x20: {  	s7 =	sadd.s32 $0xC060, s5  }
0x21: {  	[tilespmem:s18], [sflag:$0x3] =	stream.linear.gather [hbm4b:s7+s3], $0x180, $0x38;
	[tilespmem:$0x1EC00] =	vst v63  }
0x22: {  	s11 =	sadd.s32 $0xC090, s8  }
0x23: {  	[tilespmem:s19], [sflag:$0x4] =	stream.linear.gather [hbm4b:s11+s3], $0x180, $0x38;
	[tilespmem:$0x1EC00] =	vst v63  }
0x24: {  	s5 =	sadd.s32 $0xC090, s5  }
0x25: {  	[tilespmem:s20], [sflag:$0x4] =	stream.linear.gather [hbm4b:s5+s3], $0x180, $0x38;
	[tilespmem:$0x1EC00] =	vst v63  }
0x26: {  	_ =	swait.ge [sflag:s21], $0x180  }
0x27: {  	[sflag:s21] =	ssyncset.done $0x0  }
0x28: {  	[sflag:s21] =	ssyncadd.s32 $0xFFFFFE80  }
0x29: {  	_ =	swait.ge [sflag:s21], $0x180  }
0x2a: {  	[sflag:s21] =	ssyncset.done $0x0  }
0x2b: {  	[sflag:s21] =	ssyncadd.s32 $0xFFFFFE80  }
0x2c: {  	[tilespmem:s23], [sflag:$0x5] =	stream.indirect.gather [hbm4b:s4+s22], $0x20, s13, s22, $0xb8;
	[tilespmem:$0x1EC00] =	vst v63  }
0x2d: {  	_ =	swait.ge [sflag:s24], $0x180  }
0x2e: {  	[sflag:s24] =	ssyncset.done $0x0  }
0x2f: {  	[sflag:s24] =	ssyncadd.s32 $0xFFFFFE80  }
0x30: {  	_ =	swait.ge [sflag:s24], $0x180  }
0x31: {  	[sflag:s24] =	ssyncset.done $0x0  }
0x32: {  	[sflag:s24] =	ssyncadd.s32 $0xFFFFFE80  }
0x33: {  	[tilespmem:s25], [sflag:$0x6] =	stream.indirect.gather [hbm4b:s4+s22], $0x20, s15, s22, $0xb8;
	[tilespmem:$0x1EC00] =	vst v63  }
0x34: {  	_ =	swait.ge [sflag:s26], $0x3000  }
0x35: {  	[sflag:s26] =	ssyncset.done $0x0  }
0x36: {  	[sflag:s26] =	ssyncadd.s32 $0xFFFFD000  }
0x37: {  	[spmem:s2] =	stream.indirect.scatter.add.f32 [tilespmem:s23], [sflag:$0x7], $0x20, s14, s22, $0xb8;
	[tilespmem:$0x1EC00] =	vst v63  }
0x38: {  	_ =	swait.ge [sflag:s28], $0x3000  }
0x39: {  	[sflag:s28] =	ssyncset.done $0x0  }
0x3a: {  	[sflag:s28] =	ssyncadd.s32 $0xFFFFD000  }
0x3b: {  	[spmem:s2] =	stream.indirect.scatter.add.f32 [tilespmem:s25], [sflag:$0x8], $0x20, s16, s22, $0xb8;
	[tilespmem:$0x1EC00] =	vst v63  }
0x3c: {  	_ =	swait.ge [sflag:s29], $0x180  }
0x3d: {  	[sflag:s29] =	ssyncset.done $0x0  }
0x3e: {  	[sflag:s29] =	ssyncadd.s32 $0xFFFFFE80  }
0x3f: {  	_ =	swait.ge [sflag:s29], $0x180  }
0x40: {  	[sflag:s29] =	ssyncset.done $0x0  }
0x41: {  	[sflag:s29] =	ssyncadd.s32 $0xFFFFFE80  }
0x42: {  	_ =	swait.ge [sflag:s30], $0x3000  }
0x43: {  	[sflag:s30] =	ssyncset.done $0x0  }
0x44: {  	[sflag:s30] =	ssyncadd.s32 $0xFFFFD000  }
0x45: {  	[tilespmem:s23], [sflag:$0x5] =	stream.indirect.gather [hbm4b:s4+s22], $0x20, s17, s22, $0xb8;
	[tilespmem:$0x1EC00] =	vst v63  }
0x46: {  	_ =	swait.ge [sflag:s31], $0x180  }
0x47: {  	[sflag:s31] =	ssyncset.done $0x0  }
0x48: {  	[sflag:s31] =	ssyncadd.s32 $0xFFFFFE80  }
0x49: {  	_ =	swait.ge [sflag:s31], $0x180  }
0x4a: {  	[sflag:s31] =	ssyncset.done $0x0  }
0x4b: {  	[sflag:s31] =	ssyncadd.s32 $0xFFFFFE80  }
0x4c: {  	_ =	swait.ge [sflag:s0], $0x3000  }
0x4d: {  	[sflag:s0] =	ssyncset.done $0x0  }
0x4e: {  	[sflag:s0] =	ssyncadd.s32 $0xFFFFD000  }
0x4f: {  	[tilespmem:s25], [sflag:$0x6] =	stream.indirect.gather [hbm4b:s4+s22], $0x20, s19, s22, $0xb8;
	[tilespmem:$0x1EC00] =	vst v63  }
0x50: {  	_ =	swait.ge [sflag:s26], $0x3000  }
0x51: {  	[sflag:s26] =	ssyncset.done $0x0  }
0x52: {  	[sflag:s26] =	ssyncadd.s32 $0xFFFFD000  }
0x53: {  	[spmem:s2] =	stream.indirect.scatter.add.f32 [tilespmem:s23], [sflag:$0x7], $0x20, s18, s22, $0xb8;
	[tilespmem:$0x1EC00] =	vst v63  }
0x54: {  	_ =	swait.ge [sflag:s28], $0x3000  }
0x55: {  	[sflag:s28] =	ssyncset.done $0x0  }
0x56: {  	[sflag:s28] =	ssyncadd.s32 $0xFFFFD000  }
0x57: {  	[spmem:s2] =	stream.indirect.scatter.add.f32 [tilespmem:s25], [sflag:$0x8], $0x20, s20, s22, $0xb8;
	[tilespmem:$0x1EC00] =	vst v63  }
0x58: {  	_ =	swait.ge [sflag:s30], $0x3000  }
0x59: {  	[sflag:s30] =	ssyncset.done $0x0  }
0x5a: {  	[sflag:s30] =	ssyncadd.s32 $0xFFFFD000  }
0x5b: {  	_ =	swait.ge [sflag:s0], $0x3000  }
0x5c: {  	[sflag:s0] =	ssyncset.done $0x0  }
0x5d: {  	[sflag:s0] =	ssyncadd.s32 $0xFFFFD000  }
.LBB2_8:
0x5e: {  	[bflag:$0x0] =	sbarrier.arrive $0xFFFF  }
0x5f: {  	s6 =	rddreg [dreg:$0x5]  }
0x60: {  	s5 =	rddreg [dreg:$0x6]  }
0x61: {  	s7 =	rddreg [dreg:$0x8]  }
0x62: {  	[hbm:s5], [sflag:s6] =	dma.local [spmem:s7], $0x3000  }
0x63: {  	_ =	swait.ge [sflag:s12], $0x3000  }
0x64: {  	s1 =	sadd.s32 $0x1, s1;
	s11 =	rddreg [dreg:$0x7]  }
0x65: {  	p1 =	sne.s32 s1, s11  }
.Ltmp1:
0x66: {  	_ = 	snop;
	(pc) =	sbr.rel @!p1 .LBB2_9-.Ltmp1, $3  }
0x67: {  	_ =	sdelay $0x1  }
0x68: {  	[sflag:s12] =	ssyncset.done $0x0  }
0x69: {  	[sflag:s12] =	ssyncadd.s32 $0xFFFFD000  }
.LBB2_1:
0x6a: {  	s5 =	rddreg [dreg:$0x4]  }
0x6b: {  	[spmem:s7], [sflag:s6] =	dma.local [hbm:s5], $0x3000  }
.Ltmp2:
0x6c: {  	_ =	swait.ge [sflag:s12], $0x3000;
	(pc) =	sbr.rel @!p0 .LBB2_2-.Ltmp2, $4  }
0x6d: {  	[sflag:s12] =	ssyncset.done $0x0  }
0x6e: {  	[sflag:s12] =	ssyncadd.s32 $0xFFFFD000  }
0x6f: {  	[bflag:$0x0] =	sbarrier.arrive $0xFFFF  }
0x70: {  	s5 =	sadd.s32 $0x0, s9  }
0x71: {  	s6 =	sadd.s32 $0xC000, s5;
	s7 =	sadd.s32 $0x0, s10  }
0x72: {  	[tilespmem:s13], [sflag:$0x1] =	stream.linear.gather [hbm4b:s6+s3], $0x180, $0x38;
	[tilespmem:$0x1EC00] =	vst v63  }
0x73: {  	s11 =	sadd.s32 $0xC000, s7  }
0x74: {  	[tilespmem:s14], [sflag:$0x1] =	stream.linear.gather [hbm4b:s11+s3], $0x180, $0x38;
	[tilespmem:$0x1EC00] =	vst v63  }
0x75: {  	s8 =	sadd.s32 $0xC030, s5  }
0x76: {  	[tilespmem:s15], [sflag:$0x2] =	stream.linear.gather [hbm4b:s8+s3], $0x180, $0x38;
	[tilespmem:$0x1EC00] =	vst v63  }
0x77: {  	s11 =	sadd.s32 $0xC030, s7  }
0x78: {  	[tilespmem:s16], [sflag:$0x2] =	stream.linear.gather [hbm4b:s11+s3], $0x180, $0x38;
	[tilespmem:$0x1EC00] =	vst v63  }
0x79: {  	s8 =	sadd.s32 $0xC060, s5  }
0x7a: {  	[tilespmem:s17], [sflag:$0x3] =	stream.linear.gather [hbm4b:s8+s3], $0x180, $0x38;
	[tilespmem:$0x1EC00] =	vst v63  }
0x7b: {  	s11 =	sadd.s32 $0xC060, s7  }
0x7c: {  	[tilespmem:s18], [sflag:$0x3] =	stream.linear.gather [hbm4b:s11+s3], $0x180, $0x38;
	[tilespmem:$0x1EC00] =	vst v63  }
0x7d: {  	s8 =	sadd.s32 $0xC090, s5  }
0x7e: {  	[tilespmem:s19], [sflag:$0x4] =	stream.linear.gather [hbm4b:s8+s3], $0x180, $0x38;
	[tilespmem:$0x1EC00] =	vst v63  }
0x7f: {  	s11 =	sadd.s32 $0xC090, s7  }
0x80: {  	[tilespmem:s20], [sflag:$0x4] =	stream.linear.gather [hbm4b:s11+s3], $0x180, $0x38;
	[tilespmem:$0x1EC00] =	vst v63  }
0x81: {  	_ =	swait.ge [sflag:s21], $0x180  }
0x82: {  	[sflag:s21] =	ssyncset.done $0x0  }
0x83: {  	[sflag:s21] =	ssyncadd.s32 $0xFFFFFE80  }
0x84: {  	_ =	swait.ge [sflag:s21], $0x180  }
0x85: {  	[sflag:s21] =	ssyncset.done $0x0  }
0x86: {  	[sflag:s21] =	ssyncadd.s32 $0xFFFFFE80  }
0x87: {  	[tilespmem:s23], [sflag:$0x5] =	stream.indirect.gather [hbm4b:s4+s22], $0x20, s13, s22, $0xb8;
	[tilespmem:$0x1EC00] =	vst v63  }
0x88: {  	_ =	swait.ge [sflag:s24], $0x180  }
0x89: {  	[sflag:s24] =	ssyncset.done $0x0  }
0x8a: {  	[sflag:s24] =	ssyncadd.s32 $0xFFFFFE80  }
0x8b: {  	_ =	swait.ge [sflag:s24], $0x180  }
0x8c: {  	[sflag:s24] =	ssyncset.done $0x0  }
0x8d: {  	[sflag:s24] =	ssyncadd.s32 $0xFFFFFE80  }
0x8e: {  	[tilespmem:s25], [sflag:$0x6] =	stream.indirect.gather [hbm4b:s4+s22], $0x20, s15, s22, $0xb8;
	[tilespmem:$0x1EC00] =	vst v63  }
0x8f: {  	_ =	swait.ge [sflag:s26], $0x3000  }
0x90: {  	[sflag:s26] =	ssyncset.done $0x0  }
0x91: {  	[sflag:s26] =	ssyncadd.s32 $0xFFFFD000  }
0x92: {  	[spmem:s2] =	stream.indirect.scatter.add.f32 [tilespmem:s23], [sflag:$0x7], $0x20, s14, s22, $0xb8;
	[tilespmem:$0x1EC00] =	vst v63  }
0x93: {  	_ =	swait.ge [sflag:s28], $0x3000  }
0x94: {  	[sflag:s28] =	ssyncset.done $0x0  }
0x95: {  	[sflag:s28] =	ssyncadd.s32 $0xFFFFD000  }
0x96: {  	[spmem:s2] =	stream.indirect.scatter.add.f32 [tilespmem:s25], [sflag:$0x8], $0x20, s16, s22, $0xb8;
	[tilespmem:$0x1EC00] =	vst v63  }
0x97: {  	_ =	swait.ge [sflag:s29], $0x180  }
0x98: {  	[sflag:s29] =	ssyncset.done $0x0  }
0x99: {  	[sflag:s29] =	ssyncadd.s32 $0xFFFFFE80  }
0x9a: {  	_ =	swait.ge [sflag:s29], $0x180  }
0x9b: {  	[sflag:s29] =	ssyncset.done $0x0  }
0x9c: {  	[sflag:s29] =	ssyncadd.s32 $0xFFFFFE80  }
0x9d: {  	_ =	swait.ge [sflag:s30], $0x3000  }
0x9e: {  	[sflag:s30] =	ssyncset.done $0x0  }
0x9f: {  	[sflag:s30] =	ssyncadd.s32 $0xFFFFD000  }
0xa0: {  	[tilespmem:s23], [sflag:$0x5] =	stream.indirect.gather [hbm4b:s4+s22], $0x20, s17, s22, $0xb8;
	[tilespmem:$0x1EC00] =	vst v63  }
0xa1: {  	_ =	swait.ge [sflag:s31], $0x180  }
0xa2: {  	[sflag:s31] =	ssyncset.done $0x0  }
0xa3: {  	[sflag:s31] =	ssyncadd.s32 $0xFFFFFE80  }
0xa4: {  	_ =	swait.ge [sflag:s31], $0x180  }
0xa5: {  	[sflag:s31] =	ssyncset.done $0x0  }
0xa6: {  	[sflag:s31] =	ssyncadd.s32 $0xFFFFFE80  }
0xa7: {  	_ =	swait.ge [sflag:s0], $0x3000  }
0xa8: {  	[sflag:s0] =	ssyncset.done $0x0  }
0xa9: {  	[sflag:s0] =	ssyncadd.s32 $0xFFFFD000  }
0xaa: {  	[tilespmem:s25], [sflag:$0x6] =	stream.indirect.gather [hbm4b:s4+s22], $0x20, s19, s22, $0xb8;
	[tilespmem:$0x1EC00] =	vst v63  }
0xab: {  	_ =	swait.ge [sflag:s26], $0x3000  }
0xac: {  	[sflag:s26] =	ssyncset.done $0x0  }
0xad: {  	[sflag:s26] =	ssyncadd.s32 $0xFFFFD000  }
0xae: {  	[spmem:s2] =	stream.indirect.scatter.add.f32 [tilespmem:s23], [sflag:$0x7], $0x20, s18, s22, $0xb8;
	[tilespmem:$0x1EC00] =	vst v63  }
0xaf: {  	_ =	swait.ge [sflag:s28], $0x3000  }
0xb0: {  	[sflag:s28] =	ssyncset.done $0x0  }
0xb1: {  	[sflag:s28] =	ssyncadd.s32 $0xFFFFD000  }
0xb2: {  	[spmem:s2] =	stream.indirect.scatter.add.f32 [tilespmem:s25], [sflag:$0x8], $0x20, s20, s22, $0xb8;
	[tilespmem:$0x1EC00] =	vst v63  }
0xb3: {  	_ =	swait.ge [sflag:s30], $0x3000  }
0xb4: {  	[sflag:s30] =	ssyncset.done $0x0  }
0xb5: {  	[sflag:s30] =	ssyncadd.s32 $0xFFFFD000  }
0xb6: {  	s5 =	simm.s32 $0xC0;
	_ =	swait.ge [sflag:s0], $0x3000  }
0xb7: {  	s7 =	simm.s32 $0x180;
	s8 =	sadd.s32 $0xC0, s9;
	[sflag:s0] =	ssyncset.done $0x0  }
.LBB2_6:
0xb8: {  	s6 =	sadd.s32 $0xC000, s8  }
0xb9: {  	s11 =	sadd.s32 s5, s10;
	[sflag:s0] =	ssyncadd.s32 $0xFFFFD000;
	s5 =	smov.u32 s7  }
0xba: {  	[tilespmem:s13], [sflag:$0x1] =	stream.linear.gather [hbm4b:s6+s3], $0x180, $0x38;
	[tilespmem:$0x1EC00] =	vst v63  }
0xbb: {  	p1 =	sne.s32 s7, $0xB40;
	s7 =	sadd.s32 $0xC0, s7;
	s6 =	sadd.s32 $0xC000, s11  }
0xbc: {  	[tilespmem:s14], [sflag:$0x1] =	stream.linear.gather [hbm4b:s6+s3], $0x180, $0x38;
	[tilespmem:$0x1EC00] =	vst v63  }
0xbd: {  	s6 =	sadd.s32 $0xC030, s8  }
0xbe: {  	[tilespmem:s15], [sflag:$0x2] =	stream.linear.gather [hbm4b:s6+s3], $0x180, $0x38;
	[tilespmem:$0x1EC00] =	vst v63  }
0xbf: {  	s6 =	sadd.s32 $0xC030, s11  }
0xc0: {  	[tilespmem:s16], [sflag:$0x2] =	stream.linear.gather [hbm4b:s6+s3], $0x180, $0x38;
	[tilespmem:$0x1EC00] =	vst v63  }
0xc1: {  	s6 =	sadd.s32 $0xC060, s8  }
0xc2: {  	[tilespmem:s17], [sflag:$0x3] =	stream.linear.gather [hbm4b:s6+s3], $0x180, $0x38;
	[tilespmem:$0x1EC00] =	vst v63  }
0xc3: {  	s6 =	sadd.s32 $0xC060, s11  }
0xc4: {  	[tilespmem:s18], [sflag:$0x3] =	stream.linear.gather [hbm4b:s6+s3], $0x180, $0x38;
	[tilespmem:$0x1EC00] =	vst v63  }
0xc5: {  	s6 =	sadd.s32 $0xC090, s8  }
0xc6: {  	[tilespmem:s19], [sflag:$0x4] =	stream.linear.gather [hbm4b:s6+s3], $0x180, $0x38;
	[tilespmem:$0x1EC00] =	vst v63  }
0xc7: {  	s6 =	sadd.s32 $0xC090, s11  }
0xc8: {  	[tilespmem:s20], [sflag:$0x4] =	stream.linear.gather [hbm4b:s6+s3], $0x180, $0x38;
	[tilespmem:$0x1EC00] =	vst v63  }
0xc9: {  	_ =	swait.ge [sflag:s21], $0x180  }
0xca: {  	[sflag:s21] =	ssyncset.done $0x0  }
0xcb: {  	[sflag:s21] =	ssyncadd.s32 $0xFFFFFE80  }
0xcc: {  	_ =	swait.ge [sflag:s21], $0x180  }
0xcd: {  	[sflag:s21] =	ssyncset.done $0x0  }
0xce: {  	[sflag:s21] =	ssyncadd.s32 $0xFFFFFE80  }
0xcf: {  	[tilespmem:s23], [sflag:$0x5] =	stream.indirect.gather [hbm4b:s4+s22], $0x20, s13, s22, $0xb8;
	[tilespmem:$0x1EC00] =	vst v63  }
0xd0: {  	_ =	swait.ge [sflag:s24], $0x180  }
0xd1: {  	[sflag:s24] =	ssyncset.done $0x0  }
0xd2: {  	[sflag:s24] =	ssyncadd.s32 $0xFFFFFE80  }
0xd3: {  	_ =	swait.ge [sflag:s24], $0x180  }
0xd4: {  	[sflag:s24] =	ssyncset.done $0x0  }
0xd5: {  	[sflag:s24] =	ssyncadd.s32 $0xFFFFFE80  }
0xd6: {  	[tilespmem:s25], [sflag:$0x6] =	stream.indirect.gather [hbm4b:s4+s22], $0x20, s15, s22, $0xb8;
	[tilespmem:$0x1EC00] =	vst v63  }
0xd7: {  	_ =	swait.ge [sflag:s26], $0x3000  }
0xd8: {  	[sflag:s26] =	ssyncset.done $0x0  }
0xd9: {  	[sflag:s26] =	ssyncadd.s32 $0xFFFFD000  }
0xda: {  	[spmem:s2] =	stream.indirect.scatter.add.f32 [tilespmem:s23], [sflag:$0x7], $0x20, s14, s22, $0xb8;
	[tilespmem:$0x1EC00] =	vst v63  }
0xdb: {  	_ =	swait.ge [sflag:s28], $0x3000  }
0xdc: {  	[sflag:s28] =	ssyncset.done $0x0  }
0xdd: {  	[sflag:s28] =	ssyncadd.s32 $0xFFFFD000  }
0xde: {  	[spmem:s2] =	stream.indirect.scatter.add.f32 [tilespmem:s25], [sflag:$0x8], $0x20, s16, s22, $0xb8;
	[tilespmem:$0x1EC00] =	vst v63  }
0xdf: {  	_ =	swait.ge [sflag:s29], $0x180  }
0xe0: {  	[sflag:s29] =	ssyncset.done $0x0  }
0xe1: {  	[sflag:s29] =	ssyncadd.s32 $0xFFFFFE80  }
0xe2: {  	_ =	swait.ge [sflag:s29], $0x180  }
0xe3: {  	[sflag:s29] =	ssyncset.done $0x0  }
0xe4: {  	[sflag:s29] =	ssyncadd.s32 $0xFFFFFE80  }
0xe5: {  	_ =	swait.ge [sflag:s30], $0x3000  }
0xe6: {  	[sflag:s30] =	ssyncset.done $0x0  }
0xe7: {  	[sflag:s30] =	ssyncadd.s32 $0xFFFFD000  }
0xe8: {  	[tilespmem:s23], [sflag:$0x5] =	stream.indirect.gather [hbm4b:s4+s22], $0x20, s17, s22, $0xb8;
	[tilespmem:$0x1EC00] =	vst v63  }
0xe9: {  	_ =	swait.ge [sflag:s31], $0x180  }
0xea: {  	[sflag:s31] =	ssyncset.done $0x0  }
0xeb: {  	[sflag:s31] =	ssyncadd.s32 $0xFFFFFE80  }
0xec: {  	_ =	swait.ge [sflag:s31], $0x180  }
0xed: {  	[sflag:s31] =	ssyncset.done $0x0  }
0xee: {  	[sflag:s31] =	ssyncadd.s32 $0xFFFFFE80  }
0xef: {  	_ =	swait.ge [sflag:s0], $0x3000  }
0xf0: {  	[sflag:s0] =	ssyncset.done $0x0  }
0xf1: {  	[sflag:s0] =	ssyncadd.s32 $0xFFFFD000  }
0xf2: {  	[tilespmem:s25], [sflag:$0x6] =	stream.indirect.gather [hbm4b:s4+s22], $0x20, s19, s22, $0xb8;
	[tilespmem:$0x1EC00] =	vst v63  }
0xf3: {  	_ =	swait.ge [sflag:s26], $0x3000  }
0xf4: {  	[sflag:s26] =	ssyncset.done $0x0  }
0xf5: {  	[sflag:s26] =	ssyncadd.s32 $0xFFFFD000  }
0xf6: {  	[spmem:s2] =	stream.indirect.scatter.add.f32 [tilespmem:s23], [sflag:$0x7], $0x20, s18, s22, $0xb8;
	[tilespmem:$0x1EC00] =	vst v63  }
0xf7: {  	_ =	swait.ge [sflag:s28], $0x3000  }
0xf8: {  	[sflag:s28] =	ssyncset.done $0x0  }
0xf9: {  	[sflag:s28] =	ssyncadd.s32 $0xFFFFD000  }
0xfa: {  	[spmem:s2] =	stream.indirect.scatter.add.f32 [tilespmem:s25], [sflag:$0x8], $0x20, s20, s22, $0xb8;
	[tilespmem:$0x1EC00] =	vst v63  }
.Ltmp3:
0xfb: {  	_ =	swait.ge [sflag:s30], $0x3000;
	(pc) =	sbr.rel @p1 .LBB2_6-.Ltmp3, $4  }
0xfc: {  	[sflag:s30] =	ssyncset.done $0x0  }
0xfd: {  	[sflag:s30] =	ssyncadd.s32 $0xFFFFD000  }
0xfe: {  	_ =	swait.ge [sflag:s0], $0x3000  }
0xff: {  	s8 =	sadd.s32 s5, s9;
	[sflag:s0] =	ssyncset.done $0x0  }
.Ltmp4:
0x100: {  	_ = 	snop;
	(pc) =	sbr.rel .LBB2_7-.Ltmp4, $1  }
0x101: {  	_ =	sdelay $0x3  }
.LBB2_2:
0x102: {  	[tilespmem:s13], [sflag:$0x1] =	stream.linear.gather [hbm4b:s5+s3], $0x180, $0x38;
	[tilespmem:$0x1EC00] =	vst v63  }
0x103: {  	s7 =	sadd.s32 $0x0, s10  }
0x104: {  	[tilespmem:s14], [sflag:$0x1] =	stream.linear.gather [hbm4b:s7+s3], $0x180, $0x38;
	[tilespmem:$0x1EC00] =	vst v63  }
0x105: {  	s8 =	sadd.s32 $0x30, s5  }
0x106: {  	[tilespmem:s15], [sflag:$0x2] =	stream.linear.gather [hbm4b:s8+s3], $0x180, $0x38;
	[tilespmem:$0x1EC00] =	vst v63  }
0x107: {  	s6 =	sadd.s32 $0x30, s7  }
0x108: {  	[tilespmem:s16], [sflag:$0x2] =	stream.linear.gather [hbm4b:s6+s3], $0x180, $0x38;
	[tilespmem:$0x1EC00] =	vst v63  }
0x109: {  	s11 =	sadd.s32 $0x60, s5  }
0x10a: {  	[tilespmem:s17], [sflag:$0x3] =	stream.linear.gather [hbm4b:s11+s3], $0x180, $0x38;
	[tilespmem:$0x1EC00] =	vst v63  }
0x10b: {  	s6 =	sadd.s32 $0x60, s7  }
0x10c: {  	[tilespmem:s18], [sflag:$0x3] =	stream.linear.gather [hbm4b:s6+s3], $0x180, $0x38;
	[tilespmem:$0x1EC00] =	vst v63  }
0x10d: {  	s8 =	sadd.s32 $0x90, s5  }
0x10e: {  	[tilespmem:s19], [sflag:$0x4] =	stream.linear.gather [hbm4b:s8+s3], $0x180, $0x38;
	[tilespmem:$0x1EC00] =	vst v63  }
0x10f: {  	s11 =	sadd.s32 $0x90, s7  }
0x110: {  	[tilespmem:s20], [sflag:$0x4] =	stream.linear.gather [hbm4b:s11+s3], $0x180, $0x38;
	[tilespmem:$0x1EC00] =	vst v63  }
0x111: {  	_ =	swait.ge [sflag:s21], $0x180  }
0x112: {  	[sflag:s21] =	ssyncset.done $0x0  }
0x113: {  	[sflag:s21] =	ssyncadd.s32 $0xFFFFFE80  }
0x114: {  	_ =	swait.ge [sflag:s21], $0x180  }
0x115: {  	[sflag:s21] =	ssyncset.done $0x0  }
0x116: {  	[sflag:s21] =	ssyncadd.s32 $0xFFFFFE80  }
0x117: {  	[tilespmem:s23], [sflag:$0x5] =	stream.indirect.gather [hbm4b:s4+s22], $0x20, s13, s22, $0xb8;
	[tilespmem:$0x1EC00] =	vst v63  }
0x118: {  	_ =	swait.ge [sflag:s24], $0x180  }
0x119: {  	[sflag:s24] =	ssyncset.done $0x0  }
0x11a: {  	[sflag:s24] =	ssyncadd.s32 $0xFFFFFE80  }
0x11b: {  	_ =	swait.ge [sflag:s24], $0x180  }
0x11c: {  	[sflag:s24] =	ssyncset.done $0x0  }
0x11d: {  	[sflag:s24] =	ssyncadd.s32 $0xFFFFFE80  }
0x11e: {  	[tilespmem:s25], [sflag:$0x6] =	stream.indirect.gather [hbm4b:s4+s22], $0x20, s15, s22, $0xb8;
	[tilespmem:$0x1EC00] =	vst v63  }
0x11f: {  	_ =	swait.ge [sflag:s26], $0x3000  }
0x120: {  	[sflag:s26] =	ssyncset.done $0x0  }
0x121: {  	[sflag:s26] =	ssyncadd.s32 $0xFFFFD000  }
0x122: {  	[spmem:s2] =	stream.indirect.scatter.add.f32 [tilespmem:s23], [sflag:$0x7], $0x20, s14, s22, $0xb8;
	[tilespmem:$0x1EC00] =	vst v63  }
0x123: {  	_ =	swait.ge [sflag:s28], $0x3000  }
0x124: {  	[sflag:s28] =	ssyncset.done $0x0  }
0x125: {  	[sflag:s28] =	ssyncadd.s32 $0xFFFFD000  }
0x126: {  	[spmem:s2] =	stream.indirect.scatter.add.f32 [tilespmem:s25], [sflag:$0x8], $0x20, s16, s22, $0xb8;
	[tilespmem:$0x1EC00] =	vst v63  }
0x127: {  	_ =	swait.ge [sflag:s29], $0x180  }
0x128: {  	[sflag:s29] =	ssyncset.done $0x0  }
0x129: {  	[sflag:s29] =	ssyncadd.s32 $0xFFFFFE80  }
0x12a: {  	_ =	swait.ge [sflag:s29], $0x180  }
0x12b: {  	[sflag:s29] =	ssyncset.done $0x0  }
0x12c: {  	[sflag:s29] =	ssyncadd.s32 $0xFFFFFE80  }
0x12d: {  	_ =	swait.ge [sflag:s30], $0x3000  }
0x12e: {  	[sflag:s30] =	ssyncset.done $0x0  }
0x12f: {  	[sflag:s30] =	ssyncadd.s32 $0xFFFFD000  }
0x130: {  	[tilespmem:s23], [sflag:$0x5] =	stream.indirect.gather [hbm4b:s4+s22], $0x20, s17, s22, $0xb8;
	[tilespmem:$0x1EC00] =	vst v63  }
0x131: {  	_ =	swait.ge [sflag:s31], $0x180  }
0x132: {  	[sflag:s31] =	ssyncset.done $0x0  }
0x133: {  	[sflag:s31] =	ssyncadd.s32 $0xFFFFFE80  }
0x134: {  	_ =	swait.ge [sflag:s31], $0x180  }
0x135: {  	[sflag:s31] =	ssyncset.done $0x0  }
0x136: {  	[sflag:s31] =	ssyncadd.s32 $0xFFFFFE80  }
0x137: {  	_ =	swait.ge [sflag:s0], $0x3000  }
0x138: {  	[sflag:s0] =	ssyncset.done $0x0  }
0x139: {  	[sflag:s0] =	ssyncadd.s32 $0xFFFFD000  }
0x13a: {  	[tilespmem:s25], [sflag:$0x6] =	stream.indirect.gather [hbm4b:s4+s22], $0x20, s19, s22, $0xb8;
	[tilespmem:$0x1EC00] =	vst v63  }
0x13b: {  	_ =	swait.ge [sflag:s26], $0x3000  }
0x13c: {  	[sflag:s26] =	ssyncset.done $0x0  }
0x13d: {  	[sflag:s26] =	ssyncadd.s32 $0xFFFFD000  }
0x13e: {  	[spmem:s2] =	stream.indirect.scatter.add.f32 [tilespmem:s23], [sflag:$0x7], $0x20, s18, s22, $0xb8;
	[tilespmem:$0x1EC00] =	vst v63  }
0x13f: {  	_ =	swait.ge [sflag:s28], $0x3000  }
0x140: {  	[sflag:s28] =	ssyncset.done $0x0  }
0x141: {  	[sflag:s28] =	ssyncadd.s32 $0xFFFFD000  }
0x142: {  	[spmem:s2] =	stream.indirect.scatter.add.f32 [tilespmem:s25], [sflag:$0x8], $0x20, s20, s22, $0xb8;
	[tilespmem:$0x1EC00] =	vst v63  }
0x143: {  	_ =	swait.ge [sflag:s30], $0x3000  }
0x144: {  	[sflag:s30] =	ssyncset.done $0x0  }
0x145: {  	[sflag:s30] =	ssyncadd.s32 $0xFFFFD000  }
0x146: {  	_ =	swait.ge [sflag:s0], $0x3000  }
0x147: {  	s5 =	simm.s32 $0xC0;
	s8 =	simm.s32 $0x180;
	[sflag:s0] =	ssyncset.done $0x0  }
.LBB2_3:
0x148: {  	s6 =	sadd.s32 s5, s9  }
0x149: {  	[sflag:s0] =	ssyncadd.s32 $0xFFFFD000;
	s11 =	smov.u32 s8;
	s7 =	sadd.s32 $0xC0, s8  }
0x14a: {  	[tilespmem:s13], [sflag:$0x1] =	stream.linear.gather [hbm4b:s6+s3], $0x180, $0x38;
	[tilespmem:$0x1EC00] =	vst v63  }
0x14b: {  	p1 =	seq.s32 s8, $0xB40;
	s8 =	sadd.s32 s5, s10;
	s5 =	smov.u32 s11  }
0x14c: {  	[tilespmem:s14], [sflag:$0x1] =	stream.linear.gather [hbm4b:s8+s3], $0x180, $0x38;
	[tilespmem:$0x1EC00] =	vst v63  }
0x14d: {  	s11 =	sadd.s32 $0x30, s6  }
0x14e: {  	[tilespmem:s15], [sflag:$0x2] =	stream.linear.gather [hbm4b:s11+s3], $0x180, $0x38;
	[tilespmem:$0x1EC00] =	vst v63  }
0x14f: {  	s11 =	sadd.s32 $0x30, s8  }
0x150: {  	[tilespmem:s16], [sflag:$0x2] =	stream.linear.gather [hbm4b:s11+s3], $0x180, $0x38;
	[tilespmem:$0x1EC00] =	vst v63  }
0x151: {  	s11 =	sadd.s32 $0x60, s6  }
0x152: {  	[tilespmem:s17], [sflag:$0x3] =	stream.linear.gather [hbm4b:s11+s3], $0x180, $0x38;
	[tilespmem:$0x1EC00] =	vst v63  }
0x153: {  	s11 =	sadd.s32 $0x60, s8  }
0x154: {  	[tilespmem:s18], [sflag:$0x3] =	stream.linear.gather [hbm4b:s11+s3], $0x180, $0x38;
	[tilespmem:$0x1EC00] =	vst v63  }
0x155: {  	s6 =	sadd.s32 $0x90, s6  }
0x156: {  	[tilespmem:s19], [sflag:$0x4] =	stream.linear.gather [hbm4b:s6+s3], $0x180, $0x38;
	[tilespmem:$0x1EC00] =	vst v63  }
0x157: {  	s6 =	sadd.s32 $0x90, s8  }
0x158: {  	[tilespmem:s20], [sflag:$0x4] =	stream.linear.gather [hbm4b:s6+s3], $0x180, $0x38;
	[tilespmem:$0x1EC00] =	vst v63  }
0x159: {  	_ =	swait.ge [sflag:s21], $0x180  }
0x15a: {  	[sflag:s21] =	ssyncset.done $0x0  }
0x15b: {  	[sflag:s21] =	ssyncadd.s32 $0xFFFFFE80  }
0x15c: {  	_ =	swait.ge [sflag:s21], $0x180  }
0x15d: {  	[sflag:s21] =	ssyncset.done $0x0  }
0x15e: {  	[sflag:s21] =	ssyncadd.s32 $0xFFFFFE80  }
0x15f: {  	[tilespmem:s23], [sflag:$0x5] =	stream.indirect.gather [hbm4b:s4+s22], $0x20, s13, s22, $0xb8;
	[tilespmem:$0x1EC00] =	vst v63  }
0x160: {  	_ =	swait.ge [sflag:s24], $0x180  }
0x161: {  	[sflag:s24] =	ssyncset.done $0x0  }
0x162: {  	[sflag:s24] =	ssyncadd.s32 $0xFFFFFE80  }
0x163: {  	_ =	swait.ge [sflag:s24], $0x180  }
0x164: {  	[sflag:s24] =	ssyncset.done $0x0  }
0x165: {  	[sflag:s24] =	ssyncadd.s32 $0xFFFFFE80  }
0x166: {  	[tilespmem:s25], [sflag:$0x6] =	stream.indirect.gather [hbm4b:s4+s22], $0x20, s15, s22, $0xb8;
	[tilespmem:$0x1EC00] =	vst v63  }
0x167: {  	_ =	swait.ge [sflag:s26], $0x3000  }
0x168: {  	[sflag:s26] =	ssyncset.done $0x0  }
0x169: {  	[sflag:s26] =	ssyncadd.s32 $0xFFFFD000  }
0x16a: {  	[spmem:s2] =	stream.indirect.scatter.add.f32 [tilespmem:s23], [sflag:$0x7], $0x20, s14, s22, $0xb8;
	[tilespmem:$0x1EC00] =	vst v63  }
0x16b: {  	_ =	swait.ge [sflag:s28], $0x3000  }
0x16c: {  	[sflag:s28] =	ssyncset.done $0x0  }
0x16d: {  	[sflag:s28] =	ssyncadd.s32 $0xFFFFD000  }
0x16e: {  	[spmem:s2] =	stream.indirect.scatter.add.f32 [tilespmem:s25], [sflag:$0x8], $0x20, s16, s22, $0xb8;
	[tilespmem:$0x1EC00] =	vst v63  }
0x16f: {  	_ =	swait.ge [sflag:s29], $0x180  }
0x170: {  	[sflag:s29] =	ssyncset.done $0x0  }
0x171: {  	[sflag:s29] =	ssyncadd.s32 $0xFFFFFE80  }
0x172: {  	_ =	swait.ge [sflag:s29], $0x180  }
0x173: {  	[sflag:s29] =	ssyncset.done $0x0  }
0x174: {  	[sflag:s29] =	ssyncadd.s32 $0xFFFFFE80  }
0x175: {  	_ =	swait.ge [sflag:s30], $0x3000  }
0x176: {  	[sflag:s30] =	ssyncset.done $0x0  }
0x177: {  	[sflag:s30] =	ssyncadd.s32 $0xFFFFD000  }
0x178: {  	[tilespmem:s23], [sflag:$0x5] =	stream.indirect.gather [hbm4b:s4+s22], $0x20, s17, s22, $0xb8;
	[tilespmem:$0x1EC00] =	vst v63  }
0x179: {  	_ =	swait.ge [sflag:s31], $0x180  }
0x17a: {  	[sflag:s31] =	ssyncset.done $0x0  }
0x17b: {  	[sflag:s31] =	ssyncadd.s32 $0xFFFFFE80  }
0x17c: {  	_ =	swait.ge [sflag:s31], $0x180  }
0x17d: {  	[sflag:s31] =	ssyncset.done $0x0  }
0x17e: {  	[sflag:s31] =	ssyncadd.s32 $0xFFFFFE80  }
0x17f: {  	_ =	swait.ge [sflag:s0], $0x3000  }
0x180: {  	[sflag:s0] =	ssyncset.done $0x0  }
0x181: {  	[sflag:s0] =	ssyncadd.s32 $0xFFFFD000  }
0x182: {  	[tilespmem:s25], [sflag:$0x6] =	stream.indirect.gather [hbm4b:s4+s22], $0x20, s19, s22, $0xb8;
	[tilespmem:$0x1EC00] =	vst v63  }
0x183: {  	_ =	swait.ge [sflag:s26], $0x3000  }
0x184: {  	[sflag:s26] =	ssyncset.done $0x0  }
0x185: {  	[sflag:s26] =	ssyncadd.s32 $0xFFFFD000  }
0x186: {  	[spmem:s2] =	stream.indirect.scatter.add.f32 [tilespmem:s23], [sflag:$0x7], $0x20, s18, s22, $0xb8;
	[tilespmem:$0x1EC00] =	vst v63  }
0x187: {  	_ =	swait.ge [sflag:s28], $0x3000  }
0x188: {  	[sflag:s28] =	ssyncset.done $0x0  }
0x189: {  	[sflag:s28] =	ssyncadd.s32 $0xFFFFD000  }
0x18a: {  	[spmem:s2] =	stream.indirect.scatter.add.f32 [tilespmem:s25], [sflag:$0x8], $0x20, s20, s22, $0xb8;
	[tilespmem:$0x1EC00] =	vst v63  }
.Ltmp5:
0x18b: {  	_ =	swait.ge [sflag:s30], $0x3000;
	(pc) =	sbr.rel @!p1 .LBB2_3-.Ltmp5, $4  }
0x18c: {  	[sflag:s30] =	ssyncset.done $0x0  }
0x18d: {  	[sflag:s30] =	ssyncadd.s32 $0xFFFFD000  }
0x18e: {  	_ =	swait.ge [sflag:s0], $0x3000  }
0x18f: {  	s8 =	smov.u32 s7;
	[sflag:s0] =	ssyncset.done $0x0  }
0x190: {  	s6 =	sadd.s32 s5, s9;
	[sflag:s0] =	ssyncadd.s32 $0xFFFFD000  }
0x191: {  	[tilespmem:s13], [sflag:$0x1] =	stream.linear.gather [hbm4b:s6+s3], $0x180, $0x38;
	[tilespmem:$0x1EC00] =	vst v63  }
0x192: {  	s5 =	sadd.s32 s5, s10  }
0x193: {  	[tilespmem:s14], [sflag:$0x1] =	stream.linear.gather [hbm4b:s5+s3], $0x180, $0x38;
	[tilespmem:$0x1EC00] =	vst v63  }
0x194: {  	s7 =	sadd.s32 $0x30, s6  }
0x195: {  	[tilespmem:s15], [sflag:$0x2] =	stream.linear.gather [hbm4b:s7+s3], $0x180, $0x38;
	[tilespmem:$0x1EC00] =	vst v63  }
0x196: {  	s11 =	sadd.s32 $0x30, s5  }
0x197: {  	[tilespmem:s16], [sflag:$0x2] =	stream.linear.gather [hbm4b:s11+s3], $0x180, $0x38;
	[tilespmem:$0x1EC00] =	vst v63  }
0x198: {  	s8 =	sadd.s32 $0x60, s6  }
0x199: {  	[tilespmem:s17], [sflag:$0x3] =	stream.linear.gather [hbm4b:s8+s3], $0x180, $0x38;
	[tilespmem:$0x1EC00] =	vst v63  }
0x19a: {  	s11 =	sadd.s32 $0x60, s5  }
0x19b: {  	[tilespmem:s18], [sflag:$0x3] =	stream.linear.gather [hbm4b:s11+s3], $0x180, $0x38;
	[tilespmem:$0x1EC00] =	vst v63  }
0x19c: {  	s6 =	sadd.s32 $0x90, s6  }
0x19d: {  	[tilespmem:s19], [sflag:$0x4] =	stream.linear.gather [hbm4b:s6+s3], $0x180, $0x38;
	[tilespmem:$0x1EC00] =	vst v63  }
0x19e: {  	s5 =	sadd.s32 $0x90, s5  }
0x19f: {  	[tilespmem:s20], [sflag:$0x4] =	stream.linear.gather [hbm4b:s5+s3], $0x180, $0x38;
	[tilespmem:$0x1EC00] =	vst v63  }
0x1a0: {  	_ =	swait.ge [sflag:s21], $0x180  }
0x1a1: {  	[sflag:s21] =	ssyncset.done $0x0  }
0x1a2: {  	[sflag:s21] =	ssyncadd.s32 $0xFFFFFE80  }
0x1a3: {  	_ =	swait.ge [sflag:s21], $0x180  }
0x1a4: {  	[sflag:s21] =	ssyncset.done $0x0  }
0x1a5: {  	[sflag:s21] =	ssyncadd.s32 $0xFFFFFE80  }
0x1a6: {  	[tilespmem:s23], [sflag:$0x5] =	stream.indirect.gather [hbm4b:s4+s22], $0x20, s13, s22, $0xb8;
	[tilespmem:$0x1EC00] =	vst v63  }
0x1a7: {  	_ =	swait.ge [sflag:s24], $0x180  }
0x1a8: {  	[sflag:s24] =	ssyncset.done $0x0  }
0x1a9: {  	[sflag:s24] =	ssyncadd.s32 $0xFFFFFE80  }
0x1aa: {  	_ =	swait.ge [sflag:s24], $0x180  }
0x1ab: {  	[sflag:s24] =	ssyncset.done $0x0  }
0x1ac: {  	[sflag:s24] =	ssyncadd.s32 $0xFFFFFE80  }
0x1ad: {  	[tilespmem:s25], [sflag:$0x6] =	stream.indirect.gather [hbm4b:s4+s22], $0x20, s15, s22, $0xb8;
	[tilespmem:$0x1EC00] =	vst v63  }
0x1ae: {  	_ =	swait.ge [sflag:s26], $0x3000  }
0x1af: {  	[sflag:s26] =	ssyncset.done $0x0  }
0x1b0: {  	[sflag:s26] =	ssyncadd.s32 $0xFFFFD000  }
0x1b1: {  	[spmem:s2] =	stream.indirect.scatter.add.f32 [tilespmem:s23], [sflag:$0x7], $0x20, s14, s22, $0xb8;
	[tilespmem:$0x1EC00] =	vst v63  }
0x1b2: {  	_ =	swait.ge [sflag:s28], $0x3000  }
0x1b3: {  	[sflag:s28] =	ssyncset.done $0x0  }
0x1b4: {  	[sflag:s28] =	ssyncadd.s32 $0xFFFFD000  }
0x1b5: {  	[spmem:s2] =	stream.indirect.scatter.add.f32 [tilespmem:s25], [sflag:$0x8], $0x20, s16, s22, $0xb8;
	[tilespmem:$0x1EC00] =	vst v63  }
0x1b6: {  	_ =	swait.ge [sflag:s29], $0x180  }
0x1b7: {  	[sflag:s29] =	ssyncset.done $0x0  }
0x1b8: {  	[sflag:s29] =	ssyncadd.s32 $0xFFFFFE80  }
0x1b9: {  	_ =	swait.ge [sflag:s29], $0x180  }
0x1ba: {  	[sflag:s29] =	ssyncset.done $0x0  }
0x1bb: {  	[sflag:s29] =	ssyncadd.s32 $0xFFFFFE80  }
0x1bc: {  	_ =	swait.ge [sflag:s30], $0x3000  }
0x1bd: {  	[sflag:s30] =	ssyncset.done $0x0  }
0x1be: {  	[sflag:s30] =	ssyncadd.s32 $0xFFFFD000  }
0x1bf: {  	[tilespmem:s23], [sflag:$0x5] =	stream.indirect.gather [hbm4b:s4+s22], $0x20, s17, s22, $0xb8;
	[tilespmem:$0x1EC00] =	vst v63  }
0x1c0: {  	_ =	swait.ge [sflag:s31], $0x180  }
0x1c1: {  	[sflag:s31] =	ssyncset.done $0x0  }
0x1c2: {  	[sflag:s31] =	ssyncadd.s32 $0xFFFFFE80  }
0x1c3: {  	_ =	swait.ge [sflag:s31], $0x180  }
0x1c4: {  	[sflag:s31] =	ssyncset.done $0x0  }
0x1c5: {  	[sflag:s31] =	ssyncadd.s32 $0xFFFFFE80  }
0x1c6: {  	_ =	swait.ge [sflag:s0], $0x3000  }
0x1c7: {  	[sflag:s0] =	ssyncset.done $0x0  }
0x1c8: {  	[sflag:s0] =	ssyncadd.s32 $0xFFFFD000  }
0x1c9: {  	[tilespmem:s25], [sflag:$0x6] =	stream.indirect.gather [hbm4b:s4+s22], $0x20, s19, s22, $0xb8;
	[tilespmem:$0x1EC00] =	vst v63  }
0x1ca: {  	_ =	swait.ge [sflag:s26], $0x3000  }
0x1cb: {  	[sflag:s26] =	ssyncset.done $0x0  }
0x1cc: {  	[sflag:s26] =	ssyncadd.s32 $0xFFFFD000  }
0x1cd: {  	[spmem:s2] =	stream.indirect.scatter.add.f32 [tilespmem:s23], [sflag:$0x7], $0x20, s18, s22, $0xb8;
	[tilespmem:$0x1EC00] =	vst v63  }
0x1ce: {  	_ =	swait.ge [sflag:s28], $0x3000  }
0x1cf: {  	[sflag:s28] =	ssyncset.done $0x0  }
0x1d0: {  	[sflag:s28] =	ssyncadd.s32 $0xFFFFD000  }
0x1d1: {  	[spmem:s2] =	stream.indirect.scatter.add.f32 [tilespmem:s25], [sflag:$0x8], $0x20, s20, s22, $0xb8;
	[tilespmem:$0x1EC00] =	vst v63  }
0x1d2: {  	_ =	swait.ge [sflag:s30], $0x3000  }
.Ltmp6:
0x1d3: {  	[sflag:s30] =	ssyncset.done $0x0;
	(pc) =	sbr.rel .LBB2_8-.Ltmp6, $4  }
0x1d4: {  	[sflag:s30] =	ssyncadd.s32 $0xFFFFD000  }
0x1d5: {  	_ =	swait.ge [sflag:s0], $0x3000  }
0x1d6: {  	[sflag:s0] =	ssyncset.done $0x0  }
0x1d7: {  	[sflag:s0] =	ssyncadd.s32 $0xFFFFD000  }
.LBB2_9:
0x1d8: {  	_ =	sfence.sel $0x180000  }
0x1d9: {  	[bflag:$0x0] =	sbarrier.arrive $0xFFFF  }
0x1da: {  	_ =	strace $0x90000053  }
0x1db: {  	s0 =	stileid.u32;
	[bflag:$0x2] =	sbarrier.arrive $0xFFFF  }
0x1dc: {  	p0 =	sne.s32 s0, $0x0;
	s0 =	rddreg [dreg:$0x3]  }
0x1dd: {  	s0 =	sadd.s32 @!p0 $0x100000, s0  }
0x1de: {  	[sflag:s0] =	ssyncadd.tile.s32 @!p0 $0x1;
	_ =	shalt  }
.Lfunc_end2:
_tile_overlayer_lowered:
.L_overlay_start_2:
0x1df: {  	(tag) =	ssettag $0x2  }
0x1e0: {  	s0 =	rddreg [dreg:$0x0];
	s2 =	stileid.u32  }
0x1e1: {  	s1 =	rddreg [dreg:$0x1];
	p0 =	sne.s32 s2, $0x0  }
0x1e2: {  	s3 =	rddreg [dreg:$0x2];
	[bflag:$0x3] =	sbarrier.arrive $0xFFFF;
	s2 =	simm.s32 @!p0 $0x1C09  }
0x1e3: {  	[timem:s3], [sflag:s2] =	dma.local @!p0 [hbm:s0], s1  }
0x1e4: {  	s0 =	simm.s32 @!p0 $0x9  }
0x1e5: {  	_ =	swait.ge @!p0 [sflag:s0], s1  }
0x1e6: {  	s1 =	ssub.s32 @!p0 $0x0, s1;
	[sflag:s0] =	ssyncset.done @!p0 $0x0  }
0x1e7: {  	[sflag:s0] =	ssyncadd.s32 @!p0 s1  }
0x1e8: {  	[bflag:$0x3] =	sbarrier.arrive $0xFFFF  }
0x1e9: {  	_ =	shalt  }

// kernel: kernel.31.cloned.1.call-start
scs
__scs_entry_jumppad:
0x0: {  	(pc) =	sbr.rel $0x88, $3  }
0x1: {  	(tag) =	ssettag $0x0;
	lr =	simm.s32 $0x1  }
0x2: {  	[smem:$0x3F88] =	sst lr;
	_ =	strace $0xD0000000  }
0x3: {  	_ = 	snop  }
0x4: {  	_ = 	snop  }
0x5: {  	_ = 	snop  }
0x6: {  	_ = 	snop  }
0x7: {  	_ = 	snop  }
__scs_overlays_trampoline_lowered:
0x8: {  	[smem:$0x3F97] =	sst s0  }
0x9: {  	[smem:$0x3F98] =	sst s1  }
0xa: {  	[smem:$0x3F99] =	sst s2  }
0xb: {  	[smem:$0x3F9A] =	sst s3  }
0xc: {  	[smem:$0x3F9B] =	sst s4  }
0xd: {  	[smem:$0x3F9C] =	sst s5  }
0xe: {  	[smem:$0x3F9D] =	sst s6  }
0xf: {  	[smem:$0x3F9E] =	sst s7  }
0x10: {  	[smem:$0x3F9F] =	sst s8  }
0x11: {  	[smem:$0x3FA0] =	sst s9;
	s0 =	simm.s32 @!p0 $0x0  }
0x12: {  	s1 =	sld [smem:$0x3F86];
	s0 =	simm.s32 @p0 $0x1  }
0x13: {  	[smem:$0x3FA1] =	sst s0;
	s0 =	simm.s32 @!p1 $0x0  }
0x14: {  	s2 =	sld [smem:$0x3F85];
	s0 =	simm.s32 @p1 $0x1  }
0x15: {  	[smem:$0x3FA2] =	sst s0;
	s0 =	simm.s32 @!p2 $0x0  }
0x16: {  	s3 =	sld [smem:$0x3FDB];
	s0 =	simm.s32 @p2 $0x1  }
0x17: {  	s4 =	simm.s32 $0x1BF5;
	[smem:$0x3FA4] =	sst s0  }
0x18: {  	s0 =	sld [smem:$0x3F87];
	_ =	swait.ge [sflag:s4], $0x0  }
0x19: {  	s7 =	sld [smem:$0x3F88]  }
0x1a: {  	s8 =	sadd.s32 $0xFFFFE003, lr  }
0x1b: {  	s9 =	sadd.s32 $0xFFFFFEF7, lr;
	s5 =	simm.s32 $0xFFFFFFFF;
	p2 =	slt.u32 s8, $0xFFFFF086  }
0x1c: {  	p1 =	slt.u32 s9, $0xF7A;
	s5 =	simm.s32 @!p2 $0x0  }
0x1d: {  	s5 =	simm.s32 @p1 $0x1;
	p0 =	seq.s32 s7, s2  }
0x1e: {  	s7 =	smul.u32 @!p0 $0xF7A, s2;
	p2 =	seq.s32 @!p0 s5, $0x0  }
0x1f: {  	s9 =	smul.u32 $0xF7A, s1;
	s8 =	simm.s32 @!p0 $0x1BF5;
	p2 =	por !p2, p0  }
0x20: {  	[sflag:s8] =	ssyncset.s32 @!p0 $0xFFFFF086;
	s6 =	sadd.s32 @!p0 s3, s7;
	s7 =	simm.s32 @!p0 $0x108  }
0x21: {  	s3 =	sadd.s32 s3, s9;
	s6 =	sadd.s32 @!p0 $0x88, s6;
	s7 =	simm.s32 @p2 $0x1082  }
0x22: {  	[simem:s7], [sflag:s8] =	dma.local @!p0 [hbm:s6], $0xF7A  }
0x23: {  	s9 =	sor.u32 $0xD0000000, s2;
	s6 =	simm.s32 $0x108;
	_ =	swait.ge @!p0 [sflag:s8], $0x0  }
0x24: {  	s3 =	sadd.s32 $0x88, s3;
	s6 =	simm.s32 @!p1 $0x1082;
	[sflag:s4] =	ssyncset.s32 $0xFFFFF086  }
0x25: {  	[simem:s6], [sflag:s4] =	dma.local [hbm:s3], $0xF7A  }
0x26: {  	[smem:$0x3F88] =	sst s1;
	(tag) =	ssettag s2;
	_ =	strace s9  }
0x27: {  	s1 =	sld [smem:$0x3F98]  }
0x28: {  	s2 =	sld [smem:$0x3F99]  }
0x29: {  	s4 =	sld [smem:$0x3F9B]  }
0x2a: {  	p0 =	seq.s32 s5, $0x0;
	s5 =	sld [smem:$0x3F9C]  }
0x2b: {  	s6 =	sld [smem:$0x3F9D]  }
0x2c: {  	s7 =	sld [smem:$0x3F9E]  }
0x2d: {  	s3 =	simm.s32 $0x108;
	s8 =	sld [smem:$0x3F9F]  }
0x2e: {  	s3 =	simm.s32 @!p0 $0x1082;
	s9 =	sld [smem:$0x3FA0]  }
0x2f: {  	lr =	sadd.s32 s0, s3;
	s0 =	sld [smem:$0x3F97]  }
0x30: {  	s3 =	sld [smem:$0x3F9A]  }
0x31: {  	[smem:$0x3FA3] =	sst s10  }
0x32: {  	s10 =	sld [smem:$0x3FA1];
	_ =	sdelay $0x3  }
0x33: {  	p0 =	seq.s32 s10, $0x1;
	s10 =	sld [smem:$0x3FA3];
	_ =	sdelay $0x3  }
0x34: {  	[smem:$0x3FA3] =	sst s10  }
0x35: {  	s10 =	sld [smem:$0x3FA2];
	_ =	sdelay $0x3  }
0x36: {  	p1 =	seq.s32 s10, $0x1;
	s10 =	sld [smem:$0x3FA3];
	_ =	sdelay $0x3  }
0x37: {  	[smem:$0x3FA3] =	sst s10  }
0x38: {  	s10 =	sld [smem:$0x3FA4]  }
0x39: {  	_ = 	snop;
	(pc) =	sbr.ind lr, $3  }
0x3a: {  	_ = 	snop  }
0x3b: {  	_ = 	snop  }
0x3c: {  	p2 =	seq.s32 s10, $0x1;
	s10 =	sld [smem:$0x3FA3]  }
0x3d: {  	_ =	shalt  }
0x3e: {  	_ =	shalt  }
0x3f: {  	_ =	shalt  }
0x40: {  	_ =	shalt  }
0x41: {  	_ =	shalt  }
0x42: {  	_ =	shalt  }
0x43: {  	_ =	shalt  }
0x44: {  	_ =	shalt  }
0x45: {  	_ =	shalt  }
0x46: {  	_ =	shalt  }
0x47: {  	_ =	shalt  }
0x48: {  	_ =	shalt  }
0x49: {  	_ =	shalt  }
0x4a: {  	_ =	shalt  }
0x4b: {  	_ =	shalt  }
0x4c: {  	_ =	shalt  }
0x4d: {  	_ =	shalt  }
0x4e: {  	_ =	shalt  }
0x4f: {  	_ =	shalt  }
0x50: {  	_ =	shalt  }
0x51: {  	_ =	shalt  }
0x52: {  	_ =	shalt  }
0x53: {  	_ =	shalt  }
0x54: {  	_ =	shalt  }
0x55: {  	_ =	shalt  }
0x56: {  	_ =	shalt  }
0x57: {  	_ =	shalt  }
0x58: {  	_ =	shalt  }
0x59: {  	_ =	shalt  }
0x5a: {  	_ =	shalt  }
0x5b: {  	_ =	shalt  }
0x5c: {  	_ =	shalt  }
0x5d: {  	_ =	shalt  }
0x5e: {  	_ =	shalt  }
0x5f: {  	_ =	shalt  }
0x60: {  	_ =	shalt  }
0x61: {  	_ =	shalt  }
0x62: {  	_ =	shalt  }
0x63: {  	_ =	shalt  }
0x64: {  	_ =	shalt  }
0x65: {  	_ =	shalt  }
0x66: {  	_ =	shalt  }
0x67: {  	_ =	shalt  }
0x68: {  	_ =	shalt  }
0x69: {  	_ =	shalt  }
0x6a: {  	_ =	shalt  }
0x6b: {  	_ =	shalt  }
0x6c: {  	_ =	shalt  }
0x6d: {  	_ =	shalt  }
0x6e: {  	_ =	shalt  }
0x6f: {  	_ =	shalt  }
0x70: {  	_ =	shalt  }
0x71: {  	_ =	shalt  }
0x72: {  	_ =	shalt  }
0x73: {  	_ =	shalt  }
0x74: {  	_ =	shalt  }
0x75: {  	_ =	shalt  }
0x76: {  	_ =	shalt  }
0x77: {  	_ =	shalt  }
0x78: {  	_ =	shalt  }
0x79: {  	_ =	shalt  }
0x7a: {  	_ =	shalt  }
0x7b: {  	_ =	shalt  }
0x7c: {  	_ =	shalt  }
0x7d: {  	_ =	shalt  }
0x7e: {  	_ =	shalt  }
0x7f: {  	_ =	shalt  }
0x80: {  	_ =	shalt  }
0x81: {  	_ =	shalt  }
0x82: {  	_ =	shalt  }
0x83: {  	_ =	shalt  }
0x84: {  	_ =	shalt  }
0x85: {  	_ =	shalt  }
0x86: {  	_ =	shalt  }
0x87: {  	_ =	shalt  }
.Lfunc_end0:
.L_simem_size_0:
called_computation.5_lowered:
.L_overlay_start_0:
0x88: {  	s2 =	sld [smem:$0x3FD9]  }
0x89: {  	s3 =	sld [smem:$0x3FFE];
	_ =	sdelay $0x1  }
0x8a: {  	s1 =	srdreg.scid  }
0x8b: {  	s0 =	sand.u32 $0x1, s1  }
0x8c: {  	s14 =	sshll.u32 s0, $0xA;
	s2 =	sadd.s32 s3, s2  }
0x8d: {  	s2 =	sadd.s32 s2, s14  }
0x8e: {  	[smem:$0x3FAF] =	sst s2  }
0x8f: {  	_ = 	snop  }
0x90: {  	s2 =	sld [smem:$0x3FD0];
	_ =	sdelay $0x2  }
0x91: {  	s15 =	simm.s32 $0xB;
	s4 =	simm.s32 $0x10  }
0x92: {  	[smem:s4], [sflag:s15] =	dma.local [hbm:s2], $0x1  }
0x93: {  	_ =	swait.eq [sflag:s15], $0x1  }
0x94: {  	[sflag:s15] =	ssyncset.done $0x0  }
0x95: {  	[sflag:s15] =	ssyncadd.s32 $0xFFFFFFFF  }
0x96: {  	s16 =	sld [smem:$0x11];
	(tm) =	ssettm $0x1  }
0x97: {  	s17 =	sld [smem:$0x3FFB];
	_ =	sdelay $0x3  }
0x98: {  	_ =	strace s17  }
0x99: {  	s3 =	sld [smem:$0x3FFC];
	_ =	sdelay $0x3  }
0x9a: {  	_ =	strace s3  }
0x9b: {  	s3 =	sld [smem:$0x3FFD];
	_ =	sdelay $0x3  }
0x9c: {  	_ =	strace s3  }
0x9d: {  	_ =	strace $0x8FFFFFFF  }
0x9e: {  	s18 =	sld [smem:$0x3FDB];
	_ =	sdelay $0x1  }
0x9f: {  	s19 =	simm.s32 $_scs_section_size  }
0xa0: {  	s5 =	simm.s32 $_size__tile_overlayer_lowered;
	s6 =	simm.s32 $_tile_overlayer_lowered  }
0xa1: {  	s22 =	simm.s32 $0x1BFF;
	s21 =	sshll.u32 s6, $0x1;
	s3 =	sadd.s32 s19, s18  }
0xa2: {  	s7 =	simm.s32 $0x0;
	s20 =	sshll.u32 s5, $0x1;
	s5 =	sadd.s32 s21, s3  }
0xa3: {  	[timem:s7], [sflag:s22] =	dma.local [hbm:s5], s20  }
0xa4: {  	_ =	swait.ge [sflag:s22], s20  }
0xa5: {  	s4 =	ssub.s32 $0x0, s20;
	[sflag:s22] =	ssyncset.done $0x0  }
0xa6: {  	[sflag:s22] =	ssyncadd.s32 s4;
	_ =	sdelay $0x1  }
0xa7: {  	s23 =	simm.s32 $0x1B8B  }
0xa8: {  	_ =	swait.ge [sflag:s23], $0x1  }
0xa9: {  	[sflag:s23] =	ssyncset.done $0x0  }
0xaa: {  	s25 =	simm.s32 $0x1B8E;
	s24 =	sld [smem:$0x3FFE];
	[sflag:s23] =	ssyncadd.s32 $0xFFFFFFFF  }
0xab: {  	s26 =	simm.s32 $execute0_lowered;
	[smem:$0x3FD2] =	sst s25  }
0xac: {  	s5 =	sshll.u32 s26, $0x1;
	_ =	strace $0x80000055;
	[dreg:$0x1] =	wrdreg $0xFFFFFFFF  }
0xad: {  	s28 =	simm.s32 $_size_execute0_lowered;
	s3 =	sadd.s32 s3, s5;
	[dreg:$0x0] =	wrdreg $0x0  }
0xae: {  	s5 =	sshll.u32 s28, $0x1;
	[dreg:$0x2] =	wrdreg s3  }
0xaf: {  	[dreg:$0x3] =	wrdreg s5  }
0xb0: {  	[dreg:$0x4] =	wrdreg $0xC0  }
0xb1: {  	_ =	task [dreg:s7], $0x5FFFF  }
0xb2: {  	[dreg:$0x1] =	wrdreg $0xFFFFFFFF  }
0xb3: {  	[dreg:$0x0] =	wrdreg $0x60  }
0xb4: {  	[dreg:$0x2] =	wrdreg s24  }
0xb5: {  	[dreg:$0x3] =	wrdreg s16  }
0xb6: {  	[dreg:$0x4] =	wrdreg $0x0  }
0xb7: {  	[dreg:$0x5] =	wrdreg $0x9  }
0xb8: {  	_ =	task.clear_ibuf [dreg:s7], $0x6FFFF;
	_ =	strace $0x90000055  }
0xb9: {  	s29 =	simm.s32 $0x9;
	_ =	strace $0x80000057  }
0xba: {  	_ =	swait.ge [sflag:s29], $0x1  }
0xbb: {  	[sflag:s29] =	ssyncadd.s32 $0xFFFFFFFF  }
0xbc: {  	_ =	strace $0x90000057  }
0xbd: {  	_ =	sfence  }
0xbe: {  	s30 =	sld [smem:$0x0];
	_ =	sdelay $0x2  }
0xbf: {  	s31 =	sshll.u32 s1, $0xD;
	s1 =	sshrl.u32 s1, $0x2  }
0xc0: {  	s3 =	sand.u32 $0x4000, s31;
	s1 =	sadd.s32 s1, s30  }
0xc1: {  	s0 =	sor.u32 s3, s0;
	s1 =	sshll.u32 s1, $0x11  }
0xc2: {  	s0 =	sor.u32 s1, s0  }
0xc3: {  	s0 =	sadd.s32 $0x8F2B, s0  }
0xc4: {  	[sflag:s0] =	ssyncadd.remote.s32 $0x1  }
0xc5: {  	_ =	sfence.sel $0xFFFF  }
0xc6: {  	[dreg:$0x0] =	wrdreg $0xFFFFFFFF;
	(pc) =	sbr.abs _section_cstart, $3  }
0xc7: {  	[dreg:$0x1] =	wrdreg $0xFFFFFFFF  }
0xc8: {  	_ =	task.clear_ibuf [dreg:s7], $0x2FFFF;
	_ =	strace $0x9FFFFFFF  }
0xc9: {  	(tm) =	ssettm $0x7FFFFFFF  }
tec
execute0_lowered:
.L_overlay_start_1:
0x0: {  	(tag) =	ssettag $0x1  }
0x1: {  	s0 =	rddreg [dreg:$0x0]  }
0x2: {  	s2 =	rddreg [dreg:$0x1]  }
0x3: {  	s1 =	rddreg [dreg:$0x2]  }
0x4: {  	s3 =	simm.s32 $0x0;
	s11 =	stileid.u32;
	s6 =	srdreg.scid  }
0x5: {  	s14 =	simm.s32 $0x8000;
	s15 =	simm.s32 $0x9000;
	s16 =	simm.s32 $0x8400  }
0x6: {  	s17 =	simm.s32 $0x9400;
	s18 =	simm.s32 $0x8800;
	s19 =	simm.s32 $0x9800  }
0x7: {  	s20 =	simm.s32 $0x8C00;
	s21 =	simm.s32 $0x9C00;
	s22 =	simm.s32 $0x1  }
0x8: {  	s23 =	simm.s32 $0x400;
	s28 =	simm.s32 $0x5;
	s29 =	simm.s32 $0x6  }
0x9: {  	s30 =	simm.s32 $0x3;
	s31 =	simm.s32 $0x7;
	[smem:$0x7FF] =	sst s3  }
0xa: {  	s4 =	sadd.s32 $0x303600, s0;
	s5 =	sadd.s32 $0x6E00, s0;
	s7 =	sshll.u32 s11, $0xB  }
0xb: {  	s6 =	sand.u32 $0x1, s6;
	s9 =	sshll.u32 s11, $0xF;
	s25 =	sshll.u32 s11, $0x6  }
0xc: {  	_ =	strace $0x80000056;
	s7 =	sadd.s32 s7, s0;
	s0 =	sadd.s32 $0x2C0600, s0  }
0xd: {  	s24 =	ssub.s32 $0x2, s6;
	s10 =	sshll.u32 s6, $0x13;
	s12 =	sor.u32 $0x1C09, s25  }
0xe: {  	p0 =	seq.s32 s6, $0x1;
	s25 =	simm.s32 $0x2;
	s6 =	simm.s32 $0x0  }
0xf: {  	[dreg:$0x4] =	wrdreg s0;
	s8 =	sshrl.u32 s24, $0x1;
	s10 =	sor.u32 s9, s10  }
0x10: {  	s9 =	sadd.s32 s9, s1;
	s11 =	sadd.s32 $0x323600, s7;
	[dreg:$0x5] =	wrdreg s12  }
.Ltmp0:
0x11: {  	s0 =	ssub.s32 s24, s8;
	s26 =	sshrl.u32 s10, $0x3;
	(pc) =	sbr.rel .LBB2_1-.Ltmp0, $4  }
0x12: {  	s10 =	sadd.s32 $0x32B600, s7;
	s8 =	sshrl.u32 s9, $0x3;
	s9 =	simm.s32 $0x9  }
0x13: {  	s24 =	simm.s32 $0xA000;
	s2 =	sadd.s32 s2, s26;
	[dreg:$0x8] =	wrdreg s8  }
0x14: {  	s0 =	smax.u32 s0, $0x1;
	s26 =	simm.s32 $0x12000;
	[dreg:$0x6] =	wrdreg s2  }
0x15: {  	[dreg:$0x7] =	wrdreg s0;
	s0 =	simm.s32 $0x4;
	s2 =	simm.s32 $0x8  }
.LBB2_7:
0x16: {  	s7 =	sadd.s32 s8, s10;
	[sflag:s2] =	ssyncadd.s32 $0xFFFF8000  }
0x17: {  	[tilespmem:s14], [sflag:$0x1] =	stream.linear.gather [hbm4b:s7+s3], $0x400, $0x38;
	[tilespmem:$0x1A000] =	vst v63  }
0x18: {  	s8 =	sadd.s32 s8, s11  }
0x19: {  	[tilespmem:s15], [sflag:$0x1] =	stream.linear.gather [hbm4b:s8+s3], $0x400, $0x38;
	[tilespmem:$0x1A000] =	vst v63  }
0x1a: {  	s9 =	sadd.s32 $0x80, s7  }
0x1b: {  	[tilespmem:s16], [sflag:$0x2] =	stream.linear.gather [hbm4b:s9+s3], $0x400, $0x38;
	[tilespmem:$0x1A000] =	vst v63  }
0x1c: {  	s12 =	sadd.s32 $0x80, s8  }
0x1d: {  	[tilespmem:s17], [sflag:$0x2] =	stream.linear.gather [hbm4b:s12+s3], $0x400, $0x38;
	[tilespmem:$0x1A000] =	vst v63  }
0x1e: {  	s13 =	sadd.s32 $0x100, s7  }
0x1f: {  	[tilespmem:s18], [sflag:$0x3] =	stream.linear.gather [hbm4b:s13+s3], $0x400, $0x38;
	[tilespmem:$0x1A000] =	vst v63  }
0x20: {  	s12 =	sadd.s32 $0x100, s8  }
0x21: {  	[tilespmem:s19], [sflag:$0x3] =	stream.linear.gather [hbm4b:s12+s3], $0x400, $0x38;
	[tilespmem:$0x1A000] =	vst v63  }
0x22: {  	s7 =	sadd.s32 $0x180, s7  }
0x23: {  	[tilespmem:s20], [sflag:$0x4] =	stream.linear.gather [hbm4b:s7+s3], $0x400, $0x38;
	[tilespmem:$0x1A000] =	vst v63  }
0x24: {  	s13 =	sadd.s32 $0x180, s8  }
0x25: {  	[tilespmem:s21], [sflag:$0x4] =	stream.linear.gather [hbm4b:s13+s3], $0x400, $0x38;
	[tilespmem:$0x1A000] =	vst v63  }
0x26: {  	_ =	swait.ge [sflag:s22], $0x400  }
0x27: {  	[sflag:s22] =	ssyncset.done $0x0  }
0x28: {  	[sflag:s22] =	ssyncadd.s32 $0xFFFFFC00  }
0x29: {  	_ =	swait.ge [sflag:s22], $0x400  }
0x2a: {  	[sflag:s22] =	ssyncset.done $0x0  }
0x2b: {  	[sflag:s22] =	ssyncadd.s32 $0xFFFFFC00  }
0x2c: {  	[tilespmem:s24], [sflag:$0x5] =	stream.indirect.gather [hbm4b:s5+s23], $0x20, s14, s23, $0xb8;
	[tilespmem:$0x1A000] =	vst v63  }
0x2d: {  	_ =	swait.ge [sflag:s25], $0x400  }
0x2e: {  	[sflag:s25] =	ssyncset.done $0x0  }
0x2f: {  	[sflag:s25] =	ssyncadd.s32 $0xFFFFFC00  }
0x30: {  	_ =	swait.ge [sflag:s25], $0x400  }
0x31: {  	[sflag:s25] =	ssyncset.done $0x0  }
0x32: {  	[sflag:s25] =	ssyncadd.s32 $0xFFFFFC00  }
0x33: {  	[tilespmem:s26], [sflag:$0x6] =	stream.indirect.gather [hbm4b:s5+s23], $0x20, s16, s23, $0xb8;
	[tilespmem:$0x1A000] =	vst v63  }
0x34: {  	_ =	swait.ge [sflag:s28], $0x8000  }
0x35: {  	[sflag:s28] =	ssyncset.done $0x0  }
0x36: {  	[sflag:s28] =	ssyncadd.s32 $0xFFFF8000  }
0x37: {  	[spmem:s1] =	stream.indirect.scatter.add.f32 [tilespmem:s24], [sflag:$0x7], $0x20, s15, s23, $0xb8;
	[tilespmem:$0x1A000] =	vst v63  }
0x38: {  	_ =	swait.ge [sflag:s29], $0x8000  }
0x39: {  	[sflag:s29] =	ssyncset.done $0x0  }
0x3a: {  	[sflag:s29] =	ssyncadd.s32 $0xFFFF8000  }
0x3b: {  	[spmem:s1] =	stream.indirect.scatter.add.f32 [tilespmem:s26], [sflag:$0x8], $0x20, s17, s23, $0xb8;
	[tilespmem:$0x1A000] =	vst v63  }
0x3c: {  	_ =	swait.ge [sflag:s30], $0x400  }
0x3d: {  	[sflag:s30] =	ssyncset.done $0x0  }
0x3e: {  	[sflag:s30] =	ssyncadd.s32 $0xFFFFFC00  }
0x3f: {  	_ =	swait.ge [sflag:s30], $0x400  }
0x40: {  	[sflag:s30] =	ssyncset.done $0x0  }
0x41: {  	[sflag:s30] =	ssyncadd.s32 $0xFFFFFC00  }
0x42: {  	_ =	swait.ge [sflag:s31], $0x8000  }
0x43: {  	[sflag:s31] =	ssyncset.done $0x0  }
0x44: {  	[sflag:s31] =	ssyncadd.s32 $0xFFFF8000  }
0x45: {  	[tilespmem:s24], [sflag:$0x5] =	stream.indirect.gather [hbm4b:s5+s23], $0x20, s18, s23, $0xb8;
	[tilespmem:$0x1A000] =	vst v63  }
0x46: {  	_ =	swait.ge [sflag:s0], $0x400  }
0x47: {  	[sflag:s0] =	ssyncset.done $0x0  }
0x48: {  	[sflag:s0] =	ssyncadd.s32 $0xFFFFFC00  }
0x49: {  	_ =	swait.ge [sflag:s0], $0x400  }
0x4a: {  	[sflag:s0] =	ssyncset.done $0x0  }
0x4b: {  	[sflag:s0] =	ssyncadd.s32 $0xFFFFFC00  }
0x4c: {  	_ =	swait.ge [sflag:s2], $0x8000  }
0x4d: {  	[sflag:s2] =	ssyncset.done $0x0  }
0x4e: {  	[sflag:s2] =	ssyncadd.s32 $0xFFFF8000  }
0x4f: {  	[tilespmem:s26], [sflag:$0x6] =	stream.indirect.gather [hbm4b:s5+s23], $0x20, s20, s23, $0xb8;
	[tilespmem:$0x1A000] =	vst v63  }
0x50: {  	_ =	swait.ge [sflag:s28], $0x8000  }
0x51: {  	[sflag:s28] =	ssyncset.done $0x0  }
0x52: {  	[sflag:s28] =	ssyncadd.s32 $0xFFFF8000  }
0x53: {  	[spmem:s1] =	stream.indirect.scatter.add.f32 [tilespmem:s24], [sflag:$0x7], $0x20, s19, s23, $0xb8;
	[tilespmem:$0x1A000] =	vst v63  }
0x54: {  	_ =	swait.ge [sflag:s29], $0x8000  }
0x55: {  	[sflag:s29] =	ssyncset.done $0x0  }
0x56: {  	[sflag:s29] =	ssyncadd.s32 $0xFFFF8000  }
0x57: {  	[spmem:s1] =	stream.indirect.scatter.add.f32 [tilespmem:s26], [sflag:$0x8], $0x20, s21, s23, $0xb8;
	[tilespmem:$0x1A000] =	vst v63  }
0x58: {  	_ =	swait.ge [sflag:s31], $0x8000  }
0x59: {  	[sflag:s31] =	ssyncset.done $0x0  }
0x5a: {  	[sflag:s31] =	ssyncadd.s32 $0xFFFF8000  }
0x5b: {  	_ =	swait.ge [sflag:s2], $0x8000  }
0x5c: {  	[sflag:s2] =	ssyncset.done $0x0  }
0x5d: {  	[sflag:s2] =	ssyncadd.s32 $0xFFFF8000  }
.LBB2_8:
0x5e: {  	[bflag:$0x0] =	sbarrier.arrive $0xFFFF  }
0x5f: {  	s12 =	rddreg [dreg:$0x5]  }
0x60: {  	s7 =	rddreg [dreg:$0x6]  }
0x61: {  	s9 =	simm.s32 $0x9;
	s8 =	rddreg [dreg:$0x8]  }
0x62: {  	[hbm:s7], [sflag:s12] =	dma.local [spmem:s8], $0x1000  }
0x63: {  	_ =	swait.ge [sflag:s9], $0x1000  }
0x64: {  	s6 =	sadd.s32 $0x1, s6;
	s13 =	rddreg [dreg:$0x7]  }
0x65: {  	p1 =	sne.s32 s6, s13  }
.Ltmp1:
0x66: {  	_ = 	snop;
	(pc) =	sbr.rel @!p1 .LBB2_9-.Ltmp1, $3  }
0x67: {  	_ =	sdelay $0x1  }
0x68: {  	[sflag:s9] =	ssyncset.done $0x0  }
0x69: {  	[sflag:s9] =	ssyncadd.s32 $0xFFFFF000  }
.LBB2_1:
0x6a: {  	s7 =	rddreg [dreg:$0x4]  }
0x6b: {  	[spmem:s8], [sflag:s12] =	dma.local [hbm:s7], $0x1000  }
.Ltmp2:
0x6c: {  	_ =	swait.ge [sflag:s9], $0x1000;
	(pc) =	sbr.rel @!p0 .LBB2_2-.Ltmp2, $4  }
0x6d: {  	[sflag:s9] =	ssyncset.done $0x0  }
0x6e: {  	[sflag:s9] =	ssyncadd.s32 $0xFFFFF000  }
0x6f: {  	[bflag:$0x0] =	sbarrier.arrive $0xFFFF  }
0x70: {  	s7 =	sadd.s32 $0x0, s10  }
0x71: {  	[tilespmem:s14], [sflag:$0x1] =	stream.linear.gather [hbm4b:s7+s3], $0x400, $0x38;
	[tilespmem:$0x1A000] =	vst v63  }
0x72: {  	s8 =	sadd.s32 $0x0, s11  }
0x73: {  	[tilespmem:s15], [sflag:$0x1] =	stream.linear.gather [hbm4b:s8+s3], $0x400, $0x38;
	[tilespmem:$0x1A000] =	vst v63  }
0x74: {  	s9 =	sadd.s32 $0x80, s7  }
0x75: {  	[tilespmem:s16], [sflag:$0x2] =	stream.linear.gather [hbm4b:s9+s3], $0x400, $0x38;
	[tilespmem:$0x1A000] =	vst v63  }
0x76: {  	s13 =	sadd.s32 $0x80, s8  }
0x77: {  	[tilespmem:s17], [sflag:$0x2] =	stream.linear.gather [hbm4b:s13+s3], $0x400, $0x38;
	[tilespmem:$0x1A000] =	vst v63  }
0x78: {  	s12 =	sadd.s32 $0x100, s7  }
0x79: {  	[tilespmem:s18], [sflag:$0x3] =	stream.linear.gather [hbm4b:s12+s3], $0x400, $0x38;
	[tilespmem:$0x1A000] =	vst v63  }
0x7a: {  	s13 =	sadd.s32 $0x100, s8  }
0x7b: {  	[tilespmem:s19], [sflag:$0x3] =	stream.linear.gather [hbm4b:s13+s3], $0x400, $0x38;
	[tilespmem:$0x1A000] =	vst v63  }
0x7c: {  	s12 =	sadd.s32 $0x180, s7  }
0x7d: {  	[tilespmem:s20], [sflag:$0x4] =	stream.linear.gather [hbm4b:s12+s3], $0x400, $0x38;
	[tilespmem:$0x1A000] =	vst v63  }
0x7e: {  	s13 =	sadd.s32 $0x180, s8  }
0x7f: {  	[tilespmem:s21], [sflag:$0x4] =	stream.linear.gather [hbm4b:s13+s3], $0x400, $0x38;
	[tilespmem:$0x1A000] =	vst v63  }
0x80: {  	_ =	swait.ge [sflag:s22], $0x400  }
0x81: {  	[sflag:s22] =	ssyncset.done $0x0  }
0x82: {  	[sflag:s22] =	ssyncadd.s32 $0xFFFFFC00  }
0x83: {  	_ =	swait.ge [sflag:s22], $0x400  }
0x84: {  	[sflag:s22] =	ssyncset.done $0x0  }
0x85: {  	[sflag:s22] =	ssyncadd.s32 $0xFFFFFC00  }
0x86: {  	[tilespmem:s24], [sflag:$0x5] =	stream.indirect.gather [hbm4b:s5+s23], $0x20, s14, s23, $0xb8;
	[tilespmem:$0x1A000] =	vst v63  }
0x87: {  	_ =	swait.ge [sflag:s25], $0x400  }
0x88: {  	[sflag:s25] =	ssyncset.done $0x0  }
0x89: {  	[sflag:s25] =	ssyncadd.s32 $0xFFFFFC00  }
0x8a: {  	_ =	swait.ge [sflag:s25], $0x400  }
0x8b: {  	[sflag:s25] =	ssyncset.done $0x0  }
0x8c: {  	[sflag:s25] =	ssyncadd.s32 $0xFFFFFC00  }
0x8d: {  	[tilespmem:s26], [sflag:$0x6] =	stream.indirect.gather [hbm4b:s5+s23], $0x20, s16, s23, $0xb8;
	[tilespmem:$0x1A000] =	vst v63  }
0x8e: {  	_ =	swait.ge [sflag:s28], $0x8000  }
0x8f: {  	[sflag:s28] =	ssyncset.done $0x0  }
0x90: {  	[sflag:s28] =	ssyncadd.s32 $0xFFFF8000  }
0x91: {  	[spmem:s1] =	stream.indirect.scatter.add.f32 [tilespmem:s24], [sflag:$0x7], $0x20, s15, s23, $0xb8;
	[tilespmem:$0x1A000] =	vst v63  }
0x92: {  	_ =	swait.ge [sflag:s29], $0x8000  }
0x93: {  	[sflag:s29] =	ssyncset.done $0x0  }
0x94: {  	[sflag:s29] =	ssyncadd.s32 $0xFFFF8000  }
0x95: {  	[spmem:s1] =	stream.indirect.scatter.add.f32 [tilespmem:s26], [sflag:$0x8], $0x20, s17, s23, $0xb8;
	[tilespmem:$0x1A000] =	vst v63  }
0x96: {  	_ =	swait.ge [sflag:s30], $0x400  }
0x97: {  	[sflag:s30] =	ssyncset.done $0x0  }
0x98: {  	[sflag:s30] =	ssyncadd.s32 $0xFFFFFC00  }
0x99: {  	_ =	swait.ge [sflag:s30], $0x400  }
0x9a: {  	[sflag:s30] =	ssyncset.done $0x0  }
0x9b: {  	[sflag:s30] =	ssyncadd.s32 $0xFFFFFC00  }
0x9c: {  	_ =	swait.ge [sflag:s31], $0x8000  }
0x9d: {  	[sflag:s31] =	ssyncset.done $0x0  }
0x9e: {  	[sflag:s31] =	ssyncadd.s32 $0xFFFF8000  }
0x9f: {  	[tilespmem:s24], [sflag:$0x5] =	stream.indirect.gather [hbm4b:s5+s23], $0x20, s18, s23, $0xb8;
	[tilespmem:$0x1A000] =	vst v63  }
0xa0: {  	_ =	swait.ge [sflag:s0], $0x400  }
0xa1: {  	[sflag:s0] =	ssyncset.done $0x0  }
0xa2: {  	[sflag:s0] =	ssyncadd.s32 $0xFFFFFC00  }
0xa3: {  	_ =	swait.ge [sflag:s0], $0x400  }
0xa4: {  	[sflag:s0] =	ssyncset.done $0x0  }
0xa5: {  	[sflag:s0] =	ssyncadd.s32 $0xFFFFFC00  }
0xa6: {  	_ =	swait.ge [sflag:s2], $0x8000  }
0xa7: {  	[sflag:s2] =	ssyncset.done $0x0  }
0xa8: {  	[sflag:s2] =	ssyncadd.s32 $0xFFFF8000  }
0xa9: {  	[tilespmem:s26], [sflag:$0x6] =	stream.indirect.gather [hbm4b:s5+s23], $0x20, s20, s23, $0xb8;
	[tilespmem:$0x1A000] =	vst v63  }
0xaa: {  	_ =	swait.ge [sflag:s28], $0x8000  }
0xab: {  	[sflag:s28] =	ssyncset.done $0x0  }
0xac: {  	[sflag:s28] =	ssyncadd.s32 $0xFFFF8000  }
0xad: {  	[spmem:s1] =	stream.indirect.scatter.add.f32 [tilespmem:s24], [sflag:$0x7], $0x20, s19, s23, $0xb8;
	[tilespmem:$0x1A000] =	vst v63  }
0xae: {  	_ =	swait.ge [sflag:s29], $0x8000  }
0xaf: {  	[sflag:s29] =	ssyncset.done $0x0  }
0xb0: {  	[sflag:s29] =	ssyncadd.s32 $0xFFFF8000  }
0xb1: {  	[spmem:s1] =	stream.indirect.scatter.add.f32 [tilespmem:s26], [sflag:$0x8], $0x20, s21, s23, $0xb8;
	[tilespmem:$0x1A000] =	vst v63  }
0xb2: {  	_ =	swait.ge [sflag:s31], $0x8000  }
0xb3: {  	[sflag:s31] =	ssyncset.done $0x0  }
0xb4: {  	[sflag:s31] =	ssyncadd.s32 $0xFFFF8000  }
0xb5: {  	_ =	swait.ge [sflag:s2], $0x8000  }
0xb6: {  	s7 =	simm.s32 $0x400;
	s8 =	simm.s32 $0x200;
	[sflag:s2] =	ssyncset.done $0x0  }
.LBB2_6:
0xb7: {  	s12 =	sadd.s32 s8, s10  }
0xb8: {  	[sflag:s2] =	ssyncadd.s32 $0xFFFF8000;
	s13 =	smov.u32 s7;
	s9 =	sadd.s32 $0x200, s7  }
0xb9: {  	[tilespmem:s14], [sflag:$0x1] =	stream.linear.gather [hbm4b:s12+s3], $0x400, $0x38;
	[tilespmem:$0x1A000] =	vst v63  }
0xba: {  	p1 =	sne.s32 s7, $0x600;
	s7 =	sadd.s32 s8, s11;
	s8 =	smov.u32 s13  }
0xbb: {  	[tilespmem:s15], [sflag:$0x1] =	stream.linear.gather [hbm4b:s7+s3], $0x400, $0x38;
	[tilespmem:$0x1A000] =	vst v63  }
0xbc: {  	s13 =	sadd.s32 $0x80, s12  }
0xbd: {  	[tilespmem:s16], [sflag:$0x2] =	stream.linear.gather [hbm4b:s13+s3], $0x400, $0x38;
	[tilespmem:$0x1A000] =	vst v63  }
0xbe: {  	s13 =	sadd.s32 $0x80, s7  }
0xbf: {  	[tilespmem:s17], [sflag:$0x2] =	stream.linear.gather [hbm4b:s13+s3], $0x400, $0x38;
	[tilespmem:$0x1A000] =	vst v63  }
0xc0: {  	s13 =	sadd.s32 $0x100, s12  }
0xc1: {  	[tilespmem:s18], [sflag:$0x3] =	stream.linear.gather [hbm4b:s13+s3], $0x400, $0x38;
	[tilespmem:$0x1A000] =	vst v63  }
0xc2: {  	s13 =	sadd.s32 $0x100, s7  }
0xc3: {  	[tilespmem:s19], [sflag:$0x3] =	stream.linear.gather [hbm4b:s13+s3], $0x400, $0x38;
	[tilespmem:$0x1A000] =	vst v63  }
0xc4: {  	s12 =	sadd.s32 $0x180, s12  }
0xc5: {  	[tilespmem:s20], [sflag:$0x4] =	stream.linear.gather [hbm4b:s12+s3], $0x400, $0x38;
	[tilespmem:$0x1A000] =	vst v63  }
0xc6: {  	s7 =	sadd.s32 $0x180, s7  }
0xc7: {  	[tilespmem:s21], [sflag:$0x4] =	stream.linear.gather [hbm4b:s7+s3], $0x400, $0x38;
	[tilespmem:$0x1A000] =	vst v63  }
0xc8: {  	_ =	swait.ge [sflag:s22], $0x400  }
0xc9: {  	[sflag:s22] =	ssyncset.done $0x0  }
0xca: {  	[sflag:s22] =	ssyncadd.s32 $0xFFFFFC00  }
0xcb: {  	_ =	swait.ge [sflag:s22], $0x400  }
0xcc: {  	[sflag:s22] =	ssyncset.done $0x0  }
0xcd: {  	[sflag:s22] =	ssyncadd.s32 $0xFFFFFC00  }
0xce: {  	[tilespmem:s24], [sflag:$0x5] =	stream.indirect.gather [hbm4b:s5+s23], $0x20, s14, s23, $0xb8;
	[tilespmem:$0x1A000] =	vst v63  }
0xcf: {  	_ =	swait.ge [sflag:s25], $0x400  }
0xd0: {  	[sflag:s25] =	ssyncset.done $0x0  }
0xd1: {  	[sflag:s25] =	ssyncadd.s32 $0xFFFFFC00  }
0xd2: {  	_ =	swait.ge [sflag:s25], $0x400  }
0xd3: {  	[sflag:s25] =	ssyncset.done $0x0  }
0xd4: {  	[sflag:s25] =	ssyncadd.s32 $0xFFFFFC00  }
0xd5: {  	[tilespmem:s26], [sflag:$0x6] =	stream.indirect.gather [hbm4b:s5+s23], $0x20, s16, s23, $0xb8;
	[tilespmem:$0x1A000] =	vst v63  }
0xd6: {  	_ =	swait.ge [sflag:s28], $0x8000  }
0xd7: {  	[sflag:s28] =	ssyncset.done $0x0  }
0xd8: {  	[sflag:s28] =	ssyncadd.s32 $0xFFFF8000  }
0xd9: {  	[spmem:s1] =	stream.indirect.scatter.add.f32 [tilespmem:s24], [sflag:$0x7], $0x20, s15, s23, $0xb8;
	[tilespmem:$0x1A000] =	vst v63  }
0xda: {  	_ =	swait.ge [sflag:s29], $0x8000  }
0xdb: {  	[sflag:s29] =	ssyncset.done $0x0  }
0xdc: {  	[sflag:s29] =	ssyncadd.s32 $0xFFFF8000  }
0xdd: {  	[spmem:s1] =	stream.indirect.scatter.add.f32 [tilespmem:s26], [sflag:$0x8], $0x20, s17, s23, $0xb8;
	[tilespmem:$0x1A000] =	vst v63  }
0xde: {  	_ =	swait.ge [sflag:s30], $0x400  }
0xdf: {  	[sflag:s30] =	ssyncset.done $0x0  }
0xe0: {  	[sflag:s30] =	ssyncadd.s32 $0xFFFFFC00  }
0xe1: {  	_ =	swait.ge [sflag:s30], $0x400  }
0xe2: {  	[sflag:s30] =	ssyncset.done $0x0  }
0xe3: {  	[sflag:s30] =	ssyncadd.s32 $0xFFFFFC00  }
0xe4: {  	_ =	swait.ge [sflag:s31], $0x8000  }
0xe5: {  	[sflag:s31] =	ssyncset.done $0x0  }
0xe6: {  	[sflag:s31] =	ssyncadd.s32 $0xFFFF8000  }
0xe7: {  	[tilespmem:s24], [sflag:$0x5] =	stream.indirect.gather [hbm4b:s5+s23], $0x20, s18, s23, $0xb8;
	[tilespmem:$0x1A000] =	vst v63  }
0xe8: {  	_ =	swait.ge [sflag:s0], $0x400  }
0xe9: {  	[sflag:s0] =	ssyncset.done $0x0  }
0xea: {  	[sflag:s0] =	ssyncadd.s32 $0xFFFFFC00  }
0xeb: {  	_ =	swait.ge [sflag:s0], $0x400  }
0xec: {  	[sflag:s0] =	ssyncset.done $0x0  }
0xed: {  	[sflag:s0] =	ssyncadd.s32 $0xFFFFFC00  }
0xee: {  	_ =	swait.ge [sflag:s2], $0x8000  }
0xef: {  	[sflag:s2] =	ssyncset.done $0x0  }
0xf0: {  	[sflag:s2] =	ssyncadd.s32 $0xFFFF8000  }
0xf1: {  	[tilespmem:s26], [sflag:$0x6] =	stream.indirect.gather [hbm4b:s5+s23], $0x20, s20, s23, $0xb8;
	[tilespmem:$0x1A000] =	vst v63  }
0xf2: {  	_ =	swait.ge [sflag:s28], $0x8000  }
0xf3: {  	[sflag:s28] =	ssyncset.done $0x0  }
0xf4: {  	[sflag:s28] =	ssyncadd.s32 $0xFFFF8000  }
0xf5: {  	[spmem:s1] =	stream.indirect.scatter.add.f32 [tilespmem:s24], [sflag:$0x7], $0x20, s19, s23, $0xb8;
	[tilespmem:$0x1A000] =	vst v63  }
0xf6: {  	_ =	swait.ge [sflag:s29], $0x8000  }
0xf7: {  	[sflag:s29] =	ssyncset.done $0x0  }
0xf8: {  	[sflag:s29] =	ssyncadd.s32 $0xFFFF8000  }
0xf9: {  	[spmem:s1] =	stream.indirect.scatter.add.f32 [tilespmem:s26], [sflag:$0x8], $0x20, s21, s23, $0xb8;
	[tilespmem:$0x1A000] =	vst v63  }
.Ltmp3:
0xfa: {  	_ =	swait.ge [sflag:s31], $0x8000;
	(pc) =	sbr.rel @p1 .LBB2_6-.Ltmp3, $4  }
0xfb: {  	[sflag:s31] =	ssyncset.done $0x0  }
0xfc: {  	[sflag:s31] =	ssyncadd.s32 $0xFFFF8000  }
0xfd: {  	_ =	swait.ge [sflag:s2], $0x8000  }
0xfe: {  	s7 =	smov.u32 s9;
	[sflag:s2] =	ssyncset.done $0x0  }
.Ltmp4:
0xff: {  	_ = 	snop;
	(pc) =	sbr.rel .LBB2_7-.Ltmp4, $1  }
0x100: {  	_ =	sdelay $0x3  }
.LBB2_2:
0x101: {  	[tilespmem:s14], [sflag:$0x1] =	stream.linear.gather [hbm4b:s7+s3], $0x400, $0x38;
	[tilespmem:$0x1A000] =	vst v63  }
0x102: {  	s8 =	sadd.s32 $0x0, s11  }
0x103: {  	[tilespmem:s15], [sflag:$0x1] =	stream.linear.gather [hbm4b:s8+s3], $0x400, $0x38;
	[tilespmem:$0x1A000] =	vst v63  }
0x104: {  	s9 =	sadd.s32 $0x80, s7  }
0x105: {  	[tilespmem:s16], [sflag:$0x2] =	stream.linear.gather [hbm4b:s9+s3], $0x400, $0x38;
	[tilespmem:$0x1A000] =	vst v63  }
0x106: {  	s13 =	sadd.s32 $0x80, s8  }
0x107: {  	[tilespmem:s17], [sflag:$0x2] =	stream.linear.gather [hbm4b:s13+s3], $0x400, $0x38;
	[tilespmem:$0x1A000] =	vst v63  }
0x108: {  	s12 =	sadd.s32 $0x100, s7  }
0x109: {  	[tilespmem:s18], [sflag:$0x3] =	stream.linear.gather [hbm4b:s12+s3], $0x400, $0x38;
	[tilespmem:$0x1A000] =	vst v63  }
0x10a: {  	s13 =	sadd.s32 $0x100, s8  }
0x10b: {  	[tilespmem:s19], [sflag:$0x3] =	stream.linear.gather [hbm4b:s13+s3], $0x400, $0x38;
	[tilespmem:$0x1A000] =	vst v63  }
0x10c: {  	s12 =	sadd.s32 $0x180, s7  }
0x10d: {  	[tilespmem:s20], [sflag:$0x4] =	stream.linear.gather [hbm4b:s12+s3], $0x400, $0x38;
	[tilespmem:$0x1A000] =	vst v63  }
0x10e: {  	s13 =	sadd.s32 $0x180, s8  }
0x10f: {  	[tilespmem:s21], [sflag:$0x4] =	stream.linear.gather [hbm4b:s13+s3], $0x400, $0x38;
	[tilespmem:$0x1A000] =	vst v63  }
0x110: {  	_ =	swait.ge [sflag:s22], $0x400  }
0x111: {  	[sflag:s22] =	ssyncset.done $0x0  }
0x112: {  	[sflag:s22] =	ssyncadd.s32 $0xFFFFFC00  }
0x113: {  	_ =	swait.ge [sflag:s22], $0x400  }
0x114: {  	[sflag:s22] =	ssyncset.done $0x0  }
0x115: {  	[sflag:s22] =	ssyncadd.s32 $0xFFFFFC00  }
0x116: {  	[tilespmem:s24], [sflag:$0x5] =	stream.indirect.gather [hbm4b:s4+s23], $0x20, s14, s23, $0xb8;
	[tilespmem:$0x1A000] =	vst v63  }
0x117: {  	_ =	swait.ge [sflag:s25], $0x400  }
0x118: {  	[sflag:s25] =	ssyncset.done $0x0  }
0x119: {  	[sflag:s25] =	ssyncadd.s32 $0xFFFFFC00  }
0x11a: {  	_ =	swait.ge [sflag:s25], $0x400  }
0x11b: {  	[sflag:s25] =	ssyncset.done $0x0  }
0x11c: {  	[sflag:s25] =	ssyncadd.s32 $0xFFFFFC00  }
0x11d: {  	[tilespmem:s26], [sflag:$0x6] =	stream.indirect.gather [hbm4b:s4+s23], $0x20, s16, s23, $0xb8;
	[tilespmem:$0x1A000] =	vst v63  }
0x11e: {  	_ =	swait.ge [sflag:s28], $0x8000  }
0x11f: {  	[sflag:s28] =	ssyncset.done $0x0  }
0x120: {  	[sflag:s28] =	ssyncadd.s32 $0xFFFF8000  }
0x121: {  	[spmem:s1] =	stream.indirect.scatter.add.f32 [tilespmem:s24], [sflag:$0x7], $0x20, s15, s23, $0xb8;
	[tilespmem:$0x1A000] =	vst v63  }
0x122: {  	_ =	swait.ge [sflag:s29], $0x8000  }
0x123: {  	[sflag:s29] =	ssyncset.done $0x0  }
0x124: {  	[sflag:s29] =	ssyncadd.s32 $0xFFFF8000  }
0x125: {  	[spmem:s1] =	stream.indirect.scatter.add.f32 [tilespmem:s26], [sflag:$0x8], $0x20, s17, s23, $0xb8;
	[tilespmem:$0x1A000] =	vst v63  }
0x126: {  	_ =	swait.ge [sflag:s30], $0x400  }
0x127: {  	[sflag:s30] =	ssyncset.done $0x0  }
0x128: {  	[sflag:s30] =	ssyncadd.s32 $0xFFFFFC00  }
0x129: {  	_ =	swait.ge [sflag:s30], $0x400  }
0x12a: {  	[sflag:s30] =	ssyncset.done $0x0  }
0x12b: {  	[sflag:s30] =	ssyncadd.s32 $0xFFFFFC00  }
0x12c: {  	_ =	swait.ge [sflag:s31], $0x8000  }
0x12d: {  	[sflag:s31] =	ssyncset.done $0x0  }
0x12e: {  	[sflag:s31] =	ssyncadd.s32 $0xFFFF8000  }
0x12f: {  	[tilespmem:s24], [sflag:$0x5] =	stream.indirect.gather [hbm4b:s4+s23], $0x20, s18, s23, $0xb8;
	[tilespmem:$0x1A000] =	vst v63  }
0x130: {  	_ =	swait.ge [sflag:s0], $0x400  }
0x131: {  	[sflag:s0] =	ssyncset.done $0x0  }
0x132: {  	[sflag:s0] =	ssyncadd.s32 $0xFFFFFC00  }
0x133: {  	_ =	swait.ge [sflag:s0], $0x400  }
0x134: {  	[sflag:s0] =	ssyncset.done $0x0  }
0x135: {  	[sflag:s0] =	ssyncadd.s32 $0xFFFFFC00  }
0x136: {  	_ =	swait.ge [sflag:s2], $0x8000  }
0x137: {  	[sflag:s2] =	ssyncset.done $0x0  }
0x138: {  	[sflag:s2] =	ssyncadd.s32 $0xFFFF8000  }
0x139: {  	[tilespmem:s26], [sflag:$0x6] =	stream.indirect.gather [hbm4b:s4+s23], $0x20, s20, s23, $0xb8;
	[tilespmem:$0x1A000] =	vst v63  }
0x13a: {  	_ =	swait.ge [sflag:s28], $0x8000  }
0x13b: {  	[sflag:s28] =	ssyncset.done $0x0  }
0x13c: {  	[sflag:s28] =	ssyncadd.s32 $0xFFFF8000  }
0x13d: {  	[spmem:s1] =	stream.indirect.scatter.add.f32 [tilespmem:s24], [sflag:$0x7], $0x20, s19, s23, $0xb8;
	[tilespmem:$0x1A000] =	vst v63  }
0x13e: {  	_ =	swait.ge [sflag:s29], $0x8000  }
0x13f: {  	[sflag:s29] =	ssyncset.done $0x0  }
0x140: {  	[sflag:s29] =	ssyncadd.s32 $0xFFFF8000  }
0x141: {  	[spmem:s1] =	stream.indirect.scatter.add.f32 [tilespmem:s26], [sflag:$0x8], $0x20, s21, s23, $0xb8;
	[tilespmem:$0x1A000] =	vst v63  }
0x142: {  	_ =	swait.ge [sflag:s31], $0x8000  }
0x143: {  	[sflag:s31] =	ssyncset.done $0x0  }
0x144: {  	[sflag:s31] =	ssyncadd.s32 $0xFFFF8000  }
0x145: {  	_ =	swait.ge [sflag:s2], $0x8000  }
0x146: {  	s9 =	simm.s32 $0x400;
	s8 =	simm.s32 $0x200;
	[sflag:s2] =	ssyncset.done $0x0  }
.LBB2_3:
0x147: {  	s12 =	sadd.s32 s8, s10  }
0x148: {  	[sflag:s2] =	ssyncadd.s32 $0xFFFF8000;
	s13 =	smov.u32 s9;
	s7 =	sadd.s32 $0x200, s9  }
0x149: {  	[tilespmem:s14], [sflag:$0x1] =	stream.linear.gather [hbm4b:s12+s3], $0x400, $0x38;
	[tilespmem:$0x1A000] =	vst v63  }
0x14a: {  	p1 =	seq.s32 s9, $0x600;
	s9 =	sadd.s32 s8, s11;
	s8 =	smov.u32 s13  }
0x14b: {  	[tilespmem:s15], [sflag:$0x1] =	stream.linear.gather [hbm4b:s9+s3], $0x400, $0x38;
	[tilespmem:$0x1A000] =	vst v63  }
0x14c: {  	s13 =	sadd.s32 $0x80, s12  }
0x14d: {  	[tilespmem:s16], [sflag:$0x2] =	stream.linear.gather [hbm4b:s13+s3], $0x400, $0x38;
	[tilespmem:$0x1A000] =	vst v63  }
0x14e: {  	s13 =	sadd.s32 $0x80, s9  }
0x14f: {  	[tilespmem:s17], [sflag:$0x2] =	stream.linear.gather [hbm4b:s13+s3], $0x400, $0x38;
	[tilespmem:$0x1A000] =	vst v63  }
0x150: {  	s13 =	sadd.s32 $0x100, s12  }
0x151: {  	[tilespmem:s18], [sflag:$0x3] =	stream.linear.gather [hbm4b:s13+s3], $0x400, $0x38;
	[tilespmem:$0x1A000] =	vst v63  }
0x152: {  	s13 =	sadd.s32 $0x100, s9  }
0x153: {  	[tilespmem:s19], [sflag:$0x3] =	stream.linear.gather [hbm4b:s13+s3], $0x400, $0x38;
	[tilespmem:$0x1A000] =	vst v63  }
0x154: {  	s12 =	sadd.s32 $0x180, s12  }
0x155: {  	[tilespmem:s20], [sflag:$0x4] =	stream.linear.gather [hbm4b:s12+s3], $0x400, $0x38;
	[tilespmem:$0x1A000] =	vst v63  }
0x156: {  	s9 =	sadd.s32 $0x180, s9  }
0x157: {  	[tilespmem:s21], [sflag:$0x4] =	stream.linear.gather [hbm4b:s9+s3], $0x400, $0x38;
	[tilespmem:$0x1A000] =	vst v63  }
0x158: {  	_ =	swait.ge [sflag:s22], $0x400  }
0x159: {  	[sflag:s22] =	ssyncset.done $0x0  }
0x15a: {  	[sflag:s22] =	ssyncadd.s32 $0xFFFFFC00  }
0x15b: {  	_ =	swait.ge [sflag:s22], $0x400  }
0x15c: {  	[sflag:s22] =	ssyncset.done $0x0  }
0x15d: {  	[sflag:s22] =	ssyncadd.s32 $0xFFFFFC00  }
0x15e: {  	[tilespmem:s24], [sflag:$0x5] =	stream.indirect.gather [hbm4b:s4+s23], $0x20, s14, s23, $0xb8;
	[tilespmem:$0x1A000] =	vst v63  }
0x15f: {  	_ =	swait.ge [sflag:s25], $0x400  }
0x160: {  	[sflag:s25] =	ssyncset.done $0x0  }
0x161: {  	[sflag:s25] =	ssyncadd.s32 $0xFFFFFC00  }
0x162: {  	_ =	swait.ge [sflag:s25], $0x400  }
0x163: {  	[sflag:s25] =	ssyncset.done $0x0  }
0x164: {  	[sflag:s25] =	ssyncadd.s32 $0xFFFFFC00  }
0x165: {  	[tilespmem:s26], [sflag:$0x6] =	stream.indirect.gather [hbm4b:s4+s23], $0x20, s16, s23, $0xb8;
	[tilespmem:$0x1A000] =	vst v63  }
0x166: {  	_ =	swait.ge [sflag:s28], $0x8000  }
0x167: {  	[sflag:s28] =	ssyncset.done $0x0  }
0x168: {  	[sflag:s28] =	ssyncadd.s32 $0xFFFF8000  }
0x169: {  	[spmem:s1] =	stream.indirect.scatter.add.f32 [tilespmem:s24], [sflag:$0x7], $0x20, s15, s23, $0xb8;
	[tilespmem:$0x1A000] =	vst v63  }
0x16a: {  	_ =	swait.ge [sflag:s29], $0x8000  }
0x16b: {  	[sflag:s29] =	ssyncset.done $0x0  }
0x16c: {  	[sflag:s29] =	ssyncadd.s32 $0xFFFF8000  }
0x16d: {  	[spmem:s1] =	stream.indirect.scatter.add.f32 [tilespmem:s26], [sflag:$0x8], $0x20, s17, s23, $0xb8;
	[tilespmem:$0x1A000] =	vst v63  }
0x16e: {  	_ =	swait.ge [sflag:s30], $0x400  }
0x16f: {  	[sflag:s30] =	ssyncset.done $0x0  }
0x170: {  	[sflag:s30] =	ssyncadd.s32 $0xFFFFFC00  }
0x171: {  	_ =	swait.ge [sflag:s30], $0x400  }
0x172: {  	[sflag:s30] =	ssyncset.done $0x0  }
0x173: {  	[sflag:s30] =	ssyncadd.s32 $0xFFFFFC00  }
0x174: {  	_ =	swait.ge [sflag:s31], $0x8000  }
0x175: {  	[sflag:s31] =	ssyncset.done $0x0  }
0x176: {  	[sflag:s31] =	ssyncadd.s32 $0xFFFF8000  }
0x177: {  	[tilespmem:s24], [sflag:$0x5] =	stream.indirect.gather [hbm4b:s4+s23], $0x20, s18, s23, $0xb8;
	[tilespmem:$0x1A000] =	vst v63  }
0x178: {  	_ =	swait.ge [sflag:s0], $0x400  }
0x179: {  	[sflag:s0] =	ssyncset.done $0x0  }
0x17a: {  	[sflag:s0] =	ssyncadd.s32 $0xFFFFFC00  }
0x17b: {  	_ =	swait.ge [sflag:s0], $0x400  }
0x17c: {  	[sflag:s0] =	ssyncset.done $0x0  }
0x17d: {  	[sflag:s0] =	ssyncadd.s32 $0xFFFFFC00  }
0x17e: {  	_ =	swait.ge [sflag:s2], $0x8000  }
0x17f: {  	[sflag:s2] =	ssyncset.done $0x0  }
0x180: {  	[sflag:s2] =	ssyncadd.s32 $0xFFFF8000  }
0x181: {  	[tilespmem:s26], [sflag:$0x6] =	stream.indirect.gather [hbm4b:s4+s23], $0x20, s20, s23, $0xb8;
	[tilespmem:$0x1A000] =	vst v63  }
0x182: {  	_ =	swait.ge [sflag:s28], $0x8000  }
0x183: {  	[sflag:s28] =	ssyncset.done $0x0  }
0x184: {  	[sflag:s28] =	ssyncadd.s32 $0xFFFF8000  }
0x185: {  	[spmem:s1] =	stream.indirect.scatter.add.f32 [tilespmem:s24], [sflag:$0x7], $0x20, s19, s23, $0xb8;
	[tilespmem:$0x1A000] =	vst v63  }
0x186: {  	_ =	swait.ge [sflag:s29], $0x8000  }
0x187: {  	[sflag:s29] =	ssyncset.done $0x0  }
0x188: {  	[sflag:s29] =	ssyncadd.s32 $0xFFFF8000  }
0x189: {  	[spmem:s1] =	stream.indirect.scatter.add.f32 [tilespmem:s26], [sflag:$0x8], $0x20, s21, s23, $0xb8;
	[tilespmem:$0x1A000] =	vst v63  }
.Ltmp5:
0x18a: {  	_ =	swait.ge [sflag:s31], $0x8000;
	(pc) =	sbr.rel @!p1 .LBB2_3-.Ltmp5, $4  }
0x18b: {  	[sflag:s31] =	ssyncset.done $0x0  }
0x18c: {  	[sflag:s31] =	ssyncadd.s32 $0xFFFF8000  }
0x18d: {  	_ =	swait.ge [sflag:s2], $0x8000  }
0x18e: {  	s9 =	smov.u32 s7;
	[sflag:s2] =	ssyncset.done $0x0  }
0x18f: {  	s7 =	sadd.s32 s8, s10;
	[sflag:s2] =	ssyncadd.s32 $0xFFFF8000  }
0x190: {  	[tilespmem:s14], [sflag:$0x1] =	stream.linear.gather [hbm4b:s7+s3], $0x400, $0x38;
	[tilespmem:$0x1A000] =	vst v63  }
0x191: {  	s8 =	sadd.s32 s8, s11  }
0x192: {  	[tilespmem:s15], [sflag:$0x1] =	stream.linear.gather [hbm4b:s8+s3], $0x400, $0x38;
	[tilespmem:$0x1A000] =	vst v63  }
0x193: {  	s9 =	sadd.s32 $0x80, s7  }
0x194: {  	[tilespmem:s16], [sflag:$0x2] =	stream.linear.gather [hbm4b:s9+s3], $0x400, $0x38;
	[tilespmem:$0x1A000] =	vst v63  }
0x195: {  	s12 =	sadd.s32 $0x80, s8  }
0x196: {  	[tilespmem:s17], [sflag:$0x2] =	stream.linear.gather [hbm4b:s12+s3], $0x400, $0x38;
	[tilespmem:$0x1A000] =	vst v63  }
0x197: {  	s13 =	sadd.s32 $0x100, s7  }
0x198: {  	[tilespmem:s18], [sflag:$0x3] =	stream.linear.gather [hbm4b:s13+s3], $0x400, $0x38;
	[tilespmem:$0x1A000] =	vst v63  }
0x199: {  	s12 =	sadd.s32 $0x100, s8  }
0x19a: {  	[tilespmem:s19], [sflag:$0x3] =	stream.linear.gather [hbm4b:s12+s3], $0x400, $0x38;
	[tilespmem:$0x1A000] =	vst v63  }
0x19b: {  	s7 =	sadd.s32 $0x180, s7  }
0x19c: {  	[tilespmem:s20], [sflag:$0x4] =	stream.linear.gather [hbm4b:s7+s3], $0x400, $0x38;
	[tilespmem:$0x1A000] =	vst v63  }
0x19d: {  	s13 =	sadd.s32 $0x180, s8  }
0x19e: {  	[tilespmem:s21], [sflag:$0x4] =	stream.linear.gather [hbm4b:s13+s3], $0x400, $0x38;
	[tilespmem:$0x1A000] =	vst v63  }
0x19f: {  	_ =	swait.ge [sflag:s22], $0x400  }
0x1a0: {  	[sflag:s22] =	ssyncset.done $0x0  }
0x1a1: {  	[sflag:s22] =	ssyncadd.s32 $0xFFFFFC00  }
0x1a2: {  	_ =	swait.ge [sflag:s22], $0x400  }
0x1a3: {  	[sflag:s22] =	ssyncset.done $0x0  }
0x1a4: {  	[sflag:s22] =	ssyncadd.s32 $0xFFFFFC00  }
0x1a5: {  	[tilespmem:s24], [sflag:$0x5] =	stream.indirect.gather [hbm4b:s4+s23], $0x20, s14, s23, $0xb8;
	[tilespmem:$0x1A000] =	vst v63  }
0x1a6: {  	_ =	swait.ge [sflag:s25], $0x400  }
0x1a7: {  	[sflag:s25] =	ssyncset.done $0x0  }
0x1a8: {  	[sflag:s25] =	ssyncadd.s32 $0xFFFFFC00  }
0x1a9: {  	_ =	swait.ge [sflag:s25], $0x400  }
0x1aa: {  	[sflag:s25] =	ssyncset.done $0x0  }
0x1ab: {  	[sflag:s25] =	ssyncadd.s32 $0xFFFFFC00  }
0x1ac: {  	[tilespmem:s26], [sflag:$0x6] =	stream.indirect.gather [hbm4b:s4+s23], $0x20, s16, s23, $0xb8;
	[tilespmem:$0x1A000] =	vst v63  }
0x1ad: {  	_ =	swait.ge [sflag:s28], $0x8000  }
0x1ae: {  	[sflag:s28] =	ssyncset.done $0x0  }
0x1af: {  	[sflag:s28] =	ssyncadd.s32 $0xFFFF8000  }
0x1b0: {  	[spmem:s1] =	stream.indirect.scatter.add.f32 [tilespmem:s24], [sflag:$0x7], $0x20, s15, s23, $0xb8;
	[tilespmem:$0x1A000] =	vst v63  }
0x1b1: {  	_ =	swait.ge [sflag:s29], $0x8000  }
0x1b2: {  	[sflag:s29] =	ssyncset.done $0x0  }
0x1b3: {  	[sflag:s29] =	ssyncadd.s32 $0xFFFF8000  }
0x1b4: {  	[spmem:s1] =	stream.indirect.scatter.add.f32 [tilespmem:s26], [sflag:$0x8], $0x20, s17, s23, $0xb8;
	[tilespmem:$0x1A000] =	vst v63  }
0x1b5: {  	_ =	swait.ge [sflag:s30], $0x400  }
0x1b6: {  	[sflag:s30] =	ssyncset.done $0x0  }
0x1b7: {  	[sflag:s30] =	ssyncadd.s32 $0xFFFFFC00  }
0x1b8: {  	_ =	swait.ge [sflag:s30], $0x400  }
0x1b9: {  	[sflag:s30] =	ssyncset.done $0x0  }
0x1ba: {  	[sflag:s30] =	ssyncadd.s32 $0xFFFFFC00  }
0x1bb: {  	_ =	swait.ge [sflag:s31], $0x8000  }
0x1bc: {  	[sflag:s31] =	ssyncset.done $0x0  }
0x1bd: {  	[sflag:s31] =	ssyncadd.s32 $0xFFFF8000  }
0x1be: {  	[tilespmem:s24], [sflag:$0x5] =	stream.indirect.gather [hbm4b:s4+s23], $0x20, s18, s23, $0xb8;
	[tilespmem:$0x1A000] =	vst v63  }
0x1bf: {  	_ =	swait.ge [sflag:s0], $0x400  }
0x1c0: {  	[sflag:s0] =	ssyncset.done $0x0  }
0x1c1: {  	[sflag:s0] =	ssyncadd.s32 $0xFFFFFC00  }
0x1c2: {  	_ =	swait.ge [sflag:s0], $0x400  }
0x1c3: {  	[sflag:s0] =	ssyncset.done $0x0  }
0x1c4: {  	[sflag:s0] =	ssyncadd.s32 $0xFFFFFC00  }
0x1c5: {  	_ =	swait.ge [sflag:s2], $0x8000  }
0x1c6: {  	[sflag:s2] =	ssyncset.done $0x0  }
0x1c7: {  	[sflag:s2] =	ssyncadd.s32 $0xFFFF8000  }
0x1c8: {  	[tilespmem:s26], [sflag:$0x6] =	stream.indirect.gather [hbm4b:s4+s23], $0x20, s20, s23, $0xb8;
	[tilespmem:$0x1A000] =	vst v63  }
0x1c9: {  	_ =	swait.ge [sflag:s28], $0x8000  }
0x1ca: {  	[sflag:s28] =	ssyncset.done $0x0  }
0x1cb: {  	[sflag:s28] =	ssyncadd.s32 $0xFFFF8000  }
0x1cc: {  	[spmem:s1] =	stream.indirect.scatter.add.f32 [tilespmem:s24], [sflag:$0x7], $0x20, s19, s23, $0xb8;
	[tilespmem:$0x1A000] =	vst v63  }
0x1cd: {  	_ =	swait.ge [sflag:s29], $0x8000  }
0x1ce: {  	[sflag:s29] =	ssyncset.done $0x0  }
0x1cf: {  	[sflag:s29] =	ssyncadd.s32 $0xFFFF8000  }
0x1d0: {  	[spmem:s1] =	stream.indirect.scatter.add.f32 [tilespmem:s26], [sflag:$0x8], $0x20, s21, s23, $0xb8;
	[tilespmem:$0x1A000] =	vst v63  }
0x1d1: {  	_ =	swait.ge [sflag:s31], $0x8000  }
.Ltmp6:
0x1d2: {  	[sflag:s31] =	ssyncset.done $0x0;
	(pc) =	sbr.rel .LBB2_8-.Ltmp6, $4  }
0x1d3: {  	[sflag:s31] =	ssyncadd.s32 $0xFFFF8000  }
0x1d4: {  	_ =	swait.ge [sflag:s2], $0x8000  }
0x1d5: {  	[sflag:s2] =	ssyncset.done $0x0  }
0x1d6: {  	[sflag:s2] =	ssyncadd.s32 $0xFFFF8000  }
.LBB2_9:
0x1d7: {  	_ =	sfence.sel $0x180000  }
0x1d8: {  	[bflag:$0x0] =	sbarrier.arrive $0xFFFF  }
0x1d9: {  	_ =	strace $0x90000056  }
0x1da: {  	s0 =	stileid.u32;
	[bflag:$0x2] =	sbarrier.arrive $0xFFFF  }
0x1db: {  	p0 =	sne.s32 s0, $0x0;
	s0 =	rddreg [dreg:$0x3]  }
0x1dc: {  	s0 =	sadd.s32 @!p0 $0x100000, s0  }
0x1dd: {  	[sflag:s0] =	ssyncadd.tile.s32 @!p0 $0x1;
	_ =	shalt  }
.Lfunc_end2:
_tile_overlayer_lowered:
.L_overlay_start_2:
0x1de: {  	(tag) =	ssettag $0x2  }
0x1df: {  	s0 =	rddreg [dreg:$0x0];
	s2 =	stileid.u32  }
0x1e0: {  	s1 =	rddreg [dreg:$0x1];
	p0 =	sne.s32 s2, $0x0  }
0x1e1: {  	s3 =	rddreg [dreg:$0x2];
	[bflag:$0x3] =	sbarrier.arrive $0xFFFF;
	s2 =	simm.s32 @!p0 $0x1C09  }
0x1e2: {  	[timem:s3], [sflag:s2] =	dma.local @!p0 [hbm:s0], s1  }
0x1e3: {  	s0 =	simm.s32 @!p0 $0x9  }
0x1e4: {  	_ =	swait.ge @!p0 [sflag:s0], s1  }
0x1e5: {  	s1 =	ssub.s32 @!p0 $0x0, s1;
	[sflag:s0] =	ssyncset.done @!p0 $0x0  }
0x1e6: {  	[sflag:s0] =	ssyncadd.s32 @!p0 s1  }
0x1e7: {  	[bflag:$0x3] =	sbarrier.arrive $0xFFFF  }
0x1e8: {  	_ =	shalt  }

// kernel: kernel.34.cloned.1.call-start
scs
__scs_entry_jumppad:
0x0: {  	(pc) =	sbr.rel $0x88, $3  }
0x1: {  	(tag) =	ssettag $0x0;
	lr =	simm.s32 $0x1  }
0x2: {  	[smem:$0x3F88] =	sst lr;
	_ =	strace $0xD0000000  }
0x3: {  	_ = 	snop  }
0x4: {  	_ = 	snop  }
0x5: {  	_ = 	snop  }
0x6: {  	_ = 	snop  }
0x7: {  	_ = 	snop  }
__scs_overlays_trampoline_lowered:
0x8: {  	[smem:$0x3F97] =	sst s0  }
0x9: {  	[smem:$0x3F98] =	sst s1  }
0xa: {  	[smem:$0x3F99] =	sst s2  }
0xb: {  	[smem:$0x3F9A] =	sst s3  }
0xc: {  	[smem:$0x3F9B] =	sst s4  }
0xd: {  	[smem:$0x3F9C] =	sst s5  }
0xe: {  	[smem:$0x3F9D] =	sst s6  }
0xf: {  	[smem:$0x3F9E] =	sst s7  }
0x10: {  	[smem:$0x3F9F] =	sst s8  }
0x11: {  	[smem:$0x3FA0] =	sst s9;
	s0 =	simm.s32 @!p0 $0x0  }
0x12: {  	s1 =	sld [smem:$0x3F86];
	s0 =	simm.s32 @p0 $0x1  }
0x13: {  	[smem:$0x3FA1] =	sst s0;
	s0 =	simm.s32 @!p1 $0x0  }
0x14: {  	s2 =	sld [smem:$0x3F85];
	s0 =	simm.s32 @p1 $0x1  }
0x15: {  	[smem:$0x3FA2] =	sst s0;
	s0 =	simm.s32 @!p2 $0x0  }
0x16: {  	s3 =	sld [smem:$0x3FDB];
	s0 =	simm.s32 @p2 $0x1  }
0x17: {  	s4 =	simm.s32 $0x1BF5;
	[smem:$0x3FA4] =	sst s0  }
0x18: {  	s0 =	sld [smem:$0x3F87];
	_ =	swait.ge [sflag:s4], $0x0  }
0x19: {  	s7 =	sld [smem:$0x3F88]  }
0x1a: {  	s8 =	sadd.s32 $0xFFFFE003, lr  }
0x1b: {  	s9 =	sadd.s32 $0xFFFFFEF7, lr;
	s5 =	simm.s32 $0xFFFFFFFF;
	p2 =	slt.u32 s8, $0xFFFFF086  }
0x1c: {  	p1 =	slt.u32 s9, $0xF7A;
	s5 =	simm.s32 @!p2 $0x0  }
0x1d: {  	s5 =	simm.s32 @p1 $0x1;
	p0 =	seq.s32 s7, s2  }
0x1e: {  	s7 =	smul.u32 @!p0 $0xF7A, s2;
	p2 =	seq.s32 @!p0 s5, $0x0  }
0x1f: {  	s9 =	smul.u32 $0xF7A, s1;
	s8 =	simm.s32 @!p0 $0x1BF5;
	p2 =	por !p2, p0  }
0x20: {  	[sflag:s8] =	ssyncset.s32 @!p0 $0xFFFFF086;
	s6 =	sadd.s32 @!p0 s3, s7;
	s7 =	simm.s32 @!p0 $0x108  }
0x21: {  	s3 =	sadd.s32 s3, s9;
	s6 =	sadd.s32 @!p0 $0x88, s6;
	s7 =	simm.s32 @p2 $0x1082  }
0x22: {  	[simem:s7], [sflag:s8] =	dma.local @!p0 [hbm:s6], $0xF7A  }
0x23: {  	s9 =	sor.u32 $0xD0000000, s2;
	s6 =	simm.s32 $0x108;
	_ =	swait.ge @!p0 [sflag:s8], $0x0  }
0x24: {  	s3 =	sadd.s32 $0x88, s3;
	s6 =	simm.s32 @!p1 $0x1082;
	[sflag:s4] =	ssyncset.s32 $0xFFFFF086  }
0x25: {  	[simem:s6], [sflag:s4] =	dma.local [hbm:s3], $0xF7A  }
0x26: {  	[smem:$0x3F88] =	sst s1;
	(tag) =	ssettag s2;
	_ =	strace s9  }
0x27: {  	s1 =	sld [smem:$0x3F98]  }
0x28: {  	s2 =	sld [smem:$0x3F99]  }
0x29: {  	s4 =	sld [smem:$0x3F9B]  }
0x2a: {  	p0 =	seq.s32 s5, $0x0;
	s5 =	sld [smem:$0x3F9C]  }
0x2b: {  	s6 =	sld [smem:$0x3F9D]  }
0x2c: {  	s7 =	sld [smem:$0x3F9E]  }
0x2d: {  	s3 =	simm.s32 $0x108;
	s8 =	sld [smem:$0x3F9F]  }
0x2e: {  	s3 =	simm.s32 @!p0 $0x1082;
	s9 =	sld [smem:$0x3FA0]  }
0x2f: {  	lr =	sadd.s32 s0, s3;
	s0 =	sld [smem:$0x3F97]  }
0x30: {  	s3 =	sld [smem:$0x3F9A]  }
0x31: {  	[smem:$0x3FA3] =	sst s10  }
0x32: {  	s10 =	sld [smem:$0x3FA1];
	_ =	sdelay $0x3  }
0x33: {  	p0 =	seq.s32 s10, $0x1;
	s10 =	sld [smem:$0x3FA3];
	_ =	sdelay $0x3  }
0x34: {  	[smem:$0x3FA3] =	sst s10  }
0x35: {  	s10 =	sld [smem:$0x3FA2];
	_ =	sdelay $0x3  }
0x36: {  	p1 =	seq.s32 s10, $0x1;
	s10 =	sld [smem:$0x3FA3];
	_ =	sdelay $0x3  }
0x37: {  	[smem:$0x3FA3] =	sst s10  }
0x38: {  	s10 =	sld [smem:$0x3FA4]  }
0x39: {  	_ = 	snop;
	(pc) =	sbr.ind lr, $3  }
0x3a: {  	_ = 	snop  }
0x3b: {  	_ = 	snop  }
0x3c: {  	p2 =	seq.s32 s10, $0x1;
	s10 =	sld [smem:$0x3FA3]  }
0x3d: {  	_ =	shalt  }
0x3e: {  	_ =	shalt  }
0x3f: {  	_ =	shalt  }
0x40: {  	_ =	shalt  }
0x41: {  	_ =	shalt  }
0x42: {  	_ =	shalt  }
0x43: {  	_ =	shalt  }
0x44: {  	_ =	shalt  }
0x45: {  	_ =	shalt  }
0x46: {  	_ =	shalt  }
0x47: {  	_ =	shalt  }
0x48: {  	_ =	shalt  }
0x49: {  	_ =	shalt  }
0x4a: {  	_ =	shalt  }
0x4b: {  	_ =	shalt  }
0x4c: {  	_ =	shalt  }
0x4d: {  	_ =	shalt  }
0x4e: {  	_ =	shalt  }
0x4f: {  	_ =	shalt  }
0x50: {  	_ =	shalt  }
0x51: {  	_ =	shalt  }
0x52: {  	_ =	shalt  }
0x53: {  	_ =	shalt  }
0x54: {  	_ =	shalt  }
0x55: {  	_ =	shalt  }
0x56: {  	_ =	shalt  }
0x57: {  	_ =	shalt  }
0x58: {  	_ =	shalt  }
0x59: {  	_ =	shalt  }
0x5a: {  	_ =	shalt  }
0x5b: {  	_ =	shalt  }
0x5c: {  	_ =	shalt  }
0x5d: {  	_ =	shalt  }
0x5e: {  	_ =	shalt  }
0x5f: {  	_ =	shalt  }
0x60: {  	_ =	shalt  }
0x61: {  	_ =	shalt  }
0x62: {  	_ =	shalt  }
0x63: {  	_ =	shalt  }
0x64: {  	_ =	shalt  }
0x65: {  	_ =	shalt  }
0x66: {  	_ =	shalt  }
0x67: {  	_ =	shalt  }
0x68: {  	_ =	shalt  }
0x69: {  	_ =	shalt  }
0x6a: {  	_ =	shalt  }
0x6b: {  	_ =	shalt  }
0x6c: {  	_ =	shalt  }
0x6d: {  	_ =	shalt  }
0x6e: {  	_ =	shalt  }
0x6f: {  	_ =	shalt  }
0x70: {  	_ =	shalt  }
0x71: {  	_ =	shalt  }
0x72: {  	_ =	shalt  }
0x73: {  	_ =	shalt  }
0x74: {  	_ =	shalt  }
0x75: {  	_ =	shalt  }
0x76: {  	_ =	shalt  }
0x77: {  	_ =	shalt  }
0x78: {  	_ =	shalt  }
0x79: {  	_ =	shalt  }
0x7a: {  	_ =	shalt  }
0x7b: {  	_ =	shalt  }
0x7c: {  	_ =	shalt  }
0x7d: {  	_ =	shalt  }
0x7e: {  	_ =	shalt  }
0x7f: {  	_ =	shalt  }
0x80: {  	_ =	shalt  }
0x81: {  	_ =	shalt  }
0x82: {  	_ =	shalt  }
0x83: {  	_ =	shalt  }
0x84: {  	_ =	shalt  }
0x85: {  	_ =	shalt  }
0x86: {  	_ =	shalt  }
0x87: {  	_ =	shalt  }
.Lfunc_end0:
.L_simem_size_0:
called_computation.6_lowered:
.L_overlay_start_0:
0x88: {  	s2 =	sld [smem:$0x3FD9]  }
0x89: {  	s3 =	sld [smem:$0x3FFE];
	_ =	sdelay $0x1  }
0x8a: {  	s1 =	srdreg.scid  }
0x8b: {  	s0 =	sand.u32 $0x1, s1  }
0x8c: {  	s14 =	sshll.u32 s0, $0xA;
	s2 =	sadd.s32 s3, s2  }
0x8d: {  	s2 =	sadd.s32 s2, s14  }
0x8e: {  	[smem:$0x3FAF] =	sst s2  }
0x8f: {  	_ = 	snop  }
0x90: {  	s2 =	sld [smem:$0x3FD0];
	_ =	sdelay $0x2  }
0x91: {  	s15 =	simm.s32 $0xB;
	s4 =	simm.s32 $0x10  }
0x92: {  	[smem:s4], [sflag:s15] =	dma.local [hbm:s2], $0x1  }
0x93: {  	_ =	swait.eq [sflag:s15], $0x1  }
0x94: {  	[sflag:s15] =	ssyncset.done $0x0  }
0x95: {  	s16 =	sld [smem:$0x10];
	[sflag:s15] =	ssyncadd.s32 $0xFFFFFFFF  }
0x96: {  	s17 =	sld [smem:$0x11];
	(tm) =	ssettm $0x1  }
0x97: {  	s18 =	sld [smem:$0x3FFB];
	_ =	sdelay $0x3  }
0x98: {  	_ =	strace s18  }
0x99: {  	s4 =	sld [smem:$0x3FFC];
	_ =	sdelay $0x3  }
0x9a: {  	_ =	strace s4  }
0x9b: {  	s4 =	sld [smem:$0x3FFD];
	_ =	sdelay $0x3  }
0x9c: {  	_ =	strace s4  }
0x9d: {  	_ =	strace $0x8FFFFFFF  }
0x9e: {  	s19 =	sld [smem:$0x3FDB];
	_ =	sdelay $0x1  }
0x9f: {  	s5 =	simm.s32 $_scs_section_size  }
0xa0: {  	s6 =	simm.s32 $_size__tile_overlayer_lowered;
	s7 =	simm.s32 $_tile_overlayer_lowered  }
0xa1: {  	s22 =	simm.s32 $0x1BFF;
	s21 =	sshll.u32 s7, $0x1;
	s4 =	sadd.s32 s5, s19  }
0xa2: {  	s8 =	simm.s32 $0x0;
	s20 =	sshll.u32 s6, $0x1;
	s6 =	sadd.s32 s21, s4  }
0xa3: {  	[timem:s8], [sflag:s22] =	dma.local [hbm:s6], s20  }
0xa4: {  	_ =	swait.ge [sflag:s22], s20  }
0xa5: {  	s5 =	ssub.s32 $0x0, s20;
	[sflag:s22] =	ssyncset.done $0x0  }
0xa6: {  	[sflag:s22] =	ssyncadd.s32 s5;
	_ =	sdelay $0x1  }
0xa7: {  	s23 =	simm.s32 $0x1B8B  }
0xa8: {  	_ =	swait.ge [sflag:s23], $0x1  }
0xa9: {  	[sflag:s23] =	ssyncset.done $0x0  }
0xaa: {  	s25 =	simm.s32 $0x1B8E;
	s24 =	sld [smem:$0x3FFE];
	[sflag:s23] =	ssyncadd.s32 $0xFFFFFFFF  }
0xab: {  	s26 =	simm.s32 $execute0_lowered;
	[smem:$0x3FD2] =	sst s25  }
0xac: {  	s6 =	sshll.u32 s26, $0x1;
	_ =	strace $0x80000058;
	[dreg:$0x1] =	wrdreg $0xFFFFFFFF  }
0xad: {  	s28 =	simm.s32 $_size_execute0_lowered;
	s4 =	sadd.s32 s4, s6;
	[dreg:$0x0] =	wrdreg $0x0  }
0xae: {  	s6 =	sshll.u32 s28, $0x1;
	[dreg:$0x2] =	wrdreg s4  }
0xaf: {  	[dreg:$0x3] =	wrdreg s6  }
0xb0: {  	[dreg:$0x4] =	wrdreg $0xC0  }
0xb1: {  	_ =	task [dreg:s8], $0x5FFFF  }
0xb2: {  	[dreg:$0x1] =	wrdreg $0xFFFFFFFF  }
0xb3: {  	[dreg:$0x0] =	wrdreg $0x60  }
0xb4: {  	[dreg:$0x2] =	wrdreg s24  }
0xb5: {  	[dreg:$0x3] =	wrdreg s16  }
0xb6: {  	[dreg:$0x4] =	wrdreg s17  }
0xb7: {  	[dreg:$0x5] =	wrdreg $0x9  }
0xb8: {  	_ =	task.clear_ibuf [dreg:s8], $0x6FFFF;
	_ =	strace $0x90000058  }
0xb9: {  	s29 =	simm.s32 $0x9;
	_ =	strace $0x8000005A  }
0xba: {  	_ =	swait.ge [sflag:s29], $0x1  }
0xbb: {  	[sflag:s29] =	ssyncadd.s32 $0xFFFFFFFF  }
0xbc: {  	_ =	strace $0x9000005A  }
0xbd: {  	_ =	sfence  }
0xbe: {  	s30 =	sld [smem:$0x0];
	_ =	sdelay $0x2  }
0xbf: {  	s31 =	sshll.u32 s1, $0xD;
	s1 =	sshrl.u32 s1, $0x2  }
0xc0: {  	s3 =	sand.u32 $0x4000, s31;
	s1 =	sadd.s32 s1, s30  }
0xc1: {  	s0 =	sor.u32 s3, s0;
	s1 =	sshll.u32 s1, $0x11  }
0xc2: {  	s0 =	sor.u32 s1, s0  }
0xc3: {  	s0 =	sadd.s32 $0x8F2B, s0  }
0xc4: {  	[sflag:s0] =	ssyncadd.remote.s32 $0x1  }
0xc5: {  	_ =	sfence.sel $0xFFFF  }
0xc6: {  	[dreg:$0x0] =	wrdreg $0xFFFFFFFF;
	(pc) =	sbr.abs _section_cstart, $3  }
0xc7: {  	[dreg:$0x1] =	wrdreg $0xFFFFFFFF  }
0xc8: {  	_ =	task.clear_ibuf [dreg:s8], $0x2FFFF;
	_ =	strace $0x9FFFFFFF  }
0xc9: {  	(tm) =	ssettm $0x7FFFFFFF  }
tec
execute0_lowered:
.L_overlay_start_1:
0x0: {  	(tag) =	ssettag $0x1  }
0x1: {  	s4 =	rddreg [dreg:$0x0]  }
0x2: {  	s2 =	rddreg [dreg:$0x1]  }
0x3: {  	s1 =	srdreg.scid;
	s0 =	stileid.u32  }
0x4: {  	s7 =	rddreg [dreg:$0x2];
	s3 =	simm.s32 $0x0;
	s11 =	simm.s32 $0x8000  }
0x5: {  	s12 =	simm.s32 $0xA000;
	s5 =	sand.u32 $0x1, s1;
	s1 =	rddreg [dreg:$0x3]  }
0x6: {  	s13 =	simm.s32 $0x0;
	s6 =	sshll.u32 s0, $0x1;
	[smem:$0x7FF] =	sst s3  }
0x7: {  	s6 =	sor.u32 s5, s6;
	s5 =	ssub.s32 $0x2, s5;
	_ =	strace $0x80000059  }
0x8: {  	s8 =	sshll.u32 s6, $0xA;
	s9 =	sshrl.u32 s5, $0x1;
	s10 =	sshll.u32 s6, $0xB  }
0x9: {  	s8 =	sadd.s32 s8, s4;
	s4 =	sadd.s32 $0x1EE00, s4;
	s9 =	ssub.s32 s5, s9  }
0xa: {  	s7 =	sadd.s32 s7, s10;
	s10 =	simm.s32 $0x4000;
	s5 =	sadd.s32 $0x32B600, s8  }
0xb: {  	s6 =	sadd.s32 $0x323600, s8;
	s8 =	smax.u32 s9, $0x1;
	s9 =	simm.s32 $0x1  }
.LBB2_1:
0xc: {  	[tilespmem:s3], [sflag:$0x1] =	stream.linear.gather [hbm4b:s4+s3], $0x4000, $0x38;
	[tilespmem:$0xC000] =	vst v63  }
0xd: {  	_ =	swait.ge [sflag:s9], $0x4000  }
0xe: {  	[sflag:s9] =	ssyncset.done $0x0  }
0xf: {  	[sflag:s9] =	ssyncadd.s32 $0xFFFFC000  }
0x10: {  	[tilespmem:s10], [sflag:$0x1] =	stream.linear.gather [hbm4b:s2+s3], $0x4000, $0x38;
	[tilespmem:$0xC000] =	vst v63  }
0x11: {  	_ =	swait.ge [sflag:s9], $0x4000  }
0x12: {  	[sflag:s9] =	ssyncset.done $0x0  }
0x13: {  	[sflag:s9] =	ssyncadd.s32 $0xFFFFC000  }
0x14: {  	[tilespmem:s11], [sflag:$0x1] =	stream.linear.gather [hbm4b:s5+s3], $0x2000, $0x38;
	[tilespmem:$0xC000] =	vst v63  }
0x15: {  	_ =	swait.ge [sflag:s9], $0x2000  }
0x16: {  	[sflag:s9] =	ssyncset.done $0x0  }
0x17: {  	[sflag:s9] =	ssyncadd.s32 $0xFFFFE000  }
0x18: {  	[tilespmem:s12], [sflag:$0x1] =	stream.linear.gather [hbm4b:s6+s3], $0x2000, $0x38;
	[tilespmem:$0xC000] =	vst v63  }
0x19: {  	_ =	swait.ge [sflag:s9], $0x2000  }
0x1a: {  	s14 =	simm.s32 $0xFFFFFFFC;
	[sflag:s9] =	ssyncset.done $0x0  }
0x1b: {  	s15 =	simm.s32 $0x8020;
	s16 =	simm.s32 $0xA020;
	[sflag:s9] =	ssyncadd.s32 $0xFFFFE000  }
.LBB2_2:
0x1c: {  	v0 =	vld [tilespmem:s15+$0xFFFFFFE0];
	_ =	sdelay $0x4  }
0x1d: {  	v1 =	vld [tilespmem:s16+$0xFFFFFFE0];
	_ =	sdelay $0x2  }
0x1e: {  	v0 =	vld.idx.msk [tilespmem:v0+s10+$0x0], $0xffff;
	_ =	sdelay $0x4  }
0x1f: {  	[tilespmem:v1+s3+$0x0] =	vst.idx.add.f32.msk $0xffff, v0  }
0x20: {  	v0 =	vld [tilespmem:s15+$0xFFFFFFF0];
	_ =	sdelay $0x4  }
0x21: {  	v1 =	vld [tilespmem:s16+$0xFFFFFFF0];
	_ =	sdelay $0x2  }
0x22: {  	v0 =	vld.idx.msk [tilespmem:v0+s10+$0x0], $0xffff;
	_ =	sdelay $0x4  }
0x23: {  	[tilespmem:v1+s3+$0x0] =	vst.idx.add.f32.msk $0xffff, v0  }
0x24: {  	v0 =	vld [tilespmem:s15+$0x0];
	_ =	sdelay $0x4  }
0x25: {  	v1 =	vld [tilespmem:s16+$0x0];
	_ =	sdelay $0x2  }
0x26: {  	v0 =	vld.idx.msk [tilespmem:v0+s10+$0x0], $0xffff;
	_ =	sdelay $0x4  }
0x27: {  	[tilespmem:v1+s3+$0x0] =	vst.idx.add.f32.msk $0xffff, v0  }
0x28: {  	v0 =	vld [tilespmem:s15+$0x10];
	_ =	sdelay $0x4  }
0x29: {  	v1 =	vld [tilespmem:s16+$0x10];
	_ =	sdelay $0x1  }
0x2a: {  	s14 =	sadd.s32 $0x4, s14  }
0x2b: {  	p0 =	slt.u32 s14, $0x1FC;
	v0 =	vld.idx.msk [tilespmem:v0+s10+$0x0], $0xffff  }
.Ltmp0:
0x2c: {  	_ = 	snop;
	(pc) =	sbr.rel @p0 .LBB2_2-.Ltmp0, $2  }
0x2d: {  	_ =	sdelay $0x2  }
0x2e: {  	s15 =	sadd.s32 $0x40, s15;
	s16 =	sadd.s32 $0x40, s16;
	[tilespmem:v1+s3+$0x0] =	vst.idx.add.f32.msk $0xffff, v0  }
0x2f: {  	s13 =	sadd.s32 $0x1, s13  }
0x30: {  	p0 =	sne.s32 s13, s8  }
.Ltmp1:
0x31: {  	_ = 	snop;
	(pc) =	sbr.rel @p0 .LBB2_1-.Ltmp1, $4  }
0x32: {  	[hbm4b:s7+s3] =	stream.linear.scatter [tilespmem:s3], [sflag:$0x1], $0x4000, $0x38;
	[tilespmem:$0xC000] =	vst v63  }
0x33: {  	_ =	swait.ge [sflag:s9], $0x4000  }
0x34: {  	[sflag:s9] =	ssyncset.done $0x0  }
0x35: {  	[sflag:s9] =	ssyncadd.s32 $0xFFFFC000  }
0x36: {  	_ =	sfence.sel $0x180000  }
0x37: {  	[bflag:$0x0] =	sbarrier.arrive $0xFFFF  }
0x38: {  	p0 =	sne.s32 s0, $0x0;
	_ =	strace $0x90000059  }
0x39: {  	s0 =	sadd.s32 @!p0 $0x100000, s1;
	[bflag:$0x2] =	sbarrier.arrive $0xFFFF  }
0x3a: {  	[sflag:s0] =	ssyncadd.tile.s32 @!p0 $0x1;
	_ =	shalt  }
.Lfunc_end2:
_tile_overlayer_lowered:
.L_overlay_start_2:
0x3b: {  	(tag) =	ssettag $0x2  }
0x3c: {  	s0 =	rddreg [dreg:$0x0];
	s2 =	stileid.u32  }
0x3d: {  	s1 =	rddreg [dreg:$0x1];
	p0 =	sne.s32 s2, $0x0  }
0x3e: {  	s3 =	rddreg [dreg:$0x2];
	[bflag:$0x3] =	sbarrier.arrive $0xFFFF;
	s2 =	simm.s32 @!p0 $0x1C01  }
0x3f: {  	[timem:s3], [sflag:s2] =	dma.local @!p0 [hbm:s0], s1  }
0x40: {  	s0 =	simm.s32 @!p0 $0x1  }
0x41: {  	_ =	swait.ge @!p0 [sflag:s0], s1  }
0x42: {  	s1 =	ssub.s32 @!p0 $0x0, s1;
	[sflag:s0] =	ssyncset.done @!p0 $0x0  }
0x43: {  	[sflag:s0] =	ssyncadd.s32 @!p0 s1  }
0x44: {  	[bflag:$0x3] =	sbarrier.arrive $0xFFFF  }
0x45: {  	_ =	shalt  }

</sc_bundles>
